<compile_context>
chip_gen: v7x
topology: tpu7x:2x2x1
jax: 0.10.2.dev20260603
libtpu: 0.0.44.dev20260713+nightly
codegen_flags: <defaults>
</compile_context>

<pallas_src>
import functools

import jax
import jax.numpy as jnp
from jax import lax
from jax.experimental import pallas as pl
from jax.experimental.pallas import tpu as pltpu
from jax.experimental.pallas import tpu_sc as plsc

_BM = 128
_ML = 128


def _dispatch_body(r_ref, router_w_ref, sec_gate_w_ref,
                   top_vals_ref, meta_ref, slots_ref, fake_ref, eid_ref,
                   *, E, NSEC, T, NBLK):
    H = r_ref.shape[1]
    r = r_ref[...]
    logits = jax.lax.dot_general(
        router_w_ref[...], r, (((1,), (1,)), ((), ())),
        preferred_element_type=jnp.float32)
    sub = jax.lax.broadcasted_iota(jnp.int32, (E, T), 0)
    m1 = jnp.max(logits, axis=0, keepdims=True)
    i1 = jnp.min(jnp.where(logits == m1, sub, E), axis=0, keepdims=True)
    masked = jnp.where(sub == i1, -jnp.inf, logits)
    m2 = jnp.max(masked, axis=0, keepdims=True)
    i2 = jnp.min(jnp.where(masked == m2, sub, E), axis=0, keepdims=True)
    t = jnp.exp(m2 - m1)
    s = 1.0 / (1.0 + t)
    w1 = s
    w2 = t * s
    top_vals_ref[...] = jnp.transpose(jnp.concatenate([m1, m2], axis=0))

    slog = jax.lax.dot_general(
        sec_gate_w_ref[...].reshape(E * NSEC, H), r,
        (((1,), (1,)), ((), ())), preferred_element_type=jnp.float32)
    maskall = (slog > 0.0).astype(jnp.float32)

    c0 = (sub == i1).astype(jnp.float32)
    c1 = (sub == i2).astype(jnp.float32)
    cfull = jnp.concatenate([c0, c1], axis=1)
    counts = jnp.sum(cfull, axis=1, keepdims=True)

    d = jnp.transpose(cfull)
    nb = (2 * T) // 256
    si = jax.lax.broadcasted_iota(jnp.int32, (256, 256), 0)
    sj = jax.lax.broadcasted_iota(jnp.int32, (256, 256), 1)
    tril = (sj <= si).astype(jnp.float32)
    running = jnp.zeros((1, E), jnp.float32)
    excl_blocks = []
    for b in range(nb):
        db = d[b * 256:(b + 1) * 256, :]
        incl = jax.lax.dot_general(tril, db, (((1,), (0,)), ((), ())),
                                   preferred_element_type=jnp.float32)
        excl_blocks.append(incl - db + running)
        running = running + incl[255:256, :]
    rank = jnp.concatenate(excl_blocks, axis=0)

    counts_pad = jnp.floor((counts + (_BM - 1.0)) / _BM) * _BM
    stril = (jax.lax.broadcasted_iota(jnp.int32, (E, E), 1)
             < jax.lax.broadcasted_iota(jnp.int32, (E, E), 0)).astype(jnp.float32)
    base = jax.lax.dot_general(stril, counts_pad, (((1,), (0,)), ((), ())),
                               preferred_element_type=jnp.float32)
    base_row = jnp.transpose(base)
    rank_sel = jnp.sum(rank * d, axis=1, keepdims=True)
    base_sel = jnp.sum(d * base_row, axis=1, keepdims=True)
    slots_ref[...] = (base_sel + rank_sel).astype(jnp.int32)

    trash = float(2 * T + E * _BM)
    jf = jax.lax.broadcasted_iota(jnp.int32, (E, _BM), 1).astype(jnp.float32)
    ef = jax.lax.broadcasted_iota(jnp.int32, (E, _BM), 0).astype(jnp.float32)
    pad_amt = counts_pad - counts
    fake = jnp.where(jf < pad_amt, base + counts + jf,
                     trash + ef * _BM + jf)
    fake_ref[...] = fake.astype(jnp.int32)

    bstart = (jax.lax.broadcasted_iota(jnp.int32, (NBLK, E), 0)
              * _BM).astype(jnp.float32)
    eid = jnp.sum((bstart >= base_row).astype(jnp.int32), axis=1,
                  keepdims=True) - 1
    eid_ref[...] = eid

    ti = jax.lax.broadcasted_iota(jnp.int32, (1, T), 1).astype(jnp.float32)
    tok_row = jnp.concatenate([ti, ti], axis=1)
    w_row = jnp.concatenate([w1, w2], axis=1)
    mk = []
    for k, ck in ((0, c0), (1, c1)):
        acc = jnp.zeros((NSEC, T), jnp.float32)
        for e in range(E):
            acc = acc + maskall[e * NSEC:(e + 1) * NSEC, :] * ck[e:e + 1, :]
        mk.append(acc)
    mask_pair = jnp.concatenate(mk, axis=1)
    zpad = jnp.zeros((_ML - 2 - NSEC, 2 * T), jnp.float32)
    meta_t = jnp.concatenate([tok_row, w_row, mask_pair, zpad], axis=0)
    meta_ref[...] = jnp.transpose(meta_t)


def _sc_mesh():
    return plsc.VectorSubcoreMesh(core_axis_name="c", subcore_axis_name="s")


def _wid():
    info = plsc.get_sparse_core_info()
    return lax.axis_index("s") * info.num_cores + lax.axis_index("c")


def _make_dispatch(NP, NF, P, T, H):
    nw = 32
    npw = NP // nw
    nfw = NF // nw

    @functools.partial(
        pl.kernel, mesh=_sc_mesh(),
        out_type=[
            jax.ShapeDtypeStruct((P, _ML), jnp.float32),
            jax.ShapeDtypeStruct((P, H), jnp.float32),
        ],
        scratch_types=[
            pltpu.VMEM((npw,), jnp.int32),
            pltpu.VMEM((npw, _ML), jnp.float32),
            pltpu.VMEM((nfw,), jnp.int32),
            pltpu.VMEM((nfw, _ML), jnp.float32),
            pltpu.VMEM((npw, H), jnp.float32),
            pltpu.SemaphoreType.DMA,
            pltpu.SemaphoreType.DMA,
            pltpu.SemaphoreType.DMA,
            pltpu.SemaphoreType.DMA,
            pltpu.SemaphoreType.DMA,
            pltpu.SemaphoreType.DMA,
        ],
    )
    def dispatch_k(meta_hbm, slots_hbm, fake_hbm, x_hbm, out_hbm, xs_hbm,
                   idx_v, meta_v, fidx_v, z_v, xrows_v,
                   sem1, sem2, sem3, sem4, sem5, sem6):
        w = _wid()
        ld1 = pltpu.async_copy(slots_hbm.at[pl.ds(w * npw, npw)], idx_v, sem4)
        ld2 = pltpu.async_copy(meta_hbm.at[pl.ds(w * npw, npw)], meta_v, sem5)
        tok0 = lax.rem(w * npw, T)
        ld3 = pltpu.async_copy(x_hbm.at[pl.ds(tok0, npw)], xrows_v, sem6)
        for i in range(nfw):
            for j in range(_ML // 16):
                z_v[i, pl.ds(j * 16, 16)] = jnp.zeros((16,), jnp.float32)
        ld1.wait()
        ld2.wait()
        ld3.wait()
        cp1 = pltpu.async_copy(meta_v, out_hbm.at[idx_v], sem1)
        cp3 = pltpu.async_copy(xrows_v, xs_hbm.at[idx_v], sem3)
        pltpu.sync_copy(fake_hbm.at[pl.ds(w * nfw, nfw)], fidx_v)
        cp2 = pltpu.async_copy(z_v, out_hbm.at[fidx_v], sem2)
        cp1.wait()
        cp3.wait()
        cp2.wait()

    return dispatch_k


def _make_combine(P, T, H):
    nw = 32
    tpw = T // nw

    @functools.partial(
        pl.kernel, mesh=_sc_mesh(),
        out_type=jax.ShapeDtypeStruct((T, H), jnp.float32),
        scratch_types=[
            pltpu.VMEM((tpw,), jnp.int32),
            pltpu.VMEM((tpw,), jnp.int32),
            pltpu.VMEM((tpw, H), jnp.float32),
            pltpu.VMEM((tpw, H), jnp.float32),
            pltpu.SemaphoreType.DMA,
            pltpu.SemaphoreType.DMA,
        ],
    )
    def combine_k(ys_hbm, s0_hbm, s1_hbm, out_hbm,
                  i0_v, i1_v, a_v, b_v, sem1, sem2):
        w = _wid()
        pltpu.sync_copy(s0_hbm.at[pl.ds(w * tpw, tpw)], i0_v)
        pltpu.sync_copy(s1_hbm.at[pl.ds(w * tpw, tpw)], i1_v)
        cp1 = pltpu.async_copy(ys_hbm.at[i0_v], a_v, sem1)
        cp2 = pltpu.async_copy(ys_hbm.at[i1_v], b_v, sem2)
        cp1.wait()
        cp2.wait()

        def _row(i, carry):
            for j in range(H // 16):
                sl = pl.ds(j * 16, 16)
                a_v[i, sl] = a_v[i, sl] + b_v[i, sl]
            return carry

        lax.fori_loop(0, tpw, _row, 0)
        pltpu.sync_copy(a_v, out_hbm.at[pl.ds(w * tpw, tpw)])

    return combine_k


def _ffn_body(eid_ref, xs_ref, meta_ref, up_ref, gate_ref, down_ref, ys_ref,
              *, NSEC, SEC):
    BM, H = xs_ref.shape
    FFN = up_ref.shape[1]
    x = xs_ref[...].astype(jnp.bfloat16)
    up = up_ref[0].astype(jnp.bfloat16)
    gate = gate_ref[0].astype(jnp.bfloat16)
    down = down_ref[0].astype(jnp.bfloat16)

    meta = meta_ref[...]
    wcol = meta[:, 1:2]
    smask = meta[:, 2:2 + NSEC] * wcol

    subj = jax.lax.broadcasted_iota(jnp.int32, (NSEC, FFN), 0)
    lanej = jax.lax.broadcasted_iota(jnp.int32, (NSEC, FFN), 1)
    expand = (lanej // SEC == subj).astype(jnp.float32)
    mask_full = jax.lax.dot_general(smask, expand, (((1,), (0,)), ((), ())),
                                    preferred_element_type=jnp.float32)

    u = jax.lax.dot_general(x, up, (((1,), (1,)), ((), ())),
                            preferred_element_type=jnp.float32)
    g = jax.lax.dot_general(x, gate, (((1,), (1,)), ((), ())),
                            preferred_element_type=jnp.float32)
    h = (u * mask_full * jnp.maximum(g, 0.0)).astype(jnp.bfloat16)
    ys_ref[...] = jax.lax.dot_general(h, down, (((1,), (1,)), ((), ())),
                                      preferred_element_type=jnp.float32)


def kernel(router_input, hidden_states, router_w, sec_gate_w, up_w, gate_w, down_w):
    B, S, H = hidden_states.shape
    T = B * S
    E, NSEC, _ = sec_gate_w.shape
    FFN = up_w.shape[1]
    SEC = FFN // NSEC
    NP = 2 * T
    NF = E * _BM
    P = NP + 2 * NF
    NBLK = (NP + NF) // _BM
    x = hidden_states.reshape(T, H)
    r = router_input.reshape(T, H)

    top_vals, meta, slots, fake, eid = pl.pallas_call(
        functools.partial(_dispatch_body, E=E, NSEC=NSEC, T=T, NBLK=NBLK),
        grid=(1,),
        in_specs=[
            pl.BlockSpec((T, H), lambda i: (0, 0)),
            pl.BlockSpec((E, H), lambda i: (0, 0)),
            pl.BlockSpec((E, NSEC, H), lambda i: (0, 0, 0)),
        ],
        out_specs=[
            pl.BlockSpec((T, 2), lambda i: (0, 0)),
            pl.BlockSpec((NP, _ML), lambda i: (0, 0)),
            pl.BlockSpec((NP, 1), lambda i: (0, 0)),
            pl.BlockSpec((E, _BM), lambda i: (0, 0)),
            pl.BlockSpec((NBLK, 1), lambda i: (0, 0)),
        ],
        out_shape=[
            jax.ShapeDtypeStruct((T, 2), jnp.float32),
            jax.ShapeDtypeStruct((NP, _ML), jnp.float32),
            jax.ShapeDtypeStruct((NP, 1), jnp.int32),
            jax.ShapeDtypeStruct((E, _BM), jnp.int32),
            jax.ShapeDtypeStruct((NBLK, 1), jnp.int32),
        ],
    )(r, router_w, sec_gate_w)

    slots1d = slots.reshape(NP)
    meta_sorted, xs = _make_dispatch(NP, NF, P, T, H)(
        meta, slots1d, fake.reshape(NF), x)

    ys = pl.pallas_call(
        functools.partial(_ffn_body, NSEC=NSEC, SEC=SEC),
        grid_spec=pltpu.PrefetchScalarGridSpec(
            num_scalar_prefetch=1,
            grid=(NBLK,),
            in_specs=[
                pl.BlockSpec((_BM, H), lambda b, eid: (b, 0)),
                pl.BlockSpec((_BM, _ML), lambda b, eid: (b, 0)),
                pl.BlockSpec((1, FFN, H), lambda b, eid: (eid[b], 0, 0)),
                pl.BlockSpec((1, FFN, H), lambda b, eid: (eid[b], 0, 0)),
                pl.BlockSpec((1, H, FFN), lambda b, eid: (eid[b], 0, 0)),
            ],
            out_specs=pl.BlockSpec((_BM, H), lambda b, eid: (b, 0)),
        ),
        out_shape=jax.ShapeDtypeStruct((NBLK * _BM, H), jnp.float32),
    )(eid.reshape(NBLK), xs, meta_sorted, up_w, gate_w, down_w)

    out = _make_combine(P, T, H)(ys, slots1d[:T], slots1d[T:])
    return out.reshape(B, S, H), top_vals

# --- scband reference (transcript-rebuilt; emitter-appended) ---
"""Pipeline reference for scband-smallthinker-moe-block-62560493633733 (READ-ONLY COPY).

The authoritative reference and input builder live on the scoring server;
editing this copy changes nothing except your own understanding.
"""

import jax, jax.numpy as jnp
import numpy as np

B = 1
S = 2048
H = 768
FFN = 768
E = 8
TOPK = 2
NSEC = 8
SEC = 96


def setup_inputs(seed: int = 0) -> dict:
    key = jax.random.key(seed)
    ks = jax.random.split(key, 8)
    router_input = jax.random.normal(ks[0], (B, S, H), dtype=jnp.float32)
    hidden_states = jax.random.normal(ks[1], (B, S, H), dtype=jnp.float32)
    router_w = jax.random.normal(ks[2], (E, H), dtype=jnp.float32) * 0.02
    sec_gate_w = jax.random.normal(ks[3], (E, NSEC, H), dtype=jnp.float32) * 0.02
    up_w = jax.random.normal(ks[4], (E, FFN, H), dtype=jnp.float32) * 0.02
    gate_w = jax.random.normal(ks[5], (E, FFN, H), dtype=jnp.float32) * 0.02
    down_w = jax.random.normal(ks[6], (E, H, FFN), dtype=jnp.float32) * 0.02
    return {
        'router_input': router_input,
        'hidden_states': hidden_states,
        'router_w': router_w,
        'sec_gate_w': sec_gate_w,
        'up_w': up_w,
        'gate_w': gate_w,
        'down_w': down_w,
    }


def reference(router_input, hidden_states, router_w, sec_gate_w, up_w, gate_w, down_w):
    Bv, Sv, Hv = hidden_states.shape
    x = hidden_states.reshape(-1, Hv)
    r = router_input.reshape(-1, Hv)
    T = x.shape[0]
    # early router uses router_input
    logits = r @ router_w.T  # [T, E]
    top_vals, top_idx = jax.lax.top_k(logits, TOPK)  # [T, K]
    routing_weights = jax.nn.softmax(top_vals.astype(jnp.float32), axis=-1).astype(x.dtype)  # [T, K]
    # per-(token, expert) combine weight; equivalent to index_add dispatch in torch
    onehot = jax.nn.one_hot(top_idx, E, dtype=x.dtype)  # [T, K, E]
    combine = jnp.einsum('tk,tke->te', routing_weights, onehot)  # [T, E]
    out = jnp.zeros_like(x)
    for e in range(E):
        h = (x @ up_w[e].T) * jax.nn.relu(x @ gate_w[e].T)  # [T, FFN]
        sec_mask = (jax.nn.sigmoid(r @ sec_gate_w[e].T) > 0.5).astype(x.dtype)  # [T, NSEC]
        h = (h.reshape(T, NSEC, SEC) * sec_mask[:, :, None]).reshape(T, FFN)
        y = h @ down_w[e].T  # [T, H]
        out = out + combine[:, e:e + 1] * y
    final_hidden_states = out.reshape(Bv, Sv, Hv)
    return final_hidden_states, top_vals

if __name__ == "__main__":
    import jax
    _d = setup_inputs()
    print(jax.jit(kernel)(*tuple(_d.values())))

</pallas_src>

<mosaic_0001>
#map = affine_map<(d0, d1) -> (0, 0)>
#map1 = affine_map<(d0, d1) -> (0)>
module attributes {stable_mosaic.version = 14 : i64} {
  func.func @dispatch_k(%arg0: i32, %arg1: i32, %arg2: memref<4096x128xf32, #tpu.memory_space<hbm>>, %arg3: memref<4096xi32, #tpu.memory_space<hbm>>, %arg4: memref<1024xi32, #tpu.memory_space<hbm>>, %arg5: memref<2048x768xf32, #tpu.memory_space<hbm>>, %arg6: memref<6144x128xf32, #tpu.memory_space<hbm>>, %arg7: memref<6144x768xf32, #tpu.memory_space<hbm>>, %arg8: memref<128xi32, #tpu.memory_space<vmem>>, %arg9: memref<128x128xf32, #tpu.memory_space<vmem>>, %arg10: memref<32xi32, #tpu.memory_space<vmem>>, %arg11: memref<32x128xf32, #tpu.memory_space<vmem>>, %arg12: memref<128x768xf32, #tpu.memory_space<vmem>>, %arg13: memref<!tpu.dma_semaphore, #tpu.memory_space<semaphore_mem>>, %arg14: memref<!tpu.dma_semaphore, #tpu.memory_space<semaphore_mem>>, %arg15: memref<!tpu.dma_semaphore, #tpu.memory_space<semaphore_mem>>, %arg16: memref<!tpu.dma_semaphore, #tpu.memory_space<semaphore_mem>>, %arg17: memref<!tpu.dma_semaphore, #tpu.memory_space<semaphore_mem>>, %arg18: memref<!tpu.dma_semaphore, #tpu.memory_space<semaphore_mem>>) attributes {dimension_semantics = [#tpu.dimension_semantics<core_parallel>, #tpu.dimension_semantics<subcore_parallel>], iteration_bounds = array<i64: 2, 16>, scalar_prefetch = 0 : i64, scratch_operands = 11 : i64, tpu.core_type = #tpu.core_type<sc_vector_subcore>, window_params = [{transform_indices = #map}, {transform_indices = #map1}, {transform_indices = #map1}, {transform_indices = #map}, {transform_indices = #map}, {transform_indices = #map}]} {
    %mul3A = arith.constant 2 : i32
    %mul3A_0 = arith.muli %arg1, %mul3A : i32
    %add3A = arith.addi %mul3A_0, %arg0 : i32
    %mul3A_1 = arith.constant 128 : i32
    %mul3A_2 = arith.muli %add3A, %mul3A_1 : i32
    %dma_start3A = tpu.memref_slice %arg3[%mul3A_2] : memref<4096xi32, #tpu.memory_space<hbm>> -> memref<128xi32, #tpu.memory_space<hbm>>
    %dma_start3A_3 = tpu.memref_slice %arg3[%mul3A_2] : memref<4096xi32, #tpu.memory_space<hbm>> -> memref<128xi32, #tpu.memory_space<hbm>>
    tpu.enqueue_dma source(%dma_start3A_3 : memref<128xi32, #tpu.memory_space<hbm>>) target(%arg8 : memref<128xi32, #tpu.memory_space<vmem>>) target_semaphore(%arg16 : memref<!tpu.dma_semaphore, #tpu.memory_space<semaphore_mem>>)
    %mul3A_4 = arith.constant 128 : i32
    %mul3A_5 = arith.muli %add3A, %mul3A_4 : i32
    %dma_start3A_6 = arith.constant 0 : i32
    %dma_start3A_7 = tpu.memref_slice %arg2[%mul3A_5, %dma_start3A_6] : memref<4096x128xf32, #tpu.memory_space<hbm>> -> memref<128x128xf32, #tpu.memory_space<hbm>>
    %dma_start3A_8 = arith.constant 0 : i32
    %dma_start3A_9 = tpu.memref_slice %arg2[%mul3A_5, %dma_start3A_8] : memref<4096x128xf32, #tpu.memory_space<hbm>> -> memref<128x128xf32, #tpu.memory_space<hbm>>
    tpu.enqueue_dma source(%dma_start3A_9 : memref<128x128xf32, #tpu.memory_space<hbm>>) target(%arg9 : memref<128x128xf32, #tpu.memory_space<vmem>>) target_semaphore(%arg17 : memref<!tpu.dma_semaphore, #tpu.memory_space<semaphore_mem>>)
    %mul3A_10 = arith.constant 128 : i32
    %mul3A_11 = arith.muli %add3A, %mul3A_10 : i32
    %rem3A = arith.constant 2048 : i32
    %rem3A_12 = arith.remsi %mul3A_11, %rem3A : i32
    %dma_start3A_13 = arith.constant 0 : i32
    %dma_start3A_14 = tpu.memref_slice %arg5[%rem3A_12, %dma_start3A_13] : memref<2048x768xf32, #tpu.memory_space<hbm>> -> memref<128x768xf32, #tpu.memory_space<hbm>>
    %dma_start3A_15 = arith.constant 0 : i32
    %dma_start3A_16 = tpu.memref_slice %arg5[%rem3A_12, %dma_start3A_15] : memref<2048x768xf32, #tpu.memory_space<hbm>> -> memref<128x768xf32, #tpu.memory_space<hbm>>
    tpu.enqueue_dma source(%dma_start3A_16 : memref<128x768xf32, #tpu.memory_space<hbm>>) target(%arg12 : memref<128x768xf32, #tpu.memory_space<vmem>>) target_semaphore(%arg18 : memref<!tpu.dma_semaphore, #tpu.memory_space<semaphore_mem>>)
    %broadcast_in_dim3A = arith.constant 0.000000e+00 : f32
    %broadcast_in_dim3A_17 = vector.broadcast %broadcast_in_dim3A : f32 to vector<16xf32>
    %swap3A = arith.constant 0 : i32
    %swap3A_18 = arith.index_cast %swap3A : i32 to index
    %swap3A_19 = arith.constant 0 : index
    %swap3A_20 = tpu.vector_load %arg11[%swap3A_18, %swap3A_19] {strides = array<i32>} : memref<32x128xf32, #tpu.memory_space<vmem>>, vector<1x16xf32>,
    %swap3A_21 = vector.shape_cast %swap3A_20 : vector<1x16xf32> to vector<16xf32>
    %swap3A_22 = vector.shape_cast %broadcast_in_dim3A_17 : vector<16xf32> to vector<1x16xf32>
    tpu.vector_store %arg11[%swap3A_18, %swap3A_19], %swap3A_22 {strides = array<i32>} : memref<32x128xf32, #tpu.memory_space<vmem>>, vector<1x16xf32>,
    %broadcast_in_dim3A_23 = arith.constant 0.000000e+00 : f32
    %broadcast_in_dim3A_24 = vector.broadcast %broadcast_in_dim3A_23 : f32 to vector<16xf32>
    %swap3A_25 = arith.constant 0 : i32
    %swap3A_26 = arith.index_cast %swap3A_25 : i32 to index
    %swap3A_27 = arith.constant 16 : index
    %swap3A_28 = tpu.vector_load %arg11[%swap3A_26, %swap3A_27] {strides = array<i32>} : memref<32x128xf32, #tpu.memory_space<vmem>>, vector<1x16xf32>,
    %swap3A_29 = vector.shape_cast %swap3A_28 : vector<1x16xf32> to vector<16xf32>
    %swap3A_30 = vector.shape_cast %broadcast_in_dim3A_24 : vector<16xf32> to vector<1x16xf32>
    tpu.vector_store %arg11[%swap3A_26, %swap3A_27], %swap3A_30 {strides = array<i32>} : memref<32x128xf32, #tpu.memory_space<vmem>>, vector<1x16xf32>,
    %broadcast_in_dim3A_31 = arith.constant 0.000000e+00 : f32
    %broadcast_in_dim3A_32 = vector.broadcast %broadcast_in_dim3A_31 : f32 to vector<16xf32>
    %swap3A_33 = arith.constant 0 : i32
    %swap3A_34 = arith.index_cast %swap3A_33 : i32 to index
    %swap3A_35 = arith.constant 32 : index
    %swap3A_36 = tpu.vector_load %arg11[%swap3A_34, %swap3A_35] {strides = array<i32>} : memref<32x128xf32, #tpu.memory_space<vmem>>, vector<1x16xf32>,
    %swap3A_37 = vector.shape_cast %swap3A_36 : vector<1x16xf32> to vector<16xf32>
    %swap3A_38 = vector.shape_cast %broadcast_in_dim3A_32 : vector<16xf32> to vector<1x16xf32>
    tpu.vector_store %arg11[%swap3A_34, %swap3A_35], %swap3A_38 {strides = array<i32>} : memref<32x128xf32, #tpu.memory_space<vmem>>, vector<1x16xf32>,
    %broadcast_in_dim3A_39 = arith.constant 0.000000e+00 : f32
    %broadcast_in_dim3A_40 = vector.broadcast %broadcast_in_dim3A_39 : f32 to vector<16xf32>
    %swap3A_41 = arith.constant 0 : i32
    %swap3A_42 = arith.index_cast %swap3A_41 : i32 to index
    %swap3A_43 = arith.constant 48 : index
    %swap3A_44 = tpu.vector_load %arg11[%swap3A_42, %swap3A_43] {strides = array<i32>} : memref<32x128xf32, #tpu.memory_space<vmem>>, vector<1x16xf32>,
    %swap3A_45 = vector.shape_cast %swap3A_44 : vector<1x16xf32> to vector<16xf32>
    %swap3A_46 = vector.shape_cast %broadcast_in_dim3A_40 : vector<16xf32> to vector<1x16xf32>
    tpu.vector_store %arg11[%swap3A_42, %swap3A_43], %swap3A_46 {strides = array<i32>} : memref<32x128xf32, #tpu.memory_space<vmem>>, vector<1x16xf32>,
    %broadcast_in_dim3A_47 = arith.constant 0.000000e+00 : f32
    %broadcast_in_dim3A_48 = vector.broadcast %broadcast_in_dim3A_47 : f32 to vector<16xf32>
    %swap3A_49 = arith.constant 0 : i32
    %swap3A_50 = arith.index_cast %swap3A_49 : i32 to index
    %swap3A_51 = arith.constant 64 : index
    %swap3A_52 = tpu.vector_load %arg11[%swap3A_50, %swap3A_51] {strides = array<i32>} : memref<32x128xf32, #tpu.memory_space<vmem>>, vector<1x16xf32>,
    %swap3A_53 = vector.shape_cast %swap3A_52 : vector<1x16xf32> to vector<16xf32>
    %swap3A_54 = vector.shape_cast %broadcast_in_dim3A_48 : vector<16xf32> to vector<1x16xf32>
    tpu.vector_store %arg11[%swap3A_50, %swap3A_51], %swap3A_54 {strides = array<i32>} : memref<32x128xf32, #tpu.memory_space<vmem>>, vector<1x16xf32>,
    %broadcast_in_dim3A_55 = arith.constant 0.000000e+00 : f32
    %broadcast_in_dim3A_56 = vector.broadcast %broadcast_in_dim3A_55 : f32 to vector<16xf32>
    %swap3A_57 = arith.constant 0 : i32
    %swap3A_58 = arith.index_cast %swap3A_57 : i32 to index
    %swap3A_59 = arith.constant 80 : index
    %swap3A_60 = tpu.vector_load %arg11[%swap3A_58, %swap3A_59] {strides = array<i32>} : memref<32x128xf32, #tpu.memory_space<vmem>>, vector<1x16xf32>,
    %swap3A_61 = vector.shape_cast %swap3A_60 : vector<1x16xf32> to vector<16xf32>
    %swap3A_62 = vector.shape_cast %broadcast_in_dim3A_56 : vector<16xf32> to vector<1x16xf32>
    tpu.vector_store %arg11[%swap3A_58, %swap3A_59], %swap3A_62 {strides = array<i32>} : memref<32x128xf32, #tpu.memory_space<vmem>>, vector<1x16xf32>,
    %broadcast_in_dim3A_63 = arith.constant 0.000000e+00 : f32
    %broadcast_in_dim3A_64 = vector.broadcast %broadcast_in_dim3A_63 : f32 to vector<16xf32>
    %swap3A_65 = arith.constant 0 : i32
    %swap3A_66 = arith.index_cast %swap3A_65 : i32 to index
    %swap3A_67 = arith.constant 96 : index
    %swap3A_68 = tpu.vector_load %arg11[%swap3A_66, %swap3A_67] {strides = array<i32>} : memref<32x128xf32, #tpu.memory_space<vmem>>, vector<1x16xf32>,
    %swap3A_69 = vector.shape_cast %swap3A_68 : vector<1x16xf32> to vector<16xf32>
    %swap3A_70 = vector.shape_cast %broadcast_in_dim3A_64 : vector<16xf32> to vector<1x16xf32>
    tpu.vector_store %arg11[%swap3A_66, %swap3A_67], %swap3A_70 {strides = array<i32>} : memref<32x128xf32, #tpu.memory_space<vmem>>, vector<1x16xf32>,
    %broadcast_in_dim3A_71 = arith.constant 0.000000e+00 : f32
    %broadcast_in_dim3A_72 = vector.broadcast %broadcast_in_dim3A_71 : f32 to vector<16xf32>
    %swap3A_73 = arith.constant 0 : i32
    %swap3A_74 = arith.index_cast %swap3A_73 : i32 to index
    %swap3A_75 = arith.constant 112 : index
    %swap3A_76 = tpu.vector_load %arg11[%swap3A_74, %swap3A_75] {strides = array<i32>} : memref<32x128xf32, #tpu.memory_space<vmem>>, vector<1x16xf32>,
    %swap3A_77 = vector.shape_cast %swap3A_76 : vector<1x16xf32> to vector<16xf32>
    %swap3A_78 = vector.shape_cast %broadcast_in_dim3A_72 : vector<16xf32> to vector<1x16xf32>
    tpu.vector_store %arg11[%swap3A_74, %swap3A_75], %swap3A_78 {strides = array<i32>} : memref<32x128xf32, #tpu.memory_space<vmem>>, vector<1x16xf32>,
    %broadcast_in_dim3A_79 = arith.constant 0.000000e+00 : f32
    %broadcast_in_dim3A_80 = vector.broadcast %broadcast_in_dim3A_79 : f32 to vector<16xf32>
    %swap3A_81 = arith.constant 1 : i32
    %swap3A_82 = arith.index_cast %swap3A_81 : i32 to index
    %swap3A_83 = arith.constant 0 : index
    %swap3A_84 = tpu.vector_load %arg11[%swap3A_82, %swap3A_83] {strides = array<i32>} : memref<32x128xf32, #tpu.memory_space<vmem>>, vector<1x16xf32>,
    %swap3A_85 = vector.shape_cast %swap3A_84 : vector<1x16xf32> to vector<16xf32>
    %swap3A_86 = vector.shape_cast %broadcast_in_dim3A_80 : vector<16xf32> to vector<1x16xf32>
    tpu.vector_store %arg11[%swap3A_82, %swap3A_83], %swap3A_86 {strides = array<i32>} : memref<32x128xf32, #tpu.memory_space<vmem>>, vector<1x16xf32>,
    %broadcast_in_dim3A_87 = arith.constant 0.000000e+00 : f32
    %broadcast_in_dim3A_88 = vector.broadcast %broadcast_in_dim3A_87 : f32 to vector<16xf32>
    %swap3A_89 = arith.constant 1 : i32
    %swap3A_90 = arith.index_cast %swap3A_89 : i32 to index
    %swap3A_91 = arith.constant 16 : index
    %swap3A_92 = tpu.vector_load %arg11[%swap3A_90, %swap3A_91] {strides = array<i32>} : memref<32x128xf32, #tpu.memory_space<vmem>>, vector<1x16xf32>,
    %swap3A_93 = vector.shape_cast %swap3A_92 : vector<1x16xf32> to vector<16xf32>
    %swap3A_94 = vector.shape_cast %broadcast_in_dim3A_88 : vector<16xf32> to vector<1x16xf32>
    tpu.vector_store %arg11[%swap3A_90, %swap3A_91], %swap3A_94 {strides = array<i32>} : memref<32x128xf32, #tpu.memory_space<vmem>>, vector<1x16xf32>,
    %broadcast_in_dim3A_95 = arith.constant 0.000000e+00 : f32
    %broadcast_in_dim3A_96 = vector.broadcast %broadcast_in_dim3A_95 : f32 to vector<16xf32>
    %swap3A_97 = arith.constant 1 : i32
    %swap3A_98 = arith.index_cast %swap3A_97 : i32 to index
    %swap3A_99 = arith.constant 32 : index
    %swap3A_100 = tpu.vector_load %arg11[%swap3A_98, %swap3A_99] {strides = array<i32>} : memref<32x128xf32, #tpu.memory_space<vmem>>, vector<1x16xf32>,
    %swap3A_101 = vector.shape_cast %swap3A_100 : vector<1x16xf32> to vector<16xf32>
    %swap3A_102 = vector.shape_cast %broadcast_in_dim3A_96 : vector<16xf32> to vector<1x16xf32>
    tpu.vector_store %arg11[%swap3A_98, %swap3A_99], %swap3A_102 {strides = array<i32>} : memref<32x128xf32, #tpu.memory_space<vmem>>, vector<1x16xf32>,
    %broadcast_in_dim3A_103 = arith.constant 0.000000e+00 : f32
    %broadcast_in_dim3A_104 = vector.broadcast %broadcast_in_dim3A_103 : f32 to vector<16xf32>
    %swap3A_105 = arith.constant 1 : i32
    %swap3A_106 = arith.index_cast %swap3A_105 : i32 to index
    %swap3A_107 = arith.constant 48 : index
    %swap3A_108 = tpu.vector_load %arg11[%swap3A_106, %swap3A_107] {strides = array<i32>} : memref<32x128xf32, #tpu.memory_space<vmem>>, vector<1x16xf32>,
    %swap3A_109 = vector.shape_cast %swap3A_108 : vector<1x16xf32> to vector<16xf32>
    %swap3A_110 = vector.shape_cast %broadcast_in_dim3A_104 : vector<16xf32> to vector<1x16xf32>
    tpu.vector_store %arg11[%swap3A_106, %swap3A_107], %swap3A_110 {strides = array<i32>} : memref<32x128xf32, #tpu.memory_space<vmem>>, vector<1x16xf32>,
    %broadcast_in_dim3A_111 = arith.constant 0.000000e+00 : f32
    %broadcast_in_dim3A_112 = vector.broadcast %broadcast_in_dim3A_111 : f32 to vector<16xf32>
    %swap3A_113 = arith.constant 1 : i32
    %swap3A_114 = arith.index_cast %swap3A_113 : i32 to index
    %swap3A_115 = arith.constant 64 : index
    %swap3A_116 = tpu.vector_load %arg11[%swap3A_114, %swap3A_115] {strides = array<i32>} : memref<32x128xf32, #tpu.memory_space<vmem>>, vector<1x16xf32>,
    %swap3A_117 = vector.shape_cast %swap3A_116 : vector<1x16xf32> to vector<16xf32>
    %swap3A_118 = vector.shape_cast %broadcast_in_dim3A_112 : vector<16xf32> to vector<1x16xf32>
    tpu.vector_store %arg11[%swap3A_114, %swap3A_115], %swap3A_118 {strides = array<i32>} : memref<32x128xf32, #tpu.memory_space<vmem>>, vector<1x16xf32>,
    %broadcast_in_dim3A_119 = arith.constant 0.000000e+00 : f32
    %broadcast_in_dim3A_120 = vector.broadcast %broadcast_in_dim3A_119 : f32 to vector<16xf32>
    %swap3A_121 = arith.constant 1 : i32
    %swap3A_122 = arith.index_cast %swap3A_121 : i32 to index
    %swap3A_123 = arith.constant 80 : index
    %swap3A_124 = tpu.vector_load %arg11[%swap3A_122, %swap3A_123] {strides = array<i32>} : memref<32x128xf32, #tpu.memory_space<vmem>>, vector<1x16xf32>,
    %swap3A_125 = vector.shape_cast %swap3A_124 : vector<1x16xf32> to vector<16xf32>
    %swap3A_126 = vector.shape_cast %broadcast_in_dim3A_120 : vector<16xf32> to vector<1x16xf32>
    tpu.vector_store %arg11[%swap3A_122, %swap3A_123], %swap3A_126 {strides = array<i32>} : memref<32x128xf32, #tpu.memory_space<vmem>>, vector<1x16xf32>,
    %broadcast_in_dim3A_127 = arith.constant 0.000000e+00 : f32
    %broadcast_in_dim3A_128 = vector.broadcast %broadcast_in_dim3A_127 : f32 to vector<16xf32>
    %swap3A_129 = arith.constant 1 : i32
    %swap3A_130 = arith.index_cast %swap3A_129 : i32 to index
    %swap3A_131 = arith.constant 96 : index
    %swap3A_132 = tpu.vector_load %arg11[%swap3A_130, %swap3A_131] {strides = array<i32>} : memref<32x128xf32, #tpu.memory_space<vmem>>, vector<1x16xf32>,
    %swap3A_133 = vector.shape_cast %swap3A_132 : vector<1x16xf32> to vector<16xf32>
    %swap3A_134 = vector.shape_cast %broadcast_in_dim3A_128 : vector<16xf32> to vector<1x16xf32>
    tpu.vector_store %arg11[%swap3A_130, %swap3A_131], %swap3A_134 {strides = array<i32>} : memref<32x128xf32, #tpu.memory_space<vmem>>, vector<1x16xf32>,
    %broadcast_in_dim3A_135 = arith.constant 0.000000e+00 : f32
    %broadcast_in_dim3A_136 = vector.broadcast %broadcast_in_dim3A_135 : f32 to vector<16xf32>
    %swap3A_137 = arith.constant 1 : i32
    %swap3A_138 = arith.index_cast %swap3A_137 : i32 to index
    %swap3A_139 = arith.constant 112 : index
    %swap3A_140 = tpu.vector_load %arg11[%swap3A_138, %swap3A_139] {strides = array<i32>} : memref<32x128xf32, #tpu.memory_space<vmem>>, vector<1x16xf32>,
    %swap3A_141 = vector.shape_cast %swap3A_140 : vector<1x16xf32> to vector<16xf32>
    %swap3A_142 = vector.shape_cast %broadcast_in_dim3A_136 : vector<16xf32> to vector<1x16xf32>
    tpu.vector_store %arg11[%swap3A_138, %swap3A_139], %swap3A_142 {strides = array<i32>} : memref<32x128xf32, #tpu.memory_space<vmem>>, vector<1x16xf32>,
    %broadcast_in_dim3A_143 = arith.constant 0.000000e+00 : f32
    %broadcast_in_dim3A_144 = vector.broadcast %broadcast_in_dim3A_143 : f32 to vector<16xf32>
    %swap3A_145 = arith.constant 2 : i32
    %swap3A_146 = arith.index_cast %swap3A_145 : i32 to index
    %swap3A_147 = arith.constant 0 : index
    %swap3A_148 = tpu.vector_load %arg11[%swap3A_146, %swap3A_147] {strides = array<i32>} : memref<32x128xf32, #tpu.memory_space<vmem>>, vector<1x16xf32>,
    %swap3A_149 = vector.shape_cast %swap3A_148 : vector<1x16xf32> to vector<16xf32>
    %swap3A_150 = vector.shape_cast %broadcast_in_dim3A_144 : vector<16xf32> to vector<1x16xf32>
    tpu.vector_store %arg11[%swap3A_146, %swap3A_147], %swap3A_150 {strides = array<i32>} : memref<32x128xf32, #tpu.memory_space<vmem>>, vector<1x16xf32>,
    %broadcast_in_dim3A_151 = arith.constant 0.000000e+00 : f32
    %broadcast_in_dim3A_152 = vector.broadcast %broadcast_in_dim3A_151 : f32 to vector<16xf32>
    %swap3A_153 = arith.constant 2 : i32
    %swap3A_154 = arith.index_cast %swap3A_153 : i32 to index
    %swap3A_155 = arith.constant 16 : index
    %swap3A_156 = tpu.vector_load %arg11[%swap3A_154, %swap3A_155] {strides = array<i32>} : memref<32x128xf32, #tpu.memory_space<vmem>>, vector<1x16xf32>,
    %swap3A_157 = vector.shape_cast %swap3A_156 : vector<1x16xf32> to vector<16xf32>
    %swap3A_158 = vector.shape_cast %broadcast_in_dim3A_152 : vector<16xf32> to vector<1x16xf32>
    tpu.vector_store %arg11[%swap3A_154, %swap3A_155], %swap3A_158 {strides = array<i32>} : memref<32x128xf32, #tpu.memory_space<vmem>>, vector<1x16xf32>,
    %broadcast_in_dim3A_159 = arith.constant 0.000000e+00 : f32
    %broadcast_in_dim3A_160 = vector.broadcast %broadcast_in_dim3A_159 : f32 to vector<16xf32>
    %swap3A_161 = arith.constant 2 : i32
    %swap3A_162 = arith.index_cast %swap3A_161 : i32 to index
    %swap3A_163 = arith.constant 32 : index
    %swap3A_164 = tpu.vector_load %arg11[%swap3A_162, %swap3A_163] {strides = array<i32>} : memref<32x128xf32, #tpu.memory_space<vmem>>, vector<1x16xf32>,
    %swap3A_165 = vector.shape_cast %swap3A_164 : vector<1x16xf32> to vector<16xf32>
    %swap3A_166 = vector.shape_cast %broadcast_in_dim3A_160 : vector<16xf32> to vector<1x16xf32>
    tpu.vector_store %arg11[%swap3A_162, %swap3A_163], %swap3A_166 {strides = array<i32>} : memref<32x128xf32, #tpu.memory_space<vmem>>, vector<1x16xf32>,
    %broadcast_in_dim3A_167 = arith.constant 0.000000e+00 : f32
    %broadcast_in_dim3A_168 = vector.broadcast %broadcast_in_dim3A_167 : f32 to vector<16xf32>
    %swap3A_169 = arith.constant 2 : i32
    %swap3A_170 = arith.index_cast %swap3A_169 : i32 to index
    %swap3A_171 = arith.constant 48 : index
    %swap3A_172 = tpu.vector_load %arg11[%swap3A_170, %swap3A_171] {strides = array<i32>} : memref<32x128xf32, #tpu.memory_space<vmem>>, vector<1x16xf32>,
    %swap3A_173 = vector.shape_cast %swap3A_172 : vector<1x16xf32> to vector<16xf32>
    %swap3A_174 = vector.shape_cast %broadcast_in_dim3A_168 : vector<16xf32> to vector<1x16xf32>
    tpu.vector_store %arg11[%swap3A_170, %swap3A_171], %swap3A_174 {strides = array<i32>} : memref<32x128xf32, #tpu.memory_space<vmem>>, vector<1x16xf32>,
    %broadcast_in_dim3A_175 = arith.constant 0.000000e+00 : f32
    %broadcast_in_dim3A_176 = vector.broadcast %broadcast_in_dim3A_175 : f32 to vector<16xf32>
    %swap3A_177 = arith.constant 2 : i32
    %swap3A_178 = arith.index_cast %swap3A_177 : i32 to index
    %swap3A_179 = arith.constant 64 : index
    %swap3A_180 = tpu.vector_load %arg11[%swap3A_178, %swap3A_179] {strides = array<i32>} : memref<32x128xf32, #tpu.memory_space<vmem>>, vector<1x16xf32>,
    %swap3A_181 = vector.shape_cast %swap3A_180 : vector<1x16xf32> to vector<16xf32>
    %swap3A_182 = vector.shape_cast %broadcast_in_dim3A_176 : vector<16xf32> to vector<1x16xf32>
    tpu.vector_store %arg11[%swap3A_178, %swap3A_179], %swap3A_182 {strides = array<i32>} : memref<32x128xf32, #tpu.memory_space<vmem>>, vector<1x16xf32>,
    %broadcast_in_dim3A_183 = arith.constant 0.000000e+00 : f32
    %broadcast_in_dim3A_184 = vector.broadcast %broadcast_in_dim3A_183 : f32 to vector<16xf32>
    %swap3A_185 = arith.constant 2 : i32
    %swap3A_186 = arith.index_cast %swap3A_185 : i32 to index
    %swap3A_187 = arith.constant 80 : index
    %swap3A_188 = tpu.vector_load %arg11[%swap3A_186, %swap3A_187] {strides = array<i32>} : memref<32x128xf32, #tpu.memory_space<vmem>>, vector<1x16xf32>,
    %swap3A_189 = vector.shape_cast %swap3A_188 : vector<1x16xf32> to vector<16xf32>
    %swap3A_190 = vector.shape_cast %broadcast_in_dim3A_184 : vector<16xf32> to vector<1x16xf32>
    tpu.vector_store %arg11[%swap3A_186, %swap3A_187], %swap3A_190 {strides = array<i32>} : memref<32x128xf32, #tpu.memory_space<vmem>>, vector<1x16xf32>,
    %broadcast_in_dim3A_191 = arith.constant 0.000000e+00 : f32
    %broadcast_in_dim3A_192 = vector.broadcast %broadcast_in_dim3A_191 : f32 to vector<16xf32>
    %swap3A_193 = arith.constant 2 : i32
    %swap3A_194 = arith.index_cast %swap3A_193 : i32 to index
    %swap3A_195 = arith.constant 96 : index
    %swap3A_196 = tpu.vector_load %arg11[%swap3A_194, %swap3A_195] {strides = array<i32>} : memref<32x128xf32, #tpu.memory_space<vmem>>, vector<1x16xf32>,
    %swap3A_197 = vector.shape_cast %swap3A_196 : vector<1x16xf32> to vector<16xf32>
    %swap3A_198 = vector.shape_cast %broadcast_in_dim3A_192 : vector<16xf32> to vector<1x16xf32>
    tpu.vector_store %arg11[%swap3A_194, %swap3A_195], %swap3A_198 {strides = array<i32>} : memref<32x128xf32, #tpu.memory_space<vmem>>, vector<1x16xf32>,
    %broadcast_in_dim3A_199 = arith.constant 0.000000e+00 : f32
    %broadcast_in_dim3A_200 = vector.broadcast %broadcast_in_dim3A_199 : f32 to vector<16xf32>
    %swap3A_201 = arith.constant 2 : i32
    %swap3A_202 = arith.index_cast %swap3A_201 : i32 to index
    %swap3A_203 = arith.constant 112 : index
    %swap3A_204 = tpu.vector_load %arg11[%swap3A_202, %swap3A_203] {strides = array<i32>} : memref<32x128xf32, #tpu.memory_space<vmem>>, vector<1x16xf32>,
    %swap3A_205 = vector.shape_cast %swap3A_204 : vector<1x16xf32> to vector<16xf32>
    %swap3A_206 = vector.shape_cast %broadcast_in_dim3A_200 : vector<16xf32> to vector<1x16xf32>
    tpu.vector_store %arg11[%swap3A_202, %swap3A_203], %swap3A_206 {strides = array<i32>} : memref<32x128xf32, #tpu.memory_space<vmem>>, vector<1x16xf32>,
    %broadcast_in_dim3A_207 = arith.constant 0.000000e+00 : f32
    %broadcast_in_dim3A_208 = vector.broadcast %broadcast_in_dim3A_207 : f32 to vector<16xf32>
    %swap3A_209 = arith.constant 3 : i32
    %swap3A_210 = arith.index_cast %swap3A_209 : i32 to index
    %swap3A_211 = arith.constant 0 : index
    %swap3A_212 = tpu.vector_load %arg11[%swap3A_210, %swap3A_211] {strides = array<i32>} : memref<32x128xf32, #tpu.memory_space<vmem>>, vector<1x16xf32>,
    %swap3A_213 = vector.shape_cast %swap3A_212 : vector<1x16xf32> to vector<16xf32>
    %swap3A_214 = vector.shape_cast %broadcast_in_dim3A_208 : vector<16xf32> to vector<1x16xf32>
    tpu.vector_store %arg11[%swap3A_210, %swap3A_211], %swap3A_214 {strides = array<i32>} : memref<32x128xf32, #tpu.memory_space<vmem>>, vector<1x16xf32>,
    %broadcast_in_dim3A_215 = arith.constant 0.000000e+00 : f32
    %broadcast_in_dim3A_216 = vector.broadcast %broadcast_in_dim3A_215 : f32 to vector<16xf32>
    %swap3A_217 = arith.constant 3 : i32
    %swap3A_218 = arith.index_cast %swap3A_217 : i32 to index
    %swap3A_219 = arith.constant 16 : index
    %swap3A_220 = tpu.vector_load %arg11[%swap3A_218, %swap3A_219] {strides = array<i32>} : memref<32x128xf32, #tpu.memory_space<vmem>>, vector<1x16xf32>,
    %swap3A_221 = vector.shape_cast %swap3A_220 : vector<1x16xf32> to vector<16xf32>
    %swap3A_222 = vector.shape_cast %broadcast_in_dim3A_216 : vector<16xf32> to vector<1x16xf32>
    tpu.vector_store %arg11[%swap3A_218, %swap3A_219], %swap3A_222 {strides = array<i32>} : memref<32x128xf32, #tpu.memory_space<vmem>>, vector<1x16xf32>,
    %broadcast_in_dim3A_223 = arith.constant 0.000000e+00 : f32
    %broadcast_in_dim3A_224 = vector.broadcast %broadcast_in_dim3A_223 : f32 to vector<16xf32>
    %swap3A_225 = arith.constant 3 : i32
    %swap3A_226 = arith.index_cast %swap3A_225 : i32 to index
    %swap3A_227 = arith.constant 32 : index
    %swap3A_228 = tpu.vector_load %arg11[%swap3A_226, %swap3A_227] {strides = array<i32>} : memref<32x128xf32, #tpu.memory_space<vmem>>, vector<1x16xf32>,
    %swap3A_229 = vector.shape_cast %swap3A_228 : vector<1x16xf32> to vector<16xf32>
    %swap3A_230 = vector.shape_cast %broadcast_in_dim3A_224 : vector<16xf32> to vector<1x16xf32>
    tpu.vector_store %arg11[%swap3A_226, %swap3A_227], %swap3A_230 {strides = array<i32>} : memref<32x128xf32, #tpu.memory_space<vmem>>, vector<1x16xf32>,
    %broadcast_in_dim3A_231 = arith.constant 0.000000e+00 : f32
    %broadcast_in_dim3A_232 = vector.broadcast %broadcast_in_dim3A_231 : f32 to vector<16xf32>
    %swap3A_233 = arith.constant 3 : i32
    %swap3A_234 = arith.index_cast %swap3A_233 : i32 to index
    %swap3A_235 = arith.constant 48 : index
    %swap3A_236 = tpu.vector_load %arg11[%swap3A_234, %swap3A_235] {strides = array<i32>} : memref<32x128xf32, #tpu.memory_space<vmem>>, vector<1x16xf32>,
    %swap3A_237 = vector.shape_cast %swap3A_236 : vector<1x16xf32> to vector<16xf32>
    %swap3A_238 = vector.shape_cast %broadcast_in_dim3A_232 : vector<16xf32> to vector<1x16xf32>
    tpu.vector_store %arg11[%swap3A_234, %swap3A_235], %swap3A_238 {strides = array<i32>} : memref<32x128xf32, #tpu.memory_space<vmem>>, vector<1x16xf32>,
    %broadcast_in_dim3A_239 = arith.constant 0.000000e+00 : f32
    %broadcast_in_dim3A_240 = vector.broadcast %broadcast_in_dim3A_239 : f32 to vector<16xf32>
    %swap3A_241 = arith.constant 3 : i32
    %swap3A_242 = arith.index_cast %swap3A_241 : i32 to index
    %swap3A_243 = arith.constant 64 : index
    %swap3A_244 = tpu.vector_load %arg11[%swap3A_242, %swap3A_243] {strides = array<i32>} : memref<32x128xf32, #tpu.memory_space<vmem>>, vector<1x16xf32>,
    %swap3A_245 = vector.shape_cast %swap3A_244 : vector<1x16xf32> to vector<16xf32>
    %swap3A_246 = vector.shape_cast %broadcast_in_dim3A_240 : vector<16xf32> to vector<1x16xf32>
    tpu.vector_store %arg11[%swap3A_242, %swap3A_243], %swap3A_246 {strides = array<i32>} : memref<32x128xf32, #tpu.memory_space<vmem>>, vector<1x16xf32>,
    %broadcast_in_dim3A_247 = arith.constant 0.000000e+00 : f32
    %broadcast_in_dim3A_248 = vector.broadcast %broadcast_in_dim3A_247 : f32 to vector<16xf32>
    %swap3A_249 = arith.constant 3 : i32
    %swap3A_250 = arith.index_cast %swap3A_249 : i32 to index
    %swap3A_251 = arith.constant 80 : index
    %swap3A_252 = tpu.vector_load %arg11[%swap3A_250, %swap3A_251] {strides = array<i32>} : memref<32x128xf32, #tpu.memory_space<vmem>>, vector<1x16xf32>,
    %swap3A_253 = vector.shape_cast %swap3A_252 : vector<1x16xf32> to vector<16xf32>
    %swap3A_254 = vector.shape_cast %broadcast_in_dim3A_248 : vector<16xf32> to vector<1x16xf32>
    tpu.vector_store %arg11[%swap3A_250, %swap3A_251], %swap3A_254 {strides = array<i32>} : memref<32x128xf32, #tpu.memory_space<vmem>>, vector<1x16xf32>,
    %broadcast_in_dim3A_255 = arith.constant 0.000000e+00 : f32
    %broadcast_in_dim3A_256 = vector.broadcast %broadcast_in_dim3A_255 : f32 to vector<16xf32>
    %swap3A_257 = arith.constant 3 : i32
    %swap3A_258 = arith.index_cast %swap3A_257 : i32 to index
    %swap3A_259 = arith.constant 96 : index
    %swap3A_260 = tpu.vector_load %arg11[%swap3A_258, %swap3A_259] {strides = array<i32>} : memref<32x128xf32, #tpu.memory_space<vmem>>, vector<1x16xf32>,
    %swap3A_261 = vector.shape_cast %swap3A_260 : vector<1x16xf32> to vector<16xf32>
    %swap3A_262 = vector.shape_cast %broadcast_in_dim3A_256 : vector<16xf32> to vector<1x16xf32>
    tpu.vector_store %arg11[%swap3A_258, %swap3A_259], %swap3A_262 {strides = array<i32>} : memref<32x128xf32, #tpu.memory_space<vmem>>, vector<1x16xf32>,
    %broadcast_in_dim3A_263 = arith.constant 0.000000e+00 : f32
    %broadcast_in_dim3A_264 = vector.broadcast %broadcast_in_dim3A_263 : f32 to vector<16xf32>
    %swap3A_265 = arith.constant 3 : i32
    %swap3A_266 = arith.index_cast %swap3A_265 : i32 to index
    %swap3A_267 = arith.constant 112 : index
    %swap3A_268 = tpu.vector_load %arg11[%swap3A_266, %swap3A_267] {strides = array<i32>} : memref<32x128xf32, #tpu.memory_space<vmem>>, vector<1x16xf32>,
    %swap3A_269 = vector.shape_cast %swap3A_268 : vector<1x16xf32> to vector<16xf32>
    %swap3A_270 = vector.shape_cast %broadcast_in_dim3A_264 : vector<16xf32> to vector<1x16xf32>
    tpu.vector_store %arg11[%swap3A_266, %swap3A_267], %swap3A_270 {strides = array<i32>} : memref<32x128xf32, #tpu.memory_space<vmem>>, vector<1x16xf32>,
    %broadcast_in_dim3A_271 = arith.constant 0.000000e+00 : f32
    %broadcast_in_dim3A_272 = vector.broadcast %broadcast_in_dim3A_271 : f32 to vector<16xf32>
    %swap3A_273 = arith.constant 4 : i32
    %swap3A_274 = arith.index_cast %swap3A_273 : i32 to index
    %swap3A_275 = arith.constant 0 : index
    %swap3A_276 = tpu.vector_load %arg11[%swap3A_274, %swap3A_275] {strides = array<i32>} : memref<32x128xf32, #tpu.memory_space<vmem>>, vector<1x16xf32>,
    %swap3A_277 = vector.shape_cast %swap3A_276 : vector<1x16xf32> to vector<16xf32>
    %swap3A_278 = vector.shape_cast %broadcast_in_dim3A_272 : vector<16xf32> to vector<1x16xf32>
    tpu.vector_store %arg11[%swap3A_274, %swap3A_275], %swap3A_278 {strides = array<i32>} : memref<32x128xf32, #tpu.memory_space<vmem>>, vector<1x16xf32>,
    %broadcast_in_dim3A_279 = arith.constant 0.000000e+00 : f32
    %broadcast_in_dim3A_280 = vector.broadcast %broadcast_in_dim3A_279 : f32 to vector<16xf32>
    %swap3A_281 = arith.constant 4 : i32
    %swap3A_282 = arith.index_cast %swap3A_281 : i32 to index
    %swap3A_283 = arith.constant 16 : index
    %swap3A_284 = tpu.vector_load %arg11[%swap3A_282, %swap3A_283] {strides = array<i32>} : memref<32x128xf32, #tpu.memory_space<vmem>>, vector<1x16xf32>,
    %swap3A_285 = vector.shape_cast %swap3A_284 : vector<1x16xf32> to vector<16xf32>
    %swap3A_286 = vector.shape_cast %broadcast_in_dim3A_280 : vector<16xf32> to vector<1x16xf32>
    tpu.vector_store %arg11[%swap3A_282, %swap3A_283], %swap3A_286 {strides = array<i32>} : memref<32x128xf32, #tpu.memory_space<vmem>>, vector<1x16xf32>,
    %broadcast_in_dim3A_287 = arith.constant 0.000000e+00 : f32
    %broadcast_in_dim3A_288 = vector.broadcast %broadcast_in_dim3A_287 : f32 to vector<16xf32>
    %swap3A_289 = arith.constant 4 : i32
    %swap3A_290 = arith.index_cast %swap3A_289 : i32 to index
    %swap3A_291 = arith.constant 32 : index
    %swap3A_292 = tpu.vector_load %arg11[%swap3A_290, %swap3A_291] {strides = array<i32>} : memref<32x128xf32, #tpu.memory_space<vmem>>, vector<1x16xf32>,
    %swap3A_293 = vector.shape_cast %swap3A_292 : vector<1x16xf32> to vector<16xf32>
    %swap3A_294 = vector.shape_cast %broadcast_in_dim3A_288 : vector<16xf32> to vector<1x16xf32>
    tpu.vector_store %arg11[%swap3A_290, %swap3A_291], %swap3A_294 {strides = array<i32>} : memref<32x128xf32, #tpu.memory_space<vmem>>, vector<1x16xf32>,
    %broadcast_in_dim3A_295 = arith.constant 0.000000e+00 : f32
    %broadcast_in_dim3A_296 = vector.broadcast %broadcast_in_dim3A_295 : f32 to vector<16xf32>
    %swap3A_297 = arith.constant 4 : i32
    %swap3A_298 = arith.index_cast %swap3A_297 : i32 to index
    %swap3A_299 = arith.constant 48 : index
    %swap3A_300 = tpu.vector_load %arg11[%swap3A_298, %swap3A_299] {strides = array<i32>} : memref<32x128xf32, #tpu.memory_space<vmem>>, vector<1x16xf32>,
    %swap3A_301 = vector.shape_cast %swap3A_300 : vector<1x16xf32> to vector<16xf32>
    %swap3A_302 = vector.shape_cast %broadcast_in_dim3A_296 : vector<16xf32> to vector<1x16xf32>
    tpu.vector_store %arg11[%swap3A_298, %swap3A_299], %swap3A_302 {strides = array<i32>} : memref<32x128xf32, #tpu.memory_space<vmem>>, vector<1x16xf32>,
    %broadcast_in_dim3A_303 = arith.constant 0.000000e+00 : f32
    %broadcast_in_dim3A_304 = vector.broadcast %broadcast_in_dim3A_303 : f32 to vector<16xf32>
    %swap3A_305 = arith.constant 4 : i32
    %swap3A_306 = arith.index_cast %swap3A_305 : i32 to index
    %swap3A_307 = arith.constant 64 : index
    %swap3A_308 = tpu.vector_load %arg11[%swap3A_306, %swap3A_307] {strides = array<i32>} : memref<32x128xf32, #tpu.memory_space<vmem>>, vector<1x16xf32>,
    %swap3A_309 = vector.shape_cast %swap3A_308 : vector<1x16xf32> to vector<16xf32>
    %swap3A_310 = vector.shape_cast %broadcast_in_dim3A_304 : vector<16xf32> to vector<1x16xf32>
    tpu.vector_store %arg11[%swap3A_306, %swap3A_307], %swap3A_310 {strides = array<i32>} : memref<32x128xf32, #tpu.memory_space<vmem>>, vector<1x16xf32>,
    %broadcast_in_dim3A_311 = arith.constant 0.000000e+00 : f32
    %broadcast_in_dim3A_312 = vector.broadcast %broadcast_in_dim3A_311 : f32 to vector<16xf32>
    %swap3A_313 = arith.constant 4 : i32
    %swap3A_314 = arith.index_cast %swap3A_313 : i32 to index
    %swap3A_315 = arith.constant 80 : index
    %swap3A_316 = tpu.vector_load %arg11[%swap3A_314, %swap3A_315] {strides = array<i32>} : memref<32x128xf32, #tpu.memory_space<vmem>>, vector<1x16xf32>,
    %swap3A_317 = vector.shape_cast %swap3A_316 : vector<1x16xf32> to vector<16xf32>
    %swap3A_318 = vector.shape_cast %broadcast_in_dim3A_312 : vector<16xf32> to vector<1x16xf32>
    tpu.vector_store %arg11[%swap3A_314, %swap3A_315], %swap3A_318 {strides = array<i32>} : memref<32x128xf32, #tpu.memory_space<vmem>>, vector<1x16xf32>,
    %broadcast_in_dim3A_319 = arith.constant 0.000000e+00 : f32
    %broadcast_in_dim3A_320 = vector.broadcast %broadcast_in_dim3A_319 : f32 to vector<16xf32>
    %swap3A_321 = arith.constant 4 : i32
    %swap3A_322 = arith.index_cast %swap3A_321 : i32 to index
    %swap3A_323 = arith.constant 96 : index
    %swap3A_324 = tpu.vector_load %arg11[%swap3A_322, %swap3A_323] {strides = array<i32>} : memref<32x128xf32, #tpu.memory_space<vmem>>, vector<1x16xf32>,
    %swap3A_325 = vector.shape_cast %swap3A_324 : vector<1x16xf32> to vector<16xf32>
    %swap3A_326 = vector.shape_cast %broadcast_in_dim3A_320 : vector<16xf32> to vector<1x16xf32>
    tpu.vector_store %arg11[%swap3A_322, %swap3A_323], %swap3A_326 {strides = array<i32>} : memref<32x128xf32, #tpu.memory_space<vmem>>, vector<1x16xf32>,
    %broadcast_in_dim3A_327 = arith.constant 0.000000e+00 : f32
    %broadcast_in_dim3A_328 = vector.broadcast %broadcast_in_dim3A_327 : f32 to vector<16xf32>
    %swap3A_329 = arith.constant 4 : i32
    %swap3A_330 = arith.index_cast %swap3A_329 : i32 to index
    %swap3A_331 = arith.constant 112 : index
    %swap3A_332 = tpu.vector_load %arg11[%swap3A_330, %swap3A_331] {strides = array<i32>} : memref<32x128xf32, #tpu.memory_space<vmem>>, vector<1x16xf32>,
    %swap3A_333 = vector.shape_cast %swap3A_332 : vector<1x16xf32> to vector<16xf32>
    %swap3A_334 = vector.shape_cast %broadcast_in_dim3A_328 : vector<16xf32> to vector<1x16xf32>
    tpu.vector_store %arg11[%swap3A_330, %swap3A_331], %swap3A_334 {strides = array<i32>} : memref<32x128xf32, #tpu.memory_space<vmem>>, vector<1x16xf32>,
    %broadcast_in_dim3A_335 = arith.constant 0.000000e+00 : f32
    %broadcast_in_dim3A_336 = vector.broadcast %broadcast_in_dim3A_335 : f32 to vector<16xf32>
    %swap3A_337 = arith.constant 5 : i32
    %swap3A_338 = arith.index_cast %swap3A_337 : i32 to index
    %swap3A_339 = arith.constant 0 : index
    %swap3A_340 = tpu.vector_load %arg11[%swap3A_338, %swap3A_339] {strides = array<i32>} : memref<32x128xf32, #tpu.memory_space<vmem>>, vector<1x16xf32>,
    %swap3A_341 = vector.shape_cast %swap3A_340 : vector<1x16xf32> to vector<16xf32>
    %swap3A_342 = vector.shape_cast %broadcast_in_dim3A_336 : vector<16xf32> to vector<1x16xf32>
    tpu.vector_store %arg11[%swap3A_338, %swap3A_339], %swap3A_342 {strides = array<i32>} : memref<32x128xf32, #tpu.memory_space<vmem>>, vector<1x16xf32>,
    %broadcast_in_dim3A_343 = arith.constant 0.000000e+00 : f32
    %broadcast_in_dim3A_344 = vector.broadcast %broadcast_in_dim3A_343 : f32 to vector<16xf32>
    %swap3A_345 = arith.constant 5 : i32
    %swap3A_346 = arith.index_cast %swap3A_345 : i32 to index
    %swap3A_347 = arith.constant 16 : index
    %swap3A_348 = tpu.vector_load %arg11[%swap3A_346, %swap3A_347] {strides = array<i32>} : memref<32x128xf32, #tpu.memory_space<vmem>>, vector<1x16xf32>,
    %swap3A_349 = vector.shape_cast %swap3A_348 : vector<1x16xf32> to vector<16xf32>
    %swap3A_350 = vector.shape_cast %broadcast_in_dim3A_344 : vector<16xf32> to vector<1x16xf32>
    tpu.vector_store %arg11[%swap3A_346, %swap3A_347], %swap3A_350 {strides = array<i32>} : memref<32x128xf32, #tpu.memory_space<vmem>>, vector<1x16xf32>,
    %broadcast_in_dim3A_351 = arith.constant 0.000000e+00 : f32
    %broadcast_in_dim3A_352 = vector.broadcast %broadcast_in_dim3A_351 : f32 to vector<16xf32>
    %swap3A_353 = arith.constant 5 : i32
    %swap3A_354 = arith.index_cast %swap3A_353 : i32 to index
    %swap3A_355 = arith.constant 32 : index
    %swap3A_356 = tpu.vector_load %arg11[%swap3A_354, %swap3A_355] {strides = array<i32>} : memref<32x128xf32, #tpu.memory_space<vmem>>, vector<1x16xf32>,
    %swap3A_357 = vector.shape_cast %swap3A_356 : vector<1x16xf32> to vector<16xf32>
    %swap3A_358 = vector.shape_cast %broadcast_in_dim3A_352 : vector<16xf32> to vector<1x16xf32>
    tpu.vector_store %arg11[%swap3A_354, %swap3A_355], %swap3A_358 {strides = array<i32>} : memref<32x128xf32, #tpu.memory_space<vmem>>, vector<1x16xf32>,
    %broadcast_in_dim3A_359 = arith.constant 0.000000e+00 : f32
    %broadcast_in_dim3A_360 = vector.broadcast %broadcast_in_dim3A_359 : f32 to vector<16xf32>
    %swap3A_361 = arith.constant 5 : i32
    %swap3A_362 = arith.index_cast %swap3A_361 : i32 to index
    %swap3A_363 = arith.constant 48 : index
    %swap3A_364 = tpu.vector_load %arg11[%swap3A_362, %swap3A_363] {strides = array<i32>} : memref<32x128xf32, #tpu.memory_space<vmem>>, vector<1x16xf32>,
    %swap3A_365 = vector.shape_cast %swap3A_364 : vector<1x16xf32> to vector<16xf32>
    %swap3A_366 = vector.shape_cast %broadcast_in_dim3A_360 : vector<16xf32> to vector<1x16xf32>
    tpu.vector_store %arg11[%swap3A_362, %swap3A_363], %swap3A_366 {strides = array<i32>} : memref<32x128xf32, #tpu.memory_space<vmem>>, vector<1x16xf32>,
    %broadcast_in_dim3A_367 = arith.constant 0.000000e+00 : f32
    %broadcast_in_dim3A_368 = vector.broadcast %broadcast_in_dim3A_367 : f32 to vector<16xf32>
    %swap3A_369 = arith.constant 5 : i32
    %swap3A_370 = arith.index_cast %swap3A_369 : i32 to index
    %swap3A_371 = arith.constant 64 : index
    %swap3A_372 = tpu.vector_load %arg11[%swap3A_370, %swap3A_371] {strides = array<i32>} : memref<32x128xf32, #tpu.memory_space<vmem>>, vector<1x16xf32>,
    %swap3A_373 = vector.shape_cast %swap3A_372 : vector<1x16xf32> to vector<16xf32>
    %swap3A_374 = vector.shape_cast %broadcast_in_dim3A_368 : vector<16xf32> to vector<1x16xf32>
    tpu.vector_store %arg11[%swap3A_370, %swap3A_371], %swap3A_374 {strides = array<i32>} : memref<32x128xf32, #tpu.memory_space<vmem>>, vector<1x16xf32>,
    %broadcast_in_dim3A_375 = arith.constant 0.000000e+00 : f32
    %broadcast_in_dim3A_376 = vector.broadcast %broadcast_in_dim3A_375 : f32 to vector<16xf32>
    %swap3A_377 = arith.constant 5 : i32
    %swap3A_378 = arith.index_cast %swap3A_377 : i32 to index
    %swap3A_379 = arith.constant 80 : index
    %swap3A_380 = tpu.vector_load %arg11[%swap3A_378, %swap3A_379] {strides = array<i32>} : memref<32x128xf32, #tpu.memory_space<vmem>>, vector<1x16xf32>,
    %swap3A_381 = vector.shape_cast %swap3A_380 : vector<1x16xf32> to vector<16xf32>
    %swap3A_382 = vector.shape_cast %broadcast_in_dim3A_376 : vector<16xf32> to vector<1x16xf32>
    tpu.vector_store %arg11[%swap3A_378, %swap3A_379], %swap3A_382 {strides = array<i32>} : memref<32x128xf32, #tpu.memory_space<vmem>>, vector<1x16xf32>,
    %broadcast_in_dim3A_383 = arith.constant 0.000000e+00 : f32
    %broadcast_in_dim3A_384 = vector.broadcast %broadcast_in_dim3A_383 : f32 to vector<16xf32>
    %swap3A_385 = arith.constant 5 : i32
    %swap3A_386 = arith.index_cast %swap3A_385 : i32 to index
    %swap3A_387 = arith.constant 96 : index
    %swap3A_388 = tpu.vector_load %arg11[%swap3A_386, %swap3A_387] {strides = array<i32>} : memref<32x128xf32, #tpu.memory_space<vmem>>, vector<1x16xf32>,
    %swap3A_389 = vector.shape_cast %swap3A_388 : vector<1x16xf32> to vector<16xf32>
    %swap3A_390 = vector.shape_cast %broadcast_in_dim3A_384 : vector<16xf32> to vector<1x16xf32>
    tpu.vector_store %arg11[%swap3A_386, %swap3A_387], %swap3A_390 {strides = array<i32>} : memref<32x128xf32, #tpu.memory_space<vmem>>, vector<1x16xf32>,
    %broadcast_in_dim3A_391 = arith.constant 0.000000e+00 : f32
    %broadcast_in_dim3A_392 = vector.broadcast %broadcast_in_dim3A_391 : f32 to vector<16xf32>
    %swap3A_393 = arith.constant 5 : i32
    %swap3A_394 = arith.index_cast %swap3A_393 : i32 to index
    %swap3A_395 = arith.constant 112 : index
    %swap3A_396 = tpu.vector_load %arg11[%swap3A_394, %swap3A_395] {strides = array<i32>} : memref<32x128xf32, #tpu.memory_space<vmem>>, vector<1x16xf32>,
    %swap3A_397 = vector.shape_cast %swap3A_396 : vector<1x16xf32> to vector<16xf32>
    %swap3A_398 = vector.shape_cast %broadcast_in_dim3A_392 : vector<16xf32> to vector<1x16xf32>
    tpu.vector_store %arg11[%swap3A_394, %swap3A_395], %swap3A_398 {strides = array<i32>} : memref<32x128xf32, #tpu.memory_space<vmem>>, vector<1x16xf32>,
    %broadcast_in_dim3A_399 = arith.constant 0.000000e+00 : f32
    %broadcast_in_dim3A_400 = vector.broadcast %broadcast_in_dim3A_399 : f32 to vector<16xf32>
    %swap3A_401 = arith.constant 6 : i32
    %swap3A_402 = arith.index_cast %swap3A_401 : i32 to index
    %swap3A_403 = arith.constant 0 : index
    %swap3A_404 = tpu.vector_load %arg11[%swap3A_402, %swap3A_403] {strides = array<i32>} : memref<32x128xf32, #tpu.memory_space<vmem>>, vector<1x16xf32>,
    %swap3A_405 = vector.shape_cast %swap3A_404 : vector<1x16xf32> to vector<16xf32>
    %swap3A_406 = vector.shape_cast %broadcast_in_dim3A_400 : vector<16xf32> to vector<1x16xf32>
    tpu.vector_store %arg11[%swap3A_402, %swap3A_403], %swap3A_406 {strides = array<i32>} : memref<32x128xf32, #tpu.memory_space<vmem>>, vector<1x16xf32>,
    %broadcast_in_dim3A_407 = arith.constant 0.000000e+00 : f32
    %broadcast_in_dim3A_408 = vector.broadcast %broadcast_in_dim3A_407 : f32 to vector<16xf32>
    %swap3A_409 = arith.constant 6 : i32
    %swap3A_410 = arith.index_cast %swap3A_409 : i32 to index
    %swap3A_411 = arith.constant 16 : index
    %swap3A_412 = tpu.vector_load %arg11[%swap3A_410, %swap3A_411] {strides = array<i32>} : memref<32x128xf32, #tpu.memory_space<vmem>>, vector<1x16xf32>,
    %swap3A_413 = vector.shape_cast %swap3A_412 : vector<1x16xf32> to vector<16xf32>
    %swap3A_414 = vector.shape_cast %broadcast_in_dim3A_408 : vector<16xf32> to vector<1x16xf32>
    tpu.vector_store %arg11[%swap3A_410, %swap3A_411], %swap3A_414 {strides = array<i32>} : memref<32x128xf32, #tpu.memory_space<vmem>>, vector<1x16xf32>,
    %broadcast_in_dim3A_415 = arith.constant 0.000000e+00 : f32
    %broadcast_in_dim3A_416 = vector.broadcast %broadcast_in_dim3A_415 : f32 to vector<16xf32>
    %swap3A_417 = arith.constant 6 : i32
    %swap3A_418 = arith.index_cast %swap3A_417 : i32 to index
    %swap3A_419 = arith.constant 32 : index
    %swap3A_420 = tpu.vector_load %arg11[%swap3A_418, %swap3A_419] {strides = array<i32>} : memref<32x128xf32, #tpu.memory_space<vmem>>, vector<1x16xf32>,
    %swap3A_421 = vector.shape_cast %swap3A_420 : vector<1x16xf32> to vector<16xf32>
    %swap3A_422 = vector.shape_cast %broadcast_in_dim3A_416 : vector<16xf32> to vector<1x16xf32>
    tpu.vector_store %arg11[%swap3A_418, %swap3A_419], %swap3A_422 {strides = array<i32>} : memref<32x128xf32, #tpu.memory_space<vmem>>, vector<1x16xf32>,
    %broadcast_in_dim3A_423 = arith.constant 0.000000e+00 : f32
    %broadcast_in_dim3A_424 = vector.broadcast %broadcast_in_dim3A_423 : f32 to vector<16xf32>
    %swap3A_425 = arith.constant 6 : i32
    %swap3A_426 = arith.index_cast %swap3A_425 : i32 to index
    %swap3A_427 = arith.constant 48 : index
    %swap3A_428 = tpu.vector_load %arg11[%swap3A_426, %swap3A_427] {strides = array<i32>} : memref<32x128xf32, #tpu.memory_space<vmem>>, vector<1x16xf32>,
    %swap3A_429 = vector.shape_cast %swap3A_428 : vector<1x16xf32> to vector<16xf32>
    %swap3A_430 = vector.shape_cast %broadcast_in_dim3A_424 : vector<16xf32> to vector<1x16xf32>
    tpu.vector_store %arg11[%swap3A_426, %swap3A_427], %swap3A_430 {strides = array<i32>} : memref<32x128xf32, #tpu.memory_space<vmem>>, vector<1x16xf32>,
    %broadcast_in_dim3A_431 = arith.constant 0.000000e+00 : f32
    %broadcast_in_dim3A_432 = vector.broadcast %broadcast_in_dim3A_431 : f32 to vector<16xf32>
    %swap3A_433 = arith.constant 6 : i32
    %swap3A_434 = arith.index_cast %swap3A_433 : i32 to index
    %swap3A_435 = arith.constant 64 : index
    %swap3A_436 = tpu.vector_load %arg11[%swap3A_434, %swap3A_435] {strides = array<i32>} : memref<32x128xf32, #tpu.memory_space<vmem>>, vector<1x16xf32>,
    %swap3A_437 = vector.shape_cast %swap3A_436 : vector<1x16xf32> to vector<16xf32>
    %swap3A_438 = vector.shape_cast %broadcast_in_dim3A_432 : vector<16xf32> to vector<1x16xf32>
    tpu.vector_store %arg11[%swap3A_434, %swap3A_435], %swap3A_438 {strides = array<i32>} : memref<32x128xf32, #tpu.memory_space<vmem>>, vector<1x16xf32>,
    %broadcast_in_dim3A_439 = arith.constant 0.000000e+00 : f32
    %broadcast_in_dim3A_440 = vector.broadcast %broadcast_in_dim3A_439 : f32 to vector<16xf32>
    %swap3A_441 = arith.constant 6 : i32
    %swap3A_442 = arith.index_cast %swap3A_441 : i32 to index
    %swap3A_443 = arith.constant 80 : index
    %swap3A_444 = tpu.vector_load %arg11[%swap3A_442, %swap3A_443] {strides = array<i32>} : memref<32x128xf32, #tpu.memory_space<vmem>>, vector<1x16xf32>,
    %swap3A_445 = vector.shape_cast %swap3A_444 : vector<1x16xf32> to vector<16xf32>
    %swap3A_446 = vector.shape_cast %broadcast_in_dim3A_440 : vector<16xf32> to vector<1x16xf32>
    tpu.vector_store %arg11[%swap3A_442, %swap3A_443], %swap3A_446 {strides = array<i32>} : memref<32x128xf32, #tpu.memory_space<vmem>>, vector<1x16xf32>,
    %broadcast_in_dim3A_447 = arith.constant 0.000000e+00 : f32
    %broadcast_in_dim3A_448 = vector.broadcast %broadcast_in_dim3A_447 : f32 to vector<16xf32>
    %swap3A_449 = arith.constant 6 : i32
    %swap3A_450 = arith.index_cast %swap3A_449 : i32 to index
    %swap3A_451 = arith.constant 96 : index
    %swap3A_452 = tpu.vector_load %arg11[%swap3A_450, %swap3A_451] {strides = array<i32>} : memref<32x128xf32, #tpu.memory_space<vmem>>, vector<1x16xf32>,
    %swap3A_453 = vector.shape_cast %swap3A_452 : vector<1x16xf32> to vector<16xf32>
    %swap3A_454 = vector.shape_cast %broadcast_in_dim3A_448 : vector<16xf32> to vector<1x16xf32>
    tpu.vector_store %arg11[%swap3A_450, %swap3A_451], %swap3A_454 {strides = array<i32>} : memref<32x128xf32, #tpu.memory_space<vmem>>, vector<1x16xf32>,
    %broadcast_in_dim3A_455 = arith.constant 0.000000e+00 : f32
    %broadcast_in_dim3A_456 = vector.broadcast %broadcast_in_dim3A_455 : f32 to vector<16xf32>
    %swap3A_457 = arith.constant 6 : i32
    %swap3A_458 = arith.index_cast %swap3A_457 : i32 to index
    %swap3A_459 = arith.constant 112 : index
    %swap3A_460 = tpu.vector_load %arg11[%swap3A_458, %swap3A_459] {strides = array<i32>} : memref<32x128xf32, #tpu.memory_space<vmem>>, vector<1x16xf32>,
    %swap3A_461 = vector.shape_cast %swap3A_460 : vector<1x16xf32> to vector<16xf32>
    %swap3A_462 = vector.shape_cast %broadcast_in_dim3A_456 : vector<16xf32> to vector<1x16xf32>
    tpu.vector_store %arg11[%swap3A_458, %swap3A_459], %swap3A_462 {strides = array<i32>} : memref<32x128xf32, #tpu.memory_space<vmem>>, vector<1x16xf32>,
    %broadcast_in_dim3A_463 = arith.constant 0.000000e+00 : f32
    %broadcast_in_dim3A_464 = vector.broadcast %broadcast_in_dim3A_463 : f32 to vector<16xf32>
    %swap3A_465 = arith.constant 7 : i32
    %swap3A_466 = arith.index_cast %swap3A_465 : i32 to index
    %swap3A_467 = arith.constant 0 : index
    %swap3A_468 = tpu.vector_load %arg11[%swap3A_466, %swap3A_467] {strides = array<i32>} : memref<32x128xf32, #tpu.memory_space<vmem>>, vector<1x16xf32>,
    %swap3A_469 = vector.shape_cast %swap3A_468 : vector<1x16xf32> to vector<16xf32>
    %swap3A_470 = vector.shape_cast %broadcast_in_dim3A_464 : vector<16xf32> to vector<1x16xf32>
    tpu.vector_store %arg11[%swap3A_466, %swap3A_467], %swap3A_470 {strides = array<i32>} : memref<32x128xf32, #tpu.memory_space<vmem>>, vector<1x16xf32>,
    %broadcast_in_dim3A_471 = arith.constant 0.000000e+00 : f32
    %broadcast_in_dim3A_472 = vector.broadcast %broadcast_in_dim3A_471 : f32 to vector<16xf32>
    %swap3A_473 = arith.constant 7 : i32
    %swap3A_474 = arith.index_cast %swap3A_473 : i32 to index
    %swap3A_475 = arith.constant 16 : index
    %swap3A_476 = tpu.vector_load %arg11[%swap3A_474, %swap3A_475] {strides = array<i32>} : memref<32x128xf32, #tpu.memory_space<vmem>>, vector<1x16xf32>,
    %swap3A_477 = vector.shape_cast %swap3A_476 : vector<1x16xf32> to vector<16xf32>
    %swap3A_478 = vector.shape_cast %broadcast_in_dim3A_472 : vector<16xf32> to vector<1x16xf32>
    tpu.vector_store %arg11[%swap3A_474, %swap3A_475], %swap3A_478 {strides = array<i32>} : memref<32x128xf32, #tpu.memory_space<vmem>>, vector<1x16xf32>,
    %broadcast_in_dim3A_479 = arith.constant 0.000000e+00 : f32
    %broadcast_in_dim3A_480 = vector.broadcast %broadcast_in_dim3A_479 : f32 to vector<16xf32>
    %swap3A_481 = arith.constant 7 : i32
    %swap3A_482 = arith.index_cast %swap3A_481 : i32 to index
    %swap3A_483 = arith.constant 32 : index
    %swap3A_484 = tpu.vector_load %arg11[%swap3A_482, %swap3A_483] {strides = array<i32>} : memref<32x128xf32, #tpu.memory_space<vmem>>, vector<1x16xf32>,
    %swap3A_485 = vector.shape_cast %swap3A_484 : vector<1x16xf32> to vector<16xf32>
    %swap3A_486 = vector.shape_cast %broadcast_in_dim3A_480 : vector<16xf32> to vector<1x16xf32>
    tpu.vector_store %arg11[%swap3A_482, %swap3A_483], %swap3A_486 {strides = array<i32>} : memref<32x128xf32, #tpu.memory_space<vmem>>, vector<1x16xf32>,
    %broadcast_in_dim3A_487 = arith.constant 0.000000e+00 : f32
    %broadcast_in_dim3A_488 = vector.broadcast %broadcast_in_dim3A_487 : f32 to vector<16xf32>
    %swap3A_489 = arith.constant 7 : i32
    %swap3A_490 = arith.index_cast %swap3A_489 : i32 to index
    %swap3A_491 = arith.constant 48 : index
    %swap3A_492 = tpu.vector_load %arg11[%swap3A_490, %swap3A_491] {strides = array<i32>} : memref<32x128xf32, #tpu.memory_space<vmem>>, vector<1x16xf32>,
    %swap3A_493 = vector.shape_cast %swap3A_492 : vector<1x16xf32> to vector<16xf32>
    %swap3A_494 = vector.shape_cast %broadcast_in_dim3A_488 : vector<16xf32> to vector<1x16xf32>
    tpu.vector_store %arg11[%swap3A_490, %swap3A_491], %swap3A_494 {strides = array<i32>} : memref<32x128xf32, #tpu.memory_space<vmem>>, vector<1x16xf32>,
    %broadcast_in_dim3A_495 = arith.constant 0.000000e+00 : f32
    %broadcast_in_dim3A_496 = vector.broadcast %broadcast_in_dim3A_495 : f32 to vector<16xf32>
    %swap3A_497 = arith.constant 7 : i32
    %swap3A_498 = arith.index_cast %swap3A_497 : i32 to index
    %swap3A_499 = arith.constant 64 : index
    %swap3A_500 = tpu.vector_load %arg11[%swap3A_498, %swap3A_499] {strides = array<i32>} : memref<32x128xf32, #tpu.memory_space<vmem>>, vector<1x16xf32>,
    %swap3A_501 = vector.shape_cast %swap3A_500 : vector<1x16xf32> to vector<16xf32>
    %swap3A_502 = vector.shape_cast %broadcast_in_dim3A_496 : vector<16xf32> to vector<1x16xf32>
    tpu.vector_store %arg11[%swap3A_498, %swap3A_499], %swap3A_502 {strides = array<i32>} : memref<32x128xf32, #tpu.memory_space<vmem>>, vector<1x16xf32>,
    %broadcast_in_dim3A_503 = arith.constant 0.000000e+00 : f32
    %broadcast_in_dim3A_504 = vector.broadcast %broadcast_in_dim3A_503 : f32 to vector<16xf32>
    %swap3A_505 = arith.constant 7 : i32
    %swap3A_506 = arith.index_cast %swap3A_505 : i32 to index
    %swap3A_507 = arith.constant 80 : index
    %swap3A_508 = tpu.vector_load %arg11[%swap3A_506, %swap3A_507] {strides = array<i32>} : memref<32x128xf32, #tpu.memory_space<vmem>>, vector<1x16xf32>,
    %swap3A_509 = vector.shape_cast %swap3A_508 : vector<1x16xf32> to vector<16xf32>
    %swap3A_510 = vector.shape_cast %broadcast_in_dim3A_504 : vector<16xf32> to vector<1x16xf32>
    tpu.vector_store %arg11[%swap3A_506, %swap3A_507], %swap3A_510 {strides = array<i32>} : memref<32x128xf32, #tpu.memory_space<vmem>>, vector<1x16xf32>,
    %broadcast_in_dim3A_511 = arith.constant 0.000000e+00 : f32
    %broadcast_in_dim3A_512 = vector.broadcast %broadcast_in_dim3A_511 : f32 to vector<16xf32>
    %swap3A_513 = arith.constant 7 : i32
    %swap3A_514 = arith.index_cast %swap3A_513 : i32 to index
    %swap3A_515 = arith.constant 96 : index
    %swap3A_516 = tpu.vector_load %arg11[%swap3A_514, %swap3A_515] {strides = array<i32>} : memref<32x128xf32, #tpu.memory_space<vmem>>, vector<1x16xf32>,
    %swap3A_517 = vector.shape_cast %swap3A_516 : vector<1x16xf32> to vector<16xf32>
    %swap3A_518 = vector.shape_cast %broadcast_in_dim3A_512 : vector<16xf32> to vector<1x16xf32>
    tpu.vector_store %arg11[%swap3A_514, %swap3A_515], %swap3A_518 {strides = array<i32>} : memref<32x128xf32, #tpu.memory_space<vmem>>, vector<1x16xf32>,
    %broadcast_in_dim3A_519 = arith.constant 0.000000e+00 : f32
    %broadcast_in_dim3A_520 = vector.broadcast %broadcast_in_dim3A_519 : f32 to vector<16xf32>
    %swap3A_521 = arith.constant 7 : i32
    %swap3A_522 = arith.index_cast %swap3A_521 : i32 to index
    %swap3A_523 = arith.constant 112 : index
    %swap3A_524 = tpu.vector_load %arg11[%swap3A_522, %swap3A_523] {strides = array<i32>} : memref<32x128xf32, #tpu.memory_space<vmem>>, vector<1x16xf32>,
    %swap3A_525 = vector.shape_cast %swap3A_524 : vector<1x16xf32> to vector<16xf32>
    %swap3A_526 = vector.shape_cast %broadcast_in_dim3A_520 : vector<16xf32> to vector<1x16xf32>
    tpu.vector_store %arg11[%swap3A_522, %swap3A_523], %swap3A_526 {strides = array<i32>} : memref<32x128xf32, #tpu.memory_space<vmem>>, vector<1x16xf32>,
    %broadcast_in_dim3A_527 = arith.constant 0.000000e+00 : f32
    %broadcast_in_dim3A_528 = vector.broadcast %broadcast_in_dim3A_527 : f32 to vector<16xf32>
    %swap3A_529 = arith.constant 8 : i32
    %swap3A_530 = arith.index_cast %swap3A_529 : i32 to index
    %swap3A_531 = arith.constant 0 : index
    %swap3A_532 = tpu.vector_load %arg11[%swap3A_530, %swap3A_531] {strides = array<i32>} : memref<32x128xf32, #tpu.memory_space<vmem>>, vector<1x16xf32>,
    %swap3A_533 = vector.shape_cast %swap3A_532 : vector<1x16xf32> to vector<16xf32>
    %swap3A_534 = vector.shape_cast %broadcast_in_dim3A_528 : vector<16xf32> to vector<1x16xf32>
    tpu.vector_store %arg11[%swap3A_530, %swap3A_531], %swap3A_534 {strides = array<i32>} : memref<32x128xf32, #tpu.memory_space<vmem>>, vector<1x16xf32>,
    %broadcast_in_dim3A_535 = arith.constant 0.000000e+00 : f32
    %broadcast_in_dim3A_536 = vector.broadcast %broadcast_in_dim3A_535 : f32 to vector<16xf32>
    %swap3A_537 = arith.constant 8 : i32
    %swap3A_538 = arith.index_cast %swap3A_537 : i32 to index
    %swap3A_539 = arith.constant 16 : index
    %swap3A_540 = tpu.vector_load %arg11[%swap3A_538, %swap3A_539] {strides = array<i32>} : memref<32x128xf32, #tpu.memory_space<vmem>>, vector<1x16xf32>,
    %swap3A_541 = vector.shape_cast %swap3A_540 : vector<1x16xf32> to vector<16xf32>
    %swap3A_542 = vector.shape_cast %broadcast_in_dim3A_536 : vector<16xf32> to vector<1x16xf32>
    tpu.vector_store %arg11[%swap3A_538, %swap3A_539], %swap3A_542 {strides = array<i32>} : memref<32x128xf32, #tpu.memory_space<vmem>>, vector<1x16xf32>,
    %broadcast_in_dim3A_543 = arith.constant 0.000000e+00 : f32
    %broadcast_in_dim3A_544 = vector.broadcast %broadcast_in_dim3A_543 : f32 to vector<16xf32>
    %swap3A_545 = arith.constant 8 : i32
    %swap3A_546 = arith.index_cast %swap3A_545 : i32 to index
    %swap3A_547 = arith.constant 32 : index
    %swap3A_548 = tpu.vector_load %arg11[%swap3A_546, %swap3A_547] {strides = array<i32>} : memref<32x128xf32, #tpu.memory_space<vmem>>, vector<1x16xf32>,
    %swap3A_549 = vector.shape_cast %swap3A_548 : vector<1x16xf32> to vector<16xf32>
    %swap3A_550 = vector.shape_cast %broadcast_in_dim3A_544 : vector<16xf32> to vector<1x16xf32>
    tpu.vector_store %arg11[%swap3A_546, %swap3A_547], %swap3A_550 {strides = array<i32>} : memref<32x128xf32, #tpu.memory_space<vmem>>, vector<1x16xf32>,
    %broadcast_in_dim3A_551 = arith.constant 0.000000e+00 : f32
    %broadcast_in_dim3A_552 = vector.broadcast %broadcast_in_dim3A_551 : f32 to vector<16xf32>
    %swap3A_553 = arith.constant 8 : i32
    %swap3A_554 = arith.index_cast %swap3A_553 : i32 to index
    %swap3A_555 = arith.constant 48 : index
    %swap3A_556 = tpu.vector_load %arg11[%swap3A_554, %swap3A_555] {strides = array<i32>} : memref<32x128xf32, #tpu.memory_space<vmem>>, vector<1x16xf32>,
    %swap3A_557 = vector.shape_cast %swap3A_556 : vector<1x16xf32> to vector<16xf32>
    %swap3A_558 = vector.shape_cast %broadcast_in_dim3A_552 : vector<16xf32> to vector<1x16xf32>
    tpu.vector_store %arg11[%swap3A_554, %swap3A_555], %swap3A_558 {strides = array<i32>} : memref<32x128xf32, #tpu.memory_space<vmem>>, vector<1x16xf32>,
    %broadcast_in_dim3A_559 = arith.constant 0.000000e+00 : f32
    %broadcast_in_dim3A_560 = vector.broadcast %broadcast_in_dim3A_559 : f32 to vector<16xf32>
    %swap3A_561 = arith.constant 8 : i32
    %swap3A_562 = arith.index_cast %swap3A_561 : i32 to index
    %swap3A_563 = arith.constant 64 : index
    %swap3A_564 = tpu.vector_load %arg11[%swap3A_562, %swap3A_563] {strides = array<i32>} : memref<32x128xf32, #tpu.memory_space<vmem>>, vector<1x16xf32>,
    %swap3A_565 = vector.shape_cast %swap3A_564 : vector<1x16xf32> to vector<16xf32>
    %swap3A_566 = vector.shape_cast %broadcast_in_dim3A_560 : vector<16xf32> to vector<1x16xf32>
    tpu.vector_store %arg11[%swap3A_562, %swap3A_563], %swap3A_566 {strides = array<i32>} : memref<32x128xf32, #tpu.memory_space<vmem>>, vector<1x16xf32>,
    %broadcast_in_dim3A_567 = arith.constant 0.000000e+00 : f32
    %broadcast_in_dim3A_568 = vector.broadcast %broadcast_in_dim3A_567 : f32 to vector<16xf32>
    %swap3A_569 = arith.constant 8 : i32
    %swap3A_570 = arith.index_cast %swap3A_569 : i32 to index
    %swap3A_571 = arith.constant 80 : index
    %swap3A_572 = tpu.vector_load %arg11[%swap3A_570, %swap3A_571] {strides = array<i32>} : memref<32x128xf32, #tpu.memory_space<vmem>>, vector<1x16xf32>,
    %swap3A_573 = vector.shape_cast %swap3A_572 : vector<1x16xf32> to vector<16xf32>
    %swap3A_574 = vector.shape_cast %broadcast_in_dim3A_568 : vector<16xf32> to vector<1x16xf32>
    tpu.vector_store %arg11[%swap3A_570, %swap3A_571], %swap3A_574 {strides = array<i32>} : memref<32x128xf32, #tpu.memory_space<vmem>>, vector<1x16xf32>,
    %broadcast_in_dim3A_575 = arith.constant 0.000000e+00 : f32
    %broadcast_in_dim3A_576 = vector.broadcast %broadcast_in_dim3A_575 : f32 to vector<16xf32>
    %swap3A_577 = arith.constant 8 : i32
    %swap3A_578 = arith.index_cast %swap3A_577 : i32 to index
    %swap3A_579 = arith.constant 96 : index
    %swap3A_580 = tpu.vector_load %arg11[%swap3A_578, %swap3A_579] {strides = array<i32>} : memref<32x128xf32, #tpu.memory_space<vmem>>, vector<1x16xf32>,
    %swap3A_581 = vector.shape_cast %swap3A_580 : vector<1x16xf32> to vector<16xf32>
    %swap3A_582 = vector.shape_cast %broadcast_in_dim3A_576 : vector<16xf32> to vector<1x16xf32>
    tpu.vector_store %arg11[%swap3A_578, %swap3A_579], %swap3A_582 {strides = array<i32>} : memref<32x128xf32, #tpu.memory_space<vmem>>, vector<1x16xf32>,
    %broadcast_in_dim3A_583 = arith.constant 0.000000e+00 : f32
    %broadcast_in_dim3A_584 = vector.broadcast %broadcast_in_dim3A_583 : f32 to vector<16xf32>
    %swap3A_585 = arith.constant 8 : i32
    %swap3A_586 = arith.index_cast %swap3A_585 : i32 to index
    %swap3A_587 = arith.constant 112 : index
    %swap3A_588 = tpu.vector_load %arg11[%swap3A_586, %swap3A_587] {strides = array<i32>} : memref<32x128xf32, #tpu.memory_space<vmem>>, vector<1x16xf32>,
    %swap3A_589 = vector.shape_cast %swap3A_588 : vector<1x16xf32> to vector<16xf32>
    %swap3A_590 = vector.shape_cast %broadcast_in_dim3A_584 : vector<16xf32> to vector<1x16xf32>
    tpu.vector_store %arg11[%swap3A_586, %swap3A_587], %swap3A_590 {strides = array<i32>} : memref<32x128xf32, #tpu.memory_space<vmem>>, vector<1x16xf32>,
    %broadcast_in_dim3A_591 = arith.constant 0.000000e+00 : f32
    %broadcast_in_dim3A_592 = vector.broadcast %broadcast_in_dim3A_591 : f32 to vector<16xf32>
    %swap3A_593 = arith.constant 9 : i32
    %swap3A_594 = arith.index_cast %swap3A_593 : i32 to index
    %swap3A_595 = arith.constant 0 : index
    %swap3A_596 = tpu.vector_load %arg11[%swap3A_594, %swap3A_595] {strides = array<i32>} : memref<32x128xf32, #tpu.memory_space<vmem>>, vector<1x16xf32>,
    %swap3A_597 = vector.shape_cast %swap3A_596 : vector<1x16xf32> to vector<16xf32>
    %swap3A_598 = vector.shape_cast %broadcast_in_dim3A_592 : vector<16xf32> to vector<1x16xf32>
    tpu.vector_store %arg11[%swap3A_594, %swap3A_595], %swap3A_598 {strides = array<i32>} : memref<32x128xf32, #tpu.memory_space<vmem>>, vector<1x16xf32>,
    %broadcast_in_dim3A_599 = arith.constant 0.000000e+00 : f32
    %broadcast_in_dim3A_600 = vector.broadcast %broadcast_in_dim3A_599 : f32 to vector<16xf32>
    %swap3A_601 = arith.constant 9 : i32
    %swap3A_602 = arith.index_cast %swap3A_601 : i32 to index
    %swap3A_603 = arith.constant 16 : index
    %swap3A_604 = tpu.vector_load %arg11[%swap3A_602, %swap3A_603] {strides = array<i32>} : memref<32x128xf32, #tpu.memory_space<vmem>>, vector<1x16xf32>,
    %swap3A_605 = vector.shape_cast %swap3A_604 : vector<1x16xf32> to vector<16xf32>
    %swap3A_606 = vector.shape_cast %broadcast_in_dim3A_600 : vector<16xf32> to vector<1x16xf32>
    tpu.vector_store %arg11[%swap3A_602, %swap3A_603], %swap3A_606 {strides = array<i32>} : memref<32x128xf32, #tpu.memory_space<vmem>>, vector<1x16xf32>,
    %broadcast_in_dim3A_607 = arith.constant 0.000000e+00 : f32
    %broadcast_in_dim3A_608 = vector.broadcast %broadcast_in_dim3A_607 : f32 to vector<16xf32>
    %swap3A_609 = arith.constant 9 : i32
    %swap3A_610 = arith.index_cast %swap3A_609 : i32 to index
    %swap3A_611 = arith.constant 32 : index
    %swap3A_612 = tpu.vector_load %arg11[%swap3A_610, %swap3A_611] {strides = array<i32>} : memref<32x128xf32, #tpu.memory_space<vmem>>, vector<1x16xf32>,
    %swap3A_613 = vector.shape_cast %swap3A_612 : vector<1x16xf32> to vector<16xf32>
    %swap3A_614 = vector.shape_cast %broadcast_in_dim3A_608 : vector<16xf32> to vector<1x16xf32>
    tpu.vector_store %arg11[%swap3A_610, %swap3A_611], %swap3A_614 {strides = array<i32>} : memref<32x128xf32, #tpu.memory_space<vmem>>, vector<1x16xf32>,
    %broadcast_in_dim3A_615 = arith.constant 0.000000e+00 : f32
    %broadcast_in_dim3A_616 = vector.broadcast %broadcast_in_dim3A_615 : f32 to vector<16xf32>
    %swap3A_617 = arith.constant 9 : i32
    %swap3A_618 = arith.index_cast %swap3A_617 : i32 to index
    %swap3A_619 = arith.constant 48 : index
    %swap3A_620 = tpu.vector_load %arg11[%swap3A_618, %swap3A_619] {strides = array<i32>} : memref<32x128xf32, #tpu.memory_space<vmem>>, vector<1x16xf32>,
    %swap3A_621 = vector.shape_cast %swap3A_620 : vector<1x16xf32> to vector<16xf32>
    %swap3A_622 = vector.shape_cast %broadcast_in_dim3A_616 : vector<16xf32> to vector<1x16xf32>
    tpu.vector_store %arg11[%swap3A_618, %swap3A_619], %swap3A_622 {strides = array<i32>} : memref<32x128xf32, #tpu.memory_space<vmem>>, vector<1x16xf32>,
    %broadcast_in_dim3A_623 = arith.constant 0.000000e+00 : f32
    %broadcast_in_dim3A_624 = vector.broadcast %broadcast_in_dim3A_623 : f32 to vector<16xf32>
    %swap3A_625 = arith.constant 9 : i32
    %swap3A_626 = arith.index_cast %swap3A_625 : i32 to index
    %swap3A_627 = arith.constant 64 : index
    %swap3A_628 = tpu.vector_load %arg11[%swap3A_626, %swap3A_627] {strides = array<i32>} : memref<32x128xf32, #tpu.memory_space<vmem>>, vector<1x16xf32>,
    %swap3A_629 = vector.shape_cast %swap3A_628 : vector<1x16xf32> to vector<16xf32>
    %swap3A_630 = vector.shape_cast %broadcast_in_dim3A_624 : vector<16xf32> to vector<1x16xf32>
    tpu.vector_store %arg11[%swap3A_626, %swap3A_627], %swap3A_630 {strides = array<i32>} : memref<32x128xf32, #tpu.memory_space<vmem>>, vector<1x16xf32>,
    %broadcast_in_dim3A_631 = arith.constant 0.000000e+00 : f32
    %broadcast_in_dim3A_632 = vector.broadcast %broadcast_in_dim3A_631 : f32 to vector<16xf32>
    %swap3A_633 = arith.constant 9 : i32
    %swap3A_634 = arith.index_cast %swap3A_633 : i32 to index
    %swap3A_635 = arith.constant 80 : index
    %swap3A_636 = tpu.vector_load %arg11[%swap3A_634, %swap3A_635] {strides = array<i32>} : memref<32x128xf32, #tpu.memory_space<vmem>>, vector<1x16xf32>,
    %swap3A_637 = vector.shape_cast %swap3A_636 : vector<1x16xf32> to vector<16xf32>
    %swap3A_638 = vector.shape_cast %broadcast_in_dim3A_632 : vector<16xf32> to vector<1x16xf32>
    tpu.vector_store %arg11[%swap3A_634, %swap3A_635], %swap3A_638 {strides = array<i32>} : memref<32x128xf32, #tpu.memory_space<vmem>>, vector<1x16xf32>,
    %broadcast_in_dim3A_639 = arith.constant 0.000000e+00 : f32
    %broadcast_in_dim3A_640 = vector.broadcast %broadcast_in_dim3A_639 : f32 to vector<16xf32>
    %swap3A_641 = arith.constant 9 : i32
    %swap3A_642 = arith.index_cast %swap3A_641 : i32 to index
    %swap3A_643 = arith.constant 96 : index
    %swap3A_644 = tpu.vector_load %arg11[%swap3A_642, %swap3A_643] {strides = array<i32>} : memref<32x128xf32, #tpu.memory_space<vmem>>, vector<1x16xf32>,
    %swap3A_645 = vector.shape_cast %swap3A_644 : vector<1x16xf32> to vector<16xf32>
    %swap3A_646 = vector.shape_cast %broadcast_in_dim3A_640 : vector<16xf32> to vector<1x16xf32>
    tpu.vector_store %arg11[%swap3A_642, %swap3A_643], %swap3A_646 {strides = array<i32>} : memref<32x128xf32, #tpu.memory_space<vmem>>, vector<1x16xf32>,
    %broadcast_in_dim3A_647 = arith.constant 0.000000e+00 : f32
    %broadcast_in_dim3A_648 = vector.broadcast %broadcast_in_dim3A_647 : f32 to vector<16xf32>
    %swap3A_649 = arith.constant 9 : i32
    %swap3A_650 = arith.index_cast %swap3A_649 : i32 to index
    %swap3A_651 = arith.constant 112 : index
    %swap3A_652 = tpu.vector_load %arg11[%swap3A_650, %swap3A_651] {strides = array<i32>} : memref<32x128xf32, #tpu.memory_space<vmem>>, vector<1x16xf32>,
    %swap3A_653 = vector.shape_cast %swap3A_652 : vector<1x16xf32> to vector<16xf32>
    %swap3A_654 = vector.shape_cast %broadcast_in_dim3A_648 : vector<16xf32> to vector<1x16xf32>
    tpu.vector_store %arg11[%swap3A_650, %swap3A_651], %swap3A_654 {strides = array<i32>} : memref<32x128xf32, #tpu.memory_space<vmem>>, vector<1x16xf32>,
    %broadcast_in_dim3A_655 = arith.constant 0.000000e+00 : f32
    %broadcast_in_dim3A_656 = vector.broadcast %broadcast_in_dim3A_655 : f32 to vector<16xf32>
    %swap3A_657 = arith.constant 10 : i32
    %swap3A_658 = arith.index_cast %swap3A_657 : i32 to index
    %swap3A_659 = arith.constant 0 : index
    %swap3A_660 = tpu.vector_load %arg11[%swap3A_658, %swap3A_659] {strides = array<i32>} : memref<32x128xf32, #tpu.memory_space<vmem>>, vector<1x16xf32>,
    %swap3A_661 = vector.shape_cast %swap3A_660 : vector<1x16xf32> to vector<16xf32>
    %swap3A_662 = vector.shape_cast %broadcast_in_dim3A_656 : vector<16xf32> to vector<1x16xf32>
    tpu.vector_store %arg11[%swap3A_658, %swap3A_659], %swap3A_662 {strides = array<i32>} : memref<32x128xf32, #tpu.memory_space<vmem>>, vector<1x16xf32>,
    %broadcast_in_dim3A_663 = arith.constant 0.000000e+00 : f32
    %broadcast_in_dim3A_664 = vector.broadcast %broadcast_in_dim3A_663 : f32 to vector<16xf32>
    %swap3A_665 = arith.constant 10 : i32
    %swap3A_666 = arith.index_cast %swap3A_665 : i32 to index
    %swap3A_667 = arith.constant 16 : index
    %swap3A_668 = tpu.vector_load %arg11[%swap3A_666, %swap3A_667] {strides = array<i32>} : memref<32x128xf32, #tpu.memory_space<vmem>>, vector<1x16xf32>,
    %swap3A_669 = vector.shape_cast %swap3A_668 : vector<1x16xf32> to vector<16xf32>
    %swap3A_670 = vector.shape_cast %broadcast_in_dim3A_664 : vector<16xf32> to vector<1x16xf32>
    tpu.vector_store %arg11[%swap3A_666, %swap3A_667], %swap3A_670 {strides = array<i32>} : memref<32x128xf32, #tpu.memory_space<vmem>>, vector<1x16xf32>,
    %broadcast_in_dim3A_671 = arith.constant 0.000000e+00 : f32
    %broadcast_in_dim3A_672 = vector.broadcast %broadcast_in_dim3A_671 : f32 to vector<16xf32>
    %swap3A_673 = arith.constant 10 : i32
    %swap3A_674 = arith.index_cast %swap3A_673 : i32 to index
    %swap3A_675 = arith.constant 32 : index
    %swap3A_676 = tpu.vector_load %arg11[%swap3A_674, %swap3A_675] {strides = array<i32>} : memref<32x128xf32, #tpu.memory_space<vmem>>, vector<1x16xf32>,
    %swap3A_677 = vector.shape_cast %swap3A_676 : vector<1x16xf32> to vector<16xf32>
    %swap3A_678 = vector.shape_cast %broadcast_in_dim3A_672 : vector<16xf32> to vector<1x16xf32>
    tpu.vector_store %arg11[%swap3A_674, %swap3A_675], %swap3A_678 {strides = array<i32>} : memref<32x128xf32, #tpu.memory_space<vmem>>, vector<1x16xf32>,
    %broadcast_in_dim3A_679 = arith.constant 0.000000e+00 : f32
    %broadcast_in_dim3A_680 = vector.broadcast %broadcast_in_dim3A_679 : f32 to vector<16xf32>
    %swap3A_681 = arith.constant 10 : i32
    %swap3A_682 = arith.index_cast %swap3A_681 : i32 to index
    %swap3A_683 = arith.constant 48 : index
    %swap3A_684 = tpu.vector_load %arg11[%swap3A_682, %swap3A_683] {strides = array<i32>} : memref<32x128xf32, #tpu.memory_space<vmem>>, vector<1x16xf32>,
    %swap3A_685 = vector.shape_cast %swap3A_684 : vector<1x16xf32> to vector<16xf32>
    %swap3A_686 = vector.shape_cast %broadcast_in_dim3A_680 : vector<16xf32> to vector<1x16xf32>
    tpu.vector_store %arg11[%swap3A_682, %swap3A_683], %swap3A_686 {strides = array<i32>} : memref<32x128xf32, #tpu.memory_space<vmem>>, vector<1x16xf32>,
    %broadcast_in_dim3A_687 = arith.constant 0.000000e+00 : f32
    %broadcast_in_dim3A_688 = vector.broadcast %broadcast_in_dim3A_687 : f32 to vector<16xf32>
    %swap3A_689 = arith.constant 10 : i32
    %swap3A_690 = arith.index_cast %swap3A_689 : i32 to index
    %swap3A_691 = arith.constant 64 : index
    %swap3A_692 = tpu.vector_load %arg11[%swap3A_690, %swap3A_691] {strides = array<i32>} : memref<32x128xf32, #tpu.memory_space<vmem>>, vector<1x16xf32>,
    %swap3A_693 = vector.shape_cast %swap3A_692 : vector<1x16xf32> to vector<16xf32>
    %swap3A_694 = vector.shape_cast %broadcast_in_dim3A_688 : vector<16xf32> to vector<1x16xf32>
    tpu.vector_store %arg11[%swap3A_690, %swap3A_691], %swap3A_694 {strides = array<i32>} : memref<32x128xf32, #tpu.memory_space<vmem>>, vector<1x16xf32>,
    %broadcast_in_dim3A_695 = arith.constant 0.000000e+00 : f32
    %broadcast_in_dim3A_696 = vector.broadcast %broadcast_in_dim3A_695 : f32 to vector<16xf32>
    %swap3A_697 = arith.constant 10 : i32
    %swap3A_698 = arith.index_cast %swap3A_697 : i32 to index
    %swap3A_699 = arith.constant 80 : index
    %swap3A_700 = tpu.vector_load %arg11[%swap3A_698, %swap3A_699] {strides = array<i32>} : memref<32x128xf32, #tpu.memory_space<vmem>>, vector<1x16xf32>,
    %swap3A_701 = vector.shape_cast %swap3A_700 : vector<1x16xf32> to vector<16xf32>
    %swap3A_702 = vector.shape_cast %broadcast_in_dim3A_696 : vector<16xf32> to vector<1x16xf32>
    tpu.vector_store %arg11[%swap3A_698, %swap3A_699], %swap3A_702 {strides = array<i32>} : memref<32x128xf32, #tpu.memory_space<vmem>>, vector<1x16xf32>,
    %broadcast_in_dim3A_703 = arith.constant 0.000000e+00 : f32
    %broadcast_in_dim3A_704 = vector.broadcast %broadcast_in_dim3A_703 : f32 to vector<16xf32>
    %swap3A_705 = arith.constant 10 : i32
    %swap3A_706 = arith.index_cast %swap3A_705 : i32 to index
    %swap3A_707 = arith.constant 96 : index
    %swap3A_708 = tpu.vector_load %arg11[%swap3A_706, %swap3A_707] {strides = array<i32>} : memref<32x128xf32, #tpu.memory_space<vmem>>, vector<1x16xf32>,
    %swap3A_709 = vector.shape_cast %swap3A_708 : vector<1x16xf32> to vector<16xf32>
    %swap3A_710 = vector.shape_cast %broadcast_in_dim3A_704 : vector<16xf32> to vector<1x16xf32>
    tpu.vector_store %arg11[%swap3A_706, %swap3A_707], %swap3A_710 {strides = array<i32>} : memref<32x128xf32, #tpu.memory_space<vmem>>, vector<1x16xf32>,
    %broadcast_in_dim3A_711 = arith.constant 0.000000e+00 : f32
    %broadcast_in_dim3A_712 = vector.broadcast %broadcast_in_dim3A_711 : f32 to vector<16xf32>
    %swap3A_713 = arith.constant 10 : i32
    %swap3A_714 = arith.index_cast %swap3A_713 : i32 to index
    %swap3A_715 = arith.constant 112 : index
    %swap3A_716 = tpu.vector_load %arg11[%swap3A_714, %swap3A_715] {strides = array<i32>} : memref<32x128xf32, #tpu.memory_space<vmem>>, vector<1x16xf32>,
    %swap3A_717 = vector.shape_cast %swap3A_716 : vector<1x16xf32> to vector<16xf32>
    %swap3A_718 = vector.shape_cast %broadcast_in_dim3A_712 : vector<16xf32> to vector<1x16xf32>
    tpu.vector_store %arg11[%swap3A_714, %swap3A_715], %swap3A_718 {strides = array<i32>} : memref<32x128xf32, #tpu.memory_space<vmem>>, vector<1x16xf32>,
    %broadcast_in_dim3A_719 = arith.constant 0.000000e+00 : f32
    %broadcast_in_dim3A_720 = vector.broadcast %broadcast_in_dim3A_719 : f32 to vector<16xf32>
    %swap3A_721 = arith.constant 11 : i32
    %swap3A_722 = arith.index_cast %swap3A_721 : i32 to index
    %swap3A_723 = arith.constant 0 : index
    %swap3A_724 = tpu.vector_load %arg11[%swap3A_722, %swap3A_723] {strides = array<i32>} : memref<32x128xf32, #tpu.memory_space<vmem>>, vector<1x16xf32>,
    %swap3A_725 = vector.shape_cast %swap3A_724 : vector<1x16xf32> to vector<16xf32>
    %swap3A_726 = vector.shape_cast %broadcast_in_dim3A_720 : vector<16xf32> to vector<1x16xf32>
    tpu.vector_store %arg11[%swap3A_722, %swap3A_723], %swap3A_726 {strides = array<i32>} : memref<32x128xf32, #tpu.memory_space<vmem>>, vector<1x16xf32>,
    %broadcast_in_dim3A_727 = arith.constant 0.000000e+00 : f32
    %broadcast_in_dim3A_728 = vector.broadcast %broadcast_in_dim3A_727 : f32 to vector<16xf32>
    %swap3A_729 = arith.constant 11 : i32
    %swap3A_730 = arith.index_cast %swap3A_729 : i32 to index
    %swap3A_731 = arith.constant 16 : index
    %swap3A_732 = tpu.vector_load %arg11[%swap3A_730, %swap3A_731] {strides = array<i32>} : memref<32x128xf32, #tpu.memory_space<vmem>>, vector<1x16xf32>,
    %swap3A_733 = vector.shape_cast %swap3A_732 : vector<1x16xf32> to vector<16xf32>
    %swap3A_734 = vector.shape_cast %broadcast_in_dim3A_728 : vector<16xf32> to vector<1x16xf32>
    tpu.vector_store %arg11[%swap3A_730, %swap3A_731], %swap3A_734 {strides = array<i32>} : memref<32x128xf32, #tpu.memory_space<vmem>>, vector<1x16xf32>,
    %broadcast_in_dim3A_735 = arith.constant 0.000000e+00 : f32
    %broadcast_in_dim3A_736 = vector.broadcast %broadcast_in_dim3A_735 : f32 to vector<16xf32>
    %swap3A_737 = arith.constant 11 : i32
    %swap3A_738 = arith.index_cast %swap3A_737 : i32 to index
    %swap3A_739 = arith.constant 32 : index
    %swap3A_740 = tpu.vector_load %arg11[%swap3A_738, %swap3A_739] {strides = array<i32>} : memref<32x128xf32, #tpu.memory_space<vmem>>, vector<1x16xf32>,
    %swap3A_741 = vector.shape_cast %swap3A_740 : vector<1x16xf32> to vector<16xf32>
    %swap3A_742 = vector.shape_cast %broadcast_in_dim3A_736 : vector<16xf32> to vector<1x16xf32>
    tpu.vector_store %arg11[%swap3A_738, %swap3A_739], %swap3A_742 {strides = array<i32>} : memref<32x128xf32, #tpu.memory_space<vmem>>, vector<1x16xf32>,
    %broadcast_in_dim3A_743 = arith.constant 0.000000e+00 : f32
    %broadcast_in_dim3A_744 = vector.broadcast %broadcast_in_dim3A_743 : f32 to vector<16xf32>
    %swap3A_745 = arith.constant 11 : i32
    %swap3A_746 = arith.index_cast %swap3A_745 : i32 to index
    %swap3A_747 = arith.constant 48 : index
    %swap3A_748 = tpu.vector_load %arg11[%swap3A_746, %swap3A_747] {strides = array<i32>} : memref<32x128xf32, #tpu.memory_space<vmem>>, vector<1x16xf32>,
    %swap3A_749 = vector.shape_cast %swap3A_748 : vector<1x16xf32> to vector<16xf32>
    %swap3A_750 = vector.shape_cast %broadcast_in_dim3A_744 : vector<16xf32> to vector<1x16xf32>
    tpu.vector_store %arg11[%swap3A_746, %swap3A_747], %swap3A_750 {strides = array<i32>} : memref<32x128xf32, #tpu.memory_space<vmem>>, vector<1x16xf32>,
    %broadcast_in_dim3A_751 = arith.constant 0.000000e+00 : f32
    %broadcast_in_dim3A_752 = vector.broadcast %broadcast_in_dim3A_751 : f32 to vector<16xf32>
    %swap3A_753 = arith.constant 11 : i32
    %swap3A_754 = arith.index_cast %swap3A_753 : i32 to index
    %swap3A_755 = arith.constant 64 : index
    %swap3A_756 = tpu.vector_load %arg11[%swap3A_754, %swap3A_755] {strides = array<i32>} : memref<32x128xf32, #tpu.memory_space<vmem>>, vector<1x16xf32>,
    %swap3A_757 = vector.shape_cast %swap3A_756 : vector<1x16xf32> to vector<16xf32>
    %swap3A_758 = vector.shape_cast %broadcast_in_dim3A_752 : vector<16xf32> to vector<1x16xf32>
    tpu.vector_store %arg11[%swap3A_754, %swap3A_755], %swap3A_758 {strides = array<i32>} : memref<32x128xf32, #tpu.memory_space<vmem>>, vector<1x16xf32>,
    %broadcast_in_dim3A_759 = arith.constant 0.000000e+00 : f32
    %broadcast_in_dim3A_760 = vector.broadcast %broadcast_in_dim3A_759 : f32 to vector<16xf32>
    %swap3A_761 = arith.constant 11 : i32
    %swap3A_762 = arith.index_cast %swap3A_761 : i32 to index
    %swap3A_763 = arith.constant 80 : index
    %swap3A_764 = tpu.vector_load %arg11[%swap3A_762, %swap3A_763] {strides = array<i32>} : memref<32x128xf32, #tpu.memory_space<vmem>>, vector<1x16xf32>,
    %swap3A_765 = vector.shape_cast %swap3A_764 : vector<1x16xf32> to vector<16xf32>
    %swap3A_766 = vector.shape_cast %broadcast_in_dim3A_760 : vector<16xf32> to vector<1x16xf32>
    tpu.vector_store %arg11[%swap3A_762, %swap3A_763], %swap3A_766 {strides = array<i32>} : memref<32x128xf32, #tpu.memory_space<vmem>>, vector<1x16xf32>,
    %broadcast_in_dim3A_767 = arith.constant 0.000000e+00 : f32
    %broadcast_in_dim3A_768 = vector.broadcast %broadcast_in_dim3A_767 : f32 to vector<16xf32>
    %swap3A_769 = arith.constant 11 : i32
    %swap3A_770 = arith.index_cast %swap3A_769 : i32 to index
    %swap3A_771 = arith.constant 96 : index
    %swap3A_772 = tpu.vector_load %arg11[%swap3A_770, %swap3A_771] {strides = array<i32>} : memref<32x128xf32, #tpu.memory_space<vmem>>, vector<1x16xf32>,
    %swap3A_773 = vector.shape_cast %swap3A_772 : vector<1x16xf32> to vector<16xf32>
    %swap3A_774 = vector.shape_cast %broadcast_in_dim3A_768 : vector<16xf32> to vector<1x16xf32>
    tpu.vector_store %arg11[%swap3A_770, %swap3A_771], %swap3A_774 {strides = array<i32>} : memref<32x128xf32, #tpu.memory_space<vmem>>, vector<1x16xf32>,
    %broadcast_in_dim3A_775 = arith.constant 0.000000e+00 : f32
    %broadcast_in_dim3A_776 = vector.broadcast %broadcast_in_dim3A_775 : f32 to vector<16xf32>
    %swap3A_777 = arith.constant 11 : i32
    %swap3A_778 = arith.index_cast %swap3A_777 : i32 to index
    %swap3A_779 = arith.constant 112 : index
    %swap3A_780 = tpu.vector_load %arg11[%swap3A_778, %swap3A_779] {strides = array<i32>} : memref<32x128xf32, #tpu.memory_space<vmem>>, vector<1x16xf32>,
    %swap3A_781 = vector.shape_cast %swap3A_780 : vector<1x16xf32> to vector<16xf32>
    %swap3A_782 = vector.shape_cast %broadcast_in_dim3A_776 : vector<16xf32> to vector<1x16xf32>
    tpu.vector_store %arg11[%swap3A_778, %swap3A_779], %swap3A_782 {strides = array<i32>} : memref<32x128xf32, #tpu.memory_space<vmem>>, vector<1x16xf32>,
    %broadcast_in_dim3A_783 = arith.constant 0.000000e+00 : f32
    %broadcast_in_dim3A_784 = vector.broadcast %broadcast_in_dim3A_783 : f32 to vector<16xf32>
    %swap3A_785 = arith.constant 12 : i32
    %swap3A_786 = arith.index_cast %swap3A_785 : i32 to index
    %swap3A_787 = arith.constant 0 : index
    %swap3A_788 = tpu.vector_load %arg11[%swap3A_786, %swap3A_787] {strides = array<i32>} : memref<32x128xf32, #tpu.memory_space<vmem>>, vector<1x16xf32>,
    %swap3A_789 = vector.shape_cast %swap3A_788 : vector<1x16xf32> to vector<16xf32>
    %swap3A_790 = vector.shape_cast %broadcast_in_dim3A_784 : vector<16xf32> to vector<1x16xf32>
    tpu.vector_store %arg11[%swap3A_786, %swap3A_787], %swap3A_790 {strides = array<i32>} : memref<32x128xf32, #tpu.memory_space<vmem>>, vector<1x16xf32>,
    %broadcast_in_dim3A_791 = arith.constant 0.000000e+00 : f32
    %broadcast_in_dim3A_792 = vector.broadcast %broadcast_in_dim3A_791 : f32 to vector<16xf32>
    %swap3A_793 = arith.constant 12 : i32
    %swap3A_794 = arith.index_cast %swap3A_793 : i32 to index
    %swap3A_795 = arith.constant 16 : index
    %swap3A_796 = tpu.vector_load %arg11[%swap3A_794, %swap3A_795] {strides = array<i32>} : memref<32x128xf32, #tpu.memory_space<vmem>>, vector<1x16xf32>,
    %swap3A_797 = vector.shape_cast %swap3A_796 : vector<1x16xf32> to vector<16xf32>
    %swap3A_798 = vector.shape_cast %broadcast_in_dim3A_792 : vector<16xf32> to vector<1x16xf32>
    tpu.vector_store %arg11[%swap3A_794, %swap3A_795], %swap3A_798 {strides = array<i32>} : memref<32x128xf32, #tpu.memory_space<vmem>>, vector<1x16xf32>,
    %broadcast_in_dim3A_799 = arith.constant 0.000000e+00 : f32
    %broadcast_in_dim3A_800 = vector.broadcast %broadcast_in_dim3A_799 : f32 to vector<16xf32>
    %swap3A_801 = arith.constant 12 : i32
    %swap3A_802 = arith.index_cast %swap3A_801 : i32 to index
    %swap3A_803 = arith.constant 32 : index
    %swap3A_804 = tpu.vector_load %arg11[%swap3A_802, %swap3A_803] {strides = array<i32>} : memref<32x128xf32, #tpu.memory_space<vmem>>, vector<1x16xf32>,
    %swap3A_805 = vector.shape_cast %swap3A_804 : vector<1x16xf32> to vector<16xf32>
    %swap3A_806 = vector.shape_cast %broadcast_in_dim3A_800 : vector<16xf32> to vector<1x16xf32>
    tpu.vector_store %arg11[%swap3A_802, %swap3A_803], %swap3A_806 {strides = array<i32>} : memref<32x128xf32, #tpu.memory_space<vmem>>, vector<1x16xf32>,
    %broadcast_in_dim3A_807 = arith.constant 0.000000e+00 : f32
    %broadcast_in_dim3A_808 = vector.broadcast %broadcast_in_dim3A_807 : f32 to vector<16xf32>
    %swap3A_809 = arith.constant 12 : i32
    %swap3A_810 = arith.index_cast %swap3A_809 : i32 to index
    %swap3A_811 = arith.constant 48 : index
    %swap3A_812 = tpu.vector_load %arg11[%swap3A_810, %swap3A_811] {strides = array<i32>} : memref<32x128xf32, #tpu.memory_space<vmem>>, vector<1x16xf32>,
    %swap3A_813 = vector.shape_cast %swap3A_812 : vector<1x16xf32> to vector<16xf32>
    %swap3A_814 = vector.shape_cast %broadcast_in_dim3A_808 : vector<16xf32> to vector<1x16xf32>
    tpu.vector_store %arg11[%swap3A_810, %swap3A_811], %swap3A_814 {strides = array<i32>} : memref<32x128xf32, #tpu.memory_space<vmem>>, vector<1x16xf32>,
    %broadcast_in_dim3A_815 = arith.constant 0.000000e+00 : f32
    %broadcast_in_dim3A_816 = vector.broadcast %broadcast_in_dim3A_815 : f32 to vector<16xf32>
    %swap3A_817 = arith.constant 12 : i32
    %swap3A_818 = arith.index_cast %swap3A_817 : i32 to index
    %swap3A_819 = arith.constant 64 : index
    %swap3A_820 = tpu.vector_load %arg11[%swap3A_818, %swap3A_819] {strides = array<i32>} : memref<32x128xf32, #tpu.memory_space<vmem>>, vector<1x16xf32>,
    %swap3A_821 = vector.shape_cast %swap3A_820 : vector<1x16xf32> to vector<16xf32>
    %swap3A_822 = vector.shape_cast %broadcast_in_dim3A_816 : vector<16xf32> to vector<1x16xf32>
    tpu.vector_store %arg11[%swap3A_818, %swap3A_819], %swap3A_822 {strides = array<i32>} : memref<32x128xf32, #tpu.memory_space<vmem>>, vector<1x16xf32>,
    %broadcast_in_dim3A_823 = arith.constant 0.000000e+00 : f32
    %broadcast_in_dim3A_824 = vector.broadcast %broadcast_in_dim3A_823 : f32 to vector<16xf32>
    %swap3A_825 = arith.constant 12 : i32
    %swap3A_826 = arith.index_cast %swap3A_825 : i32 to index
    %swap3A_827 = arith.constant 80 : index
    %swap3A_828 = tpu.vector_load %arg11[%swap3A_826, %swap3A_827] {strides = array<i32>} : memref<32x128xf32, #tpu.memory_space<vmem>>, vector<1x16xf32>,
    %swap3A_829 = vector.shape_cast %swap3A_828 : vector<1x16xf32> to vector<16xf32>
    %swap3A_830 = vector.shape_cast %broadcast_in_dim3A_824 : vector<16xf32> to vector<1x16xf32>
    tpu.vector_store %arg11[%swap3A_826, %swap3A_827], %swap3A_830 {strides = array<i32>} : memref<32x128xf32, #tpu.memory_space<vmem>>, vector<1x16xf32>,
    %broadcast_in_dim3A_831 = arith.constant 0.000000e+00 : f32
    %broadcast_in_dim3A_832 = vector.broadcast %broadcast_in_dim3A_831 : f32 to vector<16xf32>
    %swap3A_833 = arith.constant 12 : i32
    %swap3A_834 = arith.index_cast %swap3A_833 : i32 to index
    %swap3A_835 = arith.constant 96 : index
    %swap3A_836 = tpu.vector_load %arg11[%swap3A_834, %swap3A_835] {strides = array<i32>} : memref<32x128xf32, #tpu.memory_space<vmem>>, vector<1x16xf32>,
    %swap3A_837 = vector.shape_cast %swap3A_836 : vector<1x16xf32> to vector<16xf32>
    %swap3A_838 = vector.shape_cast %broadcast_in_dim3A_832 : vector<16xf32> to vector<1x16xf32>
    tpu.vector_store %arg11[%swap3A_834, %swap3A_835], %swap3A_838 {strides = array<i32>} : memref<32x128xf32, #tpu.memory_space<vmem>>, vector<1x16xf32>,
    %broadcast_in_dim3A_839 = arith.constant 0.000000e+00 : f32
    %broadcast_in_dim3A_840 = vector.broadcast %broadcast_in_dim3A_839 : f32 to vector<16xf32>
    %swap3A_841 = arith.constant 12 : i32
    %swap3A_842 = arith.index_cast %swap3A_841 : i32 to index
    %swap3A_843 = arith.constant 112 : index
    %swap3A_844 = tpu.vector_load %arg11[%swap3A_842, %swap3A_843] {strides = array<i32>} : memref<32x128xf32, #tpu.memory_space<vmem>>, vector<1x16xf32>,
    %swap3A_845 = vector.shape_cast %swap3A_844 : vector<1x16xf32> to vector<16xf32>
    %swap3A_846 = vector.shape_cast %broadcast_in_dim3A_840 : vector<16xf32> to vector<1x16xf32>
    tpu.vector_store %arg11[%swap3A_842, %swap3A_843], %swap3A_846 {strides = array<i32>} : memref<32x128xf32, #tpu.memory_space<vmem>>, vector<1x16xf32>,
    %broadcast_in_dim3A_847 = arith.constant 0.000000e+00 : f32
    %broadcast_in_dim3A_848 = vector.broadcast %broadcast_in_dim3A_847 : f32 to vector<16xf32>
    %swap3A_849 = arith.constant 13 : i32
    %swap3A_850 = arith.index_cast %swap3A_849 : i32 to index
    %swap3A_851 = arith.constant 0 : index
    %swap3A_852 = tpu.vector_load %arg11[%swap3A_850, %swap3A_851] {strides = array<i32>} : memref<32x128xf32, #tpu.memory_space<vmem>>, vector<1x16xf32>,
    %swap3A_853 = vector.shape_cast %swap3A_852 : vector<1x16xf32> to vector<16xf32>
    %swap3A_854 = vector.shape_cast %broadcast_in_dim3A_848 : vector<16xf32> to vector<1x16xf32>
    tpu.vector_store %arg11[%swap3A_850, %swap3A_851], %swap3A_854 {strides = array<i32>} : memref<32x128xf32, #tpu.memory_space<vmem>>, vector<1x16xf32>,
    %broadcast_in_dim3A_855 = arith.constant 0.000000e+00 : f32
    %broadcast_in_dim3A_856 = vector.broadcast %broadcast_in_dim3A_855 : f32 to vector<16xf32>
    %swap3A_857 = arith.constant 13 : i32
    %swap3A_858 = arith.index_cast %swap3A_857 : i32 to index
    %swap3A_859 = arith.constant 16 : index
    %swap3A_860 = tpu.vector_load %arg11[%swap3A_858, %swap3A_859] {strides = array<i32>} : memref<32x128xf32, #tpu.memory_space<vmem>>, vector<1x16xf32>,
    %swap3A_861 = vector.shape_cast %swap3A_860 : vector<1x16xf32> to vector<16xf32>
    %swap3A_862 = vector.shape_cast %broadcast_in_dim3A_856 : vector<16xf32> to vector<1x16xf32>
    tpu.vector_store %arg11[%swap3A_858, %swap3A_859], %swap3A_862 {strides = array<i32>} : memref<32x128xf32, #tpu.memory_space<vmem>>, vector<1x16xf32>,
    %broadcast_in_dim3A_863 = arith.constant 0.000000e+00 : f32
    %broadcast_in_dim3A_864 = vector.broadcast %broadcast_in_dim3A_863 : f32 to vector<16xf32>
    %swap3A_865 = arith.constant 13 : i32
    %swap3A_866 = arith.index_cast %swap3A_865 : i32 to index
    %swap3A_867 = arith.constant 32 : index
    %swap3A_868 = tpu.vector_load %arg11[%swap3A_866, %swap3A_867] {strides = array<i32>} : memref<32x128xf32, #tpu.memory_space<vmem>>, vector<1x16xf32>,
    %swap3A_869 = vector.shape_cast %swap3A_868 : vector<1x16xf32> to vector<16xf32>
    %swap3A_870 = vector.shape_cast %broadcast_in_dim3A_864 : vector<16xf32> to vector<1x16xf32>
    tpu.vector_store %arg11[%swap3A_866, %swap3A_867], %swap3A_870 {strides = array<i32>} : memref<32x128xf32, #tpu.memory_space<vmem>>, vector<1x16xf32>,
    %broadcast_in_dim3A_871 = arith.constant 0.000000e+00 : f32
    %broadcast_in_dim3A_872 = vector.broadcast %broadcast_in_dim3A_871 : f32 to vector<16xf32>
    %swap3A_873 = arith.constant 13 : i32
    %swap3A_874 = arith.index_cast %swap3A_873 : i32 to index
    %swap3A_875 = arith.constant 48 : index
    %swap3A_876 = tpu.vector_load %arg11[%swap3A_874, %swap3A_875] {strides = array<i32>} : memref<32x128xf32, #tpu.memory_space<vmem>>, vector<1x16xf32>,
    %swap3A_877 = vector.shape_cast %swap3A_876 : vector<1x16xf32> to vector<16xf32>
    %swap3A_878 = vector.shape_cast %broadcast_in_dim3A_872 : vector<16xf32> to vector<1x16xf32>
    tpu.vector_store %arg11[%swap3A_874, %swap3A_875], %swap3A_878 {strides = array<i32>} : memref<32x128xf32, #tpu.memory_space<vmem>>, vector<1x16xf32>,
    %broadcast_in_dim3A_879 = arith.constant 0.000000e+00 : f32
    %broadcast_in_dim3A_880 = vector.broadcast %broadcast_in_dim3A_879 : f32 to vector<16xf32>
    %swap3A_881 = arith.constant 13 : i32
    %swap3A_882 = arith.index_cast %swap3A_881 : i32 to index
    %swap3A_883 = arith.constant 64 : index
    %swap3A_884 = tpu.vector_load %arg11[%swap3A_882, %swap3A_883] {strides = array<i32>} : memref<32x128xf32, #tpu.memory_space<vmem>>, vector<1x16xf32>,
    %swap3A_885 = vector.shape_cast %swap3A_884 : vector<1x16xf32> to vector<16xf32>
    %swap3A_886 = vector.shape_cast %broadcast_in_dim3A_880 : vector<16xf32> to vector<1x16xf32>
    tpu.vector_store %arg11[%swap3A_882, %swap3A_883], %swap3A_886 {strides = array<i32>} : memref<32x128xf32, #tpu.memory_space<vmem>>, vector<1x16xf32>,
    %broadcast_in_dim3A_887 = arith.constant 0.000000e+00 : f32
    %broadcast_in_dim3A_888 = vector.broadcast %broadcast_in_dim3A_887 : f32 to vector<16xf32>
    %swap3A_889 = arith.constant 13 : i32
    %swap3A_890 = arith.index_cast %swap3A_889 : i32 to index
    %swap3A_891 = arith.constant 80 : index
    %swap3A_892 = tpu.vector_load %arg11[%swap3A_890, %swap3A_891] {strides = array<i32>} : memref<32x128xf32, #tpu.memory_space<vmem>>, vector<1x16xf32>,
    %swap3A_893 = vector.shape_cast %swap3A_892 : vector<1x16xf32> to vector<16xf32>
    %swap3A_894 = vector.shape_cast %broadcast_in_dim3A_888 : vector<16xf32> to vector<1x16xf32>
    tpu.vector_store %arg11[%swap3A_890, %swap3A_891], %swap3A_894 {strides = array<i32>} : memref<32x128xf32, #tpu.memory_space<vmem>>, vector<1x16xf32>,
    %broadcast_in_dim3A_895 = arith.constant 0.000000e+00 : f32
    %broadcast_in_dim3A_896 = vector.broadcast %broadcast_in_dim3A_895 : f32 to vector<16xf32>
    %swap3A_897 = arith.constant 13 : i32
    %swap3A_898 = arith.index_cast %swap3A_897 : i32 to index
    %swap3A_899 = arith.constant 96 : index
    %swap3A_900 = tpu.vector_load %arg11[%swap3A_898, %swap3A_899] {strides = array<i32>} : memref<32x128xf32, #tpu.memory_space<vmem>>, vector<1x16xf32>,
    %swap3A_901 = vector.shape_cast %swap3A_900 : vector<1x16xf32> to vector<16xf32>
    %swap3A_902 = vector.shape_cast %broadcast_in_dim3A_896 : vector<16xf32> to vector<1x16xf32>
    tpu.vector_store %arg11[%swap3A_898, %swap3A_899], %swap3A_902 {strides = array<i32>} : memref<32x128xf32, #tpu.memory_space<vmem>>, vector<1x16xf32>,
    %broadcast_in_dim3A_903 = arith.constant 0.000000e+00 : f32
    %broadcast_in_dim3A_904 = vector.broadcast %broadcast_in_dim3A_903 : f32 to vector<16xf32>
    %swap3A_905 = arith.constant 13 : i32
    %swap3A_906 = arith.index_cast %swap3A_905 : i32 to index
    %swap3A_907 = arith.constant 112 : index
    %swap3A_908 = tpu.vector_load %arg11[%swap3A_906, %swap3A_907] {strides = array<i32>} : memref<32x128xf32, #tpu.memory_space<vmem>>, vector<1x16xf32>,
    %swap3A_909 = vector.shape_cast %swap3A_908 : vector<1x16xf32> to vector<16xf32>
    %swap3A_910 = vector.shape_cast %broadcast_in_dim3A_904 : vector<16xf32> to vector<1x16xf32>
    tpu.vector_store %arg11[%swap3A_906, %swap3A_907], %swap3A_910 {strides = array<i32>} : memref<32x128xf32, #tpu.memory_space<vmem>>, vector<1x16xf32>,
    %broadcast_in_dim3A_911 = arith.constant 0.000000e+00 : f32
    %broadcast_in_dim3A_912 = vector.broadcast %broadcast_in_dim3A_911 : f32 to vector<16xf32>
    %swap3A_913 = arith.constant 14 : i32
    %swap3A_914 = arith.index_cast %swap3A_913 : i32 to index
    %swap3A_915 = arith.constant 0 : index
    %swap3A_916 = tpu.vector_load %arg11[%swap3A_914, %swap3A_915] {strides = array<i32>} : memref<32x128xf32, #tpu.memory_space<vmem>>, vector<1x16xf32>,
    %swap3A_917 = vector.shape_cast %swap3A_916 : vector<1x16xf32> to vector<16xf32>
    %swap3A_918 = vector.shape_cast %broadcast_in_dim3A_912 : vector<16xf32> to vector<1x16xf32>
    tpu.vector_store %arg11[%swap3A_914, %swap3A_915], %swap3A_918 {strides = array<i32>} : memref<32x128xf32, #tpu.memory_space<vmem>>, vector<1x16xf32>,
    %broadcast_in_dim3A_919 = arith.constant 0.000000e+00 : f32
    %broadcast_in_dim3A_920 = vector.broadcast %broadcast_in_dim3A_919 : f32 to vector<16xf32>
    %swap3A_921 = arith.constant 14 : i32
    %swap3A_922 = arith.index_cast %swap3A_921 : i32 to index
    %swap3A_923 = arith.constant 16 : index
    %swap3A_924 = tpu.vector_load %arg11[%swap3A_922, %swap3A_923] {strides = array<i32>} : memref<32x128xf32, #tpu.memory_space<vmem>>, vector<1x16xf32>,
    %swap3A_925 = vector.shape_cast %swap3A_924 : vector<1x16xf32> to vector<16xf32>
    %swap3A_926 = vector.shape_cast %broadcast_in_dim3A_920 : vector<16xf32> to vector<1x16xf32>
    tpu.vector_store %arg11[%swap3A_922, %swap3A_923], %swap3A_926 {strides = array<i32>} : memref<32x128xf32, #tpu.memory_space<vmem>>, vector<1x16xf32>,
    %broadcast_in_dim3A_927 = arith.constant 0.000000e+00 : f32
    %broadcast_in_dim3A_928 = vector.broadcast %broadcast_in_dim3A_927 : f32 to vector<16xf32>
    %swap3A_929 = arith.constant 14 : i32
    %swap3A_930 = arith.index_cast %swap3A_929 : i32 to index
    %swap3A_931 = arith.constant 32 : index
    %swap3A_932 = tpu.vector_load %arg11[%swap3A_930, %swap3A_931] {strides = array<i32>} : memref<32x128xf32, #tpu.memory_space<vmem>>, vector<1x16xf32>,
    %swap3A_933 = vector.shape_cast %swap3A_932 : vector<1x16xf32> to vector<16xf32>
    %swap3A_934 = vector.shape_cast %broadcast_in_dim3A_928 : vector<16xf32> to vector<1x16xf32>
    tpu.vector_store %arg11[%swap3A_930, %swap3A_931], %swap3A_934 {strides = array<i32>} : memref<32x128xf32, #tpu.memory_space<vmem>>, vector<1x16xf32>,
    %broadcast_in_dim3A_935 = arith.constant 0.000000e+00 : f32
    %broadcast_in_dim3A_936 = vector.broadcast %broadcast_in_dim3A_935 : f32 to vector<16xf32>
    %swap3A_937 = arith.constant 14 : i32
    %swap3A_938 = arith.index_cast %swap3A_937 : i32 to index
    %swap3A_939 = arith.constant 48 : index
    %swap3A_940 = tpu.vector_load %arg11[%swap3A_938, %swap3A_939] {strides = array<i32>} : memref<32x128xf32, #tpu.memory_space<vmem>>, vector<1x16xf32>,
    %swap3A_941 = vector.shape_cast %swap3A_940 : vector<1x16xf32> to vector<16xf32>
    %swap3A_942 = vector.shape_cast %broadcast_in_dim3A_936 : vector<16xf32> to vector<1x16xf32>
    tpu.vector_store %arg11[%swap3A_938, %swap3A_939], %swap3A_942 {strides = array<i32>} : memref<32x128xf32, #tpu.memory_space<vmem>>, vector<1x16xf32>,
    %broadcast_in_dim3A_943 = arith.constant 0.000000e+00 : f32
    %broadcast_in_dim3A_944 = vector.broadcast %broadcast_in_dim3A_943 : f32 to vector<16xf32>
    %swap3A_945 = arith.constant 14 : i32
    %swap3A_946 = arith.index_cast %swap3A_945 : i32 to index
    %swap3A_947 = arith.constant 64 : index
    %swap3A_948 = tpu.vector_load %arg11[%swap3A_946, %swap3A_947] {strides = array<i32>} : memref<32x128xf32, #tpu.memory_space<vmem>>, vector<1x16xf32>,
    %swap3A_949 = vector.shape_cast %swap3A_948 : vector<1x16xf32> to vector<16xf32>
    %swap3A_950 = vector.shape_cast %broadcast_in_dim3A_944 : vector<16xf32> to vector<1x16xf32>
    tpu.vector_store %arg11[%swap3A_946, %swap3A_947], %swap3A_950 {strides = array<i32>} : memref<32x128xf32, #tpu.memory_space<vmem>>, vector<1x16xf32>,
    %broadcast_in_dim3A_951 = arith.constant 0.000000e+00 : f32
    %broadcast_in_dim3A_952 = vector.broadcast %broadcast_in_dim3A_951 : f32 to vector<16xf32>
    %swap3A_953 = arith.constant 14 : i32
    %swap3A_954 = arith.index_cast %swap3A_953 : i32 to index
    %swap3A_955 = arith.constant 80 : index
    %swap3A_956 = tpu.vector_load %arg11[%swap3A_954, %swap3A_955] {strides = array<i32>} : memref<32x128xf32, #tpu.memory_space<vmem>>, vector<1x16xf32>,
    %swap3A_957 = vector.shape_cast %swap3A_956 : vector<1x16xf32> to vector<16xf32>
    %swap3A_958 = vector.shape_cast %broadcast_in_dim3A_952 : vector<16xf32> to vector<1x16xf32>
    tpu.vector_store %arg11[%swap3A_954, %swap3A_955], %swap3A_958 {strides = array<i32>} : memref<32x128xf32, #tpu.memory_space<vmem>>, vector<1x16xf32>,
    %broadcast_in_dim3A_959 = arith.constant 0.000000e+00 : f32
    %broadcast_in_dim3A_960 = vector.broadcast %broadcast_in_dim3A_959 : f32 to vector<16xf32>
    %swap3A_961 = arith.constant 14 : i32
    %swap3A_962 = arith.index_cast %swap3A_961 : i32 to index
    %swap3A_963 = arith.constant 96 : index
    %swap3A_964 = tpu.vector_load %arg11[%swap3A_962, %swap3A_963] {strides = array<i32>} : memref<32x128xf32, #tpu.memory_space<vmem>>, vector<1x16xf32>,
    %swap3A_965 = vector.shape_cast %swap3A_964 : vector<1x16xf32> to vector<16xf32>
    %swap3A_966 = vector.shape_cast %broadcast_in_dim3A_960 : vector<16xf32> to vector<1x16xf32>
    tpu.vector_store %arg11[%swap3A_962, %swap3A_963], %swap3A_966 {strides = array<i32>} : memref<32x128xf32, #tpu.memory_space<vmem>>, vector<1x16xf32>,
    %broadcast_in_dim3A_967 = arith.constant 0.000000e+00 : f32
    %broadcast_in_dim3A_968 = vector.broadcast %broadcast_in_dim3A_967 : f32 to vector<16xf32>
    %swap3A_969 = arith.constant 14 : i32
    %swap3A_970 = arith.index_cast %swap3A_969 : i32 to index
    %swap3A_971 = arith.constant 112 : index
    %swap3A_972 = tpu.vector_load %arg11[%swap3A_970, %swap3A_971] {strides = array<i32>} : memref<32x128xf32, #tpu.memory_space<vmem>>, vector<1x16xf32>,
    %swap3A_973 = vector.shape_cast %swap3A_972 : vector<1x16xf32> to vector<16xf32>
    %swap3A_974 = vector.shape_cast %broadcast_in_dim3A_968 : vector<16xf32> to vector<1x16xf32>
    tpu.vector_store %arg11[%swap3A_970, %swap3A_971], %swap3A_974 {strides = array<i32>} : memref<32x128xf32, #tpu.memory_space<vmem>>, vector<1x16xf32>,
    %broadcast_in_dim3A_975 = arith.constant 0.000000e+00 : f32
    %broadcast_in_dim3A_976 = vector.broadcast %broadcast_in_dim3A_975 : f32 to vector<16xf32>
    %swap3A_977 = arith.constant 15 : i32
    %swap3A_978 = arith.index_cast %swap3A_977 : i32 to index
    %swap3A_979 = arith.constant 0 : index
    %swap3A_980 = tpu.vector_load %arg11[%swap3A_978, %swap3A_979] {strides = array<i32>} : memref<32x128xf32, #tpu.memory_space<vmem>>, vector<1x16xf32>,
    %swap3A_981 = vector.shape_cast %swap3A_980 : vector<1x16xf32> to vector<16xf32>
    %swap3A_982 = vector.shape_cast %broadcast_in_dim3A_976 : vector<16xf32> to vector<1x16xf32>
    tpu.vector_store %arg11[%swap3A_978, %swap3A_979], %swap3A_982 {strides = array<i32>} : memref<32x128xf32, #tpu.memory_space<vmem>>, vector<1x16xf32>,
    %broadcast_in_dim3A_983 = arith.constant 0.000000e+00 : f32
    %broadcast_in_dim3A_984 = vector.broadcast %broadcast_in_dim3A_983 : f32 to vector<16xf32>
    %swap3A_985 = arith.constant 15 : i32
    %swap3A_986 = arith.index_cast %swap3A_985 : i32 to index
    %swap3A_987 = arith.constant 16 : index
    %swap3A_988 = tpu.vector_load %arg11[%swap3A_986, %swap3A_987] {strides = array<i32>} : memref<32x128xf32, #tpu.memory_space<vmem>>, vector<1x16xf32>,
    %swap3A_989 = vector.shape_cast %swap3A_988 : vector<1x16xf32> to vector<16xf32>
    %swap3A_990 = vector.shape_cast %broadcast_in_dim3A_984 : vector<16xf32> to vector<1x16xf32>
    tpu.vector_store %arg11[%swap3A_986, %swap3A_987], %swap3A_990 {strides = array<i32>} : memref<32x128xf32, #tpu.memory_space<vmem>>, vector<1x16xf32>,
    %broadcast_in_dim3A_991 = arith.constant 0.000000e+00 : f32
    %broadcast_in_dim3A_992 = vector.broadcast %broadcast_in_dim3A_991 : f32 to vector<16xf32>
    %swap3A_993 = arith.constant 15 : i32
    %swap3A_994 = arith.index_cast %swap3A_993 : i32 to index
    %swap3A_995 = arith.constant 32 : index
    %swap3A_996 = tpu.vector_load %arg11[%swap3A_994, %swap3A_995] {strides = array<i32>} : memref<32x128xf32, #tpu.memory_space<vmem>>, vector<1x16xf32>,
    %swap3A_997 = vector.shape_cast %swap3A_996 : vector<1x16xf32> to vector<16xf32>
    %swap3A_998 = vector.shape_cast %broadcast_in_dim3A_992 : vector<16xf32> to vector<1x16xf32>
    tpu.vector_store %arg11[%swap3A_994, %swap3A_995], %swap3A_998 {strides = array<i32>} : memref<32x128xf32, #tpu.memory_space<vmem>>, vector<1x16xf32>,
    %broadcast_in_dim3A_999 = arith.constant 0.000000e+00 : f32
    %broadcast_in_dim3A_1000 = vector.broadcast %broadcast_in_dim3A_999 : f32 to vector<16xf32>
    %swap3A_1001 = arith.constant 15 : i32
    %swap3A_1002 = arith.index_cast %swap3A_1001 : i32 to index
    %swap3A_1003 = arith.constant 48 : index
    %swap3A_1004 = tpu.vector_load %arg11[%swap3A_1002, %swap3A_1003] {strides = array<i32>} : memref<32x128xf32, #tpu.memory_space<vmem>>, vector<1x16xf32>,
    %swap3A_1005 = vector.shape_cast %swap3A_1004 : vector<1x16xf32> to vector<16xf32>
    %swap3A_1006 = vector.shape_cast %broadcast_in_dim3A_1000 : vector<16xf32> to vector<1x16xf32>
    tpu.vector_store %arg11[%swap3A_1002, %swap3A_1003], %swap3A_1006 {strides = array<i32>} : memref<32x128xf32, #tpu.memory_space<vmem>>, vector<1x16xf32>,
    %broadcast_in_dim3A_1007 = arith.constant 0.000000e+00 : f32
    %broadcast_in_dim3A_1008 = vector.broadcast %broadcast_in_dim3A_1007 : f32 to vector<16xf32>
    %swap3A_1009 = arith.constant 15 : i32
    %swap3A_1010 = arith.index_cast %swap3A_1009 : i32 to index
    %swap3A_1011 = arith.constant 64 : index
    %swap3A_1012 = tpu.vector_load %arg11[%swap3A_1010, %swap3A_1011] {strides = array<i32>} : memref<32x128xf32, #tpu.memory_space<vmem>>, vector<1x16xf32>,
    %swap3A_1013 = vector.shape_cast %swap3A_1012 : vector<1x16xf32> to vector<16xf32>
    %swap3A_1014 = vector.shape_cast %broadcast_in_dim3A_1008 : vector<16xf32> to vector<1x16xf32>
    tpu.vector_store %arg11[%swap3A_1010, %swap3A_1011], %swap3A_1014 {strides = array<i32>} : memref<32x128xf32, #tpu.memory_space<vmem>>, vector<1x16xf32>,
    %broadcast_in_dim3A_1015 = arith.constant 0.000000e+00 : f32
    %broadcast_in_dim3A_1016 = vector.broadcast %broadcast_in_dim3A_1015 : f32 to vector<16xf32>
    %swap3A_1017 = arith.constant 15 : i32
    %swap3A_1018 = arith.index_cast %swap3A_1017 : i32 to index
    %swap3A_1019 = arith.constant 80 : index
    %swap3A_1020 = tpu.vector_load %arg11[%swap3A_1018, %swap3A_1019] {strides = array<i32>} : memref<32x128xf32, #tpu.memory_space<vmem>>, vector<1x16xf32>,
    %swap3A_1021 = vector.shape_cast %swap3A_1020 : vector<1x16xf32> to vector<16xf32>
    %swap3A_1022 = vector.shape_cast %broadcast_in_dim3A_1016 : vector<16xf32> to vector<1x16xf32>
    tpu.vector_store %arg11[%swap3A_1018, %swap3A_1019], %swap3A_1022 {strides = array<i32>} : memref<32x128xf32, #tpu.memory_space<vmem>>, vector<1x16xf32>,
    %broadcast_in_dim3A_1023 = arith.constant 0.000000e+00 : f32
    %broadcast_in_dim3A_1024 = vector.broadcast %broadcast_in_dim3A_1023 : f32 to vector<16xf32>
    %swap3A_1025 = arith.constant 15 : i32
    %swap3A_1026 = arith.index_cast %swap3A_1025 : i32 to index
    %swap3A_1027 = arith.constant 96 : index
    %swap3A_1028 = tpu.vector_load %arg11[%swap3A_1026, %swap3A_1027] {strides = array<i32>} : memref<32x128xf32, #tpu.memory_space<vmem>>, vector<1x16xf32>,
    %swap3A_1029 = vector.shape_cast %swap3A_1028 : vector<1x16xf32> to vector<16xf32>
    %swap3A_1030 = vector.shape_cast %broadcast_in_dim3A_1024 : vector<16xf32> to vector<1x16xf32>
    tpu.vector_store %arg11[%swap3A_1026, %swap3A_1027], %swap3A_1030 {strides = array<i32>} : memref<32x128xf32, #tpu.memory_space<vmem>>, vector<1x16xf32>,
    %broadcast_in_dim3A_1031 = arith.constant 0.000000e+00 : f32
    %broadcast_in_dim3A_1032 = vector.broadcast %broadcast_in_dim3A_1031 : f32 to vector<16xf32>
    %swap3A_1033 = arith.constant 15 : i32
    %swap3A_1034 = arith.index_cast %swap3A_1033 : i32 to index
    %swap3A_1035 = arith.constant 112 : index
    %swap3A_1036 = tpu.vector_load %arg11[%swap3A_1034, %swap3A_1035] {strides = array<i32>} : memref<32x128xf32, #tpu.memory_space<vmem>>, vector<1x16xf32>,
    %swap3A_1037 = vector.shape_cast %swap3A_1036 : vector<1x16xf32> to vector<16xf32>
    %swap3A_1038 = vector.shape_cast %broadcast_in_dim3A_1032 : vector<16xf32> to vector<1x16xf32>
    tpu.vector_store %arg11[%swap3A_1034, %swap3A_1035], %swap3A_1038 {strides = array<i32>} : memref<32x128xf32, #tpu.memory_space<vmem>>, vector<1x16xf32>,
    %broadcast_in_dim3A_1039 = arith.constant 0.000000e+00 : f32
    %broadcast_in_dim3A_1040 = vector.broadcast %broadcast_in_dim3A_1039 : f32 to vector<16xf32>
    %swap3A_1041 = arith.constant 16 : i32
    %swap3A_1042 = arith.index_cast %swap3A_1041 : i32 to index
    %swap3A_1043 = arith.constant 0 : index
    %swap3A_1044 = tpu.vector_load %arg11[%swap3A_1042, %swap3A_1043] {strides = array<i32>} : memref<32x128xf32, #tpu.memory_space<vmem>>, vector<1x16xf32>,
    %swap3A_1045 = vector.shape_cast %swap3A_1044 : vector<1x16xf32> to vector<16xf32>
    %swap3A_1046 = vector.shape_cast %broadcast_in_dim3A_1040 : vector<16xf32> to vector<1x16xf32>
    tpu.vector_store %arg11[%swap3A_1042, %swap3A_1043], %swap3A_1046 {strides = array<i32>} : memref<32x128xf32, #tpu.memory_space<vmem>>, vector<1x16xf32>,
    %broadcast_in_dim3A_1047 = arith.constant 0.000000e+00 : f32
    %broadcast_in_dim3A_1048 = vector.broadcast %broadcast_in_dim3A_1047 : f32 to vector<16xf32>
    %swap3A_1049 = arith.constant 16 : i32
    %swap3A_1050 = arith.index_cast %swap3A_1049 : i32 to index
    %swap3A_1051 = arith.constant 16 : index
    %swap3A_1052 = tpu.vector_load %arg11[%swap3A_1050, %swap3A_1051] {strides = array<i32>} : memref<32x128xf32, #tpu.memory_space<vmem>>, vector<1x16xf32>,
    %swap3A_1053 = vector.shape_cast %swap3A_1052 : vector<1x16xf32> to vector<16xf32>
    %swap3A_1054 = vector.shape_cast %broadcast_in_dim3A_1048 : vector<16xf32> to vector<1x16xf32>
    tpu.vector_store %arg11[%swap3A_1050, %swap3A_1051], %swap3A_1054 {strides = array<i32>} : memref<32x128xf32, #tpu.memory_space<vmem>>, vector<1x16xf32>,
    %broadcast_in_dim3A_1055 = arith.constant 0.000000e+00 : f32
    %broadcast_in_dim3A_1056 = vector.broadcast %broadcast_in_dim3A_1055 : f32 to vector<16xf32>
    %swap3A_1057 = arith.constant 16 : i32
    %swap3A_1058 = arith.index_cast %swap3A_1057 : i32 to index
    %swap3A_1059 = arith.constant 32 : index
    %swap3A_1060 = tpu.vector_load %arg11[%swap3A_1058, %swap3A_1059] {strides = array<i32>} : memref<32x128xf32, #tpu.memory_space<vmem>>, vector<1x16xf32>,
    %swap3A_1061 = vector.shape_cast %swap3A_1060 : vector<1x16xf32> to vector<16xf32>
    %swap3A_1062 = vector.shape_cast %broadcast_in_dim3A_1056 : vector<16xf32> to vector<1x16xf32>
    tpu.vector_store %arg11[%swap3A_1058, %swap3A_1059], %swap3A_1062 {strides = array<i32>} : memref<32x128xf32, #tpu.memory_space<vmem>>, vector<1x16xf32>,
    %broadcast_in_dim3A_1063 = arith.constant 0.000000e+00 : f32
    %broadcast_in_dim3A_1064 = vector.broadcast %broadcast_in_dim3A_1063 : f32 to vector<16xf32>
    %swap3A_1065 = arith.constant 16 : i32
    %swap3A_1066 = arith.index_cast %swap3A_1065 : i32 to index
    %swap3A_1067 = arith.constant 48 : index
    %swap3A_1068 = tpu.vector_load %arg11[%swap3A_1066, %swap3A_1067] {strides = array<i32>} : memref<32x128xf32, #tpu.memory_space<vmem>>, vector<1x16xf32>,
    %swap3A_1069 = vector.shape_cast %swap3A_1068 : vector<1x16xf32> to vector<16xf32>
    %swap3A_1070 = vector.shape_cast %broadcast_in_dim3A_1064 : vector<16xf32> to vector<1x16xf32>
    tpu.vector_store %arg11[%swap3A_1066, %swap3A_1067], %swap3A_1070 {strides = array<i32>} : memref<32x128xf32, #tpu.memory_space<vmem>>, vector<1x16xf32>,
    %broadcast_in_dim3A_1071 = arith.constant 0.000000e+00 : f32
    %broadcast_in_dim3A_1072 = vector.broadcast %broadcast_in_dim3A_1071 : f32 to vector<16xf32>
    %swap3A_1073 = arith.constant 16 : i32
    %swap3A_1074 = arith.index_cast %swap3A_1073 : i32 to index
    %swap3A_1075 = arith.constant 64 : index
    %swap3A_1076 = tpu.vector_load %arg11[%swap3A_1074, %swap3A_1075] {strides = array<i32>} : memref<32x128xf32, #tpu.memory_space<vmem>>, vector<1x16xf32>,
    %swap3A_1077 = vector.shape_cast %swap3A_1076 : vector<1x16xf32> to vector<16xf32>
    %swap3A_1078 = vector.shape_cast %broadcast_in_dim3A_1072 : vector<16xf32> to vector<1x16xf32>
    tpu.vector_store %arg11[%swap3A_1074, %swap3A_1075], %swap3A_1078 {strides = array<i32>} : memref<32x128xf32, #tpu.memory_space<vmem>>, vector<1x16xf32>,
    %broadcast_in_dim3A_1079 = arith.constant 0.000000e+00 : f32
    %broadcast_in_dim3A_1080 = vector.broadcast %broadcast_in_dim3A_1079 : f32 to vector<16xf32>
    %swap3A_1081 = arith.constant 16 : i32
    %swap3A_1082 = arith.index_cast %swap3A_1081 : i32 to index
    %swap3A_1083 = arith.constant 80 : index
    %swap3A_1084 = tpu.vector_load %arg11[%swap3A_1082, %swap3A_1083] {strides = array<i32>} : memref<32x128xf32, #tpu.memory_space<vmem>>, vector<1x16xf32>,
    %swap3A_1085 = vector.shape_cast %swap3A_1084 : vector<1x16xf32> to vector<16xf32>
    %swap3A_1086 = vector.shape_cast %broadcast_in_dim3A_1080 : vector<16xf32> to vector<1x16xf32>
    tpu.vector_store %arg11[%swap3A_1082, %swap3A_1083], %swap3A_1086 {strides = array<i32>} : memref<32x128xf32, #tpu.memory_space<vmem>>, vector<1x16xf32>,
    %broadcast_in_dim3A_1087 = arith.constant 0.000000e+00 : f32
    %broadcast_in_dim3A_1088 = vector.broadcast %broadcast_in_dim3A_1087 : f32 to vector<16xf32>
    %swap3A_1089 = arith.constant 16 : i32
    %swap3A_1090 = arith.index_cast %swap3A_1089 : i32 to index
    %swap3A_1091 = arith.constant 96 : index
    %swap3A_1092 = tpu.vector_load %arg11[%swap3A_1090, %swap3A_1091] {strides = array<i32>} : memref<32x128xf32, #tpu.memory_space<vmem>>, vector<1x16xf32>,
    %swap3A_1093 = vector.shape_cast %swap3A_1092 : vector<1x16xf32> to vector<16xf32>
    %swap3A_1094 = vector.shape_cast %broadcast_in_dim3A_1088 : vector<16xf32> to vector<1x16xf32>
    tpu.vector_store %arg11[%swap3A_1090, %swap3A_1091], %swap3A_1094 {strides = array<i32>} : memref<32x128xf32, #tpu.memory_space<vmem>>, vector<1x16xf32>,
    %broadcast_in_dim3A_1095 = arith.constant 0.000000e+00 : f32
    %broadcast_in_dim3A_1096 = vector.broadcast %broadcast_in_dim3A_1095 : f32 to vector<16xf32>
    %swap3A_1097 = arith.constant 16 : i32
    %swap3A_1098 = arith.index_cast %swap3A_1097 : i32 to index
    %swap3A_1099 = arith.constant 112 : index
    %swap3A_1100 = tpu.vector_load %arg11[%swap3A_1098, %swap3A_1099] {strides = array<i32>} : memref<32x128xf32, #tpu.memory_space<vmem>>, vector<1x16xf32>,
    %swap3A_1101 = vector.shape_cast %swap3A_1100 : vector<1x16xf32> to vector<16xf32>
    %swap3A_1102 = vector.shape_cast %broadcast_in_dim3A_1096 : vector<16xf32> to vector<1x16xf32>
    tpu.vector_store %arg11[%swap3A_1098, %swap3A_1099], %swap3A_1102 {strides = array<i32>} : memref<32x128xf32, #tpu.memory_space<vmem>>, vector<1x16xf32>,
    %broadcast_in_dim3A_1103 = arith.constant 0.000000e+00 : f32
    %broadcast_in_dim3A_1104 = vector.broadcast %broadcast_in_dim3A_1103 : f32 to vector<16xf32>
    %swap3A_1105 = arith.constant 17 : i32
    %swap3A_1106 = arith.index_cast %swap3A_1105 : i32 to index
    %swap3A_1107 = arith.constant 0 : index
    %swap3A_1108 = tpu.vector_load %arg11[%swap3A_1106, %swap3A_1107] {strides = array<i32>} : memref<32x128xf32, #tpu.memory_space<vmem>>, vector<1x16xf32>,
    %swap3A_1109 = vector.shape_cast %swap3A_1108 : vector<1x16xf32> to vector<16xf32>
    %swap3A_1110 = vector.shape_cast %broadcast_in_dim3A_1104 : vector<16xf32> to vector<1x16xf32>
    tpu.vector_store %arg11[%swap3A_1106, %swap3A_1107], %swap3A_1110 {strides = array<i32>} : memref<32x128xf32, #tpu.memory_space<vmem>>, vector<1x16xf32>,
    %broadcast_in_dim3A_1111 = arith.constant 0.000000e+00 : f32
    %broadcast_in_dim3A_1112 = vector.broadcast %broadcast_in_dim3A_1111 : f32 to vector<16xf32>
    %swap3A_1113 = arith.constant 17 : i32
    %swap3A_1114 = arith.index_cast %swap3A_1113 : i32 to index
    %swap3A_1115 = arith.constant 16 : index
    %swap3A_1116 = tpu.vector_load %arg11[%swap3A_1114, %swap3A_1115] {strides = array<i32>} : memref<32x128xf32, #tpu.memory_space<vmem>>, vector<1x16xf32>,
    %swap3A_1117 = vector.shape_cast %swap3A_1116 : vector<1x16xf32> to vector<16xf32>
    %swap3A_1118 = vector.shape_cast %broadcast_in_dim3A_1112 : vector<16xf32> to vector<1x16xf32>
    tpu.vector_store %arg11[%swap3A_1114, %swap3A_1115], %swap3A_1118 {strides = array<i32>} : memref<32x128xf32, #tpu.memory_space<vmem>>, vector<1x16xf32>,
    %broadcast_in_dim3A_1119 = arith.constant 0.000000e+00 : f32
    %broadcast_in_dim3A_1120 = vector.broadcast %broadcast_in_dim3A_1119 : f32 to vector<16xf32>
    %swap3A_1121 = arith.constant 17 : i32
    %swap3A_1122 = arith.index_cast %swap3A_1121 : i32 to index
    %swap3A_1123 = arith.constant 32 : index
    %swap3A_1124 = tpu.vector_load %arg11[%swap3A_1122, %swap3A_1123] {strides = array<i32>} : memref<32x128xf32, #tpu.memory_space<vmem>>, vector<1x16xf32>,
    %swap3A_1125 = vector.shape_cast %swap3A_1124 : vector<1x16xf32> to vector<16xf32>
    %swap3A_1126 = vector.shape_cast %broadcast_in_dim3A_1120 : vector<16xf32> to vector<1x16xf32>
    tpu.vector_store %arg11[%swap3A_1122, %swap3A_1123], %swap3A_1126 {strides = array<i32>} : memref<32x128xf32, #tpu.memory_space<vmem>>, vector<1x16xf32>,
    %broadcast_in_dim3A_1127 = arith.constant 0.000000e+00 : f32
    %broadcast_in_dim3A_1128 = vector.broadcast %broadcast_in_dim3A_1127 : f32 to vector<16xf32>
    %swap3A_1129 = arith.constant 17 : i32
    %swap3A_1130 = arith.index_cast %swap3A_1129 : i32 to index
    %swap3A_1131 = arith.constant 48 : index
    %swap3A_1132 = tpu.vector_load %arg11[%swap3A_1130, %swap3A_1131] {strides = array<i32>} : memref<32x128xf32, #tpu.memory_space<vmem>>, vector<1x16xf32>,
    %swap3A_1133 = vector.shape_cast %swap3A_1132 : vector<1x16xf32> to vector<16xf32>
    %swap3A_1134 = vector.shape_cast %broadcast_in_dim3A_1128 : vector<16xf32> to vector<1x16xf32>
    tpu.vector_store %arg11[%swap3A_1130, %swap3A_1131], %swap3A_1134 {strides = array<i32>} : memref<32x128xf32, #tpu.memory_space<vmem>>, vector<1x16xf32>,
    %broadcast_in_dim3A_1135 = arith.constant 0.000000e+00 : f32
    %broadcast_in_dim3A_1136 = vector.broadcast %broadcast_in_dim3A_1135 : f32 to vector<16xf32>
    %swap3A_1137 = arith.constant 17 : i32
    %swap3A_1138 = arith.index_cast %swap3A_1137 : i32 to index
    %swap3A_1139 = arith.constant 64 : index
    %swap3A_1140 = tpu.vector_load %arg11[%swap3A_1138, %swap3A_1139] {strides = array<i32>} : memref<32x128xf32, #tpu.memory_space<vmem>>, vector<1x16xf32>,
    %swap3A_1141 = vector.shape_cast %swap3A_1140 : vector<1x16xf32> to vector<16xf32>
    %swap3A_1142 = vector.shape_cast %broadcast_in_dim3A_1136 : vector<16xf32> to vector<1x16xf32>
    tpu.vector_store %arg11[%swap3A_1138, %swap3A_1139], %swap3A_1142 {strides = array<i32>} : memref<32x128xf32, #tpu.memory_space<vmem>>, vector<1x16xf32>,
    %broadcast_in_dim3A_1143 = arith.constant 0.000000e+00 : f32
    %broadcast_in_dim3A_1144 = vector.broadcast %broadcast_in_dim3A_1143 : f32 to vector<16xf32>
    %swap3A_1145 = arith.constant 17 : i32
    %swap3A_1146 = arith.index_cast %swap3A_1145 : i32 to index
    %swap3A_1147 = arith.constant 80 : index
    %swap3A_1148 = tpu.vector_load %arg11[%swap3A_1146, %swap3A_1147] {strides = array<i32>} : memref<32x128xf32, #tpu.memory_space<vmem>>, vector<1x16xf32>,
    %swap3A_1149 = vector.shape_cast %swap3A_1148 : vector<1x16xf32> to vector<16xf32>
    %swap3A_1150 = vector.shape_cast %broadcast_in_dim3A_1144 : vector<16xf32> to vector<1x16xf32>
    tpu.vector_store %arg11[%swap3A_1146, %swap3A_1147], %swap3A_1150 {strides = array<i32>} : memref<32x128xf32, #tpu.memory_space<vmem>>, vector<1x16xf32>,
    %broadcast_in_dim3A_1151 = arith.constant 0.000000e+00 : f32
    %broadcast_in_dim3A_1152 = vector.broadcast %broadcast_in_dim3A_1151 : f32 to vector<16xf32>
    %swap3A_1153 = arith.constant 17 : i32
    %swap3A_1154 = arith.index_cast %swap3A_1153 : i32 to index
    %swap3A_1155 = arith.constant 96 : index
    %swap3A_1156 = tpu.vector_load %arg11[%swap3A_1154, %swap3A_1155] {strides = array<i32>} : memref<32x128xf32, #tpu.memory_space<vmem>>, vector<1x16xf32>,
    %swap3A_1157 = vector.shape_cast %swap3A_1156 : vector<1x16xf32> to vector<16xf32>
    %swap3A_1158 = vector.shape_cast %broadcast_in_dim3A_1152 : vector<16xf32> to vector<1x16xf32>
    tpu.vector_store %arg11[%swap3A_1154, %swap3A_1155], %swap3A_1158 {strides = array<i32>} : memref<32x128xf32, #tpu.memory_space<vmem>>, vector<1x16xf32>,
    %broadcast_in_dim3A_1159 = arith.constant 0.000000e+00 : f32
    %broadcast_in_dim3A_1160 = vector.broadcast %broadcast_in_dim3A_1159 : f32 to vector<16xf32>
    %swap3A_1161 = arith.constant 17 : i32
    %swap3A_1162 = arith.index_cast %swap3A_1161 : i32 to index
    %swap3A_1163 = arith.constant 112 : index
    %swap3A_1164 = tpu.vector_load %arg11[%swap3A_1162, %swap3A_1163] {strides = array<i32>} : memref<32x128xf32, #tpu.memory_space<vmem>>, vector<1x16xf32>,
    %swap3A_1165 = vector.shape_cast %swap3A_1164 : vector<1x16xf32> to vector<16xf32>
    %swap3A_1166 = vector.shape_cast %broadcast_in_dim3A_1160 : vector<16xf32> to vector<1x16xf32>
    tpu.vector_store %arg11[%swap3A_1162, %swap3A_1163], %swap3A_1166 {strides = array<i32>} : memref<32x128xf32, #tpu.memory_space<vmem>>, vector<1x16xf32>,
    %broadcast_in_dim3A_1167 = arith.constant 0.000000e+00 : f32
    %broadcast_in_dim3A_1168 = vector.broadcast %broadcast_in_dim3A_1167 : f32 to vector<16xf32>
    %swap3A_1169 = arith.constant 18 : i32
    %swap3A_1170 = arith.index_cast %swap3A_1169 : i32 to index
    %swap3A_1171 = arith.constant 0 : index
    %swap3A_1172 = tpu.vector_load %arg11[%swap3A_1170, %swap3A_1171] {strides = array<i32>} : memref<32x128xf32, #tpu.memory_space<vmem>>, vector<1x16xf32>,
    %swap3A_1173 = vector.shape_cast %swap3A_1172 : vector<1x16xf32> to vector<16xf32>
    %swap3A_1174 = vector.shape_cast %broadcast_in_dim3A_1168 : vector<16xf32> to vector<1x16xf32>
    tpu.vector_store %arg11[%swap3A_1170, %swap3A_1171], %swap3A_1174 {strides = array<i32>} : memref<32x128xf32, #tpu.memory_space<vmem>>, vector<1x16xf32>,
    %broadcast_in_dim3A_1175 = arith.constant 0.000000e+00 : f32
    %broadcast_in_dim3A_1176 = vector.broadcast %broadcast_in_dim3A_1175 : f32 to vector<16xf32>
    %swap3A_1177 = arith.constant 18 : i32
    %swap3A_1178 = arith.index_cast %swap3A_1177 : i32 to index
    %swap3A_1179 = arith.constant 16 : index
    %swap3A_1180 = tpu.vector_load %arg11[%swap3A_1178, %swap3A_1179] {strides = array<i32>} : memref<32x128xf32, #tpu.memory_space<vmem>>, vector<1x16xf32>,
    %swap3A_1181 = vector.shape_cast %swap3A_1180 : vector<1x16xf32> to vector<16xf32>
    %swap3A_1182 = vector.shape_cast %broadcast_in_dim3A_1176 : vector<16xf32> to vector<1x16xf32>
    tpu.vector_store %arg11[%swap3A_1178, %swap3A_1179], %swap3A_1182 {strides = array<i32>} : memref<32x128xf32, #tpu.memory_space<vmem>>, vector<1x16xf32>,
    %broadcast_in_dim3A_1183 = arith.constant 0.000000e+00 : f32
    %broadcast_in_dim3A_1184 = vector.broadcast %broadcast_in_dim3A_1183 : f32 to vector<16xf32>
    %swap3A_1185 = arith.constant 18 : i32
    %swap3A_1186 = arith.index_cast %swap3A_1185 : i32 to index
    %swap3A_1187 = arith.constant 32 : index
    %swap3A_1188 = tpu.vector_load %arg11[%swap3A_1186, %swap3A_1187] {strides = array<i32>} : memref<32x128xf32, #tpu.memory_space<vmem>>, vector<1x16xf32>,
    %swap3A_1189 = vector.shape_cast %swap3A_1188 : vector<1x16xf32> to vector<16xf32>
    %swap3A_1190 = vector.shape_cast %broadcast_in_dim3A_1184 : vector<16xf32> to vector<1x16xf32>
    tpu.vector_store %arg11[%swap3A_1186, %swap3A_1187], %swap3A_1190 {strides = array<i32>} : memref<32x128xf32, #tpu.memory_space<vmem>>, vector<1x16xf32>,
    %broadcast_in_dim3A_1191 = arith.constant 0.000000e+00 : f32
    %broadcast_in_dim3A_1192 = vector.broadcast %broadcast_in_dim3A_1191 : f32 to vector<16xf32>
    %swap3A_1193 = arith.constant 18 : i32
    %swap3A_1194 = arith.index_cast %swap3A_1193 : i32 to index
    %swap3A_1195 = arith.constant 48 : index
    %swap3A_1196 = tpu.vector_load %arg11[%swap3A_1194, %swap3A_1195] {strides = array<i32>} : memref<32x128xf32, #tpu.memory_space<vmem>>, vector<1x16xf32>,
    %swap3A_1197 = vector.shape_cast %swap3A_1196 : vector<1x16xf32> to vector<16xf32>
    %swap3A_1198 = vector.shape_cast %broadcast_in_dim3A_1192 : vector<16xf32> to vector<1x16xf32>
    tpu.vector_store %arg11[%swap3A_1194, %swap3A_1195], %swap3A_1198 {strides = array<i32>} : memref<32x128xf32, #tpu.memory_space<vmem>>, vector<1x16xf32>,
    %broadcast_in_dim3A_1199 = arith.constant 0.000000e+00 : f32
    %broadcast_in_dim3A_1200 = vector.broadcast %broadcast_in_dim3A_1199 : f32 to vector<16xf32>
    %swap3A_1201 = arith.constant 18 : i32
    %swap3A_1202 = arith.index_cast %swap3A_1201 : i32 to index
    %swap3A_1203 = arith.constant 64 : index
    %swap3A_1204 = tpu.vector_load %arg11[%swap3A_1202, %swap3A_1203] {strides = array<i32>} : memref<32x128xf32, #tpu.memory_space<vmem>>, vector<1x16xf32>,
    %swap3A_1205 = vector.shape_cast %swap3A_1204 : vector<1x16xf32> to vector<16xf32>
    %swap3A_1206 = vector.shape_cast %broadcast_in_dim3A_1200 : vector<16xf32> to vector<1x16xf32>
    tpu.vector_store %arg11[%swap3A_1202, %swap3A_1203], %swap3A_1206 {strides = array<i32>} : memref<32x128xf32, #tpu.memory_space<vmem>>, vector<1x16xf32>,
    %broadcast_in_dim3A_1207 = arith.constant 0.000000e+00 : f32
    %broadcast_in_dim3A_1208 = vector.broadcast %broadcast_in_dim3A_1207 : f32 to vector<16xf32>
    %swap3A_1209 = arith.constant 18 : i32
    %swap3A_1210 = arith.index_cast %swap3A_1209 : i32 to index
    %swap3A_1211 = arith.constant 80 : index
    %swap3A_1212 = tpu.vector_load %arg11[%swap3A_1210, %swap3A_1211] {strides = array<i32>} : memref<32x128xf32, #tpu.memory_space<vmem>>, vector<1x16xf32>,
    %swap3A_1213 = vector.shape_cast %swap3A_1212 : vector<1x16xf32> to vector<16xf32>
    %swap3A_1214 = vector.shape_cast %broadcast_in_dim3A_1208 : vector<16xf32> to vector<1x16xf32>
    tpu.vector_store %arg11[%swap3A_1210, %swap3A_1211], %swap3A_1214 {strides = array<i32>} : memref<32x128xf32, #tpu.memory_space<vmem>>, vector<1x16xf32>,
    %broadcast_in_dim3A_1215 = arith.constant 0.000000e+00 : f32
    %broadcast_in_dim3A_1216 = vector.broadcast %broadcast_in_dim3A_1215 : f32 to vector<16xf32>
    %swap3A_1217 = arith.constant 18 : i32
    %swap3A_1218 = arith.index_cast %swap3A_1217 : i32 to index
    %swap3A_1219 = arith.constant 96 : index
    %swap3A_1220 = tpu.vector_load %arg11[%swap3A_1218, %swap3A_1219] {strides = array<i32>} : memref<32x128xf32, #tpu.memory_space<vmem>>, vector<1x16xf32>,
    %swap3A_1221 = vector.shape_cast %swap3A_1220 : vector<1x16xf32> to vector<16xf32>
    %swap3A_1222 = vector.shape_cast %broadcast_in_dim3A_1216 : vector<16xf32> to vector<1x16xf32>
    tpu.vector_store %arg11[%swap3A_1218, %swap3A_1219], %swap3A_1222 {strides = array<i32>} : memref<32x128xf32, #tpu.memory_space<vmem>>, vector<1x16xf32>,
    %broadcast_in_dim3A_1223 = arith.constant 0.000000e+00 : f32
    %broadcast_in_dim3A_1224 = vector.broadcast %broadcast_in_dim3A_1223 : f32 to vector<16xf32>
    %swap3A_1225 = arith.constant 18 : i32
    %swap3A_1226 = arith.index_cast %swap3A_1225 : i32 to index
    %swap3A_1227 = arith.constant 112 : index
    %swap3A_1228 = tpu.vector_load %arg11[%swap3A_1226, %swap3A_1227] {strides = array<i32>} : memref<32x128xf32, #tpu.memory_space<vmem>>, vector<1x16xf32>,
    %swap3A_1229 = vector.shape_cast %swap3A_1228 : vector<1x16xf32> to vector<16xf32>
    %swap3A_1230 = vector.shape_cast %broadcast_in_dim3A_1224 : vector<16xf32> to vector<1x16xf32>
    tpu.vector_store %arg11[%swap3A_1226, %swap3A_1227], %swap3A_1230 {strides = array<i32>} : memref<32x128xf32, #tpu.memory_space<vmem>>, vector<1x16xf32>,
    %broadcast_in_dim3A_1231 = arith.constant 0.000000e+00 : f32
    %broadcast_in_dim3A_1232 = vector.broadcast %broadcast_in_dim3A_1231 : f32 to vector<16xf32>
    %swap3A_1233 = arith.constant 19 : i32
    %swap3A_1234 = arith.index_cast %swap3A_1233 : i32 to index
    %swap3A_1235 = arith.constant 0 : index
    %swap3A_1236 = tpu.vector_load %arg11[%swap3A_1234, %swap3A_1235] {strides = array<i32>} : memref<32x128xf32, #tpu.memory_space<vmem>>, vector<1x16xf32>,
    %swap3A_1237 = vector.shape_cast %swap3A_1236 : vector<1x16xf32> to vector<16xf32>
    %swap3A_1238 = vector.shape_cast %broadcast_in_dim3A_1232 : vector<16xf32> to vector<1x16xf32>
    tpu.vector_store %arg11[%swap3A_1234, %swap3A_1235], %swap3A_1238 {strides = array<i32>} : memref<32x128xf32, #tpu.memory_space<vmem>>, vector<1x16xf32>,
    %broadcast_in_dim3A_1239 = arith.constant 0.000000e+00 : f32
    %broadcast_in_dim3A_1240 = vector.broadcast %broadcast_in_dim3A_1239 : f32 to vector<16xf32>
    %swap3A_1241 = arith.constant 19 : i32
    %swap3A_1242 = arith.index_cast %swap3A_1241 : i32 to index
    %swap3A_1243 = arith.constant 16 : index
    %swap3A_1244 = tpu.vector_load %arg11[%swap3A_1242, %swap3A_1243] {strides = array<i32>} : memref<32x128xf32, #tpu.memory_space<vmem>>, vector<1x16xf32>,
    %swap3A_1245 = vector.shape_cast %swap3A_1244 : vector<1x16xf32> to vector<16xf32>
    %swap3A_1246 = vector.shape_cast %broadcast_in_dim3A_1240 : vector<16xf32> to vector<1x16xf32>
    tpu.vector_store %arg11[%swap3A_1242, %swap3A_1243], %swap3A_1246 {strides = array<i32>} : memref<32x128xf32, #tpu.memory_space<vmem>>, vector<1x16xf32>,
    %broadcast_in_dim3A_1247 = arith.constant 0.000000e+00 : f32
    %broadcast_in_dim3A_1248 = vector.broadcast %broadcast_in_dim3A_1247 : f32 to vector<16xf32>
    %swap3A_1249 = arith.constant 19 : i32
    %swap3A_1250 = arith.index_cast %swap3A_1249 : i32 to index
    %swap3A_1251 = arith.constant 32 : index
    %swap3A_1252 = tpu.vector_load %arg11[%swap3A_1250, %swap3A_1251] {strides = array<i32>} : memref<32x128xf32, #tpu.memory_space<vmem>>, vector<1x16xf32>,
    %swap3A_1253 = vector.shape_cast %swap3A_1252 : vector<1x16xf32> to vector<16xf32>
    %swap3A_1254 = vector.shape_cast %broadcast_in_dim3A_1248 : vector<16xf32> to vector<1x16xf32>
    tpu.vector_store %arg11[%swap3A_1250, %swap3A_1251], %swap3A_1254 {strides = array<i32>} : memref<32x128xf32, #tpu.memory_space<vmem>>, vector<1x16xf32>,
    %broadcast_in_dim3A_1255 = arith.constant 0.000000e+00 : f32
    %broadcast_in_dim3A_1256 = vector.broadcast %broadcast_in_dim3A_1255 : f32 to vector<16xf32>
    %swap3A_1257 = arith.constant 19 : i32
    %swap3A_1258 = arith.index_cast %swap3A_1257 : i32 to index
    %swap3A_1259 = arith.constant 48 : index
    %swap3A_1260 = tpu.vector_load %arg11[%swap3A_1258, %swap3A_1259] {strides = array<i32>} : memref<32x128xf32, #tpu.memory_space<vmem>>, vector<1x16xf32>,
    %swap3A_1261 = vector.shape_cast %swap3A_1260 : vector<1x16xf32> to vector<16xf32>
    %swap3A_1262 = vector.shape_cast %broadcast_in_dim3A_1256 : vector<16xf32> to vector<1x16xf32>
    tpu.vector_store %arg11[%swap3A_1258, %swap3A_1259], %swap3A_1262 {strides = array<i32>} : memref<32x128xf32, #tpu.memory_space<vmem>>, vector<1x16xf32>,
    %broadcast_in_dim3A_1263 = arith.constant 0.000000e+00 : f32
    %broadcast_in_dim3A_1264 = vector.broadcast %broadcast_in_dim3A_1263 : f32 to vector<16xf32>
    %swap3A_1265 = arith.constant 19 : i32
    %swap3A_1266 = arith.index_cast %swap3A_1265 : i32 to index
    %swap3A_1267 = arith.constant 64 : index
    %swap3A_1268 = tpu.vector_load %arg11[%swap3A_1266, %swap3A_1267] {strides = array<i32>} : memref<32x128xf32, #tpu.memory_space<vmem>>, vector<1x16xf32>,
    %swap3A_1269 = vector.shape_cast %swap3A_1268 : vector<1x16xf32> to vector<16xf32>
    %swap3A_1270 = vector.shape_cast %broadcast_in_dim3A_1264 : vector<16xf32> to vector<1x16xf32>
    tpu.vector_store %arg11[%swap3A_1266, %swap3A_1267], %swap3A_1270 {strides = array<i32>} : memref<32x128xf32, #tpu.memory_space<vmem>>, vector<1x16xf32>,
    %broadcast_in_dim3A_1271 = arith.constant 0.000000e+00 : f32
    %broadcast_in_dim3A_1272 = vector.broadcast %broadcast_in_dim3A_1271 : f32 to vector<16xf32>
    %swap3A_1273 = arith.constant 19 : i32
    %swap3A_1274 = arith.index_cast %swap3A_1273 : i32 to index
    %swap3A_1275 = arith.constant 80 : index
    %swap3A_1276 = tpu.vector_load %arg11[%swap3A_1274, %swap3A_1275] {strides = array<i32>} : memref<32x128xf32, #tpu.memory_space<vmem>>, vector<1x16xf32>,
    %swap3A_1277 = vector.shape_cast %swap3A_1276 : vector<1x16xf32> to vector<16xf32>
    %swap3A_1278 = vector.shape_cast %broadcast_in_dim3A_1272 : vector<16xf32> to vector<1x16xf32>
    tpu.vector_store %arg11[%swap3A_1274, %swap3A_1275], %swap3A_1278 {strides = array<i32>} : memref<32x128xf32, #tpu.memory_space<vmem>>, vector<1x16xf32>,
    %broadcast_in_dim3A_1279 = arith.constant 0.000000e+00 : f32
    %broadcast_in_dim3A_1280 = vector.broadcast %broadcast_in_dim3A_1279 : f32 to vector<16xf32>
    %swap3A_1281 = arith.constant 19 : i32
    %swap3A_1282 = arith.index_cast %swap3A_1281 : i32 to index
    %swap3A_1283 = arith.constant 96 : index
    %swap3A_1284 = tpu.vector_load %arg11[%swap3A_1282, %swap3A_1283] {strides = array<i32>} : memref<32x128xf32, #tpu.memory_space<vmem>>, vector<1x16xf32>,
    %swap3A_1285 = vector.shape_cast %swap3A_1284 : vector<1x16xf32> to vector<16xf32>
    %swap3A_1286 = vector.shape_cast %broadcast_in_dim3A_1280 : vector<16xf32> to vector<1x16xf32>
    tpu.vector_store %arg11[%swap3A_1282, %swap3A_1283], %swap3A_1286 {strides = array<i32>} : memref<32x128xf32, #tpu.memory_space<vmem>>, vector<1x16xf32>,
    %broadcast_in_dim3A_1287 = arith.constant 0.000000e+00 : f32
    %broadcast_in_dim3A_1288 = vector.broadcast %broadcast_in_dim3A_1287 : f32 to vector<16xf32>
    %swap3A_1289 = arith.constant 19 : i32
    %swap3A_1290 = arith.index_cast %swap3A_1289 : i32 to index
    %swap3A_1291 = arith.constant 112 : index
    %swap3A_1292 = tpu.vector_load %arg11[%swap3A_1290, %swap3A_1291] {strides = array<i32>} : memref<32x128xf32, #tpu.memory_space<vmem>>, vector<1x16xf32>,
    %swap3A_1293 = vector.shape_cast %swap3A_1292 : vector<1x16xf32> to vector<16xf32>
    %swap3A_1294 = vector.shape_cast %broadcast_in_dim3A_1288 : vector<16xf32> to vector<1x16xf32>
    tpu.vector_store %arg11[%swap3A_1290, %swap3A_1291], %swap3A_1294 {strides = array<i32>} : memref<32x128xf32, #tpu.memory_space<vmem>>, vector<1x16xf32>,
    %broadcast_in_dim3A_1295 = arith.constant 0.000000e+00 : f32
    %broadcast_in_dim3A_1296 = vector.broadcast %broadcast_in_dim3A_1295 : f32 to vector<16xf32>
    %swap3A_1297 = arith.constant 20 : i32
    %swap3A_1298 = arith.index_cast %swap3A_1297 : i32 to index
    %swap3A_1299 = arith.constant 0 : index
    %swap3A_1300 = tpu.vector_load %arg11[%swap3A_1298, %swap3A_1299] {strides = array<i32>} : memref<32x128xf32, #tpu.memory_space<vmem>>, vector<1x16xf32>,
    %swap3A_1301 = vector.shape_cast %swap3A_1300 : vector<1x16xf32> to vector<16xf32>
    %swap3A_1302 = vector.shape_cast %broadcast_in_dim3A_1296 : vector<16xf32> to vector<1x16xf32>
    tpu.vector_store %arg11[%swap3A_1298, %swap3A_1299], %swap3A_1302 {strides = array<i32>} : memref<32x128xf32, #tpu.memory_space<vmem>>, vector<1x16xf32>,
    %broadcast_in_dim3A_1303 = arith.constant 0.000000e+00 : f32
    %broadcast_in_dim3A_1304 = vector.broadcast %broadcast_in_dim3A_1303 : f32 to vector<16xf32>
    %swap3A_1305 = arith.constant 20 : i32
    %swap3A_1306 = arith.index_cast %swap3A_1305 : i32 to index
    %swap3A_1307 = arith.constant 16 : index
    %swap3A_1308 = tpu.vector_load %arg11[%swap3A_1306, %swap3A_1307] {strides = array<i32>} : memref<32x128xf32, #tpu.memory_space<vmem>>, vector<1x16xf32>,
    %swap3A_1309 = vector.shape_cast %swap3A_1308 : vector<1x16xf32> to vector<16xf32>
    %swap3A_1310 = vector.shape_cast %broadcast_in_dim3A_1304 : vector<16xf32> to vector<1x16xf32>
    tpu.vector_store %arg11[%swap3A_1306, %swap3A_1307], %swap3A_1310 {strides = array<i32>} : memref<32x128xf32, #tpu.memory_space<vmem>>, vector<1x16xf32>,
    %broadcast_in_dim3A_1311 = arith.constant 0.000000e+00 : f32
    %broadcast_in_dim3A_1312 = vector.broadcast %broadcast_in_dim3A_1311 : f32 to vector<16xf32>
    %swap3A_1313 = arith.constant 20 : i32
    %swap3A_1314 = arith.index_cast %swap3A_1313 : i32 to index
    %swap3A_1315 = arith.constant 32 : index
    %swap3A_1316 = tpu.vector_load %arg11[%swap3A_1314, %swap3A_1315] {strides = array<i32>} : memref<32x128xf32, #tpu.memory_space<vmem>>, vector<1x16xf32>,
    %swap3A_1317 = vector.shape_cast %swap3A_1316 : vector<1x16xf32> to vector<16xf32>
    %swap3A_1318 = vector.shape_cast %broadcast_in_dim3A_1312 : vector<16xf32> to vector<1x16xf32>
    tpu.vector_store %arg11[%swap3A_1314, %swap3A_1315], %swap3A_1318 {strides = array<i32>} : memref<32x128xf32, #tpu.memory_space<vmem>>, vector<1x16xf32>,
    %broadcast_in_dim3A_1319 = arith.constant 0.000000e+00 : f32
    %broadcast_in_dim3A_1320 = vector.broadcast %broadcast_in_dim3A_1319 : f32 to vector<16xf32>
    %swap3A_1321 = arith.constant 20 : i32
    %swap3A_1322 = arith.index_cast %swap3A_1321 : i32 to index
    %swap3A_1323 = arith.constant 48 : index
    %swap3A_1324 = tpu.vector_load %arg11[%swap3A_1322, %swap3A_1323] {strides = array<i32>} : memref<32x128xf32, #tpu.memory_space<vmem>>, vector<1x16xf32>,
    %swap3A_1325 = vector.shape_cast %swap3A_1324 : vector<1x16xf32> to vector<16xf32>
    %swap3A_1326 = vector.shape_cast %broadcast_in_dim3A_1320 : vector<16xf32> to vector<1x16xf32>
    tpu.vector_store %arg11[%swap3A_1322, %swap3A_1323], %swap3A_1326 {strides = array<i32>} : memref<32x128xf32, #tpu.memory_space<vmem>>, vector<1x16xf32>,
    %broadcast_in_dim3A_1327 = arith.constant 0.000000e+00 : f32
    %broadcast_in_dim3A_1328 = vector.broadcast %broadcast_in_dim3A_1327 : f32 to vector<16xf32>
    %swap3A_1329 = arith.constant 20 : i32
    %swap3A_1330 = arith.index_cast %swap3A_1329 : i32 to index
    %swap3A_1331 = arith.constant 64 : index
    %swap3A_1332 = tpu.vector_load %arg11[%swap3A_1330, %swap3A_1331] {strides = array<i32>} : memref<32x128xf32, #tpu.memory_space<vmem>>, vector<1x16xf32>,
    %swap3A_1333 = vector.shape_cast %swap3A_1332 : vector<1x16xf32> to vector<16xf32>
    %swap3A_1334 = vector.shape_cast %broadcast_in_dim3A_1328 : vector<16xf32> to vector<1x16xf32>
    tpu.vector_store %arg11[%swap3A_1330, %swap3A_1331], %swap3A_1334 {strides = array<i32>} : memref<32x128xf32, #tpu.memory_space<vmem>>, vector<1x16xf32>,
    %broadcast_in_dim3A_1335 = arith.constant 0.000000e+00 : f32
    %broadcast_in_dim3A_1336 = vector.broadcast %broadcast_in_dim3A_1335 : f32 to vector<16xf32>
    %swap3A_1337 = arith.constant 20 : i32
    %swap3A_1338 = arith.index_cast %swap3A_1337 : i32 to index
    %swap3A_1339 = arith.constant 80 : index
    %swap3A_1340 = tpu.vector_load %arg11[%swap3A_1338, %swap3A_1339] {strides = array<i32>} : memref<32x128xf32, #tpu.memory_space<vmem>>, vector<1x16xf32>,
    %swap3A_1341 = vector.shape_cast %swap3A_1340 : vector<1x16xf32> to vector<16xf32>
    %swap3A_1342 = vector.shape_cast %broadcast_in_dim3A_1336 : vector<16xf32> to vector<1x16xf32>
    tpu.vector_store %arg11[%swap3A_1338, %swap3A_1339], %swap3A_1342 {strides = array<i32>} : memref<32x128xf32, #tpu.memory_space<vmem>>, vector<1x16xf32>,
    %broadcast_in_dim3A_1343 = arith.constant 0.000000e+00 : f32
    %broadcast_in_dim3A_1344 = vector.broadcast %broadcast_in_dim3A_1343 : f32 to vector<16xf32>
    %swap3A_1345 = arith.constant 20 : i32
    %swap3A_1346 = arith.index_cast %swap3A_1345 : i32 to index
    %swap3A_1347 = arith.constant 96 : index
    %swap3A_1348 = tpu.vector_load %arg11[%swap3A_1346, %swap3A_1347] {strides = array<i32>} : memref<32x128xf32, #tpu.memory_space<vmem>>, vector<1x16xf32>,
    %swap3A_1349 = vector.shape_cast %swap3A_1348 : vector<1x16xf32> to vector<16xf32>
    %swap3A_1350 = vector.shape_cast %broadcast_in_dim3A_1344 : vector<16xf32> to vector<1x16xf32>
    tpu.vector_store %arg11[%swap3A_1346, %swap3A_1347], %swap3A_1350 {strides = array<i32>} : memref<32x128xf32, #tpu.memory_space<vmem>>, vector<1x16xf32>,
    %broadcast_in_dim3A_1351 = arith.constant 0.000000e+00 : f32
    %broadcast_in_dim3A_1352 = vector.broadcast %broadcast_in_dim3A_1351 : f32 to vector<16xf32>
    %swap3A_1353 = arith.constant 20 : i32
    %swap3A_1354 = arith.index_cast %swap3A_1353 : i32 to index
    %swap3A_1355 = arith.constant 112 : index
    %swap3A_1356 = tpu.vector_load %arg11[%swap3A_1354, %swap3A_1355] {strides = array<i32>} : memref<32x128xf32, #tpu.memory_space<vmem>>, vector<1x16xf32>,
    %swap3A_1357 = vector.shape_cast %swap3A_1356 : vector<1x16xf32> to vector<16xf32>
    %swap3A_1358 = vector.shape_cast %broadcast_in_dim3A_1352 : vector<16xf32> to vector<1x16xf32>
    tpu.vector_store %arg11[%swap3A_1354, %swap3A_1355], %swap3A_1358 {strides = array<i32>} : memref<32x128xf32, #tpu.memory_space<vmem>>, vector<1x16xf32>,
    %broadcast_in_dim3A_1359 = arith.constant 0.000000e+00 : f32
    %broadcast_in_dim3A_1360 = vector.broadcast %broadcast_in_dim3A_1359 : f32 to vector<16xf32>
    %swap3A_1361 = arith.constant 21 : i32
    %swap3A_1362 = arith.index_cast %swap3A_1361 : i32 to index
    %swap3A_1363 = arith.constant 0 : index
    %swap3A_1364 = tpu.vector_load %arg11[%swap3A_1362, %swap3A_1363] {strides = array<i32>} : memref<32x128xf32, #tpu.memory_space<vmem>>, vector<1x16xf32>,
    %swap3A_1365 = vector.shape_cast %swap3A_1364 : vector<1x16xf32> to vector<16xf32>
    %swap3A_1366 = vector.shape_cast %broadcast_in_dim3A_1360 : vector<16xf32> to vector<1x16xf32>
    tpu.vector_store %arg11[%swap3A_1362, %swap3A_1363], %swap3A_1366 {strides = array<i32>} : memref<32x128xf32, #tpu.memory_space<vmem>>, vector<1x16xf32>,
    %broadcast_in_dim3A_1367 = arith.constant 0.000000e+00 : f32
    %broadcast_in_dim3A_1368 = vector.broadcast %broadcast_in_dim3A_1367 : f32 to vector<16xf32>
    %swap3A_1369 = arith.constant 21 : i32
    %swap3A_1370 = arith.index_cast %swap3A_1369 : i32 to index
    %swap3A_1371 = arith.constant 16 : index
    %swap3A_1372 = tpu.vector_load %arg11[%swap3A_1370, %swap3A_1371] {strides = array<i32>} : memref<32x128xf32, #tpu.memory_space<vmem>>, vector<1x16xf32>,
    %swap3A_1373 = vector.shape_cast %swap3A_1372 : vector<1x16xf32> to vector<16xf32>
    %swap3A_1374 = vector.shape_cast %broadcast_in_dim3A_1368 : vector<16xf32> to vector<1x16xf32>
    tpu.vector_store %arg11[%swap3A_1370, %swap3A_1371], %swap3A_1374 {strides = array<i32>} : memref<32x128xf32, #tpu.memory_space<vmem>>, vector<1x16xf32>,
    %broadcast_in_dim3A_1375 = arith.constant 0.000000e+00 : f32
    %broadcast_in_dim3A_1376 = vector.broadcast %broadcast_in_dim3A_1375 : f32 to vector<16xf32>
    %swap3A_1377 = arith.constant 21 : i32
    %swap3A_1378 = arith.index_cast %swap3A_1377 : i32 to index
    %swap3A_1379 = arith.constant 32 : index
    %swap3A_1380 = tpu.vector_load %arg11[%swap3A_1378, %swap3A_1379] {strides = array<i32>} : memref<32x128xf32, #tpu.memory_space<vmem>>, vector<1x16xf32>,
    %swap3A_1381 = vector.shape_cast %swap3A_1380 : vector<1x16xf32> to vector<16xf32>
    %swap3A_1382 = vector.shape_cast %broadcast_in_dim3A_1376 : vector<16xf32> to vector<1x16xf32>
    tpu.vector_store %arg11[%swap3A_1378, %swap3A_1379], %swap3A_1382 {strides = array<i32>} : memref<32x128xf32, #tpu.memory_space<vmem>>, vector<1x16xf32>,
    %broadcast_in_dim3A_1383 = arith.constant 0.000000e+00 : f32
    %broadcast_in_dim3A_1384 = vector.broadcast %broadcast_in_dim3A_1383 : f32 to vector<16xf32>
    %swap3A_1385 = arith.constant 21 : i32
    %swap3A_1386 = arith.index_cast %swap3A_1385 : i32 to index
    %swap3A_1387 = arith.constant 48 : index
    %swap3A_1388 = tpu.vector_load %arg11[%swap3A_1386, %swap3A_1387] {strides = array<i32>} : memref<32x128xf32, #tpu.memory_space<vmem>>, vector<1x16xf32>,
    %swap3A_1389 = vector.shape_cast %swap3A_1388 : vector<1x16xf32> to vector<16xf32>
    %swap3A_1390 = vector.shape_cast %broadcast_in_dim3A_1384 : vector<16xf32> to vector<1x16xf32>
    tpu.vector_store %arg11[%swap3A_1386, %swap3A_1387], %swap3A_1390 {strides = array<i32>} : memref<32x128xf32, #tpu.memory_space<vmem>>, vector<1x16xf32>,
    %broadcast_in_dim3A_1391 = arith.constant 0.000000e+00 : f32
    %broadcast_in_dim3A_1392 = vector.broadcast %broadcast_in_dim3A_1391 : f32 to vector<16xf32>
    %swap3A_1393 = arith.constant 21 : i32
    %swap3A_1394 = arith.index_cast %swap3A_1393 : i32 to index
    %swap3A_1395 = arith.constant 64 : index
    %swap3A_1396 = tpu.vector_load %arg11[%swap3A_1394, %swap3A_1395] {strides = array<i32>} : memref<32x128xf32, #tpu.memory_space<vmem>>, vector<1x16xf32>,
    %swap3A_1397 = vector.shape_cast %swap3A_1396 : vector<1x16xf32> to vector<16xf32>
    %swap3A_1398 = vector.shape_cast %broadcast_in_dim3A_1392 : vector<16xf32> to vector<1x16xf32>
    tpu.vector_store %arg11[%swap3A_1394, %swap3A_1395], %swap3A_1398 {strides = array<i32>} : memref<32x128xf32, #tpu.memory_space<vmem>>, vector<1x16xf32>,
    %broadcast_in_dim3A_1399 = arith.constant 0.000000e+00 : f32
    %broadcast_in_dim3A_1400 = vector.broadcast %broadcast_in_dim3A_1399 : f32 to vector<16xf32>
    %swap3A_1401 = arith.constant 21 : i32
    %swap3A_1402 = arith.index_cast %swap3A_1401 : i32 to index
    %swap3A_1403 = arith.constant 80 : index
    %swap3A_1404 = tpu.vector_load %arg11[%swap3A_1402, %swap3A_1403] {strides = array<i32>} : memref<32x128xf32, #tpu.memory_space<vmem>>, vector<1x16xf32>,
    %swap3A_1405 = vector.shape_cast %swap3A_1404 : vector<1x16xf32> to vector<16xf32>
    %swap3A_1406 = vector.shape_cast %broadcast_in_dim3A_1400 : vector<16xf32> to vector<1x16xf32>
    tpu.vector_store %arg11[%swap3A_1402, %swap3A_1403], %swap3A_1406 {strides = array<i32>} : memref<32x128xf32, #tpu.memory_space<vmem>>, vector<1x16xf32>,
    %broadcast_in_dim3A_1407 = arith.constant 0.000000e+00 : f32
    %broadcast_in_dim3A_1408 = vector.broadcast %broadcast_in_dim3A_1407 : f32 to vector<16xf32>
    %swap3A_1409 = arith.constant 21 : i32
    %swap3A_1410 = arith.index_cast %swap3A_1409 : i32 to index
    %swap3A_1411 = arith.constant 96 : index
    %swap3A_1412 = tpu.vector_load %arg11[%swap3A_1410, %swap3A_1411] {strides = array<i32>} : memref<32x128xf32, #tpu.memory_space<vmem>>, vector<1x16xf32>,
    %swap3A_1413 = vector.shape_cast %swap3A_1412 : vector<1x16xf32> to vector<16xf32>
    %swap3A_1414 = vector.shape_cast %broadcast_in_dim3A_1408 : vector<16xf32> to vector<1x16xf32>
    tpu.vector_store %arg11[%swap3A_1410, %swap3A_1411], %swap3A_1414 {strides = array<i32>} : memref<32x128xf32, #tpu.memory_space<vmem>>, vector<1x16xf32>,
    %broadcast_in_dim3A_1415 = arith.constant 0.000000e+00 : f32
    %broadcast_in_dim3A_1416 = vector.broadcast %broadcast_in_dim3A_1415 : f32 to vector<16xf32>
    %swap3A_1417 = arith.constant 21 : i32
    %swap3A_1418 = arith.index_cast %swap3A_1417 : i32 to index
    %swap3A_1419 = arith.constant 112 : index
    %swap3A_1420 = tpu.vector_load %arg11[%swap3A_1418, %swap3A_1419] {strides = array<i32>} : memref<32x128xf32, #tpu.memory_space<vmem>>, vector<1x16xf32>,
    %swap3A_1421 = vector.shape_cast %swap3A_1420 : vector<1x16xf32> to vector<16xf32>
    %swap3A_1422 = vector.shape_cast %broadcast_in_dim3A_1416 : vector<16xf32> to vector<1x16xf32>
    tpu.vector_store %arg11[%swap3A_1418, %swap3A_1419], %swap3A_1422 {strides = array<i32>} : memref<32x128xf32, #tpu.memory_space<vmem>>, vector<1x16xf32>,
    %broadcast_in_dim3A_1423 = arith.constant 0.000000e+00 : f32
    %broadcast_in_dim3A_1424 = vector.broadcast %broadcast_in_dim3A_1423 : f32 to vector<16xf32>
    %swap3A_1425 = arith.constant 22 : i32
    %swap3A_1426 = arith.index_cast %swap3A_1425 : i32 to index
    %swap3A_1427 = arith.constant 0 : index
    %swap3A_1428 = tpu.vector_load %arg11[%swap3A_1426, %swap3A_1427] {strides = array<i32>} : memref<32x128xf32, #tpu.memory_space<vmem>>, vector<1x16xf32>,
    %swap3A_1429 = vector.shape_cast %swap3A_1428 : vector<1x16xf32> to vector<16xf32>
    %swap3A_1430 = vector.shape_cast %broadcast_in_dim3A_1424 : vector<16xf32> to vector<1x16xf32>
    tpu.vector_store %arg11[%swap3A_1426, %swap3A_1427], %swap3A_1430 {strides = array<i32>} : memref<32x128xf32, #tpu.memory_space<vmem>>, vector<1x16xf32>,
    %broadcast_in_dim3A_1431 = arith.constant 0.000000e+00 : f32
    %broadcast_in_dim3A_1432 = vector.broadcast %broadcast_in_dim3A_1431 : f32 to vector<16xf32>
    %swap3A_1433 = arith.constant 22 : i32
    %swap3A_1434 = arith.index_cast %swap3A_1433 : i32 to index
    %swap3A_1435 = arith.constant 16 : index
    %swap3A_1436 = tpu.vector_load %arg11[%swap3A_1434, %swap3A_1435] {strides = array<i32>} : memref<32x128xf32, #tpu.memory_space<vmem>>, vector<1x16xf32>,
    %swap3A_1437 = vector.shape_cast %swap3A_1436 : vector<1x16xf32> to vector<16xf32>
    %swap3A_1438 = vector.shape_cast %broadcast_in_dim3A_1432 : vector<16xf32> to vector<1x16xf32>
    tpu.vector_store %arg11[%swap3A_1434, %swap3A_1435], %swap3A_1438 {strides = array<i32>} : memref<32x128xf32, #tpu.memory_space<vmem>>, vector<1x16xf32>,
    %broadcast_in_dim3A_1439 = arith.constant 0.000000e+00 : f32
    %broadcast_in_dim3A_1440 = vector.broadcast %broadcast_in_dim3A_1439 : f32 to vector<16xf32>
    %swap3A_1441 = arith.constant 22 : i32
    %swap3A_1442 = arith.index_cast %swap3A_1441 : i32 to index
    %swap3A_1443 = arith.constant 32 : index
    %swap3A_1444 = tpu.vector_load %arg11[%swap3A_1442, %swap3A_1443] {strides = array<i32>} : memref<32x128xf32, #tpu.memory_space<vmem>>, vector<1x16xf32>,
    %swap3A_1445 = vector.shape_cast %swap3A_1444 : vector<1x16xf32> to vector<16xf32>
    %swap3A_1446 = vector.shape_cast %broadcast_in_dim3A_1440 : vector<16xf32> to vector<1x16xf32>
    tpu.vector_store %arg11[%swap3A_1442, %swap3A_1443], %swap3A_1446 {strides = array<i32>} : memref<32x128xf32, #tpu.memory_space<vmem>>, vector<1x16xf32>,
    %broadcast_in_dim3A_1447 = arith.constant 0.000000e+00 : f32
    %broadcast_in_dim3A_1448 = vector.broadcast %broadcast_in_dim3A_1447 : f32 to vector<16xf32>
    %swap3A_1449 = arith.constant 22 : i32
    %swap3A_1450 = arith.index_cast %swap3A_1449 : i32 to index
    %swap3A_1451 = arith.constant 48 : index
    %swap3A_1452 = tpu.vector_load %arg11[%swap3A_1450, %swap3A_1451] {strides = array<i32>} : memref<32x128xf32, #tpu.memory_space<vmem>>, vector<1x16xf32>,
    %swap3A_1453 = vector.shape_cast %swap3A_1452 : vector<1x16xf32> to vector<16xf32>
    %swap3A_1454 = vector.shape_cast %broadcast_in_dim3A_1448 : vector<16xf32> to vector<1x16xf32>
    tpu.vector_store %arg11[%swap3A_1450, %swap3A_1451], %swap3A_1454 {strides = array<i32>} : memref<32x128xf32, #tpu.memory_space<vmem>>, vector<1x16xf32>,
    %broadcast_in_dim3A_1455 = arith.constant 0.000000e+00 : f32
    %broadcast_in_dim3A_1456 = vector.broadcast %broadcast_in_dim3A_1455 : f32 to vector<16xf32>
    %swap3A_1457 = arith.constant 22 : i32
    %swap3A_1458 = arith.index_cast %swap3A_1457 : i32 to index
    %swap3A_1459 = arith.constant 64 : index
    %swap3A_1460 = tpu.vector_load %arg11[%swap3A_1458, %swap3A_1459] {strides = array<i32>} : memref<32x128xf32, #tpu.memory_space<vmem>>, vector<1x16xf32>,
    %swap3A_1461 = vector.shape_cast %swap3A_1460 : vector<1x16xf32> to vector<16xf32>
    %swap3A_1462 = vector.shape_cast %broadcast_in_dim3A_1456 : vector<16xf32> to vector<1x16xf32>
    tpu.vector_store %arg11[%swap3A_1458, %swap3A_1459], %swap3A_1462 {strides = array<i32>} : memref<32x128xf32, #tpu.memory_space<vmem>>, vector<1x16xf32>,
    %broadcast_in_dim3A_1463 = arith.constant 0.000000e+00 : f32
    %broadcast_in_dim3A_1464 = vector.broadcast %broadcast_in_dim3A_1463 : f32 to vector<16xf32>
    %swap3A_1465 = arith.constant 22 : i32
    %swap3A_1466 = arith.index_cast %swap3A_1465 : i32 to index
    %swap3A_1467 = arith.constant 80 : index
    %swap3A_1468 = tpu.vector_load %arg11[%swap3A_1466, %swap3A_1467] {strides = array<i32>} : memref<32x128xf32, #tpu.memory_space<vmem>>, vector<1x16xf32>,
    %swap3A_1469 = vector.shape_cast %swap3A_1468 : vector<1x16xf32> to vector<16xf32>
    %swap3A_1470 = vector.shape_cast %broadcast_in_dim3A_1464 : vector<16xf32> to vector<1x16xf32>
    tpu.vector_store %arg11[%swap3A_1466, %swap3A_1467], %swap3A_1470 {strides = array<i32>} : memref<32x128xf32, #tpu.memory_space<vmem>>, vector<1x16xf32>,
    %broadcast_in_dim3A_1471 = arith.constant 0.000000e+00 : f32
    %broadcast_in_dim3A_1472 = vector.broadcast %broadcast_in_dim3A_1471 : f32 to vector<16xf32>
    %swap3A_1473 = arith.constant 22 : i32
    %swap3A_1474 = arith.index_cast %swap3A_1473 : i32 to index
    %swap3A_1475 = arith.constant 96 : index
    %swap3A_1476 = tpu.vector_load %arg11[%swap3A_1474, %swap3A_1475] {strides = array<i32>} : memref<32x128xf32, #tpu.memory_space<vmem>>, vector<1x16xf32>,
    %swap3A_1477 = vector.shape_cast %swap3A_1476 : vector<1x16xf32> to vector<16xf32>
    %swap3A_1478 = vector.shape_cast %broadcast_in_dim3A_1472 : vector<16xf32> to vector<1x16xf32>
    tpu.vector_store %arg11[%swap3A_1474, %swap3A_1475], %swap3A_1478 {strides = array<i32>} : memref<32x128xf32, #tpu.memory_space<vmem>>, vector<1x16xf32>,
    %broadcast_in_dim3A_1479 = arith.constant 0.000000e+00 : f32
    %broadcast_in_dim3A_1480 = vector.broadcast %broadcast_in_dim3A_1479 : f32 to vector<16xf32>
    %swap3A_1481 = arith.constant 22 : i32
    %swap3A_1482 = arith.index_cast %swap3A_1481 : i32 to index
    %swap3A_1483 = arith.constant 112 : index
    %swap3A_1484 = tpu.vector_load %arg11[%swap3A_1482, %swap3A_1483] {strides = array<i32>} : memref<32x128xf32, #tpu.memory_space<vmem>>, vector<1x16xf32>,
    %swap3A_1485 = vector.shape_cast %swap3A_1484 : vector<1x16xf32> to vector<16xf32>
    %swap3A_1486 = vector.shape_cast %broadcast_in_dim3A_1480 : vector<16xf32> to vector<1x16xf32>
    tpu.vector_store %arg11[%swap3A_1482, %swap3A_1483], %swap3A_1486 {strides = array<i32>} : memref<32x128xf32, #tpu.memory_space<vmem>>, vector<1x16xf32>,
    %broadcast_in_dim3A_1487 = arith.constant 0.000000e+00 : f32
    %broadcast_in_dim3A_1488 = vector.broadcast %broadcast_in_dim3A_1487 : f32 to vector<16xf32>
    %swap3A_1489 = arith.constant 23 : i32
    %swap3A_1490 = arith.index_cast %swap3A_1489 : i32 to index
    %swap3A_1491 = arith.constant 0 : index
    %swap3A_1492 = tpu.vector_load %arg11[%swap3A_1490, %swap3A_1491] {strides = array<i32>} : memref<32x128xf32, #tpu.memory_space<vmem>>, vector<1x16xf32>,
    %swap3A_1493 = vector.shape_cast %swap3A_1492 : vector<1x16xf32> to vector<16xf32>
    %swap3A_1494 = vector.shape_cast %broadcast_in_dim3A_1488 : vector<16xf32> to vector<1x16xf32>
    tpu.vector_store %arg11[%swap3A_1490, %swap3A_1491], %swap3A_1494 {strides = array<i32>} : memref<32x128xf32, #tpu.memory_space<vmem>>, vector<1x16xf32>,
    %broadcast_in_dim3A_1495 = arith.constant 0.000000e+00 : f32
    %broadcast_in_dim3A_1496 = vector.broadcast %broadcast_in_dim3A_1495 : f32 to vector<16xf32>
    %swap3A_1497 = arith.constant 23 : i32
    %swap3A_1498 = arith.index_cast %swap3A_1497 : i32 to index
    %swap3A_1499 = arith.constant 16 : index
    %swap3A_1500 = tpu.vector_load %arg11[%swap3A_1498, %swap3A_1499] {strides = array<i32>} : memref<32x128xf32, #tpu.memory_space<vmem>>, vector<1x16xf32>,
    %swap3A_1501 = vector.shape_cast %swap3A_1500 : vector<1x16xf32> to vector<16xf32>
    %swap3A_1502 = vector.shape_cast %broadcast_in_dim3A_1496 : vector<16xf32> to vector<1x16xf32>
    tpu.vector_store %arg11[%swap3A_1498, %swap3A_1499], %swap3A_1502 {strides = array<i32>} : memref<32x128xf32, #tpu.memory_space<vmem>>, vector<1x16xf32>,
    %broadcast_in_dim3A_1503 = arith.constant 0.000000e+00 : f32
    %broadcast_in_dim3A_1504 = vector.broadcast %broadcast_in_dim3A_1503 : f32 to vector<16xf32>
    %swap3A_1505 = arith.constant 23 : i32
    %swap3A_1506 = arith.index_cast %swap3A_1505 : i32 to index
    %swap3A_1507 = arith.constant 32 : index
    %swap3A_1508 = tpu.vector_load %arg11[%swap3A_1506, %swap3A_1507] {strides = array<i32>} : memref<32x128xf32, #tpu.memory_space<vmem>>, vector<1x16xf32>,
    %swap3A_1509 = vector.shape_cast %swap3A_1508 : vector<1x16xf32> to vector<16xf32>
    %swap3A_1510 = vector.shape_cast %broadcast_in_dim3A_1504 : vector<16xf32> to vector<1x16xf32>
    tpu.vector_store %arg11[%swap3A_1506, %swap3A_1507], %swap3A_1510 {strides = array<i32>} : memref<32x128xf32, #tpu.memory_space<vmem>>, vector<1x16xf32>,
    %broadcast_in_dim3A_1511 = arith.constant 0.000000e+00 : f32
    %broadcast_in_dim3A_1512 = vector.broadcast %broadcast_in_dim3A_1511 : f32 to vector<16xf32>
    %swap3A_1513 = arith.constant 23 : i32
    %swap3A_1514 = arith.index_cast %swap3A_1513 : i32 to index
    %swap3A_1515 = arith.constant 48 : index
    %swap3A_1516 = tpu.vector_load %arg11[%swap3A_1514, %swap3A_1515] {strides = array<i32>} : memref<32x128xf32, #tpu.memory_space<vmem>>, vector<1x16xf32>,
    %swap3A_1517 = vector.shape_cast %swap3A_1516 : vector<1x16xf32> to vector<16xf32>
    %swap3A_1518 = vector.shape_cast %broadcast_in_dim3A_1512 : vector<16xf32> to vector<1x16xf32>
    tpu.vector_store %arg11[%swap3A_1514, %swap3A_1515], %swap3A_1518 {strides = array<i32>} : memref<32x128xf32, #tpu.memory_space<vmem>>, vector<1x16xf32>,
    %broadcast_in_dim3A_1519 = arith.constant 0.000000e+00 : f32
    %broadcast_in_dim3A_1520 = vector.broadcast %broadcast_in_dim3A_1519 : f32 to vector<16xf32>
    %swap3A_1521 = arith.constant 23 : i32
    %swap3A_1522 = arith.index_cast %swap3A_1521 : i32 to index
    %swap3A_1523 = arith.constant 64 : index
    %swap3A_1524 = tpu.vector_load %arg11[%swap3A_1522, %swap3A_1523] {strides = array<i32>} : memref<32x128xf32, #tpu.memory_space<vmem>>, vector<1x16xf32>,
    %swap3A_1525 = vector.shape_cast %swap3A_1524 : vector<1x16xf32> to vector<16xf32>
    %swap3A_1526 = vector.shape_cast %broadcast_in_dim3A_1520 : vector<16xf32> to vector<1x16xf32>
    tpu.vector_store %arg11[%swap3A_1522, %swap3A_1523], %swap3A_1526 {strides = array<i32>} : memref<32x128xf32, #tpu.memory_space<vmem>>, vector<1x16xf32>,
    %broadcast_in_dim3A_1527 = arith.constant 0.000000e+00 : f32
    %broadcast_in_dim3A_1528 = vector.broadcast %broadcast_in_dim3A_1527 : f32 to vector<16xf32>
    %swap3A_1529 = arith.constant 23 : i32
    %swap3A_1530 = arith.index_cast %swap3A_1529 : i32 to index
    %swap3A_1531 = arith.constant 80 : index
    %swap3A_1532 = tpu.vector_load %arg11[%swap3A_1530, %swap3A_1531] {strides = array<i32>} : memref<32x128xf32, #tpu.memory_space<vmem>>, vector<1x16xf32>,
    %swap3A_1533 = vector.shape_cast %swap3A_1532 : vector<1x16xf32> to vector<16xf32>
    %swap3A_1534 = vector.shape_cast %broadcast_in_dim3A_1528 : vector<16xf32> to vector<1x16xf32>
    tpu.vector_store %arg11[%swap3A_1530, %swap3A_1531], %swap3A_1534 {strides = array<i32>} : memref<32x128xf32, #tpu.memory_space<vmem>>, vector<1x16xf32>,
    %broadcast_in_dim3A_1535 = arith.constant 0.000000e+00 : f32
    %broadcast_in_dim3A_1536 = vector.broadcast %broadcast_in_dim3A_1535 : f32 to vector<16xf32>
    %swap3A_1537 = arith.constant 23 : i32
    %swap3A_1538 = arith.index_cast %swap3A_1537 : i32 to index
    %swap3A_1539 = arith.constant 96 : index
    %swap3A_1540 = tpu.vector_load %arg11[%swap3A_1538, %swap3A_1539] {strides = array<i32>} : memref<32x128xf32, #tpu.memory_space<vmem>>, vector<1x16xf32>,
    %swap3A_1541 = vector.shape_cast %swap3A_1540 : vector<1x16xf32> to vector<16xf32>
    %swap3A_1542 = vector.shape_cast %broadcast_in_dim3A_1536 : vector<16xf32> to vector<1x16xf32>
    tpu.vector_store %arg11[%swap3A_1538, %swap3A_1539], %swap3A_1542 {strides = array<i32>} : memref<32x128xf32, #tpu.memory_space<vmem>>, vector<1x16xf32>,
    %broadcast_in_dim3A_1543 = arith.constant 0.000000e+00 : f32
    %broadcast_in_dim3A_1544 = vector.broadcast %broadcast_in_dim3A_1543 : f32 to vector<16xf32>
    %swap3A_1545 = arith.constant 23 : i32
    %swap3A_1546 = arith.index_cast %swap3A_1545 : i32 to index
    %swap3A_1547 = arith.constant 112 : index
    %swap3A_1548 = tpu.vector_load %arg11[%swap3A_1546, %swap3A_1547] {strides = array<i32>} : memref<32x128xf32, #tpu.memory_space<vmem>>, vector<1x16xf32>,
    %swap3A_1549 = vector.shape_cast %swap3A_1548 : vector<1x16xf32> to vector<16xf32>
    %swap3A_1550 = vector.shape_cast %broadcast_in_dim3A_1544 : vector<16xf32> to vector<1x16xf32>
    tpu.vector_store %arg11[%swap3A_1546, %swap3A_1547], %swap3A_1550 {strides = array<i32>} : memref<32x128xf32, #tpu.memory_space<vmem>>, vector<1x16xf32>,
    %broadcast_in_dim3A_1551 = arith.constant 0.000000e+00 : f32
    %broadcast_in_dim3A_1552 = vector.broadcast %broadcast_in_dim3A_1551 : f32 to vector<16xf32>
    %swap3A_1553 = arith.constant 24 : i32
    %swap3A_1554 = arith.index_cast %swap3A_1553 : i32 to index
    %swap3A_1555 = arith.constant 0 : index
    %swap3A_1556 = tpu.vector_load %arg11[%swap3A_1554, %swap3A_1555] {strides = array<i32>} : memref<32x128xf32, #tpu.memory_space<vmem>>, vector<1x16xf32>,
    %swap3A_1557 = vector.shape_cast %swap3A_1556 : vector<1x16xf32> to vector<16xf32>
    %swap3A_1558 = vector.shape_cast %broadcast_in_dim3A_1552 : vector<16xf32> to vector<1x16xf32>
    tpu.vector_store %arg11[%swap3A_1554, %swap3A_1555], %swap3A_1558 {strides = array<i32>} : memref<32x128xf32, #tpu.memory_space<vmem>>, vector<1x16xf32>,
    %broadcast_in_dim3A_1559 = arith.constant 0.000000e+00 : f32
    %broadcast_in_dim3A_1560 = vector.broadcast %broadcast_in_dim3A_1559 : f32 to vector<16xf32>
    %swap3A_1561 = arith.constant 24 : i32
    %swap3A_1562 = arith.index_cast %swap3A_1561 : i32 to index
    %swap3A_1563 = arith.constant 16 : index
    %swap3A_1564 = tpu.vector_load %arg11[%swap3A_1562, %swap3A_1563] {strides = array<i32>} : memref<32x128xf32, #tpu.memory_space<vmem>>, vector<1x16xf32>,
    %swap3A_1565 = vector.shape_cast %swap3A_1564 : vector<1x16xf32> to vector<16xf32>
    %swap3A_1566 = vector.shape_cast %broadcast_in_dim3A_1560 : vector<16xf32> to vector<1x16xf32>
    tpu.vector_store %arg11[%swap3A_1562, %swap3A_1563], %swap3A_1566 {strides = array<i32>} : memref<32x128xf32, #tpu.memory_space<vmem>>, vector<1x16xf32>,
    %broadcast_in_dim3A_1567 = arith.constant 0.000000e+00 : f32
    %broadcast_in_dim3A_1568 = vector.broadcast %broadcast_in_dim3A_1567 : f32 to vector<16xf32>
    %swap3A_1569 = arith.constant 24 : i32
    %swap3A_1570 = arith.index_cast %swap3A_1569 : i32 to index
    %swap3A_1571 = arith.constant 32 : index
    %swap3A_1572 = tpu.vector_load %arg11[%swap3A_1570, %swap3A_1571] {strides = array<i32>} : memref<32x128xf32, #tpu.memory_space<vmem>>, vector<1x16xf32>,
    %swap3A_1573 = vector.shape_cast %swap3A_1572 : vector<1x16xf32> to vector<16xf32>
    %swap3A_1574 = vector.shape_cast %broadcast_in_dim3A_1568 : vector<16xf32> to vector<1x16xf32>
    tpu.vector_store %arg11[%swap3A_1570, %swap3A_1571], %swap3A_1574 {strides = array<i32>} : memref<32x128xf32, #tpu.memory_space<vmem>>, vector<1x16xf32>,
    %broadcast_in_dim3A_1575 = arith.constant 0.000000e+00 : f32
    %broadcast_in_dim3A_1576 = vector.broadcast %broadcast_in_dim3A_1575 : f32 to vector<16xf32>
    %swap3A_1577 = arith.constant 24 : i32
    %swap3A_1578 = arith.index_cast %swap3A_1577 : i32 to index
    %swap3A_1579 = arith.constant 48 : index
    %swap3A_1580 = tpu.vector_load %arg11[%swap3A_1578, %swap3A_1579] {strides = array<i32>} : memref<32x128xf32, #tpu.memory_space<vmem>>, vector<1x16xf32>,
    %swap3A_1581 = vector.shape_cast %swap3A_1580 : vector<1x16xf32> to vector<16xf32>
    %swap3A_1582 = vector.shape_cast %broadcast_in_dim3A_1576 : vector<16xf32> to vector<1x16xf32>
    tpu.vector_store %arg11[%swap3A_1578, %swap3A_1579], %swap3A_1582 {strides = array<i32>} : memref<32x128xf32, #tpu.memory_space<vmem>>, vector<1x16xf32>,
    %broadcast_in_dim3A_1583 = arith.constant 0.000000e+00 : f32
    %broadcast_in_dim3A_1584 = vector.broadcast %broadcast_in_dim3A_1583 : f32 to vector<16xf32>
    %swap3A_1585 = arith.constant 24 : i32
    %swap3A_1586 = arith.index_cast %swap3A_1585 : i32 to index
    %swap3A_1587 = arith.constant 64 : index
    %swap3A_1588 = tpu.vector_load %arg11[%swap3A_1586, %swap3A_1587] {strides = array<i32>} : memref<32x128xf32, #tpu.memory_space<vmem>>, vector<1x16xf32>,
    %swap3A_1589 = vector.shape_cast %swap3A_1588 : vector<1x16xf32> to vector<16xf32>
    %swap3A_1590 = vector.shape_cast %broadcast_in_dim3A_1584 : vector<16xf32> to vector<1x16xf32>
    tpu.vector_store %arg11[%swap3A_1586, %swap3A_1587], %swap3A_1590 {strides = array<i32>} : memref<32x128xf32, #tpu.memory_space<vmem>>, vector<1x16xf32>,
    %broadcast_in_dim3A_1591 = arith.constant 0.000000e+00 : f32
    %broadcast_in_dim3A_1592 = vector.broadcast %broadcast_in_dim3A_1591 : f32 to vector<16xf32>
    %swap3A_1593 = arith.constant 24 : i32
    %swap3A_1594 = arith.index_cast %swap3A_1593 : i32 to index
    %swap3A_1595 = arith.constant 80 : index
    %swap3A_1596 = tpu.vector_load %arg11[%swap3A_1594, %swap3A_1595] {strides = array<i32>} : memref<32x128xf32, #tpu.memory_space<vmem>>, vector<1x16xf32>,
    %swap3A_1597 = vector.shape_cast %swap3A_1596 : vector<1x16xf32> to vector<16xf32>
    %swap3A_1598 = vector.shape_cast %broadcast_in_dim3A_1592 : vector<16xf32> to vector<1x16xf32>
    tpu.vector_store %arg11[%swap3A_1594, %swap3A_1595], %swap3A_1598 {strides = array<i32>} : memref<32x128xf32, #tpu.memory_space<vmem>>, vector<1x16xf32>,
    %broadcast_in_dim3A_1599 = arith.constant 0.000000e+00 : f32
    %broadcast_in_dim3A_1600 = vector.broadcast %broadcast_in_dim3A_1599 : f32 to vector<16xf32>
    %swap3A_1601 = arith.constant 24 : i32
    %swap3A_1602 = arith.index_cast %swap3A_1601 : i32 to index
    %swap3A_1603 = arith.constant 96 : index
    %swap3A_1604 = tpu.vector_load %arg11[%swap3A_1602, %swap3A_1603] {strides = array<i32>} : memref<32x128xf32, #tpu.memory_space<vmem>>, vector<1x16xf32>,
    %swap3A_1605 = vector.shape_cast %swap3A_1604 : vector<1x16xf32> to vector<16xf32>
    %swap3A_1606 = vector.shape_cast %broadcast_in_dim3A_1600 : vector<16xf32> to vector<1x16xf32>
    tpu.vector_store %arg11[%swap3A_1602, %swap3A_1603], %swap3A_1606 {strides = array<i32>} : memref<32x128xf32, #tpu.memory_space<vmem>>, vector<1x16xf32>,
    %broadcast_in_dim3A_1607 = arith.constant 0.000000e+00 : f32
    %broadcast_in_dim3A_1608 = vector.broadcast %broadcast_in_dim3A_1607 : f32 to vector<16xf32>
    %swap3A_1609 = arith.constant 24 : i32
    %swap3A_1610 = arith.index_cast %swap3A_1609 : i32 to index
    %swap3A_1611 = arith.constant 112 : index
    %swap3A_1612 = tpu.vector_load %arg11[%swap3A_1610, %swap3A_1611] {strides = array<i32>} : memref<32x128xf32, #tpu.memory_space<vmem>>, vector<1x16xf32>,
    %swap3A_1613 = vector.shape_cast %swap3A_1612 : vector<1x16xf32> to vector<16xf32>
    %swap3A_1614 = vector.shape_cast %broadcast_in_dim3A_1608 : vector<16xf32> to vector<1x16xf32>
    tpu.vector_store %arg11[%swap3A_1610, %swap3A_1611], %swap3A_1614 {strides = array<i32>} : memref<32x128xf32, #tpu.memory_space<vmem>>, vector<1x16xf32>,
    %broadcast_in_dim3A_1615 = arith.constant 0.000000e+00 : f32
    %broadcast_in_dim3A_1616 = vector.broadcast %broadcast_in_dim3A_1615 : f32 to vector<16xf32>
    %swap3A_1617 = arith.constant 25 : i32
    %swap3A_1618 = arith.index_cast %swap3A_1617 : i32 to index
    %swap3A_1619 = arith.constant 0 : index
    %swap3A_1620 = tpu.vector_load %arg11[%swap3A_1618, %swap3A_1619] {strides = array<i32>} : memref<32x128xf32, #tpu.memory_space<vmem>>, vector<1x16xf32>,
    %swap3A_1621 = vector.shape_cast %swap3A_1620 : vector<1x16xf32> to vector<16xf32>
    %swap3A_1622 = vector.shape_cast %broadcast_in_dim3A_1616 : vector<16xf32> to vector<1x16xf32>
    tpu.vector_store %arg11[%swap3A_1618, %swap3A_1619], %swap3A_1622 {strides = array<i32>} : memref<32x128xf32, #tpu.memory_space<vmem>>, vector<1x16xf32>,
    %broadcast_in_dim3A_1623 = arith.constant 0.000000e+00 : f32
    %broadcast_in_dim3A_1624 = vector.broadcast %broadcast_in_dim3A_1623 : f32 to vector<16xf32>
    %swap3A_1625 = arith.constant 25 : i32
    %swap3A_1626 = arith.index_cast %swap3A_1625 : i32 to index
    %swap3A_1627 = arith.constant 16 : index
    %swap3A_1628 = tpu.vector_load %arg11[%swap3A_1626, %swap3A_1627] {strides = array<i32>} : memref<32x128xf32, #tpu.memory_space<vmem>>, vector<1x16xf32>,
    %swap3A_1629 = vector.shape_cast %swap3A_1628 : vector<1x16xf32> to vector<16xf32>
    %swap3A_1630 = vector.shape_cast %broadcast_in_dim3A_1624 : vector<16xf32> to vector<1x16xf32>
    tpu.vector_store %arg11[%swap3A_1626, %swap3A_1627], %swap3A_1630 {strides = array<i32>} : memref<32x128xf32, #tpu.memory_space<vmem>>, vector<1x16xf32>,
    %broadcast_in_dim3A_1631 = arith.constant 0.000000e+00 : f32
    %broadcast_in_dim3A_1632 = vector.broadcast %broadcast_in_dim3A_1631 : f32 to vector<16xf32>
    %swap3A_1633 = arith.constant 25 : i32
    %swap3A_1634 = arith.index_cast %swap3A_1633 : i32 to index
    %swap3A_1635 = arith.constant 32 : index
    %swap3A_1636 = tpu.vector_load %arg11[%swap3A_1634, %swap3A_1635] {strides = array<i32>} : memref<32x128xf32, #tpu.memory_space<vmem>>, vector<1x16xf32>,
    %swap3A_1637 = vector.shape_cast %swap3A_1636 : vector<1x16xf32> to vector<16xf32>
    %swap3A_1638 = vector.shape_cast %broadcast_in_dim3A_1632 : vector<16xf32> to vector<1x16xf32>
    tpu.vector_store %arg11[%swap3A_1634, %swap3A_1635], %swap3A_1638 {strides = array<i32>} : memref<32x128xf32, #tpu.memory_space<vmem>>, vector<1x16xf32>,
    %broadcast_in_dim3A_1639 = arith.constant 0.000000e+00 : f32
    %broadcast_in_dim3A_1640 = vector.broadcast %broadcast_in_dim3A_1639 : f32 to vector<16xf32>
    %swap3A_1641 = arith.constant 25 : i32
    %swap3A_1642 = arith.index_cast %swap3A_1641 : i32 to index
    %swap3A_1643 = arith.constant 48 : index
    %swap3A_1644 = tpu.vector_load %arg11[%swap3A_1642, %swap3A_1643] {strides = array<i32>} : memref<32x128xf32, #tpu.memory_space<vmem>>, vector<1x16xf32>,
    %swap3A_1645 = vector.shape_cast %swap3A_1644 : vector<1x16xf32> to vector<16xf32>
    %swap3A_1646 = vector.shape_cast %broadcast_in_dim3A_1640 : vector<16xf32> to vector<1x16xf32>
    tpu.vector_store %arg11[%swap3A_1642, %swap3A_1643], %swap3A_1646 {strides = array<i32>} : memref<32x128xf32, #tpu.memory_space<vmem>>, vector<1x16xf32>,
    %broadcast_in_dim3A_1647 = arith.constant 0.000000e+00 : f32
    %broadcast_in_dim3A_1648 = vector.broadcast %broadcast_in_dim3A_1647 : f32 to vector<16xf32>
    %swap3A_1649 = arith.constant 25 : i32
    %swap3A_1650 = arith.index_cast %swap3A_1649 : i32 to index
    %swap3A_1651 = arith.constant 64 : index
    %swap3A_1652 = tpu.vector_load %arg11[%swap3A_1650, %swap3A_1651] {strides = array<i32>} : memref<32x128xf32, #tpu.memory_space<vmem>>, vector<1x16xf32>,
    %swap3A_1653 = vector.shape_cast %swap3A_1652 : vector<1x16xf32> to vector<16xf32>
    %swap3A_1654 = vector.shape_cast %broadcast_in_dim3A_1648 : vector<16xf32> to vector<1x16xf32>
    tpu.vector_store %arg11[%swap3A_1650, %swap3A_1651], %swap3A_1654 {strides = array<i32>} : memref<32x128xf32, #tpu.memory_space<vmem>>, vector<1x16xf32>,
    %broadcast_in_dim3A_1655 = arith.constant 0.000000e+00 : f32
    %broadcast_in_dim3A_1656 = vector.broadcast %broadcast_in_dim3A_1655 : f32 to vector<16xf32>
    %swap3A_1657 = arith.constant 25 : i32
    %swap3A_1658 = arith.index_cast %swap3A_1657 : i32 to index
    %swap3A_1659 = arith.constant 80 : index
    %swap3A_1660 = tpu.vector_load %arg11[%swap3A_1658, %swap3A_1659] {strides = array<i32>} : memref<32x128xf32, #tpu.memory_space<vmem>>, vector<1x16xf32>,
    %swap3A_1661 = vector.shape_cast %swap3A_1660 : vector<1x16xf32> to vector<16xf32>
    %swap3A_1662 = vector.shape_cast %broadcast_in_dim3A_1656 : vector<16xf32> to vector<1x16xf32>
    tpu.vector_store %arg11[%swap3A_1658, %swap3A_1659], %swap3A_1662 {strides = array<i32>} : memref<32x128xf32, #tpu.memory_space<vmem>>, vector<1x16xf32>,
    %broadcast_in_dim3A_1663 = arith.constant 0.000000e+00 : f32
    %broadcast_in_dim3A_1664 = vector.broadcast %broadcast_in_dim3A_1663 : f32 to vector<16xf32>
    %swap3A_1665 = arith.constant 25 : i32
    %swap3A_1666 = arith.index_cast %swap3A_1665 : i32 to index
    %swap3A_1667 = arith.constant 96 : index
    %swap3A_1668 = tpu.vector_load %arg11[%swap3A_1666, %swap3A_1667] {strides = array<i32>} : memref<32x128xf32, #tpu.memory_space<vmem>>, vector<1x16xf32>,
    %swap3A_1669 = vector.shape_cast %swap3A_1668 : vector<1x16xf32> to vector<16xf32>
    %swap3A_1670 = vector.shape_cast %broadcast_in_dim3A_1664 : vector<16xf32> to vector<1x16xf32>
    tpu.vector_store %arg11[%swap3A_1666, %swap3A_1667], %swap3A_1670 {strides = array<i32>} : memref<32x128xf32, #tpu.memory_space<vmem>>, vector<1x16xf32>,
    %broadcast_in_dim3A_1671 = arith.constant 0.000000e+00 : f32
    %broadcast_in_dim3A_1672 = vector.broadcast %broadcast_in_dim3A_1671 : f32 to vector<16xf32>
    %swap3A_1673 = arith.constant 25 : i32
    %swap3A_1674 = arith.index_cast %swap3A_1673 : i32 to index
    %swap3A_1675 = arith.constant 112 : index
    %swap3A_1676 = tpu.vector_load %arg11[%swap3A_1674, %swap3A_1675] {strides = array<i32>} : memref<32x128xf32, #tpu.memory_space<vmem>>, vector<1x16xf32>,
    %swap3A_1677 = vector.shape_cast %swap3A_1676 : vector<1x16xf32> to vector<16xf32>
    %swap3A_1678 = vector.shape_cast %broadcast_in_dim3A_1672 : vector<16xf32> to vector<1x16xf32>
    tpu.vector_store %arg11[%swap3A_1674, %swap3A_1675], %swap3A_1678 {strides = array<i32>} : memref<32x128xf32, #tpu.memory_space<vmem>>, vector<1x16xf32>,
    %broadcast_in_dim3A_1679 = arith.constant 0.000000e+00 : f32
    %broadcast_in_dim3A_1680 = vector.broadcast %broadcast_in_dim3A_1679 : f32 to vector<16xf32>
    %swap3A_1681 = arith.constant 26 : i32
    %swap3A_1682 = arith.index_cast %swap3A_1681 : i32 to index
    %swap3A_1683 = arith.constant 0 : index
    %swap3A_1684 = tpu.vector_load %arg11[%swap3A_1682, %swap3A_1683] {strides = array<i32>} : memref<32x128xf32, #tpu.memory_space<vmem>>, vector<1x16xf32>,
    %swap3A_1685 = vector.shape_cast %swap3A_1684 : vector<1x16xf32> to vector<16xf32>
    %swap3A_1686 = vector.shape_cast %broadcast_in_dim3A_1680 : vector<16xf32> to vector<1x16xf32>
    tpu.vector_store %arg11[%swap3A_1682, %swap3A_1683], %swap3A_1686 {strides = array<i32>} : memref<32x128xf32, #tpu.memory_space<vmem>>, vector<1x16xf32>,
    %broadcast_in_dim3A_1687 = arith.constant 0.000000e+00 : f32
    %broadcast_in_dim3A_1688 = vector.broadcast %broadcast_in_dim3A_1687 : f32 to vector<16xf32>
    %swap3A_1689 = arith.constant 26 : i32
    %swap3A_1690 = arith.index_cast %swap3A_1689 : i32 to index
    %swap3A_1691 = arith.constant 16 : index
    %swap3A_1692 = tpu.vector_load %arg11[%swap3A_1690, %swap3A_1691] {strides = array<i32>} : memref<32x128xf32, #tpu.memory_space<vmem>>, vector<1x16xf32>,
    %swap3A_1693 = vector.shape_cast %swap3A_1692 : vector<1x16xf32> to vector<16xf32>
    %swap3A_1694 = vector.shape_cast %broadcast_in_dim3A_1688 : vector<16xf32> to vector<1x16xf32>
    tpu.vector_store %arg11[%swap3A_1690, %swap3A_1691], %swap3A_1694 {strides = array<i32>} : memref<32x128xf32, #tpu.memory_space<vmem>>, vector<1x16xf32>,
    %broadcast_in_dim3A_1695 = arith.constant 0.000000e+00 : f32
    %broadcast_in_dim3A_1696 = vector.broadcast %broadcast_in_dim3A_1695 : f32 to vector<16xf32>
    %swap3A_1697 = arith.constant 26 : i32
    %swap3A_1698 = arith.index_cast %swap3A_1697 : i32 to index
    %swap3A_1699 = arith.constant 32 : index
    %swap3A_1700 = tpu.vector_load %arg11[%swap3A_1698, %swap3A_1699] {strides = array<i32>} : memref<32x128xf32, #tpu.memory_space<vmem>>, vector<1x16xf32>,
    %swap3A_1701 = vector.shape_cast %swap3A_1700 : vector<1x16xf32> to vector<16xf32>
    %swap3A_1702 = vector.shape_cast %broadcast_in_dim3A_1696 : vector<16xf32> to vector<1x16xf32>
    tpu.vector_store %arg11[%swap3A_1698, %swap3A_1699], %swap3A_1702 {strides = array<i32>} : memref<32x128xf32, #tpu.memory_space<vmem>>, vector<1x16xf32>,
    %broadcast_in_dim3A_1703 = arith.constant 0.000000e+00 : f32
    %broadcast_in_dim3A_1704 = vector.broadcast %broadcast_in_dim3A_1703 : f32 to vector<16xf32>
    %swap3A_1705 = arith.constant 26 : i32
    %swap3A_1706 = arith.index_cast %swap3A_1705 : i32 to index
    %swap3A_1707 = arith.constant 48 : index
    %swap3A_1708 = tpu.vector_load %arg11[%swap3A_1706, %swap3A_1707] {strides = array<i32>} : memref<32x128xf32, #tpu.memory_space<vmem>>, vector<1x16xf32>,
    %swap3A_1709 = vector.shape_cast %swap3A_1708 : vector<1x16xf32> to vector<16xf32>
    %swap3A_1710 = vector.shape_cast %broadcast_in_dim3A_1704 : vector<16xf32> to vector<1x16xf32>
    tpu.vector_store %arg11[%swap3A_1706, %swap3A_1707], %swap3A_1710 {strides = array<i32>} : memref<32x128xf32, #tpu.memory_space<vmem>>, vector<1x16xf32>,
    %broadcast_in_dim3A_1711 = arith.constant 0.000000e+00 : f32
    %broadcast_in_dim3A_1712 = vector.broadcast %broadcast_in_dim3A_1711 : f32 to vector<16xf32>
    %swap3A_1713 = arith.constant 26 : i32
    %swap3A_1714 = arith.index_cast %swap3A_1713 : i32 to index
    %swap3A_1715 = arith.constant 64 : index
    %swap3A_1716 = tpu.vector_load %arg11[%swap3A_1714, %swap3A_1715] {strides = array<i32>} : memref<32x128xf32, #tpu.memory_space<vmem>>, vector<1x16xf32>,
    %swap3A_1717 = vector.shape_cast %swap3A_1716 : vector<1x16xf32> to vector<16xf32>
    %swap3A_1718 = vector.shape_cast %broadcast_in_dim3A_1712 : vector<16xf32> to vector<1x16xf32>
    tpu.vector_store %arg11[%swap3A_1714, %swap3A_1715], %swap3A_1718 {strides = array<i32>} : memref<32x128xf32, #tpu.memory_space<vmem>>, vector<1x16xf32>,
    %broadcast_in_dim3A_1719 = arith.constant 0.000000e+00 : f32
    %broadcast_in_dim3A_1720 = vector.broadcast %broadcast_in_dim3A_1719 : f32 to vector<16xf32>
    %swap3A_1721 = arith.constant 26 : i32
    %swap3A_1722 = arith.index_cast %swap3A_1721 : i32 to index
    %swap3A_1723 = arith.constant 80 : index
    %swap3A_1724 = tpu.vector_load %arg11[%swap3A_1722, %swap3A_1723] {strides = array<i32>} : memref<32x128xf32, #tpu.memory_space<vmem>>, vector<1x16xf32>,
    %swap3A_1725 = vector.shape_cast %swap3A_1724 : vector<1x16xf32> to vector<16xf32>
    %swap3A_1726 = vector.shape_cast %broadcast_in_dim3A_1720 : vector<16xf32> to vector<1x16xf32>
    tpu.vector_store %arg11[%swap3A_1722, %swap3A_1723], %swap3A_1726 {strides = array<i32>} : memref<32x128xf32, #tpu.memory_space<vmem>>, vector<1x16xf32>,
    %broadcast_in_dim3A_1727 = arith.constant 0.000000e+00 : f32
    %broadcast_in_dim3A_1728 = vector.broadcast %broadcast_in_dim3A_1727 : f32 to vector<16xf32>
    %swap3A_1729 = arith.constant 26 : i32
    %swap3A_1730 = arith.index_cast %swap3A_1729 : i32 to index
    %swap3A_1731 = arith.constant 96 : index
    %swap3A_1732 = tpu.vector_load %arg11[%swap3A_1730, %swap3A_1731] {strides = array<i32>} : memref<32x128xf32, #tpu.memory_space<vmem>>, vector<1x16xf32>,
    %swap3A_1733 = vector.shape_cast %swap3A_1732 : vector<1x16xf32> to vector<16xf32>
    %swap3A_1734 = vector.shape_cast %broadcast_in_dim3A_1728 : vector<16xf32> to vector<1x16xf32>
    tpu.vector_store %arg11[%swap3A_1730, %swap3A_1731], %swap3A_1734 {strides = array<i32>} : memref<32x128xf32, #tpu.memory_space<vmem>>, vector<1x16xf32>,
    %broadcast_in_dim3A_1735 = arith.constant 0.000000e+00 : f32
    %broadcast_in_dim3A_1736 = vector.broadcast %broadcast_in_dim3A_1735 : f32 to vector<16xf32>
    %swap3A_1737 = arith.constant 26 : i32
    %swap3A_1738 = arith.index_cast %swap3A_1737 : i32 to index
    %swap3A_1739 = arith.constant 112 : index
    %swap3A_1740 = tpu.vector_load %arg11[%swap3A_1738, %swap3A_1739] {strides = array<i32>} : memref<32x128xf32, #tpu.memory_space<vmem>>, vector<1x16xf32>,
    %swap3A_1741 = vector.shape_cast %swap3A_1740 : vector<1x16xf32> to vector<16xf32>
    %swap3A_1742 = vector.shape_cast %broadcast_in_dim3A_1736 : vector<16xf32> to vector<1x16xf32>
    tpu.vector_store %arg11[%swap3A_1738, %swap3A_1739], %swap3A_1742 {strides = array<i32>} : memref<32x128xf32, #tpu.memory_space<vmem>>, vector<1x16xf32>,
    %broadcast_in_dim3A_1743 = arith.constant 0.000000e+00 : f32
    %broadcast_in_dim3A_1744 = vector.broadcast %broadcast_in_dim3A_1743 : f32 to vector<16xf32>
    %swap3A_1745 = arith.constant 27 : i32
    %swap3A_1746 = arith.index_cast %swap3A_1745 : i32 to index
    %swap3A_1747 = arith.constant 0 : index
    %swap3A_1748 = tpu.vector_load %arg11[%swap3A_1746, %swap3A_1747] {strides = array<i32>} : memref<32x128xf32, #tpu.memory_space<vmem>>, vector<1x16xf32>,
    %swap3A_1749 = vector.shape_cast %swap3A_1748 : vector<1x16xf32> to vector<16xf32>
    %swap3A_1750 = vector.shape_cast %broadcast_in_dim3A_1744 : vector<16xf32> to vector<1x16xf32>
    tpu.vector_store %arg11[%swap3A_1746, %swap3A_1747], %swap3A_1750 {strides = array<i32>} : memref<32x128xf32, #tpu.memory_space<vmem>>, vector<1x16xf32>,
    %broadcast_in_dim3A_1751 = arith.constant 0.000000e+00 : f32
    %broadcast_in_dim3A_1752 = vector.broadcast %broadcast_in_dim3A_1751 : f32 to vector<16xf32>
    %swap3A_1753 = arith.constant 27 : i32
    %swap3A_1754 = arith.index_cast %swap3A_1753 : i32 to index
    %swap3A_1755 = arith.constant 16 : index
    %swap3A_1756 = tpu.vector_load %arg11[%swap3A_1754, %swap3A_1755] {strides = array<i32>} : memref<32x128xf32, #tpu.memory_space<vmem>>, vector<1x16xf32>,
    %swap3A_1757 = vector.shape_cast %swap3A_1756 : vector<1x16xf32> to vector<16xf32>
    %swap3A_1758 = vector.shape_cast %broadcast_in_dim3A_1752 : vector<16xf32> to vector<1x16xf32>
    tpu.vector_store %arg11[%swap3A_1754, %swap3A_1755], %swap3A_1758 {strides = array<i32>} : memref<32x128xf32, #tpu.memory_space<vmem>>, vector<1x16xf32>,
    %broadcast_in_dim3A_1759 = arith.constant 0.000000e+00 : f32
    %broadcast_in_dim3A_1760 = vector.broadcast %broadcast_in_dim3A_1759 : f32 to vector<16xf32>
    %swap3A_1761 = arith.constant 27 : i32
    %swap3A_1762 = arith.index_cast %swap3A_1761 : i32 to index
    %swap3A_1763 = arith.constant 32 : index
    %swap3A_1764 = tpu.vector_load %arg11[%swap3A_1762, %swap3A_1763] {strides = array<i32>} : memref<32x128xf32, #tpu.memory_space<vmem>>, vector<1x16xf32>,
    %swap3A_1765 = vector.shape_cast %swap3A_1764 : vector<1x16xf32> to vector<16xf32>
    %swap3A_1766 = vector.shape_cast %broadcast_in_dim3A_1760 : vector<16xf32> to vector<1x16xf32>
    tpu.vector_store %arg11[%swap3A_1762, %swap3A_1763], %swap3A_1766 {strides = array<i32>} : memref<32x128xf32, #tpu.memory_space<vmem>>, vector<1x16xf32>,
    %broadcast_in_dim3A_1767 = arith.constant 0.000000e+00 : f32
    %broadcast_in_dim3A_1768 = vector.broadcast %broadcast_in_dim3A_1767 : f32 to vector<16xf32>
    %swap3A_1769 = arith.constant 27 : i32
    %swap3A_1770 = arith.index_cast %swap3A_1769 : i32 to index
    %swap3A_1771 = arith.constant 48 : index
    %swap3A_1772 = tpu.vector_load %arg11[%swap3A_1770, %swap3A_1771] {strides = array<i32>} : memref<32x128xf32, #tpu.memory_space<vmem>>, vector<1x16xf32>,
    %swap3A_1773 = vector.shape_cast %swap3A_1772 : vector<1x16xf32> to vector<16xf32>
    %swap3A_1774 = vector.shape_cast %broadcast_in_dim3A_1768 : vector<16xf32> to vector<1x16xf32>
    tpu.vector_store %arg11[%swap3A_1770, %swap3A_1771], %swap3A_1774 {strides = array<i32>} : memref<32x128xf32, #tpu.memory_space<vmem>>, vector<1x16xf32>,
    %broadcast_in_dim3A_1775 = arith.constant 0.000000e+00 : f32
    %broadcast_in_dim3A_1776 = vector.broadcast %broadcast_in_dim3A_1775 : f32 to vector<16xf32>
    %swap3A_1777 = arith.constant 27 : i32
    %swap3A_1778 = arith.index_cast %swap3A_1777 : i32 to index
    %swap3A_1779 = arith.constant 64 : index
    %swap3A_1780 = tpu.vector_load %arg11[%swap3A_1778, %swap3A_1779] {strides = array<i32>} : memref<32x128xf32, #tpu.memory_space<vmem>>, vector<1x16xf32>,
    %swap3A_1781 = vector.shape_cast %swap3A_1780 : vector<1x16xf32> to vector<16xf32>
    %swap3A_1782 = vector.shape_cast %broadcast_in_dim3A_1776 : vector<16xf32> to vector<1x16xf32>
    tpu.vector_store %arg11[%swap3A_1778, %swap3A_1779], %swap3A_1782 {strides = array<i32>} : memref<32x128xf32, #tpu.memory_space<vmem>>, vector<1x16xf32>,
    %broadcast_in_dim3A_1783 = arith.constant 0.000000e+00 : f32
    %broadcast_in_dim3A_1784 = vector.broadcast %broadcast_in_dim3A_1783 : f32 to vector<16xf32>
    %swap3A_1785 = arith.constant 27 : i32
    %swap3A_1786 = arith.index_cast %swap3A_1785 : i32 to index
    %swap3A_1787 = arith.constant 80 : index
    %swap3A_1788 = tpu.vector_load %arg11[%swap3A_1786, %swap3A_1787] {strides = array<i32>} : memref<32x128xf32, #tpu.memory_space<vmem>>, vector<1x16xf32>,
    %swap3A_1789 = vector.shape_cast %swap3A_1788 : vector<1x16xf32> to vector<16xf32>
    %swap3A_1790 = vector.shape_cast %broadcast_in_dim3A_1784 : vector<16xf32> to vector<1x16xf32>
    tpu.vector_store %arg11[%swap3A_1786, %swap3A_1787], %swap3A_1790 {strides = array<i32>} : memref<32x128xf32, #tpu.memory_space<vmem>>, vector<1x16xf32>,
    %broadcast_in_dim3A_1791 = arith.constant 0.000000e+00 : f32
    %broadcast_in_dim3A_1792 = vector.broadcast %broadcast_in_dim3A_1791 : f32 to vector<16xf32>
    %swap3A_1793 = arith.constant 27 : i32
    %swap3A_1794 = arith.index_cast %swap3A_1793 : i32 to index
    %swap3A_1795 = arith.constant 96 : index
    %swap3A_1796 = tpu.vector_load %arg11[%swap3A_1794, %swap3A_1795] {strides = array<i32>} : memref<32x128xf32, #tpu.memory_space<vmem>>, vector<1x16xf32>,
    %swap3A_1797 = vector.shape_cast %swap3A_1796 : vector<1x16xf32> to vector<16xf32>
    %swap3A_1798 = vector.shape_cast %broadcast_in_dim3A_1792 : vector<16xf32> to vector<1x16xf32>
    tpu.vector_store %arg11[%swap3A_1794, %swap3A_1795], %swap3A_1798 {strides = array<i32>} : memref<32x128xf32, #tpu.memory_space<vmem>>, vector<1x16xf32>,
    %broadcast_in_dim3A_1799 = arith.constant 0.000000e+00 : f32
    %broadcast_in_dim3A_1800 = vector.broadcast %broadcast_in_dim3A_1799 : f32 to vector<16xf32>
    %swap3A_1801 = arith.constant 27 : i32
    %swap3A_1802 = arith.index_cast %swap3A_1801 : i32 to index
    %swap3A_1803 = arith.constant 112 : index
    %swap3A_1804 = tpu.vector_load %arg11[%swap3A_1802, %swap3A_1803] {strides = array<i32>} : memref<32x128xf32, #tpu.memory_space<vmem>>, vector<1x16xf32>,
    %swap3A_1805 = vector.shape_cast %swap3A_1804 : vector<1x16xf32> to vector<16xf32>
    %swap3A_1806 = vector.shape_cast %broadcast_in_dim3A_1800 : vector<16xf32> to vector<1x16xf32>
    tpu.vector_store %arg11[%swap3A_1802, %swap3A_1803], %swap3A_1806 {strides = array<i32>} : memref<32x128xf32, #tpu.memory_space<vmem>>, vector<1x16xf32>,
    %broadcast_in_dim3A_1807 = arith.constant 0.000000e+00 : f32
    %broadcast_in_dim3A_1808 = vector.broadcast %broadcast_in_dim3A_1807 : f32 to vector<16xf32>
    %swap3A_1809 = arith.constant 28 : i32
    %swap3A_1810 = arith.index_cast %swap3A_1809 : i32 to index
    %swap3A_1811 = arith.constant 0 : index
    %swap3A_1812 = tpu.vector_load %arg11[%swap3A_1810, %swap3A_1811] {strides = array<i32>} : memref<32x128xf32, #tpu.memory_space<vmem>>, vector<1x16xf32>,
    %swap3A_1813 = vector.shape_cast %swap3A_1812 : vector<1x16xf32> to vector<16xf32>
    %swap3A_1814 = vector.shape_cast %broadcast_in_dim3A_1808 : vector<16xf32> to vector<1x16xf32>
    tpu.vector_store %arg11[%swap3A_1810, %swap3A_1811], %swap3A_1814 {strides = array<i32>} : memref<32x128xf32, #tpu.memory_space<vmem>>, vector<1x16xf32>,
    %broadcast_in_dim3A_1815 = arith.constant 0.000000e+00 : f32
    %broadcast_in_dim3A_1816 = vector.broadcast %broadcast_in_dim3A_1815 : f32 to vector<16xf32>
    %swap3A_1817 = arith.constant 28 : i32
    %swap3A_1818 = arith.index_cast %swap3A_1817 : i32 to index
    %swap3A_1819 = arith.constant 16 : index
    %swap3A_1820 = tpu.vector_load %arg11[%swap3A_1818, %swap3A_1819] {strides = array<i32>} : memref<32x128xf32, #tpu.memory_space<vmem>>, vector<1x16xf32>,
    %swap3A_1821 = vector.shape_cast %swap3A_1820 : vector<1x16xf32> to vector<16xf32>
    %swap3A_1822 = vector.shape_cast %broadcast_in_dim3A_1816 : vector<16xf32> to vector<1x16xf32>
    tpu.vector_store %arg11[%swap3A_1818, %swap3A_1819], %swap3A_1822 {strides = array<i32>} : memref<32x128xf32, #tpu.memory_space<vmem>>, vector<1x16xf32>,
    %broadcast_in_dim3A_1823 = arith.constant 0.000000e+00 : f32
    %broadcast_in_dim3A_1824 = vector.broadcast %broadcast_in_dim3A_1823 : f32 to vector<16xf32>
    %swap3A_1825 = arith.constant 28 : i32
    %swap3A_1826 = arith.index_cast %swap3A_1825 : i32 to index
    %swap3A_1827 = arith.constant 32 : index
    %swap3A_1828 = tpu.vector_load %arg11[%swap3A_1826, %swap3A_1827] {strides = array<i32>} : memref<32x128xf32, #tpu.memory_space<vmem>>, vector<1x16xf32>,
    %swap3A_1829 = vector.shape_cast %swap3A_1828 : vector<1x16xf32> to vector<16xf32>
    %swap3A_1830 = vector.shape_cast %broadcast_in_dim3A_1824 : vector<16xf32> to vector<1x16xf32>
    tpu.vector_store %arg11[%swap3A_1826, %swap3A_1827], %swap3A_1830 {strides = array<i32>} : memref<32x128xf32, #tpu.memory_space<vmem>>, vector<1x16xf32>,
    %broadcast_in_dim3A_1831 = arith.constant 0.000000e+00 : f32
    %broadcast_in_dim3A_1832 = vector.broadcast %broadcast_in_dim3A_1831 : f32 to vector<16xf32>
    %swap3A_1833 = arith.constant 28 : i32
    %swap3A_1834 = arith.index_cast %swap3A_1833 : i32 to index
    %swap3A_1835 = arith.constant 48 : index
    %swap3A_1836 = tpu.vector_load %arg11[%swap3A_1834, %swap3A_1835] {strides = array<i32>} : memref<32x128xf32, #tpu.memory_space<vmem>>, vector<1x16xf32>,
    %swap3A_1837 = vector.shape_cast %swap3A_1836 : vector<1x16xf32> to vector<16xf32>
    %swap3A_1838 = vector.shape_cast %broadcast_in_dim3A_1832 : vector<16xf32> to vector<1x16xf32>
    tpu.vector_store %arg11[%swap3A_1834, %swap3A_1835], %swap3A_1838 {strides = array<i32>} : memref<32x128xf32, #tpu.memory_space<vmem>>, vector<1x16xf32>,
    %broadcast_in_dim3A_1839 = arith.constant 0.000000e+00 : f32
    %broadcast_in_dim3A_1840 = vector.broadcast %broadcast_in_dim3A_1839 : f32 to vector<16xf32>
    %swap3A_1841 = arith.constant 28 : i32
    %swap3A_1842 = arith.index_cast %swap3A_1841 : i32 to index
    %swap3A_1843 = arith.constant 64 : index
    %swap3A_1844 = tpu.vector_load %arg11[%swap3A_1842, %swap3A_1843] {strides = array<i32>} : memref<32x128xf32, #tpu.memory_space<vmem>>, vector<1x16xf32>,
    %swap3A_1845 = vector.shape_cast %swap3A_1844 : vector<1x16xf32> to vector<16xf32>
    %swap3A_1846 = vector.shape_cast %broadcast_in_dim3A_1840 : vector<16xf32> to vector<1x16xf32>
    tpu.vector_store %arg11[%swap3A_1842, %swap3A_1843], %swap3A_1846 {strides = array<i32>} : memref<32x128xf32, #tpu.memory_space<vmem>>, vector<1x16xf32>,
    %broadcast_in_dim3A_1847 = arith.constant 0.000000e+00 : f32
    %broadcast_in_dim3A_1848 = vector.broadcast %broadcast_in_dim3A_1847 : f32 to vector<16xf32>
    %swap3A_1849 = arith.constant 28 : i32
    %swap3A_1850 = arith.index_cast %swap3A_1849 : i32 to index
    %swap3A_1851 = arith.constant 80 : index
    %swap3A_1852 = tpu.vector_load %arg11[%swap3A_1850, %swap3A_1851] {strides = array<i32>} : memref<32x128xf32, #tpu.memory_space<vmem>>, vector<1x16xf32>,
    %swap3A_1853 = vector.shape_cast %swap3A_1852 : vector<1x16xf32> to vector<16xf32>
    %swap3A_1854 = vector.shape_cast %broadcast_in_dim3A_1848 : vector<16xf32> to vector<1x16xf32>
    tpu.vector_store %arg11[%swap3A_1850, %swap3A_1851], %swap3A_1854 {strides = array<i32>} : memref<32x128xf32, #tpu.memory_space<vmem>>, vector<1x16xf32>,
    %broadcast_in_dim3A_1855 = arith.constant 0.000000e+00 : f32
    %broadcast_in_dim3A_1856 = vector.broadcast %broadcast_in_dim3A_1855 : f32 to vector<16xf32>
    %swap3A_1857 = arith.constant 28 : i32
    %swap3A_1858 = arith.index_cast %swap3A_1857 : i32 to index
    %swap3A_1859 = arith.constant 96 : index
    %swap3A_1860 = tpu.vector_load %arg11[%swap3A_1858, %swap3A_1859] {strides = array<i32>} : memref<32x128xf32, #tpu.memory_space<vmem>>, vector<1x16xf32>,
    %swap3A_1861 = vector.shape_cast %swap3A_1860 : vector<1x16xf32> to vector<16xf32>
    %swap3A_1862 = vector.shape_cast %broadcast_in_dim3A_1856 : vector<16xf32> to vector<1x16xf32>
    tpu.vector_store %arg11[%swap3A_1858, %swap3A_1859], %swap3A_1862 {strides = array<i32>} : memref<32x128xf32, #tpu.memory_space<vmem>>, vector<1x16xf32>,
    %broadcast_in_dim3A_1863 = arith.constant 0.000000e+00 : f32
    %broadcast_in_dim3A_1864 = vector.broadcast %broadcast_in_dim3A_1863 : f32 to vector<16xf32>
    %swap3A_1865 = arith.constant 28 : i32
    %swap3A_1866 = arith.index_cast %swap3A_1865 : i32 to index
    %swap3A_1867 = arith.constant 112 : index
    %swap3A_1868 = tpu.vector_load %arg11[%swap3A_1866, %swap3A_1867] {strides = array<i32>} : memref<32x128xf32, #tpu.memory_space<vmem>>, vector<1x16xf32>,
    %swap3A_1869 = vector.shape_cast %swap3A_1868 : vector<1x16xf32> to vector<16xf32>
    %swap3A_1870 = vector.shape_cast %broadcast_in_dim3A_1864 : vector<16xf32> to vector<1x16xf32>
    tpu.vector_store %arg11[%swap3A_1866, %swap3A_1867], %swap3A_1870 {strides = array<i32>} : memref<32x128xf32, #tpu.memory_space<vmem>>, vector<1x16xf32>,
    %broadcast_in_dim3A_1871 = arith.constant 0.000000e+00 : f32
    %broadcast_in_dim3A_1872 = vector.broadcast %broadcast_in_dim3A_1871 : f32 to vector<16xf32>
    %swap3A_1873 = arith.constant 29 : i32
    %swap3A_1874 = arith.index_cast %swap3A_1873 : i32 to index
    %swap3A_1875 = arith.constant 0 : index
    %swap3A_1876 = tpu.vector_load %arg11[%swap3A_1874, %swap3A_1875] {strides = array<i32>} : memref<32x128xf32, #tpu.memory_space<vmem>>, vector<1x16xf32>,
    %swap3A_1877 = vector.shape_cast %swap3A_1876 : vector<1x16xf32> to vector<16xf32>
    %swap3A_1878 = vector.shape_cast %broadcast_in_dim3A_1872 : vector<16xf32> to vector<1x16xf32>
    tpu.vector_store %arg11[%swap3A_1874, %swap3A_1875], %swap3A_1878 {strides = array<i32>} : memref<32x128xf32, #tpu.memory_space<vmem>>, vector<1x16xf32>,
    %broadcast_in_dim3A_1879 = arith.constant 0.000000e+00 : f32
    %broadcast_in_dim3A_1880 = vector.broadcast %broadcast_in_dim3A_1879 : f32 to vector<16xf32>
    %swap3A_1881 = arith.constant 29 : i32
    %swap3A_1882 = arith.index_cast %swap3A_1881 : i32 to index
    %swap3A_1883 = arith.constant 16 : index
    %swap3A_1884 = tpu.vector_load %arg11[%swap3A_1882, %swap3A_1883] {strides = array<i32>} : memref<32x128xf32, #tpu.memory_space<vmem>>, vector<1x16xf32>,
    %swap3A_1885 = vector.shape_cast %swap3A_1884 : vector<1x16xf32> to vector<16xf32>
    %swap3A_1886 = vector.shape_cast %broadcast_in_dim3A_1880 : vector<16xf32> to vector<1x16xf32>
    tpu.vector_store %arg11[%swap3A_1882, %swap3A_1883], %swap3A_1886 {strides = array<i32>} : memref<32x128xf32, #tpu.memory_space<vmem>>, vector<1x16xf32>,
    %broadcast_in_dim3A_1887 = arith.constant 0.000000e+00 : f32
    %broadcast_in_dim3A_1888 = vector.broadcast %broadcast_in_dim3A_1887 : f32 to vector<16xf32>
    %swap3A_1889 = arith.constant 29 : i32
    %swap3A_1890 = arith.index_cast %swap3A_1889 : i32 to index
    %swap3A_1891 = arith.constant 32 : index
    %swap3A_1892 = tpu.vector_load %arg11[%swap3A_1890, %swap3A_1891] {strides = array<i32>} : memref<32x128xf32, #tpu.memory_space<vmem>>, vector<1x16xf32>,
    %swap3A_1893 = vector.shape_cast %swap3A_1892 : vector<1x16xf32> to vector<16xf32>
    %swap3A_1894 = vector.shape_cast %broadcast_in_dim3A_1888 : vector<16xf32> to vector<1x16xf32>
    tpu.vector_store %arg11[%swap3A_1890, %swap3A_1891], %swap3A_1894 {strides = array<i32>} : memref<32x128xf32, #tpu.memory_space<vmem>>, vector<1x16xf32>,
    %broadcast_in_dim3A_1895 = arith.constant 0.000000e+00 : f32
    %broadcast_in_dim3A_1896 = vector.broadcast %broadcast_in_dim3A_1895 : f32 to vector<16xf32>
    %swap3A_1897 = arith.constant 29 : i32
    %swap3A_1898 = arith.index_cast %swap3A_1897 : i32 to index
    %swap3A_1899 = arith.constant 48 : index
    %swap3A_1900 = tpu.vector_load %arg11[%swap3A_1898, %swap3A_1899] {strides = array<i32>} : memref<32x128xf32, #tpu.memory_space<vmem>>, vector<1x16xf32>,
    %swap3A_1901 = vector.shape_cast %swap3A_1900 : vector<1x16xf32> to vector<16xf32>
    %swap3A_1902 = vector.shape_cast %broadcast_in_dim3A_1896 : vector<16xf32> to vector<1x16xf32>
    tpu.vector_store %arg11[%swap3A_1898, %swap3A_1899], %swap3A_1902 {strides = array<i32>} : memref<32x128xf32, #tpu.memory_space<vmem>>, vector<1x16xf32>,
    %broadcast_in_dim3A_1903 = arith.constant 0.000000e+00 : f32
    %broadcast_in_dim3A_1904 = vector.broadcast %broadcast_in_dim3A_1903 : f32 to vector<16xf32>
    %swap3A_1905 = arith.constant 29 : i32
    %swap3A_1906 = arith.index_cast %swap3A_1905 : i32 to index
    %swap3A_1907 = arith.constant 64 : index
    %swap3A_1908 = tpu.vector_load %arg11[%swap3A_1906, %swap3A_1907] {strides = array<i32>} : memref<32x128xf32, #tpu.memory_space<vmem>>, vector<1x16xf32>,
    %swap3A_1909 = vector.shape_cast %swap3A_1908 : vector<1x16xf32> to vector<16xf32>
    %swap3A_1910 = vector.shape_cast %broadcast_in_dim3A_1904 : vector<16xf32> to vector<1x16xf32>
    tpu.vector_store %arg11[%swap3A_1906, %swap3A_1907], %swap3A_1910 {strides = array<i32>} : memref<32x128xf32, #tpu.memory_space<vmem>>, vector<1x16xf32>,
    %broadcast_in_dim3A_1911 = arith.constant 0.000000e+00 : f32
    %broadcast_in_dim3A_1912 = vector.broadcast %broadcast_in_dim3A_1911 : f32 to vector<16xf32>
    %swap3A_1913 = arith.constant 29 : i32
    %swap3A_1914 = arith.index_cast %swap3A_1913 : i32 to index
    %swap3A_1915 = arith.constant 80 : index
    %swap3A_1916 = tpu.vector_load %arg11[%swap3A_1914, %swap3A_1915] {strides = array<i32>} : memref<32x128xf32, #tpu.memory_space<vmem>>, vector<1x16xf32>,
    %swap3A_1917 = vector.shape_cast %swap3A_1916 : vector<1x16xf32> to vector<16xf32>
    %swap3A_1918 = vector.shape_cast %broadcast_in_dim3A_1912 : vector<16xf32> to vector<1x16xf32>
    tpu.vector_store %arg11[%swap3A_1914, %swap3A_1915], %swap3A_1918 {strides = array<i32>} : memref<32x128xf32, #tpu.memory_space<vmem>>, vector<1x16xf32>,
    %broadcast_in_dim3A_1919 = arith.constant 0.000000e+00 : f32
    %broadcast_in_dim3A_1920 = vector.broadcast %broadcast_in_dim3A_1919 : f32 to vector<16xf32>
    %swap3A_1921 = arith.constant 29 : i32
    %swap3A_1922 = arith.index_cast %swap3A_1921 : i32 to index
    %swap3A_1923 = arith.constant 96 : index
    %swap3A_1924 = tpu.vector_load %arg11[%swap3A_1922, %swap3A_1923] {strides = array<i32>} : memref<32x128xf32, #tpu.memory_space<vmem>>, vector<1x16xf32>,
    %swap3A_1925 = vector.shape_cast %swap3A_1924 : vector<1x16xf32> to vector<16xf32>
    %swap3A_1926 = vector.shape_cast %broadcast_in_dim3A_1920 : vector<16xf32> to vector<1x16xf32>
    tpu.vector_store %arg11[%swap3A_1922, %swap3A_1923], %swap3A_1926 {strides = array<i32>} : memref<32x128xf32, #tpu.memory_space<vmem>>, vector<1x16xf32>,
    %broadcast_in_dim3A_1927 = arith.constant 0.000000e+00 : f32
    %broadcast_in_dim3A_1928 = vector.broadcast %broadcast_in_dim3A_1927 : f32 to vector<16xf32>
    %swap3A_1929 = arith.constant 29 : i32
    %swap3A_1930 = arith.index_cast %swap3A_1929 : i32 to index
    %swap3A_1931 = arith.constant 112 : index
    %swap3A_1932 = tpu.vector_load %arg11[%swap3A_1930, %swap3A_1931] {strides = array<i32>} : memref<32x128xf32, #tpu.memory_space<vmem>>, vector<1x16xf32>,
    %swap3A_1933 = vector.shape_cast %swap3A_1932 : vector<1x16xf32> to vector<16xf32>
    %swap3A_1934 = vector.shape_cast %broadcast_in_dim3A_1928 : vector<16xf32> to vector<1x16xf32>
    tpu.vector_store %arg11[%swap3A_1930, %swap3A_1931], %swap3A_1934 {strides = array<i32>} : memref<32x128xf32, #tpu.memory_space<vmem>>, vector<1x16xf32>,
    %broadcast_in_dim3A_1935 = arith.constant 0.000000e+00 : f32
    %broadcast_in_dim3A_1936 = vector.broadcast %broadcast_in_dim3A_1935 : f32 to vector<16xf32>
    %swap3A_1937 = arith.constant 30 : i32
    %swap3A_1938 = arith.index_cast %swap3A_1937 : i32 to index
    %swap3A_1939 = arith.constant 0 : index
    %swap3A_1940 = tpu.vector_load %arg11[%swap3A_1938, %swap3A_1939] {strides = array<i32>} : memref<32x128xf32, #tpu.memory_space<vmem>>, vector<1x16xf32>,
    %swap3A_1941 = vector.shape_cast %swap3A_1940 : vector<1x16xf32> to vector<16xf32>
    %swap3A_1942 = vector.shape_cast %broadcast_in_dim3A_1936 : vector<16xf32> to vector<1x16xf32>
    tpu.vector_store %arg11[%swap3A_1938, %swap3A_1939], %swap3A_1942 {strides = array<i32>} : memref<32x128xf32, #tpu.memory_space<vmem>>, vector<1x16xf32>,
    %broadcast_in_dim3A_1943 = arith.constant 0.000000e+00 : f32
    %broadcast_in_dim3A_1944 = vector.broadcast %broadcast_in_dim3A_1943 : f32 to vector<16xf32>
    %swap3A_1945 = arith.constant 30 : i32
    %swap3A_1946 = arith.index_cast %swap3A_1945 : i32 to index
    %swap3A_1947 = arith.constant 16 : index
    %swap3A_1948 = tpu.vector_load %arg11[%swap3A_1946, %swap3A_1947] {strides = array<i32>} : memref<32x128xf32, #tpu.memory_space<vmem>>, vector<1x16xf32>,
    %swap3A_1949 = vector.shape_cast %swap3A_1948 : vector<1x16xf32> to vector<16xf32>
    %swap3A_1950 = vector.shape_cast %broadcast_in_dim3A_1944 : vector<16xf32> to vector<1x16xf32>
    tpu.vector_store %arg11[%swap3A_1946, %swap3A_1947], %swap3A_1950 {strides = array<i32>} : memref<32x128xf32, #tpu.memory_space<vmem>>, vector<1x16xf32>,
    %broadcast_in_dim3A_1951 = arith.constant 0.000000e+00 : f32
    %broadcast_in_dim3A_1952 = vector.broadcast %broadcast_in_dim3A_1951 : f32 to vector<16xf32>
    %swap3A_1953 = arith.constant 30 : i32
    %swap3A_1954 = arith.index_cast %swap3A_1953 : i32 to index
    %swap3A_1955 = arith.constant 32 : index
    %swap3A_1956 = tpu.vector_load %arg11[%swap3A_1954, %swap3A_1955] {strides = array<i32>} : memref<32x128xf32, #tpu.memory_space<vmem>>, vector<1x16xf32>,
    %swap3A_1957 = vector.shape_cast %swap3A_1956 : vector<1x16xf32> to vector<16xf32>
    %swap3A_1958 = vector.shape_cast %broadcast_in_dim3A_1952 : vector<16xf32> to vector<1x16xf32>
    tpu.vector_store %arg11[%swap3A_1954, %swap3A_1955], %swap3A_1958 {strides = array<i32>} : memref<32x128xf32, #tpu.memory_space<vmem>>, vector<1x16xf32>,
    %broadcast_in_dim3A_1959 = arith.constant 0.000000e+00 : f32
    %broadcast_in_dim3A_1960 = vector.broadcast %broadcast_in_dim3A_1959 : f32 to vector<16xf32>
    %swap3A_1961 = arith.constant 30 : i32
    %swap3A_1962 = arith.index_cast %swap3A_1961 : i32 to index
    %swap3A_1963 = arith.constant 48 : index
    %swap3A_1964 = tpu.vector_load %arg11[%swap3A_1962, %swap3A_1963] {strides = array<i32>} : memref<32x128xf32, #tpu.memory_space<vmem>>, vector<1x16xf32>,
    %swap3A_1965 = vector.shape_cast %swap3A_1964 : vector<1x16xf32> to vector<16xf32>
    %swap3A_1966 = vector.shape_cast %broadcast_in_dim3A_1960 : vector<16xf32> to vector<1x16xf32>
    tpu.vector_store %arg11[%swap3A_1962, %swap3A_1963], %swap3A_1966 {strides = array<i32>} : memref<32x128xf32, #tpu.memory_space<vmem>>, vector<1x16xf32>,
    %broadcast_in_dim3A_1967 = arith.constant 0.000000e+00 : f32
    %broadcast_in_dim3A_1968 = vector.broadcast %broadcast_in_dim3A_1967 : f32 to vector<16xf32>
    %swap3A_1969 = arith.constant 30 : i32
    %swap3A_1970 = arith.index_cast %swap3A_1969 : i32 to index
    %swap3A_1971 = arith.constant 64 : index
    %swap3A_1972 = tpu.vector_load %arg11[%swap3A_1970, %swap3A_1971] {strides = array<i32>} : memref<32x128xf32, #tpu.memory_space<vmem>>, vector<1x16xf32>,
    %swap3A_1973 = vector.shape_cast %swap3A_1972 : vector<1x16xf32> to vector<16xf32>
    %swap3A_1974 = vector.shape_cast %broadcast_in_dim3A_1968 : vector<16xf32> to vector<1x16xf32>
    tpu.vector_store %arg11[%swap3A_1970, %swap3A_1971], %swap3A_1974 {strides = array<i32>} : memref<32x128xf32, #tpu.memory_space<vmem>>, vector<1x16xf32>,
    %broadcast_in_dim3A_1975 = arith.constant 0.000000e+00 : f32
    %broadcast_in_dim3A_1976 = vector.broadcast %broadcast_in_dim3A_1975 : f32 to vector<16xf32>
    %swap3A_1977 = arith.constant 30 : i32
    %swap3A_1978 = arith.index_cast %swap3A_1977 : i32 to index
    %swap3A_1979 = arith.constant 80 : index
    %swap3A_1980 = tpu.vector_load %arg11[%swap3A_1978, %swap3A_1979] {strides = array<i32>} : memref<32x128xf32, #tpu.memory_space<vmem>>, vector<1x16xf32>,
    %swap3A_1981 = vector.shape_cast %swap3A_1980 : vector<1x16xf32> to vector<16xf32>
    %swap3A_1982 = vector.shape_cast %broadcast_in_dim3A_1976 : vector<16xf32> to vector<1x16xf32>
    tpu.vector_store %arg11[%swap3A_1978, %swap3A_1979], %swap3A_1982 {strides = array<i32>} : memref<32x128xf32, #tpu.memory_space<vmem>>, vector<1x16xf32>,
    %broadcast_in_dim3A_1983 = arith.constant 0.000000e+00 : f32
    %broadcast_in_dim3A_1984 = vector.broadcast %broadcast_in_dim3A_1983 : f32 to vector<16xf32>
    %swap3A_1985 = arith.constant 30 : i32
    %swap3A_1986 = arith.index_cast %swap3A_1985 : i32 to index
    %swap3A_1987 = arith.constant 96 : index
    %swap3A_1988 = tpu.vector_load %arg11[%swap3A_1986, %swap3A_1987] {strides = array<i32>} : memref<32x128xf32, #tpu.memory_space<vmem>>, vector<1x16xf32>,
    %swap3A_1989 = vector.shape_cast %swap3A_1988 : vector<1x16xf32> to vector<16xf32>
    %swap3A_1990 = vector.shape_cast %broadcast_in_dim3A_1984 : vector<16xf32> to vector<1x16xf32>
    tpu.vector_store %arg11[%swap3A_1986, %swap3A_1987], %swap3A_1990 {strides = array<i32>} : memref<32x128xf32, #tpu.memory_space<vmem>>, vector<1x16xf32>,
    %broadcast_in_dim3A_1991 = arith.constant 0.000000e+00 : f32
    %broadcast_in_dim3A_1992 = vector.broadcast %broadcast_in_dim3A_1991 : f32 to vector<16xf32>
    %swap3A_1993 = arith.constant 30 : i32
    %swap3A_1994 = arith.index_cast %swap3A_1993 : i32 to index
    %swap3A_1995 = arith.constant 112 : index
    %swap3A_1996 = tpu.vector_load %arg11[%swap3A_1994, %swap3A_1995] {strides = array<i32>} : memref<32x128xf32, #tpu.memory_space<vmem>>, vector<1x16xf32>,
    %swap3A_1997 = vector.shape_cast %swap3A_1996 : vector<1x16xf32> to vector<16xf32>
    %swap3A_1998 = vector.shape_cast %broadcast_in_dim3A_1992 : vector<16xf32> to vector<1x16xf32>
    tpu.vector_store %arg11[%swap3A_1994, %swap3A_1995], %swap3A_1998 {strides = array<i32>} : memref<32x128xf32, #tpu.memory_space<vmem>>, vector<1x16xf32>,
    %broadcast_in_dim3A_1999 = arith.constant 0.000000e+00 : f32
    %broadcast_in_dim3A_2000 = vector.broadcast %broadcast_in_dim3A_1999 : f32 to vector<16xf32>
    %swap3A_2001 = arith.constant 31 : i32
    %swap3A_2002 = arith.index_cast %swap3A_2001 : i32 to index
    %swap3A_2003 = arith.constant 0 : index
    %swap3A_2004 = tpu.vector_load %arg11[%swap3A_2002, %swap3A_2003] {strides = array<i32>} : memref<32x128xf32, #tpu.memory_space<vmem>>, vector<1x16xf32>,
    %swap3A_2005 = vector.shape_cast %swap3A_2004 : vector<1x16xf32> to vector<16xf32>
    %swap3A_2006 = vector.shape_cast %broadcast_in_dim3A_2000 : vector<16xf32> to vector<1x16xf32>
    tpu.vector_store %arg11[%swap3A_2002, %swap3A_2003], %swap3A_2006 {strides = array<i32>} : memref<32x128xf32, #tpu.memory_space<vmem>>, vector<1x16xf32>,
    %broadcast_in_dim3A_2007 = arith.constant 0.000000e+00 : f32
    %broadcast_in_dim3A_2008 = vector.broadcast %broadcast_in_dim3A_2007 : f32 to vector<16xf32>
    %swap3A_2009 = arith.constant 31 : i32
    %swap3A_2010 = arith.index_cast %swap3A_2009 : i32 to index
    %swap3A_2011 = arith.constant 16 : index
    %swap3A_2012 = tpu.vector_load %arg11[%swap3A_2010, %swap3A_2011] {strides = array<i32>} : memref<32x128xf32, #tpu.memory_space<vmem>>, vector<1x16xf32>,
    %swap3A_2013 = vector.shape_cast %swap3A_2012 : vector<1x16xf32> to vector<16xf32>
    %swap3A_2014 = vector.shape_cast %broadcast_in_dim3A_2008 : vector<16xf32> to vector<1x16xf32>
    tpu.vector_store %arg11[%swap3A_2010, %swap3A_2011], %swap3A_2014 {strides = array<i32>} : memref<32x128xf32, #tpu.memory_space<vmem>>, vector<1x16xf32>,
    %broadcast_in_dim3A_2015 = arith.constant 0.000000e+00 : f32
    %broadcast_in_dim3A_2016 = vector.broadcast %broadcast_in_dim3A_2015 : f32 to vector<16xf32>
    %swap3A_2017 = arith.constant 31 : i32
    %swap3A_2018 = arith.index_cast %swap3A_2017 : i32 to index
    %swap3A_2019 = arith.constant 32 : index
    %swap3A_2020 = tpu.vector_load %arg11[%swap3A_2018, %swap3A_2019] {strides = array<i32>} : memref<32x128xf32, #tpu.memory_space<vmem>>, vector<1x16xf32>,
    %swap3A_2021 = vector.shape_cast %swap3A_2020 : vector<1x16xf32> to vector<16xf32>
    %swap3A_2022 = vector.shape_cast %broadcast_in_dim3A_2016 : vector<16xf32> to vector<1x16xf32>
    tpu.vector_store %arg11[%swap3A_2018, %swap3A_2019], %swap3A_2022 {strides = array<i32>} : memref<32x128xf32, #tpu.memory_space<vmem>>, vector<1x16xf32>,
    %broadcast_in_dim3A_2023 = arith.constant 0.000000e+00 : f32
    %broadcast_in_dim3A_2024 = vector.broadcast %broadcast_in_dim3A_2023 : f32 to vector<16xf32>
    %swap3A_2025 = arith.constant 31 : i32
    %swap3A_2026 = arith.index_cast %swap3A_2025 : i32 to index
    %swap3A_2027 = arith.constant 48 : index
    %swap3A_2028 = tpu.vector_load %arg11[%swap3A_2026, %swap3A_2027] {strides = array<i32>} : memref<32x128xf32, #tpu.memory_space<vmem>>, vector<1x16xf32>,
    %swap3A_2029 = vector.shape_cast %swap3A_2028 : vector<1x16xf32> to vector<16xf32>
    %swap3A_2030 = vector.shape_cast %broadcast_in_dim3A_2024 : vector<16xf32> to vector<1x16xf32>
    tpu.vector_store %arg11[%swap3A_2026, %swap3A_2027], %swap3A_2030 {strides = array<i32>} : memref<32x128xf32, #tpu.memory_space<vmem>>, vector<1x16xf32>,
    %broadcast_in_dim3A_2031 = arith.constant 0.000000e+00 : f32
    %broadcast_in_dim3A_2032 = vector.broadcast %broadcast_in_dim3A_2031 : f32 to vector<16xf32>
    %swap3A_2033 = arith.constant 31 : i32
    %swap3A_2034 = arith.index_cast %swap3A_2033 : i32 to index
    %swap3A_2035 = arith.constant 64 : index
    %swap3A_2036 = tpu.vector_load %arg11[%swap3A_2034, %swap3A_2035] {strides = array<i32>} : memref<32x128xf32, #tpu.memory_space<vmem>>, vector<1x16xf32>,
    %swap3A_2037 = vector.shape_cast %swap3A_2036 : vector<1x16xf32> to vector<16xf32>
    %swap3A_2038 = vector.shape_cast %broadcast_in_dim3A_2032 : vector<16xf32> to vector<1x16xf32>
    tpu.vector_store %arg11[%swap3A_2034, %swap3A_2035], %swap3A_2038 {strides = array<i32>} : memref<32x128xf32, #tpu.memory_space<vmem>>, vector<1x16xf32>,
    %broadcast_in_dim3A_2039 = arith.constant 0.000000e+00 : f32
    %broadcast_in_dim3A_2040 = vector.broadcast %broadcast_in_dim3A_2039 : f32 to vector<16xf32>
    %swap3A_2041 = arith.constant 31 : i32
    %swap3A_2042 = arith.index_cast %swap3A_2041 : i32 to index
    %swap3A_2043 = arith.constant 80 : index
    %swap3A_2044 = tpu.vector_load %arg11[%swap3A_2042, %swap3A_2043] {strides = array<i32>} : memref<32x128xf32, #tpu.memory_space<vmem>>, vector<1x16xf32>,
    %swap3A_2045 = vector.shape_cast %swap3A_2044 : vector<1x16xf32> to vector<16xf32>
    %swap3A_2046 = vector.shape_cast %broadcast_in_dim3A_2040 : vector<16xf32> to vector<1x16xf32>
    tpu.vector_store %arg11[%swap3A_2042, %swap3A_2043], %swap3A_2046 {strides = array<i32>} : memref<32x128xf32, #tpu.memory_space<vmem>>, vector<1x16xf32>,
    %broadcast_in_dim3A_2047 = arith.constant 0.000000e+00 : f32
    %broadcast_in_dim3A_2048 = vector.broadcast %broadcast_in_dim3A_2047 : f32 to vector<16xf32>
    %swap3A_2049 = arith.constant 31 : i32
    %swap3A_2050 = arith.index_cast %swap3A_2049 : i32 to index
    %swap3A_2051 = arith.constant 96 : index
    %swap3A_2052 = tpu.vector_load %arg11[%swap3A_2050, %swap3A_2051] {strides = array<i32>} : memref<32x128xf32, #tpu.memory_space<vmem>>, vector<1x16xf32>,
    %swap3A_2053 = vector.shape_cast %swap3A_2052 : vector<1x16xf32> to vector<16xf32>
    %swap3A_2054 = vector.shape_cast %broadcast_in_dim3A_2048 : vector<16xf32> to vector<1x16xf32>
    tpu.vector_store %arg11[%swap3A_2050, %swap3A_2051], %swap3A_2054 {strides = array<i32>} : memref<32x128xf32, #tpu.memory_space<vmem>>, vector<1x16xf32>,
    %broadcast_in_dim3A_2055 = arith.constant 0.000000e+00 : f32
    %broadcast_in_dim3A_2056 = vector.broadcast %broadcast_in_dim3A_2055 : f32 to vector<16xf32>
    %swap3A_2057 = arith.constant 31 : i32
    %swap3A_2058 = arith.index_cast %swap3A_2057 : i32 to index
    %swap3A_2059 = arith.constant 112 : index
    %swap3A_2060 = tpu.vector_load %arg11[%swap3A_2058, %swap3A_2059] {strides = array<i32>} : memref<32x128xf32, #tpu.memory_space<vmem>>, vector<1x16xf32>,
    %swap3A_2061 = vector.shape_cast %swap3A_2060 : vector<1x16xf32> to vector<16xf32>
    %swap3A_2062 = vector.shape_cast %broadcast_in_dim3A_2056 : vector<16xf32> to vector<1x16xf32>
    tpu.vector_store %arg11[%swap3A_2058, %swap3A_2059], %swap3A_2062 {strides = array<i32>} : memref<32x128xf32, #tpu.memory_space<vmem>>, vector<1x16xf32>,
    %dma_wait3A = tpu.memref_slice %arg3[%mul3A_2] : memref<4096xi32, #tpu.memory_space<hbm>> -> memref<128xi32, #tpu.memory_space<hbm>>
    %dma_wait3A_2063 = tpu.memref_slice %arg3[%mul3A_2] : memref<4096xi32, #tpu.memory_space<hbm>> -> memref<128xi32, #tpu.memory_space<hbm>>
    tpu.wait_dma2 semaphore(%arg16 : memref<!tpu.dma_semaphore, #tpu.memory_space<semaphore_mem>>) src(%dma_wait3A_2063 : memref<128xi32, #tpu.memory_space<hbm>>) dst(%arg8 : memref<128xi32, #tpu.memory_space<vmem>>)
    %dma_wait3A_2064 = arith.constant 0 : i32
    %dma_wait3A_2065 = tpu.memref_slice %arg2[%mul3A_5, %dma_wait3A_2064] : memref<4096x128xf32, #tpu.memory_space<hbm>> -> memref<128x128xf32, #tpu.memory_space<hbm>>
    %dma_wait3A_2066 = arith.constant 0 : i32
    %dma_wait3A_2067 = tpu.memref_slice %arg2[%mul3A_5, %dma_wait3A_2066] : memref<4096x128xf32, #tpu.memory_space<hbm>> -> memref<128x128xf32, #tpu.memory_space<hbm>>
    tpu.wait_dma2 semaphore(%arg17 : memref<!tpu.dma_semaphore, #tpu.memory_space<semaphore_mem>>) src(%dma_wait3A_2067 : memref<128x128xf32, #tpu.memory_space<hbm>>) dst(%arg9 : memref<128x128xf32, #tpu.memory_space<vmem>>)
    %dma_wait3A_2068 = arith.constant 0 : i32
    %dma_wait3A_2069 = tpu.memref_slice %arg5[%rem3A_12, %dma_wait3A_2068] : memref<2048x768xf32, #tpu.memory_space<hbm>> -> memref<128x768xf32, #tpu.memory_space<hbm>>
    %dma_wait3A_2070 = arith.constant 0 : i32
    %dma_wait3A_2071 = tpu.memref_slice %arg5[%rem3A_12, %dma_wait3A_2070] : memref<2048x768xf32, #tpu.memory_space<hbm>> -> memref<128x768xf32, #tpu.memory_space<hbm>>
    tpu.wait_dma2 semaphore(%arg18 : memref<!tpu.dma_semaphore, #tpu.memory_space<semaphore_mem>>) src(%dma_wait3A_2071 : memref<128x768xf32, #tpu.memory_space<hbm>>) dst(%arg12 : memref<128x768xf32, #tpu.memory_space<vmem>>)
    %dma_start3A_2072 = arith.constant 0 : i32
    %dma_start3A_2073 = arith.constant 0 : i32
    %dma_start3A_2074 = tpu.memref_slice %arg6[%dma_start3A_2072, %dma_start3A_2073] : memref<6144x128xf32, #tpu.memory_space<hbm>> -> memref<6144x128xf32, #tpu.memory_space<hbm>>
    tpu.enqueue_indirect_dma source(%arg9 : memref<128x128xf32, #tpu.memory_space<vmem>>) target(%dma_start3A_2074 : memref<6144x128xf32, #tpu.memory_space<hbm>>) offsets(%arg8 : memref<128xi32, #tpu.memory_space<vmem>>) semaphore(%arg13 : memref<!tpu.dma_semaphore, #tpu.memory_space<semaphore_mem>>)
    %dma_start3A_2075 = arith.constant 0 : i32
    %dma_start3A_2076 = arith.constant 0 : i32
    %dma_start3A_2077 = tpu.memref_slice %arg7[%dma_start3A_2075, %dma_start3A_2076] : memref<6144x768xf32, #tpu.memory_space<hbm>> -> memref<6144x768xf32, #tpu.memory_space<hbm>>
    tpu.enqueue_indirect_dma source(%arg12 : memref<128x768xf32, #tpu.memory_space<vmem>>) target(%dma_start3A_2077 : memref<6144x768xf32, #tpu.memory_space<hbm>>) offsets(%arg8 : memref<128xi32, #tpu.memory_space<vmem>>) semaphore(%arg15 : memref<!tpu.dma_semaphore, #tpu.memory_space<semaphore_mem>>)
    %mul3A_2078 = arith.constant 32 : i32
    %mul3A_2079 = arith.muli %add3A, %mul3A_2078 : i32
    "tpu.region"() ({
      %run_scoped3A = tpu.sem_alloc : memref<!tpu.dma_semaphore, #tpu.memory_space<semaphore_mem>>
      %dma_start3A_2092 = tpu.memref_slice %arg4[%mul3A_2079] : memref<1024xi32, #tpu.memory_space<hbm>> -> memref<32xi32, #tpu.memory_space<hbm>>
      %dma_start3A_2093 = tpu.memref_slice %arg4[%mul3A_2079] : memref<1024xi32, #tpu.memory_space<hbm>> -> memref<32xi32, #tpu.memory_space<hbm>>
      tpu.enqueue_dma source(%dma_start3A_2093 : memref<32xi32, #tpu.memory_space<hbm>>) target(%arg10 : memref<32xi32, #tpu.memory_space<vmem>>) target_semaphore(%run_scoped3A : memref<!tpu.dma_semaphore, #tpu.memory_space<semaphore_mem>>)
      %dma_wait3A_2094 = tpu.memref_slice %arg4[%mul3A_2079] : memref<1024xi32, #tpu.memory_space<hbm>> -> memref<32xi32, #tpu.memory_space<hbm>>
      %dma_wait3A_2095 = tpu.memref_slice %arg4[%mul3A_2079] : memref<1024xi32, #tpu.memory_space<hbm>> -> memref<32xi32, #tpu.memory_space<hbm>>
      tpu.wait_dma2 semaphore(%run_scoped3A : memref<!tpu.dma_semaphore, #tpu.memory_space<semaphore_mem>>) src(%dma_wait3A_2095 : memref<32xi32, #tpu.memory_space<hbm>>) dst(%arg10 : memref<32xi32, #tpu.memory_space<vmem>>)
      tpu.yield
    }) : () -> ()
    %dma_start3A_2080 = arith.constant 0 : i32
    %dma_start3A_2081 = arith.constant 0 : i32
    %dma_start3A_2082 = tpu.memref_slice %arg6[%dma_start3A_2080, %dma_start3A_2081] : memref<6144x128xf32, #tpu.memory_space<hbm>> -> memref<6144x128xf32, #tpu.memory_space<hbm>>
    tpu.enqueue_indirect_dma source(%arg11 : memref<32x128xf32, #tpu.memory_space<vmem>>) target(%dma_start3A_2082 : memref<6144x128xf32, #tpu.memory_space<hbm>>) offsets(%arg10 : memref<32xi32, #tpu.memory_space<vmem>>) semaphore(%arg14 : memref<!tpu.dma_semaphore, #tpu.memory_space<semaphore_mem>>)
    %dma_wait3A_2083 = arith.constant 0 : i32
    %dma_wait3A_2084 = arith.constant 0 : i32
    %dma_wait3A_2085 = tpu.memref_slice %arg6[%dma_wait3A_2083, %dma_wait3A_2084] : memref<6144x128xf32, #tpu.memory_space<hbm>> -> memref<6144x128xf32, #tpu.memory_space<hbm>>
    tpu.wait_indirect_dma semaphore(%arg13 : memref<!tpu.dma_semaphore, #tpu.memory_space<semaphore_mem>>) src(%arg9 : memref<128x128xf32, #tpu.memory_space<vmem>>) dst(%dma_wait3A_2085 : memref<6144x128xf32, #tpu.memory_space<hbm>>)
    %dma_wait3A_2086 = arith.constant 0 : i32
    %dma_wait3A_2087 = arith.constant 0 : i32
    %dma_wait3A_2088 = tpu.memref_slice %arg7[%dma_wait3A_2086, %dma_wait3A_2087] : memref<6144x768xf32, #tpu.memory_space<hbm>> -> memref<6144x768xf32, #tpu.memory_space<hbm>>
    tpu.wait_indirect_dma semaphore(%arg15 : memref<!tpu.dma_semaphore, #tpu.memory_space<semaphore_mem>>) src(%arg12 : memref<128x768xf32, #tpu.memory_space<vmem>>) dst(%dma_wait3A_2088 : memref<6144x768xf32, #tpu.memory_space<hbm>>)
    %dma_wait3A_2089 = arith.constant 0 : i32
    %dma_wait3A_2090 = arith.constant 0 : i32
    %dma_wait3A_2091 = tpu.memref_slice %arg6[%dma_wait3A_2089, %dma_wait3A_2090] : memref<6144x128xf32, #tpu.memory_space<hbm>> -> memref<6144x128xf32, #tpu.memory_space<hbm>>
    tpu.wait_indirect_dma semaphore(%arg14 : memref<!tpu.dma_semaphore, #tpu.memory_space<semaphore_mem>>) src(%arg11 : memref<32x128xf32, #tpu.memory_space<vmem>>) dst(%dma_wait3A_2091 : memref<6144x128xf32, #tpu.memory_space<hbm>>)
    return
  }
}

#map = affine_map<(d0, d1) -> (0, 0)>
#map1 = affine_map<(d0, d1) -> (0)>
module attributes {stable_mosaic.version = 14 : i64} {
  func.func @combine_k(%arg0: i32, %arg1: i32, %arg2: memref<5120x768xf32, #tpu.memory_space<hbm>>, %arg3: memref<2048xi32, #tpu.memory_space<hbm>>, %arg4: memref<2048xi32, #tpu.memory_space<hbm>>, %arg5: memref<2048x768xf32, #tpu.memory_space<hbm>>, %arg6: memref<64xi32, #tpu.memory_space<vmem>>, %arg7: memref<64xi32, #tpu.memory_space<vmem>>, %arg8: memref<64x768xf32, #tpu.memory_space<vmem>>, %arg9: memref<64x768xf32, #tpu.memory_space<vmem>>, %arg10: memref<!tpu.dma_semaphore, #tpu.memory_space<semaphore_mem>>, %arg11: memref<!tpu.dma_semaphore, #tpu.memory_space<semaphore_mem>>) attributes {dimension_semantics = [#tpu.dimension_semantics<core_parallel>, #tpu.dimension_semantics<subcore_parallel>], iteration_bounds = array<i64: 2, 16>, scalar_prefetch = 0 : i64, scratch_operands = 6 : i64, tpu.core_type = #tpu.core_type<sc_vector_subcore>, window_params = [{transform_indices = #map}, {transform_indices = #map1}, {transform_indices = #map1}, {transform_indices = #map}]} {
    %mul3A = arith.constant 2 : i32
    %mul3A_0 = arith.muli %arg1, %mul3A : i32
    %add3A = arith.addi %mul3A_0, %arg0 : i32
    %mul3A_1 = arith.constant 64 : i32
    %mul3A_2 = arith.muli %add3A, %mul3A_1 : i32
    "tpu.region"() ({
      %run_scoped3A = tpu.sem_alloc : memref<!tpu.dma_semaphore, #tpu.memory_space<semaphore_mem>>
      %dma_start3A_22 = tpu.memref_slice %arg3[%mul3A_2] : memref<2048xi32, #tpu.memory_space<hbm>> -> memref<64xi32, #tpu.memory_space<hbm>>
      %dma_start3A_23 = tpu.memref_slice %arg3[%mul3A_2] : memref<2048xi32, #tpu.memory_space<hbm>> -> memref<64xi32, #tpu.memory_space<hbm>>
      tpu.enqueue_dma source(%dma_start3A_23 : memref<64xi32, #tpu.memory_space<hbm>>) target(%arg6 : memref<64xi32, #tpu.memory_space<vmem>>) target_semaphore(%run_scoped3A : memref<!tpu.dma_semaphore, #tpu.memory_space<semaphore_mem>>)
      %dma_wait3A_24 = tpu.memref_slice %arg3[%mul3A_2] : memref<2048xi32, #tpu.memory_space<hbm>> -> memref<64xi32, #tpu.memory_space<hbm>>
      %dma_wait3A_25 = tpu.memref_slice %arg3[%mul3A_2] : memref<2048xi32, #tpu.memory_space<hbm>> -> memref<64xi32, #tpu.memory_space<hbm>>
      tpu.wait_dma2 semaphore(%run_scoped3A : memref<!tpu.dma_semaphore, #tpu.memory_space<semaphore_mem>>) src(%dma_wait3A_25 : memref<64xi32, #tpu.memory_space<hbm>>) dst(%arg6 : memref<64xi32, #tpu.memory_space<vmem>>)
      tpu.yield
    }) : () -> ()
    %mul3A_3 = arith.constant 64 : i32
    %mul3A_4 = arith.muli %add3A, %mul3A_3 : i32
    "tpu.region"() ({
      %run_scoped3A = tpu.sem_alloc : memref<!tpu.dma_semaphore, #tpu.memory_space<semaphore_mem>>
      %dma_start3A_22 = tpu.memref_slice %arg4[%mul3A_4] : memref<2048xi32, #tpu.memory_space<hbm>> -> memref<64xi32, #tpu.memory_space<hbm>>
      %dma_start3A_23 = tpu.memref_slice %arg4[%mul3A_4] : memref<2048xi32, #tpu.memory_space<hbm>> -> memref<64xi32, #tpu.memory_space<hbm>>
      tpu.enqueue_dma source(%dma_start3A_23 : memref<64xi32, #tpu.memory_space<hbm>>) target(%arg7 : memref<64xi32, #tpu.memory_space<vmem>>) target_semaphore(%run_scoped3A : memref<!tpu.dma_semaphore, #tpu.memory_space<semaphore_mem>>)
      %dma_wait3A_24 = tpu.memref_slice %arg4[%mul3A_4] : memref<2048xi32, #tpu.memory_space<hbm>> -> memref<64xi32, #tpu.memory_space<hbm>>
      %dma_wait3A_25 = tpu.memref_slice %arg4[%mul3A_4] : memref<2048xi32, #tpu.memory_space<hbm>> -> memref<64xi32, #tpu.memory_space<hbm>>
      tpu.wait_dma2 semaphore(%run_scoped3A : memref<!tpu.dma_semaphore, #tpu.memory_space<semaphore_mem>>) src(%dma_wait3A_25 : memref<64xi32, #tpu.memory_space<hbm>>) dst(%arg7 : memref<64xi32, #tpu.memory_space<vmem>>)
      tpu.yield
    }) : () -> ()
    %dma_start3A = arith.constant 0 : i32
    %dma_start3A_5 = arith.constant 0 : i32
    %dma_start3A_6 = tpu.memref_slice %arg2[%dma_start3A, %dma_start3A_5] : memref<5120x768xf32, #tpu.memory_space<hbm>> -> memref<5120x768xf32, #tpu.memory_space<hbm>>
    tpu.enqueue_indirect_dma source(%dma_start3A_6 : memref<5120x768xf32, #tpu.memory_space<hbm>>) target(%arg8 : memref<64x768xf32, #tpu.memory_space<vmem>>) offsets(%arg6 : memref<64xi32, #tpu.memory_space<vmem>>) semaphore(%arg10 : memref<!tpu.dma_semaphore, #tpu.memory_space<semaphore_mem>>)
    %dma_start3A_7 = arith.constant 0 : i32
    %dma_start3A_8 = arith.constant 0 : i32
    %dma_start3A_9 = tpu.memref_slice %arg2[%dma_start3A_7, %dma_start3A_8] : memref<5120x768xf32, #tpu.memory_space<hbm>> -> memref<5120x768xf32, #tpu.memory_space<hbm>>
    tpu.enqueue_indirect_dma source(%dma_start3A_9 : memref<5120x768xf32, #tpu.memory_space<hbm>>) target(%arg9 : memref<64x768xf32, #tpu.memory_space<vmem>>) offsets(%arg7 : memref<64xi32, #tpu.memory_space<vmem>>) semaphore(%arg11 : memref<!tpu.dma_semaphore, #tpu.memory_space<semaphore_mem>>)
    %dma_wait3A = arith.constant 0 : i32
    %dma_wait3A_10 = arith.constant 0 : i32
    %dma_wait3A_11 = tpu.memref_slice %arg2[%dma_wait3A, %dma_wait3A_10] : memref<5120x768xf32, #tpu.memory_space<hbm>> -> memref<5120x768xf32, #tpu.memory_space<hbm>>
    tpu.wait_indirect_dma semaphore(%arg10 : memref<!tpu.dma_semaphore, #tpu.memory_space<semaphore_mem>>) src(%dma_wait3A_11 : memref<5120x768xf32, #tpu.memory_space<hbm>>) dst(%arg8 : memref<64x768xf32, #tpu.memory_space<vmem>>)
    %dma_wait3A_12 = arith.constant 0 : i32
    %dma_wait3A_13 = arith.constant 0 : i32
    %dma_wait3A_14 = tpu.memref_slice %arg2[%dma_wait3A_12, %dma_wait3A_13] : memref<5120x768xf32, #tpu.memory_space<hbm>> -> memref<5120x768xf32, #tpu.memory_space<hbm>>
    tpu.wait_indirect_dma semaphore(%arg11 : memref<!tpu.dma_semaphore, #tpu.memory_space<semaphore_mem>>) src(%dma_wait3A_14 : memref<5120x768xf32, #tpu.memory_space<hbm>>) dst(%arg9 : memref<64x768xf32, #tpu.memory_space<vmem>>)
    %scan3A = arith.constant 0 : i32
    %scan3A_15 = arith.constant 0 : i32
    %scan3A_16 = arith.constant 64 : i32
    %scan3A_17 = arith.addi %scan3A_15, %scan3A_16 : i32
    %scan3A_18 = arith.constant 1 : i32
    scf.for %scan3A_22 = %scan3A_15 to %scan3A_17 step %scan3A_18  : i32 {
      %get3A = arith.index_cast %scan3A_22 : i32 to index
      %get3A_23 = arith.constant 0 : index
      %get3A_24 = tpu.vector_load %arg8[%get3A, %get3A_23] {strides = array<i32>} : memref<64x768xf32, #tpu.memory_space<vmem>>, vector<1x16xf32>,
      %get3A_25 = vector.shape_cast %get3A_24 : vector<1x16xf32> to vector<16xf32>
      %get3A_26 = arith.index_cast %scan3A_22 : i32 to index
      %get3A_27 = arith.constant 0 : index
      %get3A_28 = tpu.vector_load %arg9[%get3A_26, %get3A_27] {strides = array<i32>} : memref<64x768xf32, #tpu.memory_space<vmem>>, vector<1x16xf32>,
      %get3A_29 = vector.shape_cast %get3A_28 : vector<1x16xf32> to vector<16xf32>
      %add3A_30 = arith.addf %get3A_25, %get3A_29 : vector<16xf32>
      %swap3A = arith.index_cast %scan3A_22 : i32 to index
      %swap3A_31 = arith.constant 0 : index
      %swap3A_32 = tpu.vector_load %arg8[%swap3A, %swap3A_31] {strides = array<i32>} : memref<64x768xf32, #tpu.memory_space<vmem>>, vector<1x16xf32>,
      %swap3A_33 = vector.shape_cast %swap3A_32 : vector<1x16xf32> to vector<16xf32>
      %swap3A_34 = vector.shape_cast %add3A_30 : vector<16xf32> to vector<1x16xf32>
      tpu.vector_store %arg8[%swap3A, %swap3A_31], %swap3A_34 {strides = array<i32>} : memref<64x768xf32, #tpu.memory_space<vmem>>, vector<1x16xf32>,
      %get3A_35 = arith.index_cast %scan3A_22 : i32 to index
      %get3A_36 = arith.constant 16 : index
      %get3A_37 = tpu.vector_load %arg8[%get3A_35, %get3A_36] {strides = array<i32>} : memref<64x768xf32, #tpu.memory_space<vmem>>, vector<1x16xf32>,
      %get3A_38 = vector.shape_cast %get3A_37 : vector<1x16xf32> to vector<16xf32>
      %get3A_39 = arith.index_cast %scan3A_22 : i32 to index
      %get3A_40 = arith.constant 16 : index
      %get3A_41 = tpu.vector_load %arg9[%get3A_39, %get3A_40] {strides = array<i32>} : memref<64x768xf32, #tpu.memory_space<vmem>>, vector<1x16xf32>,
      %get3A_42 = vector.shape_cast %get3A_41 : vector<1x16xf32> to vector<16xf32>
      %add3A_43 = arith.addf %get3A_38, %get3A_42 : vector<16xf32>
      %swap3A_44 = arith.index_cast %scan3A_22 : i32 to index
      %swap3A_45 = arith.constant 16 : index
      %swap3A_46 = tpu.vector_load %arg8[%swap3A_44, %swap3A_45] {strides = array<i32>} : memref<64x768xf32, #tpu.memory_space<vmem>>, vector<1x16xf32>,
      %swap3A_47 = vector.shape_cast %swap3A_46 : vector<1x16xf32> to vector<16xf32>
      %swap3A_48 = vector.shape_cast %add3A_43 : vector<16xf32> to vector<1x16xf32>
      tpu.vector_store %arg8[%swap3A_44, %swap3A_45], %swap3A_48 {strides = array<i32>} : memref<64x768xf32, #tpu.memory_space<vmem>>, vector<1x16xf32>,
      %get3A_49 = arith.index_cast %scan3A_22 : i32 to index
      %get3A_50 = arith.constant 32 : index
      %get3A_51 = tpu.vector_load %arg8[%get3A_49, %get3A_50] {strides = array<i32>} : memref<64x768xf32, #tpu.memory_space<vmem>>, vector<1x16xf32>,
      %get3A_52 = vector.shape_cast %get3A_51 : vector<1x16xf32> to vector<16xf32>
      %get3A_53 = arith.index_cast %scan3A_22 : i32 to index
      %get3A_54 = arith.constant 32 : index
      %get3A_55 = tpu.vector_load %arg9[%get3A_53, %get3A_54] {strides = array<i32>} : memref<64x768xf32, #tpu.memory_space<vmem>>, vector<1x16xf32>,
      %get3A_56 = vector.shape_cast %get3A_55 : vector<1x16xf32> to vector<16xf32>
      %add3A_57 = arith.addf %get3A_52, %get3A_56 : vector<16xf32>
      %swap3A_58 = arith.index_cast %scan3A_22 : i32 to index
      %swap3A_59 = arith.constant 32 : index
      %swap3A_60 = tpu.vector_load %arg8[%swap3A_58, %swap3A_59] {strides = array<i32>} : memref<64x768xf32, #tpu.memory_space<vmem>>, vector<1x16xf32>,
      %swap3A_61 = vector.shape_cast %swap3A_60 : vector<1x16xf32> to vector<16xf32>
      %swap3A_62 = vector.shape_cast %add3A_57 : vector<16xf32> to vector<1x16xf32>
      tpu.vector_store %arg8[%swap3A_58, %swap3A_59], %swap3A_62 {strides = array<i32>} : memref<64x768xf32, #tpu.memory_space<vmem>>, vector<1x16xf32>,
      %get3A_63 = arith.index_cast %scan3A_22 : i32 to index
      %get3A_64 = arith.constant 48 : index
      %get3A_65 = tpu.vector_load %arg8[%get3A_63, %get3A_64] {strides = array<i32>} : memref<64x768xf32, #tpu.memory_space<vmem>>, vector<1x16xf32>,
      %get3A_66 = vector.shape_cast %get3A_65 : vector<1x16xf32> to vector<16xf32>
      %get3A_67 = arith.index_cast %scan3A_22 : i32 to index
      %get3A_68 = arith.constant 48 : index
      %get3A_69 = tpu.vector_load %arg9[%get3A_67, %get3A_68] {strides = array<i32>} : memref<64x768xf32, #tpu.memory_space<vmem>>, vector<1x16xf32>,
      %get3A_70 = vector.shape_cast %get3A_69 : vector<1x16xf32> to vector<16xf32>
      %add3A_71 = arith.addf %get3A_66, %get3A_70 : vector<16xf32>
      %swap3A_72 = arith.index_cast %scan3A_22 : i32 to index
      %swap3A_73 = arith.constant 48 : index
      %swap3A_74 = tpu.vector_load %arg8[%swap3A_72, %swap3A_73] {strides = array<i32>} : memref<64x768xf32, #tpu.memory_space<vmem>>, vector<1x16xf32>,
      %swap3A_75 = vector.shape_cast %swap3A_74 : vector<1x16xf32> to vector<16xf32>
      %swap3A_76 = vector.shape_cast %add3A_71 : vector<16xf32> to vector<1x16xf32>
      tpu.vector_store %arg8[%swap3A_72, %swap3A_73], %swap3A_76 {strides = array<i32>} : memref<64x768xf32, #tpu.memory_space<vmem>>, vector<1x16xf32>,
      %get3A_77 = arith.index_cast %scan3A_22 : i32 to index
      %get3A_78 = arith.constant 64 : index
      %get3A_79 = tpu.vector_load %arg8[%get3A_77, %get3A_78] {strides = array<i32>} : memref<64x768xf32, #tpu.memory_space<vmem>>, vector<1x16xf32>,
      %get3A_80 = vector.shape_cast %get3A_79 : vector<1x16xf32> to vector<16xf32>
      %get3A_81 = arith.index_cast %scan3A_22 : i32 to index
      %get3A_82 = arith.constant 64 : index
      %get3A_83 = tpu.vector_load %arg9[%get3A_81, %get3A_82] {strides = array<i32>} : memref<64x768xf32, #tpu.memory_space<vmem>>, vector<1x16xf32>,
      %get3A_84 = vector.shape_cast %get3A_83 : vector<1x16xf32> to vector<16xf32>
      %add3A_85 = arith.addf %get3A_80, %get3A_84 : vector<16xf32>
      %swap3A_86 = arith.index_cast %scan3A_22 : i32 to index
      %swap3A_87 = arith.constant 64 : index
      %swap3A_88 = tpu.vector_load %arg8[%swap3A_86, %swap3A_87] {strides = array<i32>} : memref<64x768xf32, #tpu.memory_space<vmem>>, vector<1x16xf32>,
      %swap3A_89 = vector.shape_cast %swap3A_88 : vector<1x16xf32> to vector<16xf32>
      %swap3A_90 = vector.shape_cast %add3A_85 : vector<16xf32> to vector<1x16xf32>
      tpu.vector_store %arg8[%swap3A_86, %swap3A_87], %swap3A_90 {strides = array<i32>} : memref<64x768xf32, #tpu.memory_space<vmem>>, vector<1x16xf32>,
      %get3A_91 = arith.index_cast %scan3A_22 : i32 to index
      %get3A_92 = arith.constant 80 : index
      %get3A_93 = tpu.vector_load %arg8[%get3A_91, %get3A_92] {strides = array<i32>} : memref<64x768xf32, #tpu.memory_space<vmem>>, vector<1x16xf32>,
      %get3A_94 = vector.shape_cast %get3A_93 : vector<1x16xf32> to vector<16xf32>
      %get3A_95 = arith.index_cast %scan3A_22 : i32 to index
      %get3A_96 = arith.constant 80 : index
      %get3A_97 = tpu.vector_load %arg9[%get3A_95, %get3A_96] {strides = array<i32>} : memref<64x768xf32, #tpu.memory_space<vmem>>, vector<1x16xf32>,
      %get3A_98 = vector.shape_cast %get3A_97 : vector<1x16xf32> to vector<16xf32>
      %add3A_99 = arith.addf %get3A_94, %get3A_98 : vector<16xf32>
      %swap3A_100 = arith.index_cast %scan3A_22 : i32 to index
      %swap3A_101 = arith.constant 80 : index
      %swap3A_102 = tpu.vector_load %arg8[%swap3A_100, %swap3A_101] {strides = array<i32>} : memref<64x768xf32, #tpu.memory_space<vmem>>, vector<1x16xf32>,
      %swap3A_103 = vector.shape_cast %swap3A_102 : vector<1x16xf32> to vector<16xf32>
      %swap3A_104 = vector.shape_cast %add3A_99 : vector<16xf32> to vector<1x16xf32>
      tpu.vector_store %arg8[%swap3A_100, %swap3A_101], %swap3A_104 {strides = array<i32>} : memref<64x768xf32, #tpu.memory_space<vmem>>, vector<1x16xf32>,
      %get3A_105 = arith.index_cast %scan3A_22 : i32 to index
      %get3A_106 = arith.constant 96 : index
      %get3A_107 = tpu.vector_load %arg8[%get3A_105, %get3A_106] {strides = array<i32>} : memref<64x768xf32, #tpu.memory_space<vmem>>, vector<1x16xf32>,
      %get3A_108 = vector.shape_cast %get3A_107 : vector<1x16xf32> to vector<16xf32>
      %get3A_109 = arith.index_cast %scan3A_22 : i32 to index
      %get3A_110 = arith.constant 96 : index
      %get3A_111 = tpu.vector_load %arg9[%get3A_109, %get3A_110] {strides = array<i32>} : memref<64x768xf32, #tpu.memory_space<vmem>>, vector<1x16xf32>,
      %get3A_112 = vector.shape_cast %get3A_111 : vector<1x16xf32> to vector<16xf32>
      %add3A_113 = arith.addf %get3A_108, %get3A_112 : vector<16xf32>
      %swap3A_114 = arith.index_cast %scan3A_22 : i32 to index
      %swap3A_115 = arith.constant 96 : index
      %swap3A_116 = tpu.vector_load %arg8[%swap3A_114, %swap3A_115] {strides = array<i32>} : memref<64x768xf32, #tpu.memory_space<vmem>>, vector<1x16xf32>,
      %swap3A_117 = vector.shape_cast %swap3A_116 : vector<1x16xf32> to vector<16xf32>
      %swap3A_118 = vector.shape_cast %add3A_113 : vector<16xf32> to vector<1x16xf32>
      tpu.vector_store %arg8[%swap3A_114, %swap3A_115], %swap3A_118 {strides = array<i32>} : memref<64x768xf32, #tpu.memory_space<vmem>>, vector<1x16xf32>,
      %get3A_119 = arith.index_cast %scan3A_22 : i32 to index
      %get3A_120 = arith.constant 112 : index
      %get3A_121 = tpu.vector_load %arg8[%get3A_119, %get3A_120] {strides = array<i32>} : memref<64x768xf32, #tpu.memory_space<vmem>>, vector<1x16xf32>,
      %get3A_122 = vector.shape_cast %get3A_121 : vector<1x16xf32> to vector<16xf32>
      %get3A_123 = arith.index_cast %scan3A_22 : i32 to index
      %get3A_124 = arith.constant 112 : index
      %get3A_125 = tpu.vector_load %arg9[%get3A_123, %get3A_124] {strides = array<i32>} : memref<64x768xf32, #tpu.memory_space<vmem>>, vector<1x16xf32>,
      %get3A_126 = vector.shape_cast %get3A_125 : vector<1x16xf32> to vector<16xf32>
      %add3A_127 = arith.addf %get3A_122, %get3A_126 : vector<16xf32>
      %swap3A_128 = arith.index_cast %scan3A_22 : i32 to index
      %swap3A_129 = arith.constant 112 : index
      %swap3A_130 = tpu.vector_load %arg8[%swap3A_128, %swap3A_129] {strides = array<i32>} : memref<64x768xf32, #tpu.memory_space<vmem>>, vector<1x16xf32>,
      %swap3A_131 = vector.shape_cast %swap3A_130 : vector<1x16xf32> to vector<16xf32>
      %swap3A_132 = vector.shape_cast %add3A_127 : vector<16xf32> to vector<1x16xf32>
      tpu.vector_store %arg8[%swap3A_128, %swap3A_129], %swap3A_132 {strides = array<i32>} : memref<64x768xf32, #tpu.memory_space<vmem>>, vector<1x16xf32>,
      %get3A_133 = arith.index_cast %scan3A_22 : i32 to index
      %get3A_134 = arith.constant 128 : index
      %get3A_135 = tpu.vector_load %arg8[%get3A_133, %get3A_134] {strides = array<i32>} : memref<64x768xf32, #tpu.memory_space<vmem>>, vector<1x16xf32>,
      %get3A_136 = vector.shape_cast %get3A_135 : vector<1x16xf32> to vector<16xf32>
      %get3A_137 = arith.index_cast %scan3A_22 : i32 to index
      %get3A_138 = arith.constant 128 : index
      %get3A_139 = tpu.vector_load %arg9[%get3A_137, %get3A_138] {strides = array<i32>} : memref<64x768xf32, #tpu.memory_space<vmem>>, vector<1x16xf32>,
      %get3A_140 = vector.shape_cast %get3A_139 : vector<1x16xf32> to vector<16xf32>
      %add3A_141 = arith.addf %get3A_136, %get3A_140 : vector<16xf32>
      %swap3A_142 = arith.index_cast %scan3A_22 : i32 to index
      %swap3A_143 = arith.constant 128 : index
      %swap3A_144 = tpu.vector_load %arg8[%swap3A_142, %swap3A_143] {strides = array<i32>} : memref<64x768xf32, #tpu.memory_space<vmem>>, vector<1x16xf32>,
      %swap3A_145 = vector.shape_cast %swap3A_144 : vector<1x16xf32> to vector<16xf32>
      %swap3A_146 = vector.shape_cast %add3A_141 : vector<16xf32> to vector<1x16xf32>
      tpu.vector_store %arg8[%swap3A_142, %swap3A_143], %swap3A_146 {strides = array<i32>} : memref<64x768xf32, #tpu.memory_space<vmem>>, vector<1x16xf32>,
      %get3A_147 = arith.index_cast %scan3A_22 : i32 to index
      %get3A_148 = arith.constant 144 : index
      %get3A_149 = tpu.vector_load %arg8[%get3A_147, %get3A_148] {strides = array<i32>} : memref<64x768xf32, #tpu.memory_space<vmem>>, vector<1x16xf32>,
      %get3A_150 = vector.shape_cast %get3A_149 : vector<1x16xf32> to vector<16xf32>
      %get3A_151 = arith.index_cast %scan3A_22 : i32 to index
      %get3A_152 = arith.constant 144 : index
      %get3A_153 = tpu.vector_load %arg9[%get3A_151, %get3A_152] {strides = array<i32>} : memref<64x768xf32, #tpu.memory_space<vmem>>, vector<1x16xf32>,
      %get3A_154 = vector.shape_cast %get3A_153 : vector<1x16xf32> to vector<16xf32>
      %add3A_155 = arith.addf %get3A_150, %get3A_154 : vector<16xf32>
      %swap3A_156 = arith.index_cast %scan3A_22 : i32 to index
      %swap3A_157 = arith.constant 144 : index
      %swap3A_158 = tpu.vector_load %arg8[%swap3A_156, %swap3A_157] {strides = array<i32>} : memref<64x768xf32, #tpu.memory_space<vmem>>, vector<1x16xf32>,
      %swap3A_159 = vector.shape_cast %swap3A_158 : vector<1x16xf32> to vector<16xf32>
      %swap3A_160 = vector.shape_cast %add3A_155 : vector<16xf32> to vector<1x16xf32>
      tpu.vector_store %arg8[%swap3A_156, %swap3A_157], %swap3A_160 {strides = array<i32>} : memref<64x768xf32, #tpu.memory_space<vmem>>, vector<1x16xf32>,
      %get3A_161 = arith.index_cast %scan3A_22 : i32 to index
      %get3A_162 = arith.constant 160 : index
      %get3A_163 = tpu.vector_load %arg8[%get3A_161, %get3A_162] {strides = array<i32>} : memref<64x768xf32, #tpu.memory_space<vmem>>, vector<1x16xf32>,
      %get3A_164 = vector.shape_cast %get3A_163 : vector<1x16xf32> to vector<16xf32>
      %get3A_165 = arith.index_cast %scan3A_22 : i32 to index
      %get3A_166 = arith.constant 160 : index
      %get3A_167 = tpu.vector_load %arg9[%get3A_165, %get3A_166] {strides = array<i32>} : memref<64x768xf32, #tpu.memory_space<vmem>>, vector<1x16xf32>,
      %get3A_168 = vector.shape_cast %get3A_167 : vector<1x16xf32> to vector<16xf32>
      %add3A_169 = arith.addf %get3A_164, %get3A_168 : vector<16xf32>
      %swap3A_170 = arith.index_cast %scan3A_22 : i32 to index
      %swap3A_171 = arith.constant 160 : index
      %swap3A_172 = tpu.vector_load %arg8[%swap3A_170, %swap3A_171] {strides = array<i32>} : memref<64x768xf32, #tpu.memory_space<vmem>>, vector<1x16xf32>,
      %swap3A_173 = vector.shape_cast %swap3A_172 : vector<1x16xf32> to vector<16xf32>
      %swap3A_174 = vector.shape_cast %add3A_169 : vector<16xf32> to vector<1x16xf32>
      tpu.vector_store %arg8[%swap3A_170, %swap3A_171], %swap3A_174 {strides = array<i32>} : memref<64x768xf32, #tpu.memory_space<vmem>>, vector<1x16xf32>,
      %get3A_175 = arith.index_cast %scan3A_22 : i32 to index
      %get3A_176 = arith.constant 176 : index
      %get3A_177 = tpu.vector_load %arg8[%get3A_175, %get3A_176] {strides = array<i32>} : memref<64x768xf32, #tpu.memory_space<vmem>>, vector<1x16xf32>,
      %get3A_178 = vector.shape_cast %get3A_177 : vector<1x16xf32> to vector<16xf32>
      %get3A_179 = arith.index_cast %scan3A_22 : i32 to index
      %get3A_180 = arith.constant 176 : index
      %get3A_181 = tpu.vector_load %arg9[%get3A_179, %get3A_180] {strides = array<i32>} : memref<64x768xf32, #tpu.memory_space<vmem>>, vector<1x16xf32>,
      %get3A_182 = vector.shape_cast %get3A_181 : vector<1x16xf32> to vector<16xf32>
      %add3A_183 = arith.addf %get3A_178, %get3A_182 : vector<16xf32>
      %swap3A_184 = arith.index_cast %scan3A_22 : i32 to index
      %swap3A_185 = arith.constant 176 : index
      %swap3A_186 = tpu.vector_load %arg8[%swap3A_184, %swap3A_185] {strides = array<i32>} : memref<64x768xf32, #tpu.memory_space<vmem>>, vector<1x16xf32>,
      %swap3A_187 = vector.shape_cast %swap3A_186 : vector<1x16xf32> to vector<16xf32>
      %swap3A_188 = vector.shape_cast %add3A_183 : vector<16xf32> to vector<1x16xf32>
      tpu.vector_store %arg8[%swap3A_184, %swap3A_185], %swap3A_188 {strides = array<i32>} : memref<64x768xf32, #tpu.memory_space<vmem>>, vector<1x16xf32>,
      %get3A_189 = arith.index_cast %scan3A_22 : i32 to index
      %get3A_190 = arith.constant 192 : index
      %get3A_191 = tpu.vector_load %arg8[%get3A_189, %get3A_190] {strides = array<i32>} : memref<64x768xf32, #tpu.memory_space<vmem>>, vector<1x16xf32>,
      %get3A_192 = vector.shape_cast %get3A_191 : vector<1x16xf32> to vector<16xf32>
      %get3A_193 = arith.index_cast %scan3A_22 : i32 to index
      %get3A_194 = arith.constant 192 : index
      %get3A_195 = tpu.vector_load %arg9[%get3A_193, %get3A_194] {strides = array<i32>} : memref<64x768xf32, #tpu.memory_space<vmem>>, vector<1x16xf32>,
      %get3A_196 = vector.shape_cast %get3A_195 : vector<1x16xf32> to vector<16xf32>
      %add3A_197 = arith.addf %get3A_192, %get3A_196 : vector<16xf32>
      %swap3A_198 = arith.index_cast %scan3A_22 : i32 to index
      %swap3A_199 = arith.constant 192 : index
      %swap3A_200 = tpu.vector_load %arg8[%swap3A_198, %swap3A_199] {strides = array<i32>} : memref<64x768xf32, #tpu.memory_space<vmem>>, vector<1x16xf32>,
      %swap3A_201 = vector.shape_cast %swap3A_200 : vector<1x16xf32> to vector<16xf32>
      %swap3A_202 = vector.shape_cast %add3A_197 : vector<16xf32> to vector<1x16xf32>
      tpu.vector_store %arg8[%swap3A_198, %swap3A_199], %swap3A_202 {strides = array<i32>} : memref<64x768xf32, #tpu.memory_space<vmem>>, vector<1x16xf32>,
      %get3A_203 = arith.index_cast %scan3A_22 : i32 to index
      %get3A_204 = arith.constant 208 : index
      %get3A_205 = tpu.vector_load %arg8[%get3A_203, %get3A_204] {strides = array<i32>} : memref<64x768xf32, #tpu.memory_space<vmem>>, vector<1x16xf32>,
      %get3A_206 = vector.shape_cast %get3A_205 : vector<1x16xf32> to vector<16xf32>
      %get3A_207 = arith.index_cast %scan3A_22 : i32 to index
      %get3A_208 = arith.constant 208 : index
      %get3A_209 = tpu.vector_load %arg9[%get3A_207, %get3A_208] {strides = array<i32>} : memref<64x768xf32, #tpu.memory_space<vmem>>, vector<1x16xf32>,
      %get3A_210 = vector.shape_cast %get3A_209 : vector<1x16xf32> to vector<16xf32>
      %add3A_211 = arith.addf %get3A_206, %get3A_210 : vector<16xf32>
      %swap3A_212 = arith.index_cast %scan3A_22 : i32 to index
      %swap3A_213 = arith.constant 208 : index
      %swap3A_214 = tpu.vector_load %arg8[%swap3A_212, %swap3A_213] {strides = array<i32>} : memref<64x768xf32, #tpu.memory_space<vmem>>, vector<1x16xf32>,
      %swap3A_215 = vector.shape_cast %swap3A_214 : vector<1x16xf32> to vector<16xf32>
      %swap3A_216 = vector.shape_cast %add3A_211 : vector<16xf32> to vector<1x16xf32>
      tpu.vector_store %arg8[%swap3A_212, %swap3A_213], %swap3A_216 {strides = array<i32>} : memref<64x768xf32, #tpu.memory_space<vmem>>, vector<1x16xf32>,
      %get3A_217 = arith.index_cast %scan3A_22 : i32 to index
      %get3A_218 = arith.constant 224 : index
      %get3A_219 = tpu.vector_load %arg8[%get3A_217, %get3A_218] {strides = array<i32>} : memref<64x768xf32, #tpu.memory_space<vmem>>, vector<1x16xf32>,
      %get3A_220 = vector.shape_cast %get3A_219 : vector<1x16xf32> to vector<16xf32>
      %get3A_221 = arith.index_cast %scan3A_22 : i32 to index
      %get3A_222 = arith.constant 224 : index
      %get3A_223 = tpu.vector_load %arg9[%get3A_221, %get3A_222] {strides = array<i32>} : memref<64x768xf32, #tpu.memory_space<vmem>>, vector<1x16xf32>,
      %get3A_224 = vector.shape_cast %get3A_223 : vector<1x16xf32> to vector<16xf32>
      %add3A_225 = arith.addf %get3A_220, %get3A_224 : vector<16xf32>
      %swap3A_226 = arith.index_cast %scan3A_22 : i32 to index
      %swap3A_227 = arith.constant 224 : index
      %swap3A_228 = tpu.vector_load %arg8[%swap3A_226, %swap3A_227] {strides = array<i32>} : memref<64x768xf32, #tpu.memory_space<vmem>>, vector<1x16xf32>,
      %swap3A_229 = vector.shape_cast %swap3A_228 : vector<1x16xf32> to vector<16xf32>
      %swap3A_230 = vector.shape_cast %add3A_225 : vector<16xf32> to vector<1x16xf32>
      tpu.vector_store %arg8[%swap3A_226, %swap3A_227], %swap3A_230 {strides = array<i32>} : memref<64x768xf32, #tpu.memory_space<vmem>>, vector<1x16xf32>,
      %get3A_231 = arith.index_cast %scan3A_22 : i32 to index
      %get3A_232 = arith.constant 240 : index
      %get3A_233 = tpu.vector_load %arg8[%get3A_231, %get3A_232] {strides = array<i32>} : memref<64x768xf32, #tpu.memory_space<vmem>>, vector<1x16xf32>,
      %get3A_234 = vector.shape_cast %get3A_233 : vector<1x16xf32> to vector<16xf32>
      %get3A_235 = arith.index_cast %scan3A_22 : i32 to index
      %get3A_236 = arith.constant 240 : index
      %get3A_237 = tpu.vector_load %arg9[%get3A_235, %get3A_236] {strides = array<i32>} : memref<64x768xf32, #tpu.memory_space<vmem>>, vector<1x16xf32>,
      %get3A_238 = vector.shape_cast %get3A_237 : vector<1x16xf32> to vector<16xf32>
      %add3A_239 = arith.addf %get3A_234, %get3A_238 : vector<16xf32>
      %swap3A_240 = arith.index_cast %scan3A_22 : i32 to index
      %swap3A_241 = arith.constant 240 : index
      %swap3A_242 = tpu.vector_load %arg8[%swap3A_240, %swap3A_241] {strides = array<i32>} : memref<64x768xf32, #tpu.memory_space<vmem>>, vector<1x16xf32>,
      %swap3A_243 = vector.shape_cast %swap3A_242 : vector<1x16xf32> to vector<16xf32>
      %swap3A_244 = vector.shape_cast %add3A_239 : vector<16xf32> to vector<1x16xf32>
      tpu.vector_store %arg8[%swap3A_240, %swap3A_241], %swap3A_244 {strides = array<i32>} : memref<64x768xf32, #tpu.memory_space<vmem>>, vector<1x16xf32>,
      %get3A_245 = arith.index_cast %scan3A_22 : i32 to index
      %get3A_246 = arith.constant 256 : index
      %get3A_247 = tpu.vector_load %arg8[%get3A_245, %get3A_246] {strides = array<i32>} : memref<64x768xf32, #tpu.memory_space<vmem>>, vector<1x16xf32>,
      %get3A_248 = vector.shape_cast %get3A_247 : vector<1x16xf32> to vector<16xf32>
      %get3A_249 = arith.index_cast %scan3A_22 : i32 to index
      %get3A_250 = arith.constant 256 : index
      %get3A_251 = tpu.vector_load %arg9[%get3A_249, %get3A_250] {strides = array<i32>} : memref<64x768xf32, #tpu.memory_space<vmem>>, vector<1x16xf32>,
      %get3A_252 = vector.shape_cast %get3A_251 : vector<1x16xf32> to vector<16xf32>
      %add3A_253 = arith.addf %get3A_248, %get3A_252 : vector<16xf32>
      %swap3A_254 = arith.index_cast %scan3A_22 : i32 to index
      %swap3A_255 = arith.constant 256 : index
      %swap3A_256 = tpu.vector_load %arg8[%swap3A_254, %swap3A_255] {strides = array<i32>} : memref<64x768xf32, #tpu.memory_space<vmem>>, vector<1x16xf32>,
      %swap3A_257 = vector.shape_cast %swap3A_256 : vector<1x16xf32> to vector<16xf32>
      %swap3A_258 = vector.shape_cast %add3A_253 : vector<16xf32> to vector<1x16xf32>
      tpu.vector_store %arg8[%swap3A_254, %swap3A_255], %swap3A_258 {strides = array<i32>} : memref<64x768xf32, #tpu.memory_space<vmem>>, vector<1x16xf32>,
      %get3A_259 = arith.index_cast %scan3A_22 : i32 to index
      %get3A_260 = arith.constant 272 : index
      %get3A_261 = tpu.vector_load %arg8[%get3A_259, %get3A_260] {strides = array<i32>} : memref<64x768xf32, #tpu.memory_space<vmem>>, vector<1x16xf32>,
      %get3A_262 = vector.shape_cast %get3A_261 : vector<1x16xf32> to vector<16xf32>
      %get3A_263 = arith.index_cast %scan3A_22 : i32 to index
      %get3A_264 = arith.constant 272 : index
      %get3A_265 = tpu.vector_load %arg9[%get3A_263, %get3A_264] {strides = array<i32>} : memref<64x768xf32, #tpu.memory_space<vmem>>, vector<1x16xf32>,
      %get3A_266 = vector.shape_cast %get3A_265 : vector<1x16xf32> to vector<16xf32>
      %add3A_267 = arith.addf %get3A_262, %get3A_266 : vector<16xf32>
      %swap3A_268 = arith.index_cast %scan3A_22 : i32 to index
      %swap3A_269 = arith.constant 272 : index
      %swap3A_270 = tpu.vector_load %arg8[%swap3A_268, %swap3A_269] {strides = array<i32>} : memref<64x768xf32, #tpu.memory_space<vmem>>, vector<1x16xf32>,
      %swap3A_271 = vector.shape_cast %swap3A_270 : vector<1x16xf32> to vector<16xf32>
      %swap3A_272 = vector.shape_cast %add3A_267 : vector<16xf32> to vector<1x16xf32>
      tpu.vector_store %arg8[%swap3A_268, %swap3A_269], %swap3A_272 {strides = array<i32>} : memref<64x768xf32, #tpu.memory_space<vmem>>, vector<1x16xf32>,
      %get3A_273 = arith.index_cast %scan3A_22 : i32 to index
      %get3A_274 = arith.constant 288 : index
      %get3A_275 = tpu.vector_load %arg8[%get3A_273, %get3A_274] {strides = array<i32>} : memref<64x768xf32, #tpu.memory_space<vmem>>, vector<1x16xf32>,
      %get3A_276 = vector.shape_cast %get3A_275 : vector<1x16xf32> to vector<16xf32>
      %get3A_277 = arith.index_cast %scan3A_22 : i32 to index
      %get3A_278 = arith.constant 288 : index
      %get3A_279 = tpu.vector_load %arg9[%get3A_277, %get3A_278] {strides = array<i32>} : memref<64x768xf32, #tpu.memory_space<vmem>>, vector<1x16xf32>,
      %get3A_280 = vector.shape_cast %get3A_279 : vector<1x16xf32> to vector<16xf32>
      %add3A_281 = arith.addf %get3A_276, %get3A_280 : vector<16xf32>
      %swap3A_282 = arith.index_cast %scan3A_22 : i32 to index
      %swap3A_283 = arith.constant 288 : index
      %swap3A_284 = tpu.vector_load %arg8[%swap3A_282, %swap3A_283] {strides = array<i32>} : memref<64x768xf32, #tpu.memory_space<vmem>>, vector<1x16xf32>,
      %swap3A_285 = vector.shape_cast %swap3A_284 : vector<1x16xf32> to vector<16xf32>
      %swap3A_286 = vector.shape_cast %add3A_281 : vector<16xf32> to vector<1x16xf32>
      tpu.vector_store %arg8[%swap3A_282, %swap3A_283], %swap3A_286 {strides = array<i32>} : memref<64x768xf32, #tpu.memory_space<vmem>>, vector<1x16xf32>,
      %get3A_287 = arith.index_cast %scan3A_22 : i32 to index
      %get3A_288 = arith.constant 304 : index
      %get3A_289 = tpu.vector_load %arg8[%get3A_287, %get3A_288] {strides = array<i32>} : memref<64x768xf32, #tpu.memory_space<vmem>>, vector<1x16xf32>,
      %get3A_290 = vector.shape_cast %get3A_289 : vector<1x16xf32> to vector<16xf32>
      %get3A_291 = arith.index_cast %scan3A_22 : i32 to index
      %get3A_292 = arith.constant 304 : index
      %get3A_293 = tpu.vector_load %arg9[%get3A_291, %get3A_292] {strides = array<i32>} : memref<64x768xf32, #tpu.memory_space<vmem>>, vector<1x16xf32>,
      %get3A_294 = vector.shape_cast %get3A_293 : vector<1x16xf32> to vector<16xf32>
      %add3A_295 = arith.addf %get3A_290, %get3A_294 : vector<16xf32>
      %swap3A_296 = arith.index_cast %scan3A_22 : i32 to index
      %swap3A_297 = arith.constant 304 : index
      %swap3A_298 = tpu.vector_load %arg8[%swap3A_296, %swap3A_297] {strides = array<i32>} : memref<64x768xf32, #tpu.memory_space<vmem>>, vector<1x16xf32>,
      %swap3A_299 = vector.shape_cast %swap3A_298 : vector<1x16xf32> to vector<16xf32>
      %swap3A_300 = vector.shape_cast %add3A_295 : vector<16xf32> to vector<1x16xf32>
      tpu.vector_store %arg8[%swap3A_296, %swap3A_297], %swap3A_300 {strides = array<i32>} : memref<64x768xf32, #tpu.memory_space<vmem>>, vector<1x16xf32>,
      %get3A_301 = arith.index_cast %scan3A_22 : i32 to index
      %get3A_302 = arith.constant 320 : index
      %get3A_303 = tpu.vector_load %arg8[%get3A_301, %get3A_302] {strides = array<i32>} : memref<64x768xf32, #tpu.memory_space<vmem>>, vector<1x16xf32>,
      %get3A_304 = vector.shape_cast %get3A_303 : vector<1x16xf32> to vector<16xf32>
      %get3A_305 = arith.index_cast %scan3A_22 : i32 to index
      %get3A_306 = arith.constant 320 : index
      %get3A_307 = tpu.vector_load %arg9[%get3A_305, %get3A_306] {strides = array<i32>} : memref<64x768xf32, #tpu.memory_space<vmem>>, vector<1x16xf32>,
      %get3A_308 = vector.shape_cast %get3A_307 : vector<1x16xf32> to vector<16xf32>
      %add3A_309 = arith.addf %get3A_304, %get3A_308 : vector<16xf32>
      %swap3A_310 = arith.index_cast %scan3A_22 : i32 to index
      %swap3A_311 = arith.constant 320 : index
      %swap3A_312 = tpu.vector_load %arg8[%swap3A_310, %swap3A_311] {strides = array<i32>} : memref<64x768xf32, #tpu.memory_space<vmem>>, vector<1x16xf32>,
      %swap3A_313 = vector.shape_cast %swap3A_312 : vector<1x16xf32> to vector<16xf32>
      %swap3A_314 = vector.shape_cast %add3A_309 : vector<16xf32> to vector<1x16xf32>
      tpu.vector_store %arg8[%swap3A_310, %swap3A_311], %swap3A_314 {strides = array<i32>} : memref<64x768xf32, #tpu.memory_space<vmem>>, vector<1x16xf32>,
      %get3A_315 = arith.index_cast %scan3A_22 : i32 to index
      %get3A_316 = arith.constant 336 : index
      %get3A_317 = tpu.vector_load %arg8[%get3A_315, %get3A_316] {strides = array<i32>} : memref<64x768xf32, #tpu.memory_space<vmem>>, vector<1x16xf32>,
      %get3A_318 = vector.shape_cast %get3A_317 : vector<1x16xf32> to vector<16xf32>
      %get3A_319 = arith.index_cast %scan3A_22 : i32 to index
      %get3A_320 = arith.constant 336 : index
      %get3A_321 = tpu.vector_load %arg9[%get3A_319, %get3A_320] {strides = array<i32>} : memref<64x768xf32, #tpu.memory_space<vmem>>, vector<1x16xf32>,
      %get3A_322 = vector.shape_cast %get3A_321 : vector<1x16xf32> to vector<16xf32>
      %add3A_323 = arith.addf %get3A_318, %get3A_322 : vector<16xf32>
      %swap3A_324 = arith.index_cast %scan3A_22 : i32 to index
      %swap3A_325 = arith.constant 336 : index
      %swap3A_326 = tpu.vector_load %arg8[%swap3A_324, %swap3A_325] {strides = array<i32>} : memref<64x768xf32, #tpu.memory_space<vmem>>, vector<1x16xf32>,
      %swap3A_327 = vector.shape_cast %swap3A_326 : vector<1x16xf32> to vector<16xf32>
      %swap3A_328 = vector.shape_cast %add3A_323 : vector<16xf32> to vector<1x16xf32>
      tpu.vector_store %arg8[%swap3A_324, %swap3A_325], %swap3A_328 {strides = array<i32>} : memref<64x768xf32, #tpu.memory_space<vmem>>, vector<1x16xf32>,
      %get3A_329 = arith.index_cast %scan3A_22 : i32 to index
      %get3A_330 = arith.constant 352 : index
      %get3A_331 = tpu.vector_load %arg8[%get3A_329, %get3A_330] {strides = array<i32>} : memref<64x768xf32, #tpu.memory_space<vmem>>, vector<1x16xf32>,
      %get3A_332 = vector.shape_cast %get3A_331 : vector<1x16xf32> to vector<16xf32>
      %get3A_333 = arith.index_cast %scan3A_22 : i32 to index
      %get3A_334 = arith.constant 352 : index
      %get3A_335 = tpu.vector_load %arg9[%get3A_333, %get3A_334] {strides = array<i32>} : memref<64x768xf32, #tpu.memory_space<vmem>>, vector<1x16xf32>,
      %get3A_336 = vector.shape_cast %get3A_335 : vector<1x16xf32> to vector<16xf32>
      %add3A_337 = arith.addf %get3A_332, %get3A_336 : vector<16xf32>
      %swap3A_338 = arith.index_cast %scan3A_22 : i32 to index
      %swap3A_339 = arith.constant 352 : index
      %swap3A_340 = tpu.vector_load %arg8[%swap3A_338, %swap3A_339] {strides = array<i32>} : memref<64x768xf32, #tpu.memory_space<vmem>>, vector<1x16xf32>,
      %swap3A_341 = vector.shape_cast %swap3A_340 : vector<1x16xf32> to vector<16xf32>
      %swap3A_342 = vector.shape_cast %add3A_337 : vector<16xf32> to vector<1x16xf32>
      tpu.vector_store %arg8[%swap3A_338, %swap3A_339], %swap3A_342 {strides = array<i32>} : memref<64x768xf32, #tpu.memory_space<vmem>>, vector<1x16xf32>,
      %get3A_343 = arith.index_cast %scan3A_22 : i32 to index
      %get3A_344 = arith.constant 368 : index
      %get3A_345 = tpu.vector_load %arg8[%get3A_343, %get3A_344] {strides = array<i32>} : memref<64x768xf32, #tpu.memory_space<vmem>>, vector<1x16xf32>,
      %get3A_346 = vector.shape_cast %get3A_345 : vector<1x16xf32> to vector<16xf32>
      %get3A_347 = arith.index_cast %scan3A_22 : i32 to index
      %get3A_348 = arith.constant 368 : index
      %get3A_349 = tpu.vector_load %arg9[%get3A_347, %get3A_348] {strides = array<i32>} : memref<64x768xf32, #tpu.memory_space<vmem>>, vector<1x16xf32>,
      %get3A_350 = vector.shape_cast %get3A_349 : vector<1x16xf32> to vector<16xf32>
      %add3A_351 = arith.addf %get3A_346, %get3A_350 : vector<16xf32>
      %swap3A_352 = arith.index_cast %scan3A_22 : i32 to index
      %swap3A_353 = arith.constant 368 : index
      %swap3A_354 = tpu.vector_load %arg8[%swap3A_352, %swap3A_353] {strides = array<i32>} : memref<64x768xf32, #tpu.memory_space<vmem>>, vector<1x16xf32>,
      %swap3A_355 = vector.shape_cast %swap3A_354 : vector<1x16xf32> to vector<16xf32>
      %swap3A_356 = vector.shape_cast %add3A_351 : vector<16xf32> to vector<1x16xf32>
      tpu.vector_store %arg8[%swap3A_352, %swap3A_353], %swap3A_356 {strides = array<i32>} : memref<64x768xf32, #tpu.memory_space<vmem>>, vector<1x16xf32>,
      %get3A_357 = arith.index_cast %scan3A_22 : i32 to index
      %get3A_358 = arith.constant 384 : index
      %get3A_359 = tpu.vector_load %arg8[%get3A_357, %get3A_358] {strides = array<i32>} : memref<64x768xf32, #tpu.memory_space<vmem>>, vector<1x16xf32>,
      %get3A_360 = vector.shape_cast %get3A_359 : vector<1x16xf32> to vector<16xf32>
      %get3A_361 = arith.index_cast %scan3A_22 : i32 to index
      %get3A_362 = arith.constant 384 : index
      %get3A_363 = tpu.vector_load %arg9[%get3A_361, %get3A_362] {strides = array<i32>} : memref<64x768xf32, #tpu.memory_space<vmem>>, vector<1x16xf32>,
      %get3A_364 = vector.shape_cast %get3A_363 : vector<1x16xf32> to vector<16xf32>
      %add3A_365 = arith.addf %get3A_360, %get3A_364 : vector<16xf32>
      %swap3A_366 = arith.index_cast %scan3A_22 : i32 to index
      %swap3A_367 = arith.constant 384 : index
      %swap3A_368 = tpu.vector_load %arg8[%swap3A_366, %swap3A_367] {strides = array<i32>} : memref<64x768xf32, #tpu.memory_space<vmem>>, vector<1x16xf32>,
      %swap3A_369 = vector.shape_cast %swap3A_368 : vector<1x16xf32> to vector<16xf32>
      %swap3A_370 = vector.shape_cast %add3A_365 : vector<16xf32> to vector<1x16xf32>
      tpu.vector_store %arg8[%swap3A_366, %swap3A_367], %swap3A_370 {strides = array<i32>} : memref<64x768xf32, #tpu.memory_space<vmem>>, vector<1x16xf32>,
      %get3A_371 = arith.index_cast %scan3A_22 : i32 to index
      %get3A_372 = arith.constant 400 : index
      %get3A_373 = tpu.vector_load %arg8[%get3A_371, %get3A_372] {strides = array<i32>} : memref<64x768xf32, #tpu.memory_space<vmem>>, vector<1x16xf32>,
      %get3A_374 = vector.shape_cast %get3A_373 : vector<1x16xf32> to vector<16xf32>
      %get3A_375 = arith.index_cast %scan3A_22 : i32 to index
      %get3A_376 = arith.constant 400 : index
      %get3A_377 = tpu.vector_load %arg9[%get3A_375, %get3A_376] {strides = array<i32>} : memref<64x768xf32, #tpu.memory_space<vmem>>, vector<1x16xf32>,
      %get3A_378 = vector.shape_cast %get3A_377 : vector<1x16xf32> to vector<16xf32>
      %add3A_379 = arith.addf %get3A_374, %get3A_378 : vector<16xf32>
      %swap3A_380 = arith.index_cast %scan3A_22 : i32 to index
      %swap3A_381 = arith.constant 400 : index
      %swap3A_382 = tpu.vector_load %arg8[%swap3A_380, %swap3A_381] {strides = array<i32>} : memref<64x768xf32, #tpu.memory_space<vmem>>, vector<1x16xf32>,
      %swap3A_383 = vector.shape_cast %swap3A_382 : vector<1x16xf32> to vector<16xf32>
      %swap3A_384 = vector.shape_cast %add3A_379 : vector<16xf32> to vector<1x16xf32>
      tpu.vector_store %arg8[%swap3A_380, %swap3A_381], %swap3A_384 {strides = array<i32>} : memref<64x768xf32, #tpu.memory_space<vmem>>, vector<1x16xf32>,
      %get3A_385 = arith.index_cast %scan3A_22 : i32 to index
      %get3A_386 = arith.constant 416 : index
      %get3A_387 = tpu.vector_load %arg8[%get3A_385, %get3A_386] {strides = array<i32>} : memref<64x768xf32, #tpu.memory_space<vmem>>, vector<1x16xf32>,
      %get3A_388 = vector.shape_cast %get3A_387 : vector<1x16xf32> to vector<16xf32>
      %get3A_389 = arith.index_cast %scan3A_22 : i32 to index
      %get3A_390 = arith.constant 416 : index
      %get3A_391 = tpu.vector_load %arg9[%get3A_389, %get3A_390] {strides = array<i32>} : memref<64x768xf32, #tpu.memory_space<vmem>>, vector<1x16xf32>,
      %get3A_392 = vector.shape_cast %get3A_391 : vector<1x16xf32> to vector<16xf32>
      %add3A_393 = arith.addf %get3A_388, %get3A_392 : vector<16xf32>
      %swap3A_394 = arith.index_cast %scan3A_22 : i32 to index
      %swap3A_395 = arith.constant 416 : index
      %swap3A_396 = tpu.vector_load %arg8[%swap3A_394, %swap3A_395] {strides = array<i32>} : memref<64x768xf32, #tpu.memory_space<vmem>>, vector<1x16xf32>,
      %swap3A_397 = vector.shape_cast %swap3A_396 : vector<1x16xf32> to vector<16xf32>
      %swap3A_398 = vector.shape_cast %add3A_393 : vector<16xf32> to vector<1x16xf32>
      tpu.vector_store %arg8[%swap3A_394, %swap3A_395], %swap3A_398 {strides = array<i32>} : memref<64x768xf32, #tpu.memory_space<vmem>>, vector<1x16xf32>,
      %get3A_399 = arith.index_cast %scan3A_22 : i32 to index
      %get3A_400 = arith.constant 432 : index
      %get3A_401 = tpu.vector_load %arg8[%get3A_399, %get3A_400] {strides = array<i32>} : memref<64x768xf32, #tpu.memory_space<vmem>>, vector<1x16xf32>,
      %get3A_402 = vector.shape_cast %get3A_401 : vector<1x16xf32> to vector<16xf32>
      %get3A_403 = arith.index_cast %scan3A_22 : i32 to index
      %get3A_404 = arith.constant 432 : index
      %get3A_405 = tpu.vector_load %arg9[%get3A_403, %get3A_404] {strides = array<i32>} : memref<64x768xf32, #tpu.memory_space<vmem>>, vector<1x16xf32>,
      %get3A_406 = vector.shape_cast %get3A_405 : vector<1x16xf32> to vector<16xf32>
      %add3A_407 = arith.addf %get3A_402, %get3A_406 : vector<16xf32>
      %swap3A_408 = arith.index_cast %scan3A_22 : i32 to index
      %swap3A_409 = arith.constant 432 : index
      %swap3A_410 = tpu.vector_load %arg8[%swap3A_408, %swap3A_409] {strides = array<i32>} : memref<64x768xf32, #tpu.memory_space<vmem>>, vector<1x16xf32>,
      %swap3A_411 = vector.shape_cast %swap3A_410 : vector<1x16xf32> to vector<16xf32>
      %swap3A_412 = vector.shape_cast %add3A_407 : vector<16xf32> to vector<1x16xf32>
      tpu.vector_store %arg8[%swap3A_408, %swap3A_409], %swap3A_412 {strides = array<i32>} : memref<64x768xf32, #tpu.memory_space<vmem>>, vector<1x16xf32>,
      %get3A_413 = arith.index_cast %scan3A_22 : i32 to index
      %get3A_414 = arith.constant 448 : index
      %get3A_415 = tpu.vector_load %arg8[%get3A_413, %get3A_414] {strides = array<i32>} : memref<64x768xf32, #tpu.memory_space<vmem>>, vector<1x16xf32>,
      %get3A_416 = vector.shape_cast %get3A_415 : vector<1x16xf32> to vector<16xf32>
      %get3A_417 = arith.index_cast %scan3A_22 : i32 to index
      %get3A_418 = arith.constant 448 : index
      %get3A_419 = tpu.vector_load %arg9[%get3A_417, %get3A_418] {strides = array<i32>} : memref<64x768xf32, #tpu.memory_space<vmem>>, vector<1x16xf32>,
      %get3A_420 = vector.shape_cast %get3A_419 : vector<1x16xf32> to vector<16xf32>
      %add3A_421 = arith.addf %get3A_416, %get3A_420 : vector<16xf32>
      %swap3A_422 = arith.index_cast %scan3A_22 : i32 to index
      %swap3A_423 = arith.constant 448 : index
      %swap3A_424 = tpu.vector_load %arg8[%swap3A_422, %swap3A_423] {strides = array<i32>} : memref<64x768xf32, #tpu.memory_space<vmem>>, vector<1x16xf32>,
      %swap3A_425 = vector.shape_cast %swap3A_424 : vector<1x16xf32> to vector<16xf32>
      %swap3A_426 = vector.shape_cast %add3A_421 : vector<16xf32> to vector<1x16xf32>
      tpu.vector_store %arg8[%swap3A_422, %swap3A_423], %swap3A_426 {strides = array<i32>} : memref<64x768xf32, #tpu.memory_space<vmem>>, vector<1x16xf32>,
      %get3A_427 = arith.index_cast %scan3A_22 : i32 to index
      %get3A_428 = arith.constant 464 : index
      %get3A_429 = tpu.vector_load %arg8[%get3A_427, %get3A_428] {strides = array<i32>} : memref<64x768xf32, #tpu.memory_space<vmem>>, vector<1x16xf32>,
      %get3A_430 = vector.shape_cast %get3A_429 : vector<1x16xf32> to vector<16xf32>
      %get3A_431 = arith.index_cast %scan3A_22 : i32 to index
      %get3A_432 = arith.constant 464 : index
      %get3A_433 = tpu.vector_load %arg9[%get3A_431, %get3A_432] {strides = array<i32>} : memref<64x768xf32, #tpu.memory_space<vmem>>, vector<1x16xf32>,
      %get3A_434 = vector.shape_cast %get3A_433 : vector<1x16xf32> to vector<16xf32>
      %add3A_435 = arith.addf %get3A_430, %get3A_434 : vector<16xf32>
      %swap3A_436 = arith.index_cast %scan3A_22 : i32 to index
      %swap3A_437 = arith.constant 464 : index
      %swap3A_438 = tpu.vector_load %arg8[%swap3A_436, %swap3A_437] {strides = array<i32>} : memref<64x768xf32, #tpu.memory_space<vmem>>, vector<1x16xf32>,
      %swap3A_439 = vector.shape_cast %swap3A_438 : vector<1x16xf32> to vector<16xf32>
      %swap3A_440 = vector.shape_cast %add3A_435 : vector<16xf32> to vector<1x16xf32>
      tpu.vector_store %arg8[%swap3A_436, %swap3A_437], %swap3A_440 {strides = array<i32>} : memref<64x768xf32, #tpu.memory_space<vmem>>, vector<1x16xf32>,
      %get3A_441 = arith.index_cast %scan3A_22 : i32 to index
      %get3A_442 = arith.constant 480 : index
      %get3A_443 = tpu.vector_load %arg8[%get3A_441, %get3A_442] {strides = array<i32>} : memref<64x768xf32, #tpu.memory_space<vmem>>, vector<1x16xf32>,
      %get3A_444 = vector.shape_cast %get3A_443 : vector<1x16xf32> to vector<16xf32>
      %get3A_445 = arith.index_cast %scan3A_22 : i32 to index
      %get3A_446 = arith.constant 480 : index
      %get3A_447 = tpu.vector_load %arg9[%get3A_445, %get3A_446] {strides = array<i32>} : memref<64x768xf32, #tpu.memory_space<vmem>>, vector<1x16xf32>,
      %get3A_448 = vector.shape_cast %get3A_447 : vector<1x16xf32> to vector<16xf32>
      %add3A_449 = arith.addf %get3A_444, %get3A_448 : vector<16xf32>
      %swap3A_450 = arith.index_cast %scan3A_22 : i32 to index
      %swap3A_451 = arith.constant 480 : index
      %swap3A_452 = tpu.vector_load %arg8[%swap3A_450, %swap3A_451] {strides = array<i32>} : memref<64x768xf32, #tpu.memory_space<vmem>>, vector<1x16xf32>,
      %swap3A_453 = vector.shape_cast %swap3A_452 : vector<1x16xf32> to vector<16xf32>
      %swap3A_454 = vector.shape_cast %add3A_449 : vector<16xf32> to vector<1x16xf32>
      tpu.vector_store %arg8[%swap3A_450, %swap3A_451], %swap3A_454 {strides = array<i32>} : memref<64x768xf32, #tpu.memory_space<vmem>>, vector<1x16xf32>,
      %get3A_455 = arith.index_cast %scan3A_22 : i32 to index
      %get3A_456 = arith.constant 496 : index
      %get3A_457 = tpu.vector_load %arg8[%get3A_455, %get3A_456] {strides = array<i32>} : memref<64x768xf32, #tpu.memory_space<vmem>>, vector<1x16xf32>,
      %get3A_458 = vector.shape_cast %get3A_457 : vector<1x16xf32> to vector<16xf32>
      %get3A_459 = arith.index_cast %scan3A_22 : i32 to index
      %get3A_460 = arith.constant 496 : index
      %get3A_461 = tpu.vector_load %arg9[%get3A_459, %get3A_460] {strides = array<i32>} : memref<64x768xf32, #tpu.memory_space<vmem>>, vector<1x16xf32>,
      %get3A_462 = vector.shape_cast %get3A_461 : vector<1x16xf32> to vector<16xf32>
      %add3A_463 = arith.addf %get3A_458, %get3A_462 : vector<16xf32>
      %swap3A_464 = arith.index_cast %scan3A_22 : i32 to index
      %swap3A_465 = arith.constant 496 : index
      %swap3A_466 = tpu.vector_load %arg8[%swap3A_464, %swap3A_465] {strides = array<i32>} : memref<64x768xf32, #tpu.memory_space<vmem>>, vector<1x16xf32>,
      %swap3A_467 = vector.shape_cast %swap3A_466 : vector<1x16xf32> to vector<16xf32>
      %swap3A_468 = vector.shape_cast %add3A_463 : vector<16xf32> to vector<1x16xf32>
      tpu.vector_store %arg8[%swap3A_464, %swap3A_465], %swap3A_468 {strides = array<i32>} : memref<64x768xf32, #tpu.memory_space<vmem>>, vector<1x16xf32>,
      %get3A_469 = arith.index_cast %scan3A_22 : i32 to index
      %get3A_470 = arith.constant 512 : index
      %get3A_471 = tpu.vector_load %arg8[%get3A_469, %get3A_470] {strides = array<i32>} : memref<64x768xf32, #tpu.memory_space<vmem>>, vector<1x16xf32>,
      %get3A_472 = vector.shape_cast %get3A_471 : vector<1x16xf32> to vector<16xf32>
      %get3A_473 = arith.index_cast %scan3A_22 : i32 to index
      %get3A_474 = arith.constant 512 : index
      %get3A_475 = tpu.vector_load %arg9[%get3A_473, %get3A_474] {strides = array<i32>} : memref<64x768xf32, #tpu.memory_space<vmem>>, vector<1x16xf32>,
      %get3A_476 = vector.shape_cast %get3A_475 : vector<1x16xf32> to vector<16xf32>
      %add3A_477 = arith.addf %get3A_472, %get3A_476 : vector<16xf32>
      %swap3A_478 = arith.index_cast %scan3A_22 : i32 to index
      %swap3A_479 = arith.constant 512 : index
      %swap3A_480 = tpu.vector_load %arg8[%swap3A_478, %swap3A_479] {strides = array<i32>} : memref<64x768xf32, #tpu.memory_space<vmem>>, vector<1x16xf32>,
      %swap3A_481 = vector.shape_cast %swap3A_480 : vector<1x16xf32> to vector<16xf32>
      %swap3A_482 = vector.shape_cast %add3A_477 : vector<16xf32> to vector<1x16xf32>
      tpu.vector_store %arg8[%swap3A_478, %swap3A_479], %swap3A_482 {strides = array<i32>} : memref<64x768xf32, #tpu.memory_space<vmem>>, vector<1x16xf32>,
      %get3A_483 = arith.index_cast %scan3A_22 : i32 to index
      %get3A_484 = arith.constant 528 : index
      %get3A_485 = tpu.vector_load %arg8[%get3A_483, %get3A_484] {strides = array<i32>} : memref<64x768xf32, #tpu.memory_space<vmem>>, vector<1x16xf32>,
      %get3A_486 = vector.shape_cast %get3A_485 : vector<1x16xf32> to vector<16xf32>
      %get3A_487 = arith.index_cast %scan3A_22 : i32 to index
      %get3A_488 = arith.constant 528 : index
      %get3A_489 = tpu.vector_load %arg9[%get3A_487, %get3A_488] {strides = array<i32>} : memref<64x768xf32, #tpu.memory_space<vmem>>, vector<1x16xf32>,
      %get3A_490 = vector.shape_cast %get3A_489 : vector<1x16xf32> to vector<16xf32>
      %add3A_491 = arith.addf %get3A_486, %get3A_490 : vector<16xf32>
      %swap3A_492 = arith.index_cast %scan3A_22 : i32 to index
      %swap3A_493 = arith.constant 528 : index
      %swap3A_494 = tpu.vector_load %arg8[%swap3A_492, %swap3A_493] {strides = array<i32>} : memref<64x768xf32, #tpu.memory_space<vmem>>, vector<1x16xf32>,
      %swap3A_495 = vector.shape_cast %swap3A_494 : vector<1x16xf32> to vector<16xf32>
      %swap3A_496 = vector.shape_cast %add3A_491 : vector<16xf32> to vector<1x16xf32>
      tpu.vector_store %arg8[%swap3A_492, %swap3A_493], %swap3A_496 {strides = array<i32>} : memref<64x768xf32, #tpu.memory_space<vmem>>, vector<1x16xf32>,
      %get3A_497 = arith.index_cast %scan3A_22 : i32 to index
      %get3A_498 = arith.constant 544 : index
      %get3A_499 = tpu.vector_load %arg8[%get3A_497, %get3A_498] {strides = array<i32>} : memref<64x768xf32, #tpu.memory_space<vmem>>, vector<1x16xf32>,
      %get3A_500 = vector.shape_cast %get3A_499 : vector<1x16xf32> to vector<16xf32>
      %get3A_501 = arith.index_cast %scan3A_22 : i32 to index
      %get3A_502 = arith.constant 544 : index
      %get3A_503 = tpu.vector_load %arg9[%get3A_501, %get3A_502] {strides = array<i32>} : memref<64x768xf32, #tpu.memory_space<vmem>>, vector<1x16xf32>,
      %get3A_504 = vector.shape_cast %get3A_503 : vector<1x16xf32> to vector<16xf32>
      %add3A_505 = arith.addf %get3A_500, %get3A_504 : vector<16xf32>
      %swap3A_506 = arith.index_cast %scan3A_22 : i32 to index
      %swap3A_507 = arith.constant 544 : index
      %swap3A_508 = tpu.vector_load %arg8[%swap3A_506, %swap3A_507] {strides = array<i32>} : memref<64x768xf32, #tpu.memory_space<vmem>>, vector<1x16xf32>,
      %swap3A_509 = vector.shape_cast %swap3A_508 : vector<1x16xf32> to vector<16xf32>
      %swap3A_510 = vector.shape_cast %add3A_505 : vector<16xf32> to vector<1x16xf32>
      tpu.vector_store %arg8[%swap3A_506, %swap3A_507], %swap3A_510 {strides = array<i32>} : memref<64x768xf32, #tpu.memory_space<vmem>>, vector<1x16xf32>,
      %get3A_511 = arith.index_cast %scan3A_22 : i32 to index
      %get3A_512 = arith.constant 560 : index
      %get3A_513 = tpu.vector_load %arg8[%get3A_511, %get3A_512] {strides = array<i32>} : memref<64x768xf32, #tpu.memory_space<vmem>>, vector<1x16xf32>,
      %get3A_514 = vector.shape_cast %get3A_513 : vector<1x16xf32> to vector<16xf32>
      %get3A_515 = arith.index_cast %scan3A_22 : i32 to index
      %get3A_516 = arith.constant 560 : index
      %get3A_517 = tpu.vector_load %arg9[%get3A_515, %get3A_516] {strides = array<i32>} : memref<64x768xf32, #tpu.memory_space<vmem>>, vector<1x16xf32>,
      %get3A_518 = vector.shape_cast %get3A_517 : vector<1x16xf32> to vector<16xf32>
      %add3A_519 = arith.addf %get3A_514, %get3A_518 : vector<16xf32>
      %swap3A_520 = arith.index_cast %scan3A_22 : i32 to index
      %swap3A_521 = arith.constant 560 : index
      %swap3A_522 = tpu.vector_load %arg8[%swap3A_520, %swap3A_521] {strides = array<i32>} : memref<64x768xf32, #tpu.memory_space<vmem>>, vector<1x16xf32>,
      %swap3A_523 = vector.shape_cast %swap3A_522 : vector<1x16xf32> to vector<16xf32>
      %swap3A_524 = vector.shape_cast %add3A_519 : vector<16xf32> to vector<1x16xf32>
      tpu.vector_store %arg8[%swap3A_520, %swap3A_521], %swap3A_524 {strides = array<i32>} : memref<64x768xf32, #tpu.memory_space<vmem>>, vector<1x16xf32>,
      %get3A_525 = arith.index_cast %scan3A_22 : i32 to index
      %get3A_526 = arith.constant 576 : index
      %get3A_527 = tpu.vector_load %arg8[%get3A_525, %get3A_526] {strides = array<i32>} : memref<64x768xf32, #tpu.memory_space<vmem>>, vector<1x16xf32>,
      %get3A_528 = vector.shape_cast %get3A_527 : vector<1x16xf32> to vector<16xf32>
      %get3A_529 = arith.index_cast %scan3A_22 : i32 to index
      %get3A_530 = arith.constant 576 : index
      %get3A_531 = tpu.vector_load %arg9[%get3A_529, %get3A_530] {strides = array<i32>} : memref<64x768xf32, #tpu.memory_space<vmem>>, vector<1x16xf32>,
      %get3A_532 = vector.shape_cast %get3A_531 : vector<1x16xf32> to vector<16xf32>
      %add3A_533 = arith.addf %get3A_528, %get3A_532 : vector<16xf32>
      %swap3A_534 = arith.index_cast %scan3A_22 : i32 to index
      %swap3A_535 = arith.constant 576 : index
      %swap3A_536 = tpu.vector_load %arg8[%swap3A_534, %swap3A_535] {strides = array<i32>} : memref<64x768xf32, #tpu.memory_space<vmem>>, vector<1x16xf32>,
      %swap3A_537 = vector.shape_cast %swap3A_536 : vector<1x16xf32> to vector<16xf32>
      %swap3A_538 = vector.shape_cast %add3A_533 : vector<16xf32> to vector<1x16xf32>
      tpu.vector_store %arg8[%swap3A_534, %swap3A_535], %swap3A_538 {strides = array<i32>} : memref<64x768xf32, #tpu.memory_space<vmem>>, vector<1x16xf32>,
      %get3A_539 = arith.index_cast %scan3A_22 : i32 to index
      %get3A_540 = arith.constant 592 : index
      %get3A_541 = tpu.vector_load %arg8[%get3A_539, %get3A_540] {strides = array<i32>} : memref<64x768xf32, #tpu.memory_space<vmem>>, vector<1x16xf32>,
      %get3A_542 = vector.shape_cast %get3A_541 : vector<1x16xf32> to vector<16xf32>
      %get3A_543 = arith.index_cast %scan3A_22 : i32 to index
      %get3A_544 = arith.constant 592 : index
      %get3A_545 = tpu.vector_load %arg9[%get3A_543, %get3A_544] {strides = array<i32>} : memref<64x768xf32, #tpu.memory_space<vmem>>, vector<1x16xf32>,
      %get3A_546 = vector.shape_cast %get3A_545 : vector<1x16xf32> to vector<16xf32>
      %add3A_547 = arith.addf %get3A_542, %get3A_546 : vector<16xf32>
      %swap3A_548 = arith.index_cast %scan3A_22 : i32 to index
      %swap3A_549 = arith.constant 592 : index
      %swap3A_550 = tpu.vector_load %arg8[%swap3A_548, %swap3A_549] {strides = array<i32>} : memref<64x768xf32, #tpu.memory_space<vmem>>, vector<1x16xf32>,
      %swap3A_551 = vector.shape_cast %swap3A_550 : vector<1x16xf32> to vector<16xf32>
      %swap3A_552 = vector.shape_cast %add3A_547 : vector<16xf32> to vector<1x16xf32>
      tpu.vector_store %arg8[%swap3A_548, %swap3A_549], %swap3A_552 {strides = array<i32>} : memref<64x768xf32, #tpu.memory_space<vmem>>, vector<1x16xf32>,
      %get3A_553 = arith.index_cast %scan3A_22 : i32 to index
      %get3A_554 = arith.constant 608 : index
      %get3A_555 = tpu.vector_load %arg8[%get3A_553, %get3A_554] {strides = array<i32>} : memref<64x768xf32, #tpu.memory_space<vmem>>, vector<1x16xf32>,
      %get3A_556 = vector.shape_cast %get3A_555 : vector<1x16xf32> to vector<16xf32>
      %get3A_557 = arith.index_cast %scan3A_22 : i32 to index
      %get3A_558 = arith.constant 608 : index
      %get3A_559 = tpu.vector_load %arg9[%get3A_557, %get3A_558] {strides = array<i32>} : memref<64x768xf32, #tpu.memory_space<vmem>>, vector<1x16xf32>,
      %get3A_560 = vector.shape_cast %get3A_559 : vector<1x16xf32> to vector<16xf32>
      %add3A_561 = arith.addf %get3A_556, %get3A_560 : vector<16xf32>
      %swap3A_562 = arith.index_cast %scan3A_22 : i32 to index
      %swap3A_563 = arith.constant 608 : index
      %swap3A_564 = tpu.vector_load %arg8[%swap3A_562, %swap3A_563] {strides = array<i32>} : memref<64x768xf32, #tpu.memory_space<vmem>>, vector<1x16xf32>,
      %swap3A_565 = vector.shape_cast %swap3A_564 : vector<1x16xf32> to vector<16xf32>
      %swap3A_566 = vector.shape_cast %add3A_561 : vector<16xf32> to vector<1x16xf32>
      tpu.vector_store %arg8[%swap3A_562, %swap3A_563], %swap3A_566 {strides = array<i32>} : memref<64x768xf32, #tpu.memory_space<vmem>>, vector<1x16xf32>,
      %get3A_567 = arith.index_cast %scan3A_22 : i32 to index
      %get3A_568 = arith.constant 624 : index
      %get3A_569 = tpu.vector_load %arg8[%get3A_567, %get3A_568] {strides = array<i32>} : memref<64x768xf32, #tpu.memory_space<vmem>>, vector<1x16xf32>,
      %get3A_570 = vector.shape_cast %get3A_569 : vector<1x16xf32> to vector<16xf32>
      %get3A_571 = arith.index_cast %scan3A_22 : i32 to index
      %get3A_572 = arith.constant 624 : index
      %get3A_573 = tpu.vector_load %arg9[%get3A_571, %get3A_572] {strides = array<i32>} : memref<64x768xf32, #tpu.memory_space<vmem>>, vector<1x16xf32>,
      %get3A_574 = vector.shape_cast %get3A_573 : vector<1x16xf32> to vector<16xf32>
      %add3A_575 = arith.addf %get3A_570, %get3A_574 : vector<16xf32>
      %swap3A_576 = arith.index_cast %scan3A_22 : i32 to index
      %swap3A_577 = arith.constant 624 : index
      %swap3A_578 = tpu.vector_load %arg8[%swap3A_576, %swap3A_577] {strides = array<i32>} : memref<64x768xf32, #tpu.memory_space<vmem>>, vector<1x16xf32>,
      %swap3A_579 = vector.shape_cast %swap3A_578 : vector<1x16xf32> to vector<16xf32>
      %swap3A_580 = vector.shape_cast %add3A_575 : vector<16xf32> to vector<1x16xf32>
      tpu.vector_store %arg8[%swap3A_576, %swap3A_577], %swap3A_580 {strides = array<i32>} : memref<64x768xf32, #tpu.memory_space<vmem>>, vector<1x16xf32>,
      %get3A_581 = arith.index_cast %scan3A_22 : i32 to index
      %get3A_582 = arith.constant 640 : index
      %get3A_583 = tpu.vector_load %arg8[%get3A_581, %get3A_582] {strides = array<i32>} : memref<64x768xf32, #tpu.memory_space<vmem>>, vector<1x16xf32>,
      %get3A_584 = vector.shape_cast %get3A_583 : vector<1x16xf32> to vector<16xf32>
      %get3A_585 = arith.index_cast %scan3A_22 : i32 to index
      %get3A_586 = arith.constant 640 : index
      %get3A_587 = tpu.vector_load %arg9[%get3A_585, %get3A_586] {strides = array<i32>} : memref<64x768xf32, #tpu.memory_space<vmem>>, vector<1x16xf32>,
      %get3A_588 = vector.shape_cast %get3A_587 : vector<1x16xf32> to vector<16xf32>
      %add3A_589 = arith.addf %get3A_584, %get3A_588 : vector<16xf32>
      %swap3A_590 = arith.index_cast %scan3A_22 : i32 to index
      %swap3A_591 = arith.constant 640 : index
      %swap3A_592 = tpu.vector_load %arg8[%swap3A_590, %swap3A_591] {strides = array<i32>} : memref<64x768xf32, #tpu.memory_space<vmem>>, vector<1x16xf32>,
      %swap3A_593 = vector.shape_cast %swap3A_592 : vector<1x16xf32> to vector<16xf32>
      %swap3A_594 = vector.shape_cast %add3A_589 : vector<16xf32> to vector<1x16xf32>
      tpu.vector_store %arg8[%swap3A_590, %swap3A_591], %swap3A_594 {strides = array<i32>} : memref<64x768xf32, #tpu.memory_space<vmem>>, vector<1x16xf32>,
      %get3A_595 = arith.index_cast %scan3A_22 : i32 to index
      %get3A_596 = arith.constant 656 : index
      %get3A_597 = tpu.vector_load %arg8[%get3A_595, %get3A_596] {strides = array<i32>} : memref<64x768xf32, #tpu.memory_space<vmem>>, vector<1x16xf32>,
      %get3A_598 = vector.shape_cast %get3A_597 : vector<1x16xf32> to vector<16xf32>
      %get3A_599 = arith.index_cast %scan3A_22 : i32 to index
      %get3A_600 = arith.constant 656 : index
      %get3A_601 = tpu.vector_load %arg9[%get3A_599, %get3A_600] {strides = array<i32>} : memref<64x768xf32, #tpu.memory_space<vmem>>, vector<1x16xf32>,
      %get3A_602 = vector.shape_cast %get3A_601 : vector<1x16xf32> to vector<16xf32>
      %add3A_603 = arith.addf %get3A_598, %get3A_602 : vector<16xf32>
      %swap3A_604 = arith.index_cast %scan3A_22 : i32 to index
      %swap3A_605 = arith.constant 656 : index
      %swap3A_606 = tpu.vector_load %arg8[%swap3A_604, %swap3A_605] {strides = array<i32>} : memref<64x768xf32, #tpu.memory_space<vmem>>, vector<1x16xf32>,
      %swap3A_607 = vector.shape_cast %swap3A_606 : vector<1x16xf32> to vector<16xf32>
      %swap3A_608 = vector.shape_cast %add3A_603 : vector<16xf32> to vector<1x16xf32>
      tpu.vector_store %arg8[%swap3A_604, %swap3A_605], %swap3A_608 {strides = array<i32>} : memref<64x768xf32, #tpu.memory_space<vmem>>, vector<1x16xf32>,
      %get3A_609 = arith.index_cast %scan3A_22 : i32 to index
      %get3A_610 = arith.constant 672 : index
      %get3A_611 = tpu.vector_load %arg8[%get3A_609, %get3A_610] {strides = array<i32>} : memref<64x768xf32, #tpu.memory_space<vmem>>, vector<1x16xf32>,
      %get3A_612 = vector.shape_cast %get3A_611 : vector<1x16xf32> to vector<16xf32>
      %get3A_613 = arith.index_cast %scan3A_22 : i32 to index
      %get3A_614 = arith.constant 672 : index
      %get3A_615 = tpu.vector_load %arg9[%get3A_613, %get3A_614] {strides = array<i32>} : memref<64x768xf32, #tpu.memory_space<vmem>>, vector<1x16xf32>,
      %get3A_616 = vector.shape_cast %get3A_615 : vector<1x16xf32> to vector<16xf32>
      %add3A_617 = arith.addf %get3A_612, %get3A_616 : vector<16xf32>
      %swap3A_618 = arith.index_cast %scan3A_22 : i32 to index
      %swap3A_619 = arith.constant 672 : index
      %swap3A_620 = tpu.vector_load %arg8[%swap3A_618, %swap3A_619] {strides = array<i32>} : memref<64x768xf32, #tpu.memory_space<vmem>>, vector<1x16xf32>,
      %swap3A_621 = vector.shape_cast %swap3A_620 : vector<1x16xf32> to vector<16xf32>
      %swap3A_622 = vector.shape_cast %add3A_617 : vector<16xf32> to vector<1x16xf32>
      tpu.vector_store %arg8[%swap3A_618, %swap3A_619], %swap3A_622 {strides = array<i32>} : memref<64x768xf32, #tpu.memory_space<vmem>>, vector<1x16xf32>,
      %get3A_623 = arith.index_cast %scan3A_22 : i32 to index
      %get3A_624 = arith.constant 688 : index
      %get3A_625 = tpu.vector_load %arg8[%get3A_623, %get3A_624] {strides = array<i32>} : memref<64x768xf32, #tpu.memory_space<vmem>>, vector<1x16xf32>,
      %get3A_626 = vector.shape_cast %get3A_625 : vector<1x16xf32> to vector<16xf32>
      %get3A_627 = arith.index_cast %scan3A_22 : i32 to index
      %get3A_628 = arith.constant 688 : index
      %get3A_629 = tpu.vector_load %arg9[%get3A_627, %get3A_628] {strides = array<i32>} : memref<64x768xf32, #tpu.memory_space<vmem>>, vector<1x16xf32>,
      %get3A_630 = vector.shape_cast %get3A_629 : vector<1x16xf32> to vector<16xf32>
      %add3A_631 = arith.addf %get3A_626, %get3A_630 : vector<16xf32>
      %swap3A_632 = arith.index_cast %scan3A_22 : i32 to index
      %swap3A_633 = arith.constant 688 : index
      %swap3A_634 = tpu.vector_load %arg8[%swap3A_632, %swap3A_633] {strides = array<i32>} : memref<64x768xf32, #tpu.memory_space<vmem>>, vector<1x16xf32>,
      %swap3A_635 = vector.shape_cast %swap3A_634 : vector<1x16xf32> to vector<16xf32>
      %swap3A_636 = vector.shape_cast %add3A_631 : vector<16xf32> to vector<1x16xf32>
      tpu.vector_store %arg8[%swap3A_632, %swap3A_633], %swap3A_636 {strides = array<i32>} : memref<64x768xf32, #tpu.memory_space<vmem>>, vector<1x16xf32>,
      %get3A_637 = arith.index_cast %scan3A_22 : i32 to index
      %get3A_638 = arith.constant 704 : index
      %get3A_639 = tpu.vector_load %arg8[%get3A_637, %get3A_638] {strides = array<i32>} : memref<64x768xf32, #tpu.memory_space<vmem>>, vector<1x16xf32>,
      %get3A_640 = vector.shape_cast %get3A_639 : vector<1x16xf32> to vector<16xf32>
      %get3A_641 = arith.index_cast %scan3A_22 : i32 to index
      %get3A_642 = arith.constant 704 : index
      %get3A_643 = tpu.vector_load %arg9[%get3A_641, %get3A_642] {strides = array<i32>} : memref<64x768xf32, #tpu.memory_space<vmem>>, vector<1x16xf32>,
      %get3A_644 = vector.shape_cast %get3A_643 : vector<1x16xf32> to vector<16xf32>
      %add3A_645 = arith.addf %get3A_640, %get3A_644 : vector<16xf32>
      %swap3A_646 = arith.index_cast %scan3A_22 : i32 to index
      %swap3A_647 = arith.constant 704 : index
      %swap3A_648 = tpu.vector_load %arg8[%swap3A_646, %swap3A_647] {strides = array<i32>} : memref<64x768xf32, #tpu.memory_space<vmem>>, vector<1x16xf32>,
      %swap3A_649 = vector.shape_cast %swap3A_648 : vector<1x16xf32> to vector<16xf32>
      %swap3A_650 = vector.shape_cast %add3A_645 : vector<16xf32> to vector<1x16xf32>
      tpu.vector_store %arg8[%swap3A_646, %swap3A_647], %swap3A_650 {strides = array<i32>} : memref<64x768xf32, #tpu.memory_space<vmem>>, vector<1x16xf32>,
      %get3A_651 = arith.index_cast %scan3A_22 : i32 to index
      %get3A_652 = arith.constant 720 : index
      %get3A_653 = tpu.vector_load %arg8[%get3A_651, %get3A_652] {strides = array<i32>} : memref<64x768xf32, #tpu.memory_space<vmem>>, vector<1x16xf32>,
      %get3A_654 = vector.shape_cast %get3A_653 : vector<1x16xf32> to vector<16xf32>
      %get3A_655 = arith.index_cast %scan3A_22 : i32 to index
      %get3A_656 = arith.constant 720 : index
      %get3A_657 = tpu.vector_load %arg9[%get3A_655, %get3A_656] {strides = array<i32>} : memref<64x768xf32, #tpu.memory_space<vmem>>, vector<1x16xf32>,
      %get3A_658 = vector.shape_cast %get3A_657 : vector<1x16xf32> to vector<16xf32>
      %add3A_659 = arith.addf %get3A_654, %get3A_658 : vector<16xf32>
      %swap3A_660 = arith.index_cast %scan3A_22 : i32 to index
      %swap3A_661 = arith.constant 720 : index
      %swap3A_662 = tpu.vector_load %arg8[%swap3A_660, %swap3A_661] {strides = array<i32>} : memref<64x768xf32, #tpu.memory_space<vmem>>, vector<1x16xf32>,
      %swap3A_663 = vector.shape_cast %swap3A_662 : vector<1x16xf32> to vector<16xf32>
      %swap3A_664 = vector.shape_cast %add3A_659 : vector<16xf32> to vector<1x16xf32>
      tpu.vector_store %arg8[%swap3A_660, %swap3A_661], %swap3A_664 {strides = array<i32>} : memref<64x768xf32, #tpu.memory_space<vmem>>, vector<1x16xf32>,
      %get3A_665 = arith.index_cast %scan3A_22 : i32 to index
      %get3A_666 = arith.constant 736 : index
      %get3A_667 = tpu.vector_load %arg8[%get3A_665, %get3A_666] {strides = array<i32>} : memref<64x768xf32, #tpu.memory_space<vmem>>, vector<1x16xf32>,
      %get3A_668 = vector.shape_cast %get3A_667 : vector<1x16xf32> to vector<16xf32>
      %get3A_669 = arith.index_cast %scan3A_22 : i32 to index
      %get3A_670 = arith.constant 736 : index
      %get3A_671 = tpu.vector_load %arg9[%get3A_669, %get3A_670] {strides = array<i32>} : memref<64x768xf32, #tpu.memory_space<vmem>>, vector<1x16xf32>,
      %get3A_672 = vector.shape_cast %get3A_671 : vector<1x16xf32> to vector<16xf32>
      %add3A_673 = arith.addf %get3A_668, %get3A_672 : vector<16xf32>
      %swap3A_674 = arith.index_cast %scan3A_22 : i32 to index
      %swap3A_675 = arith.constant 736 : index
      %swap3A_676 = tpu.vector_load %arg8[%swap3A_674, %swap3A_675] {strides = array<i32>} : memref<64x768xf32, #tpu.memory_space<vmem>>, vector<1x16xf32>,
      %swap3A_677 = vector.shape_cast %swap3A_676 : vector<1x16xf32> to vector<16xf32>
      %swap3A_678 = vector.shape_cast %add3A_673 : vector<16xf32> to vector<1x16xf32>
      tpu.vector_store %arg8[%swap3A_674, %swap3A_675], %swap3A_678 {strides = array<i32>} : memref<64x768xf32, #tpu.memory_space<vmem>>, vector<1x16xf32>,
      %get3A_679 = arith.index_cast %scan3A_22 : i32 to index
      %get3A_680 = arith.constant 752 : index
      %get3A_681 = tpu.vector_load %arg8[%get3A_679, %get3A_680] {strides = array<i32>} : memref<64x768xf32, #tpu.memory_space<vmem>>, vector<1x16xf32>,
      %get3A_682 = vector.shape_cast %get3A_681 : vector<1x16xf32> to vector<16xf32>
      %get3A_683 = arith.index_cast %scan3A_22 : i32 to index
      %get3A_684 = arith.constant 752 : index
      %get3A_685 = tpu.vector_load %arg9[%get3A_683, %get3A_684] {strides = array<i32>} : memref<64x768xf32, #tpu.memory_space<vmem>>, vector<1x16xf32>,
      %get3A_686 = vector.shape_cast %get3A_685 : vector<1x16xf32> to vector<16xf32>
      %add3A_687 = arith.addf %get3A_682, %get3A_686 : vector<16xf32>
      %swap3A_688 = arith.index_cast %scan3A_22 : i32 to index
      %swap3A_689 = arith.constant 752 : index
      %swap3A_690 = tpu.vector_load %arg8[%swap3A_688, %swap3A_689] {strides = array<i32>} : memref<64x768xf32, #tpu.memory_space<vmem>>, vector<1x16xf32>,
      %swap3A_691 = vector.shape_cast %swap3A_690 : vector<1x16xf32> to vector<16xf32>
      %swap3A_692 = vector.shape_cast %add3A_687 : vector<16xf32> to vector<1x16xf32>
      tpu.vector_store %arg8[%swap3A_688, %swap3A_689], %swap3A_692 {strides = array<i32>} : memref<64x768xf32, #tpu.memory_space<vmem>>, vector<1x16xf32>,
    }
    %scan3A_19 = arith.constant 64 : i32
    %mul3A_20 = arith.constant 64 : i32
    %mul3A_21 = arith.muli %add3A, %mul3A_20 : i32
    "tpu.region"() ({
      %run_scoped3A = tpu.sem_alloc : memref<!tpu.dma_semaphore, #tpu.memory_space<semaphore_mem>>
      %dma_start3A_22 = arith.constant 0 : i32
      %dma_start3A_23 = tpu.memref_slice %arg5[%mul3A_21, %dma_start3A_22] : memref<2048x768xf32, #tpu.memory_space<hbm>> -> memref<64x768xf32, #tpu.memory_space<hbm>>
      %dma_start3A_24 = arith.constant 0 : i32
      %dma_start3A_25 = tpu.memref_slice %arg5[%mul3A_21, %dma_start3A_24] : memref<2048x768xf32, #tpu.memory_space<hbm>> -> memref<64x768xf32, #tpu.memory_space<hbm>>
      tpu.enqueue_dma source(%arg8 : memref<64x768xf32, #tpu.memory_space<vmem>>) target(%dma_start3A_25 : memref<64x768xf32, #tpu.memory_space<hbm>>) target_semaphore(%run_scoped3A : memref<!tpu.dma_semaphore, #tpu.memory_space<semaphore_mem>>)
      %dma_wait3A_26 = arith.constant 0 : i32
      %dma_wait3A_27 = tpu.memref_slice %arg5[%mul3A_21, %dma_wait3A_26] : memref<2048x768xf32, #tpu.memory_space<hbm>> -> memref<64x768xf32, #tpu.memory_space<hbm>>
      %dma_wait3A_28 = arith.constant 0 : i32
      %dma_wait3A_29 = tpu.memref_slice %arg5[%mul3A_21, %dma_wait3A_28] : memref<2048x768xf32, #tpu.memory_space<hbm>> -> memref<64x768xf32, #tpu.memory_space<hbm>>
      tpu.wait_dma2 semaphore(%run_scoped3A : memref<!tpu.dma_semaphore, #tpu.memory_space<semaphore_mem>>) src(%arg8 : memref<64x768xf32, #tpu.memory_space<vmem>>) dst(%dma_wait3A_29 : memref<64x768xf32, #tpu.memory_space<hbm>>)
      tpu.yield
    }) : () -> ()
    return
  }
}

module attributes {stable_mosaic.version = 14 : i64} {
  func.func @_dispatch_body(%arg0: i32, %arg1: memref<2048x768xf32, #tpu.memory_space<vmem>>, %arg2: memref<8x768xf32, #tpu.memory_space<vmem>>, %arg3: memref<8x8x768xf32, #tpu.memory_space<vmem>>, %arg4: memref<2048x2xf32, #tpu.memory_space<vmem>>, %arg5: memref<4096x128xf32, #tpu.memory_space<vmem>>, %arg6: memref<4096x1xi32, #tpu.memory_space<vmem>>, %arg7: memref<8x128xi32, #tpu.memory_space<vmem>>, %arg8: memref<40x1xi32, #tpu.memory_space<vmem>>) attributes {dimension_semantics = [#tpu.dimension_semantics<arbitrary>], iteration_bounds = array<i64: 1>, scalar_prefetch = 0 : i64, scratch_operands = 0 : i64, tpu.core_type = #tpu.core_type<tc>, window_params = [{pipeline_mode = #tpu.pipeline_mode<synchronous>, transform_indices = @transform_0, window_bounds = array<i64: 2048, 768>}, {pipeline_mode = #tpu.pipeline_mode<synchronous>, transform_indices = @transform_1, window_bounds = array<i64: 8, 768>}, {pipeline_mode = #tpu.pipeline_mode<synchronous>, transform_indices = @transform_2, window_bounds = array<i64: 8, 8, 768>}, {pipeline_mode = #tpu.pipeline_mode<synchronous>, transform_indices = @transform_3, window_bounds = array<i64: 2048, 2>}, {pipeline_mode = #tpu.pipeline_mode<synchronous>, transform_indices = @transform_4, window_bounds = array<i64: 4096, 128>}, {pipeline_mode = #tpu.pipeline_mode<synchronous>, transform_indices = @transform_5, window_bounds = array<i64: 4096, 1>}, {pipeline_mode = #tpu.pipeline_mode<synchronous>, transform_indices = @transform_6, window_bounds = array<i64: 8, 128>}, {pipeline_mode = #tpu.pipeline_mode<synchronous>, transform_indices = @transform_7, window_bounds = array<i64: 40, 1>}]} {
    %get3A = arith.constant 0 : index
    %get3A_0 = arith.constant 0 : index
    %get3A_1 = vector.load %arg1[%get3A, %get3A_0] : memref<2048x768xf32, #tpu.memory_space<vmem>>, vector<2048x768xf32>
    %get3A_2 = arith.constant 0 : index
    %get3A_3 = arith.constant 0 : index
    %get3A_4 = vector.load %arg2[%get3A_2, %get3A_3] : memref<8x768xf32, #tpu.memory_space<vmem>>, vector<8x768xf32>
    %dot_general3A = arith.constant dense<0.000000e+00> : vector<8x2048xf32>
    %dot_general3A_5 = tpu.matmul %get3A_4, %get3A_1, %dot_general3A {dimension_numbers = #tpu.dot_dimension_numbers<[1], [1], [0], [0], [0, 0, 1, 0], [], []>, transpose_lhs_hint = false} : vector<8x768xf32>, vector<2048x768xf32>, vector<8x2048xf32> -> vector<8x2048xf32>
    %iota3A = tpu.iota {dimensions = array<i32: 0>} : vector<8x2048xi32>
    %reduce_max3A = arith.constant dense<0xFF800000> : vector<2048xf32>
    %reduce_max3A_6 = vector.multi_reduction <maximumf>, %dot_general3A_5, %reduce_max3A [0] : vector<8x2048xf32> to vector<2048xf32>
    %broadcast_in_dim3A = vector.shape_cast %reduce_max3A_6 : vector<2048xf32> to vector<1x2048xf32>
    %eq3A = vector.broadcast %broadcast_in_dim3A : vector<1x2048xf32> to vector<8x2048xf32>
    %eq3A_7 = arith.cmpf oeq, %dot_general3A_5, %eq3A : vector<8x2048xf32>
    %jit3A = arith.constant 8 : i32
    %broadcast_in_dim3A_8 = vector.broadcast %jit3A : i32 to vector<8x2048xi32>
    %select_n3A = arith.select %eq3A_7, %iota3A, %broadcast_in_dim3A_8 : vector<8x2048xi1>, vector<8x2048xi32>
    %reduce_min3A = arith.constant dense<2147483647> : vector<2048xi32>
    %reduce_min3A_9 = vector.multi_reduction <minsi>, %select_n3A, %reduce_min3A [0] : vector<8x2048xi32> to vector<2048xi32>
    %broadcast_in_dim3A_10 = vector.shape_cast %reduce_min3A_9 : vector<2048xi32> to vector<1x2048xi32>
    %eq3A_11 = vector.broadcast %broadcast_in_dim3A_10 : vector<1x2048xi32> to vector<8x2048xi32>
    %eq3A_12 = arith.cmpi eq, %iota3A, %eq3A_11 : vector<8x2048xi32>
    %jit3A_13 = arith.constant 0xFF800000 : f32
    %broadcast_in_dim3A_14 = vector.broadcast %jit3A_13 : f32 to vector<8x2048xf32>
    %select_n3A_15 = arith.select %eq3A_12, %broadcast_in_dim3A_14, %dot_general3A_5 : vector<8x2048xi1>, vector<8x2048xf32>
    %reduce_max3A_16 = arith.constant dense<0xFF800000> : vector<2048xf32>
    %reduce_max3A_17 = vector.multi_reduction <maximumf>, %select_n3A_15, %reduce_max3A_16 [0] : vector<8x2048xf32> to vector<2048xf32>
    %broadcast_in_dim3A_18 = vector.shape_cast %reduce_max3A_17 : vector<2048xf32> to vector<1x2048xf32>
    %eq3A_19 = vector.broadcast %broadcast_in_dim3A_18 : vector<1x2048xf32> to vector<8x2048xf32>
    %eq3A_20 = arith.cmpf oeq, %select_n3A_15, %eq3A_19 : vector<8x2048xf32>
    %jit3A_21 = arith.constant 8 : i32
    %broadcast_in_dim3A_22 = vector.broadcast %jit3A_21 : i32 to vector<8x2048xi32>
    %select_n3A_23 = arith.select %eq3A_20, %iota3A, %broadcast_in_dim3A_22 : vector<8x2048xi1>, vector<8x2048xi32>
    %reduce_min3A_24 = arith.constant dense<2147483647> : vector<2048xi32>
    %reduce_min3A_25 = vector.multi_reduction <minsi>, %select_n3A_23, %reduce_min3A_24 [0] : vector<8x2048xi32> to vector<2048xi32>
    %broadcast_in_dim3A_26 = vector.shape_cast %reduce_min3A_25 : vector<2048xi32> to vector<1x2048xi32>
    %sub3A = arith.subf %broadcast_in_dim3A_18, %broadcast_in_dim3A : vector<1x2048xf32>
    %exp3A = math.exp %sub3A : vector<1x2048xf32>
    %add3A = arith.constant 1.000000e+00 : f32
    %add3A_27 = vector.broadcast %add3A : f32 to vector<1x2048xf32>
    %add3A_28 = arith.addf %add3A_27, %exp3A : vector<1x2048xf32>
    %div3A = arith.constant 1.000000e+00 : f32
    %div3A_29 = vector.broadcast %div3A : f32 to vector<1x2048xf32>
    %div3A_30 = arith.divf %div3A_29, %add3A_28 : vector<1x2048xf32>
    %mul3A = arith.mulf %exp3A, %div3A_30 : vector<1x2048xf32>
    %concatenate3A = tpu.concatenate %broadcast_in_dim3A, %broadcast_in_dim3A_18 in 0 : vector<1x2048xf32>, vector<1x2048xf32> -> vector<2x2048xf32>
    %transpose3A = tpu.transpose %concatenate3A, [1, 0] : vector<2x2048xf32> -> vector<2048x2xf32>
    %swap3A = arith.constant 0 : index
    %swap3A_31 = arith.constant 0 : index
    %swap3A_32 = vector.load %arg4[%swap3A, %swap3A_31] : memref<2048x2xf32, #tpu.memory_space<vmem>>, vector<2048x2xf32>
    tpu.vector_store %arg4[%swap3A, %swap3A_31], %transpose3A {strides = array<i32>} : memref<2048x2xf32, #tpu.memory_space<vmem>>, vector<2048x2xf32>,
    %get3A_33 = arith.constant 0 : index
    %get3A_34 = arith.constant 0 : index
    %get3A_35 = arith.constant 0 : index
    %get3A_36 = vector.load %arg3[%get3A_33, %get3A_34, %get3A_35] : memref<8x8x768xf32, #tpu.memory_space<vmem>>, vector<8x8x768xf32>
    %reshape3A = vector.shape_cast %get3A_36 : vector<8x8x768xf32> to vector<64x768xf32>
    %dot_general3A_37 = arith.constant dense<0.000000e+00> : vector<64x2048xf32>
    %dot_general3A_38 = tpu.matmul %reshape3A, %get3A_1, %dot_general3A_37 {dimension_numbers = #tpu.dot_dimension_numbers<[1], [1], [0], [0], [0, 0, 1, 0], [], []>, transpose_lhs_hint = false} : vector<64x768xf32>, vector<2048x768xf32>, vector<64x2048xf32> -> vector<64x2048xf32>
    %gt3A = arith.constant 0.000000e+00 : f32
    %gt3A_39 = vector.broadcast %gt3A : f32 to vector<64x2048xf32>
    %gt3A_40 = arith.cmpf ogt, %dot_general3A_38, %gt3A_39 : vector<64x2048xf32>
    %convert_element_type3A = arith.extui %gt3A_40 : vector<64x2048xi1> to vector<64x2048xi32>
    %convert_element_type3A_41 = arith.sitofp %convert_element_type3A : vector<64x2048xi32> to vector<64x2048xf32>
    %eq3A_42 = vector.broadcast %broadcast_in_dim3A_10 : vector<1x2048xi32> to vector<8x2048xi32>
    %eq3A_43 = arith.cmpi eq, %iota3A, %eq3A_42 : vector<8x2048xi32>
    %convert_element_type3A_44 = arith.extui %eq3A_43 : vector<8x2048xi1> to vector<8x2048xi32>
    %convert_element_type3A_45 = arith.sitofp %convert_element_type3A_44 : vector<8x2048xi32> to vector<8x2048xf32>
    %eq3A_46 = vector.broadcast %broadcast_in_dim3A_26 : vector<1x2048xi32> to vector<8x2048xi32>
    %eq3A_47 = arith.cmpi eq, %iota3A, %eq3A_46 : vector<8x2048xi32>
    %convert_element_type3A_48 = arith.extui %eq3A_47 : vector<8x2048xi1> to vector<8x2048xi32>
    %convert_element_type3A_49 = arith.sitofp %convert_element_type3A_48 : vector<8x2048xi32> to vector<8x2048xf32>
    %concatenate3A_50 = tpu.concatenate %convert_element_type3A_45, %convert_element_type3A_49 in 1 : vector<8x2048xf32>, vector<8x2048xf32> -> vector<8x4096xf32>
    %reduce_sum3A = arith.constant dense<0.000000e+00> : vector<8xf32>
    %reduce_sum3A_51 = vector.multi_reduction <add>, %concatenate3A_50, %reduce_sum3A [1] : vector<8x4096xf32> to vector<8xf32>
    %broadcast_in_dim3A_52 = vector.shape_cast %reduce_sum3A_51 : vector<8xf32> to vector<8x1xf32>
    %transpose3A_53 = tpu.transpose %concatenate3A_50, [1, 0] : vector<8x4096xf32> -> vector<4096x8xf32>
    %iota3A_54 = tpu.iota {dimensions = array<i32: 0>} : vector<256x256xi32>
    %iota3A_55 = tpu.iota {dimensions = array<i32: 1>} : vector<256x256xi32>
    %le3A = arith.cmpi sle, %iota3A_55, %iota3A_54 : vector<256x256xi32>
    %convert_element_type3A_56 = arith.extui %le3A : vector<256x256xi1> to vector<256x256xi32>
    %convert_element_type3A_57 = arith.sitofp %convert_element_type3A_56 : vector<256x256xi32> to vector<256x256xf32>
    %broadcast_in_dim3A_58 = arith.constant 0.000000e+00 : f32
    %broadcast_in_dim3A_59 = vector.broadcast %broadcast_in_dim3A_58 : f32 to vector<1x8xf32>
    %slice3A = vector.extract_strided_slice %transpose3A_53 {offsets = [0, 0], sizes = [256, 8], strides = [1, 1]} : vector<4096x8xf32> to vector<256x8xf32>
    %dot_general3A_60 = arith.constant dense<0.000000e+00> : vector<256x8xf32>
    %dot_general3A_61 = tpu.matmul %convert_element_type3A_57, %slice3A, %dot_general3A_60 {dimension_numbers = #tpu.dot_dimension_numbers<[1], [0], [0], [1], [0, 0, 1, 1], [], []>, transpose_lhs_hint = false} : vector<256x256xf32>, vector<256x8xf32>, vector<256x8xf32> -> vector<256x8xf32>
    %sub3A_62 = arith.subf %dot_general3A_61, %slice3A : vector<256x8xf32>
    %add3A_63 = vector.broadcast %broadcast_in_dim3A_59 : vector<1x8xf32> to vector<256x8xf32>
    %add3A_64 = arith.addf %sub3A_62, %add3A_63 : vector<256x8xf32>
    %slice3A_65 = vector.extract_strided_slice %dot_general3A_61 {offsets = [255, 0], sizes = [1, 8], strides = [1, 1]} : vector<256x8xf32> to vector<1x8xf32>
    %add3A_66 = arith.addf %broadcast_in_dim3A_59, %slice3A_65 : vector<1x8xf32>
    %slice3A_67 = vector.extract_strided_slice %transpose3A_53 {offsets = [256, 0], sizes = [256, 8], strides = [1, 1]} : vector<4096x8xf32> to vector<256x8xf32>
    %dot_general3A_68 = arith.constant dense<0.000000e+00> : vector<256x8xf32>
    %dot_general3A_69 = tpu.matmul %convert_element_type3A_57, %slice3A_67, %dot_general3A_68 {dimension_numbers = #tpu.dot_dimension_numbers<[1], [0], [0], [1], [0, 0, 1, 1], [], []>, transpose_lhs_hint = false} : vector<256x256xf32>, vector<256x8xf32>, vector<256x8xf32> -> vector<256x8xf32>
    %sub3A_70 = arith.subf %dot_general3A_69, %slice3A_67 : vector<256x8xf32>
    %add3A_71 = vector.broadcast %add3A_66 : vector<1x8xf32> to vector<256x8xf32>
    %add3A_72 = arith.addf %sub3A_70, %add3A_71 : vector<256x8xf32>
    %slice3A_73 = vector.extract_strided_slice %dot_general3A_69 {offsets = [255, 0], sizes = [1, 8], strides = [1, 1]} : vector<256x8xf32> to vector<1x8xf32>
    %add3A_74 = arith.addf %add3A_66, %slice3A_73 : vector<1x8xf32>
    %slice3A_75 = vector.extract_strided_slice %transpose3A_53 {offsets = [512, 0], sizes = [256, 8], strides = [1, 1]} : vector<4096x8xf32> to vector<256x8xf32>
    %dot_general3A_76 = arith.constant dense<0.000000e+00> : vector<256x8xf32>
    %dot_general3A_77 = tpu.matmul %convert_element_type3A_57, %slice3A_75, %dot_general3A_76 {dimension_numbers = #tpu.dot_dimension_numbers<[1], [0], [0], [1], [0, 0, 1, 1], [], []>, transpose_lhs_hint = false} : vector<256x256xf32>, vector<256x8xf32>, vector<256x8xf32> -> vector<256x8xf32>
    %sub3A_78 = arith.subf %dot_general3A_77, %slice3A_75 : vector<256x8xf32>
    %add3A_79 = vector.broadcast %add3A_74 : vector<1x8xf32> to vector<256x8xf32>
    %add3A_80 = arith.addf %sub3A_78, %add3A_79 : vector<256x8xf32>
    %slice3A_81 = vector.extract_strided_slice %dot_general3A_77 {offsets = [255, 0], sizes = [1, 8], strides = [1, 1]} : vector<256x8xf32> to vector<1x8xf32>
    %add3A_82 = arith.addf %add3A_74, %slice3A_81 : vector<1x8xf32>
    %slice3A_83 = vector.extract_strided_slice %transpose3A_53 {offsets = [768, 0], sizes = [256, 8], strides = [1, 1]} : vector<4096x8xf32> to vector<256x8xf32>
    %dot_general3A_84 = arith.constant dense<0.000000e+00> : vector<256x8xf32>
    %dot_general3A_85 = tpu.matmul %convert_element_type3A_57, %slice3A_83, %dot_general3A_84 {dimension_numbers = #tpu.dot_dimension_numbers<[1], [0], [0], [1], [0, 0, 1, 1], [], []>, transpose_lhs_hint = false} : vector<256x256xf32>, vector<256x8xf32>, vector<256x8xf32> -> vector<256x8xf32>
    %sub3A_86 = arith.subf %dot_general3A_85, %slice3A_83 : vector<256x8xf32>
    %add3A_87 = vector.broadcast %add3A_82 : vector<1x8xf32> to vector<256x8xf32>
    %add3A_88 = arith.addf %sub3A_86, %add3A_87 : vector<256x8xf32>
    %slice3A_89 = vector.extract_strided_slice %dot_general3A_85 {offsets = [255, 0], sizes = [1, 8], strides = [1, 1]} : vector<256x8xf32> to vector<1x8xf32>
    %add3A_90 = arith.addf %add3A_82, %slice3A_89 : vector<1x8xf32>
    %slice3A_91 = vector.extract_strided_slice %transpose3A_53 {offsets = [1024, 0], sizes = [256, 8], strides = [1, 1]} : vector<4096x8xf32> to vector<256x8xf32>
    %dot_general3A_92 = arith.constant dense<0.000000e+00> : vector<256x8xf32>
    %dot_general3A_93 = tpu.matmul %convert_element_type3A_57, %slice3A_91, %dot_general3A_92 {dimension_numbers = #tpu.dot_dimension_numbers<[1], [0], [0], [1], [0, 0, 1, 1], [], []>, transpose_lhs_hint = false} : vector<256x256xf32>, vector<256x8xf32>, vector<256x8xf32> -> vector<256x8xf32>
    %sub3A_94 = arith.subf %dot_general3A_93, %slice3A_91 : vector<256x8xf32>
    %add3A_95 = vector.broadcast %add3A_90 : vector<1x8xf32> to vector<256x8xf32>
    %add3A_96 = arith.addf %sub3A_94, %add3A_95 : vector<256x8xf32>
    %slice3A_97 = vector.extract_strided_slice %dot_general3A_93 {offsets = [255, 0], sizes = [1, 8], strides = [1, 1]} : vector<256x8xf32> to vector<1x8xf32>
    %add3A_98 = arith.addf %add3A_90, %slice3A_97 : vector<1x8xf32>
    %slice3A_99 = vector.extract_strided_slice %transpose3A_53 {offsets = [1280, 0], sizes = [256, 8], strides = [1, 1]} : vector<4096x8xf32> to vector<256x8xf32>
    %dot_general3A_100 = arith.constant dense<0.000000e+00> : vector<256x8xf32>
    %dot_general3A_101 = tpu.matmul %convert_element_type3A_57, %slice3A_99, %dot_general3A_100 {dimension_numbers = #tpu.dot_dimension_numbers<[1], [0], [0], [1], [0, 0, 1, 1], [], []>, transpose_lhs_hint = false} : vector<256x256xf32>, vector<256x8xf32>, vector<256x8xf32> -> vector<256x8xf32>
    %sub3A_102 = arith.subf %dot_general3A_101, %slice3A_99 : vector<256x8xf32>
    %add3A_103 = vector.broadcast %add3A_98 : vector<1x8xf32> to vector<256x8xf32>
    %add3A_104 = arith.addf %sub3A_102, %add3A_103 : vector<256x8xf32>
    %slice3A_105 = vector.extract_strided_slice %dot_general3A_101 {offsets = [255, 0], sizes = [1, 8], strides = [1, 1]} : vector<256x8xf32> to vector<1x8xf32>
    %add3A_106 = arith.addf %add3A_98, %slice3A_105 : vector<1x8xf32>
    %slice3A_107 = vector.extract_strided_slice %transpose3A_53 {offsets = [1536, 0], sizes = [256, 8], strides = [1, 1]} : vector<4096x8xf32> to vector<256x8xf32>
    %dot_general3A_108 = arith.constant dense<0.000000e+00> : vector<256x8xf32>
    %dot_general3A_109 = tpu.matmul %convert_element_type3A_57, %slice3A_107, %dot_general3A_108 {dimension_numbers = #tpu.dot_dimension_numbers<[1], [0], [0], [1], [0, 0, 1, 1], [], []>, transpose_lhs_hint = false} : vector<256x256xf32>, vector<256x8xf32>, vector<256x8xf32> -> vector<256x8xf32>
    %sub3A_110 = arith.subf %dot_general3A_109, %slice3A_107 : vector<256x8xf32>
    %add3A_111 = vector.broadcast %add3A_106 : vector<1x8xf32> to vector<256x8xf32>
    %add3A_112 = arith.addf %sub3A_110, %add3A_111 : vector<256x8xf32>
    %slice3A_113 = vector.extract_strided_slice %dot_general3A_109 {offsets = [255, 0], sizes = [1, 8], strides = [1, 1]} : vector<256x8xf32> to vector<1x8xf32>
    %add3A_114 = arith.addf %add3A_106, %slice3A_113 : vector<1x8xf32>
    %slice3A_115 = vector.extract_strided_slice %transpose3A_53 {offsets = [1792, 0], sizes = [256, 8], strides = [1, 1]} : vector<4096x8xf32> to vector<256x8xf32>
    %dot_general3A_116 = arith.constant dense<0.000000e+00> : vector<256x8xf32>
    %dot_general3A_117 = tpu.matmul %convert_element_type3A_57, %slice3A_115, %dot_general3A_116 {dimension_numbers = #tpu.dot_dimension_numbers<[1], [0], [0], [1], [0, 0, 1, 1], [], []>, transpose_lhs_hint = false} : vector<256x256xf32>, vector<256x8xf32>, vector<256x8xf32> -> vector<256x8xf32>
    %sub3A_118 = arith.subf %dot_general3A_117, %slice3A_115 : vector<256x8xf32>
    %add3A_119 = vector.broadcast %add3A_114 : vector<1x8xf32> to vector<256x8xf32>
    %add3A_120 = arith.addf %sub3A_118, %add3A_119 : vector<256x8xf32>
    %slice3A_121 = vector.extract_strided_slice %dot_general3A_117 {offsets = [255, 0], sizes = [1, 8], strides = [1, 1]} : vector<256x8xf32> to vector<1x8xf32>
    %add3A_122 = arith.addf %add3A_114, %slice3A_121 : vector<1x8xf32>
    %slice3A_123 = vector.extract_strided_slice %transpose3A_53 {offsets = [2048, 0], sizes = [256, 8], strides = [1, 1]} : vector<4096x8xf32> to vector<256x8xf32>
    %dot_general3A_124 = arith.constant dense<0.000000e+00> : vector<256x8xf32>
    %dot_general3A_125 = tpu.matmul %convert_element_type3A_57, %slice3A_123, %dot_general3A_124 {dimension_numbers = #tpu.dot_dimension_numbers<[1], [0], [0], [1], [0, 0, 1, 1], [], []>, transpose_lhs_hint = false} : vector<256x256xf32>, vector<256x8xf32>, vector<256x8xf32> -> vector<256x8xf32>
    %sub3A_126 = arith.subf %dot_general3A_125, %slice3A_123 : vector<256x8xf32>
    %add3A_127 = vector.broadcast %add3A_122 : vector<1x8xf32> to vector<256x8xf32>
    %add3A_128 = arith.addf %sub3A_126, %add3A_127 : vector<256x8xf32>
    %slice3A_129 = vector.extract_strided_slice %dot_general3A_125 {offsets = [255, 0], sizes = [1, 8], strides = [1, 1]} : vector<256x8xf32> to vector<1x8xf32>
    %add3A_130 = arith.addf %add3A_122, %slice3A_129 : vector<1x8xf32>
    %slice3A_131 = vector.extract_strided_slice %transpose3A_53 {offsets = [2304, 0], sizes = [256, 8], strides = [1, 1]} : vector<4096x8xf32> to vector<256x8xf32>
    %dot_general3A_132 = arith.constant dense<0.000000e+00> : vector<256x8xf32>
    %dot_general3A_133 = tpu.matmul %convert_element_type3A_57, %slice3A_131, %dot_general3A_132 {dimension_numbers = #tpu.dot_dimension_numbers<[1], [0], [0], [1], [0, 0, 1, 1], [], []>, transpose_lhs_hint = false} : vector<256x256xf32>, vector<256x8xf32>, vector<256x8xf32> -> vector<256x8xf32>
    %sub3A_134 = arith.subf %dot_general3A_133, %slice3A_131 : vector<256x8xf32>
    %add3A_135 = vector.broadcast %add3A_130 : vector<1x8xf32> to vector<256x8xf32>
    %add3A_136 = arith.addf %sub3A_134, %add3A_135 : vector<256x8xf32>
    %slice3A_137 = vector.extract_strided_slice %dot_general3A_133 {offsets = [255, 0], sizes = [1, 8], strides = [1, 1]} : vector<256x8xf32> to vector<1x8xf32>
    %add3A_138 = arith.addf %add3A_130, %slice3A_137 : vector<1x8xf32>
    %slice3A_139 = vector.extract_strided_slice %transpose3A_53 {offsets = [2560, 0], sizes = [256, 8], strides = [1, 1]} : vector<4096x8xf32> to vector<256x8xf32>
    %dot_general3A_140 = arith.constant dense<0.000000e+00> : vector<256x8xf32>
    %dot_general3A_141 = tpu.matmul %convert_element_type3A_57, %slice3A_139, %dot_general3A_140 {dimension_numbers = #tpu.dot_dimension_numbers<[1], [0], [0], [1], [0, 0, 1, 1], [], []>, transpose_lhs_hint = false} : vector<256x256xf32>, vector<256x8xf32>, vector<256x8xf32> -> vector<256x8xf32>
    %sub3A_142 = arith.subf %dot_general3A_141, %slice3A_139 : vector<256x8xf32>
    %add3A_143 = vector.broadcast %add3A_138 : vector<1x8xf32> to vector<256x8xf32>
    %add3A_144 = arith.addf %sub3A_142, %add3A_143 : vector<256x8xf32>
    %slice3A_145 = vector.extract_strided_slice %dot_general3A_141 {offsets = [255, 0], sizes = [1, 8], strides = [1, 1]} : vector<256x8xf32> to vector<1x8xf32>
    %add3A_146 = arith.addf %add3A_138, %slice3A_145 : vector<1x8xf32>
    %slice3A_147 = vector.extract_strided_slice %transpose3A_53 {offsets = [2816, 0], sizes = [256, 8], strides = [1, 1]} : vector<4096x8xf32> to vector<256x8xf32>
    %dot_general3A_148 = arith.constant dense<0.000000e+00> : vector<256x8xf32>
    %dot_general3A_149 = tpu.matmul %convert_element_type3A_57, %slice3A_147, %dot_general3A_148 {dimension_numbers = #tpu.dot_dimension_numbers<[1], [0], [0], [1], [0, 0, 1, 1], [], []>, transpose_lhs_hint = false} : vector<256x256xf32>, vector<256x8xf32>, vector<256x8xf32> -> vector<256x8xf32>
    %sub3A_150 = arith.subf %dot_general3A_149, %slice3A_147 : vector<256x8xf32>
    %add3A_151 = vector.broadcast %add3A_146 : vector<1x8xf32> to vector<256x8xf32>
    %add3A_152 = arith.addf %sub3A_150, %add3A_151 : vector<256x8xf32>
    %slice3A_153 = vector.extract_strided_slice %dot_general3A_149 {offsets = [255, 0], sizes = [1, 8], strides = [1, 1]} : vector<256x8xf32> to vector<1x8xf32>
    %add3A_154 = arith.addf %add3A_146, %slice3A_153 : vector<1x8xf32>
    %slice3A_155 = vector.extract_strided_slice %transpose3A_53 {offsets = [3072, 0], sizes = [256, 8], strides = [1, 1]} : vector<4096x8xf32> to vector<256x8xf32>
    %dot_general3A_156 = arith.constant dense<0.000000e+00> : vector<256x8xf32>
    %dot_general3A_157 = tpu.matmul %convert_element_type3A_57, %slice3A_155, %dot_general3A_156 {dimension_numbers = #tpu.dot_dimension_numbers<[1], [0], [0], [1], [0, 0, 1, 1], [], []>, transpose_lhs_hint = false} : vector<256x256xf32>, vector<256x8xf32>, vector<256x8xf32> -> vector<256x8xf32>
    %sub3A_158 = arith.subf %dot_general3A_157, %slice3A_155 : vector<256x8xf32>
    %add3A_159 = vector.broadcast %add3A_154 : vector<1x8xf32> to vector<256x8xf32>
    %add3A_160 = arith.addf %sub3A_158, %add3A_159 : vector<256x8xf32>
    %slice3A_161 = vector.extract_strided_slice %dot_general3A_157 {offsets = [255, 0], sizes = [1, 8], strides = [1, 1]} : vector<256x8xf32> to vector<1x8xf32>
    %add3A_162 = arith.addf %add3A_154, %slice3A_161 : vector<1x8xf32>
    %slice3A_163 = vector.extract_strided_slice %transpose3A_53 {offsets = [3328, 0], sizes = [256, 8], strides = [1, 1]} : vector<4096x8xf32> to vector<256x8xf32>
    %dot_general3A_164 = arith.constant dense<0.000000e+00> : vector<256x8xf32>
    %dot_general3A_165 = tpu.matmul %convert_element_type3A_57, %slice3A_163, %dot_general3A_164 {dimension_numbers = #tpu.dot_dimension_numbers<[1], [0], [0], [1], [0, 0, 1, 1], [], []>, transpose_lhs_hint = false} : vector<256x256xf32>, vector<256x8xf32>, vector<256x8xf32> -> vector<256x8xf32>
    %sub3A_166 = arith.subf %dot_general3A_165, %slice3A_163 : vector<256x8xf32>
    %add3A_167 = vector.broadcast %add3A_162 : vector<1x8xf32> to vector<256x8xf32>
    %add3A_168 = arith.addf %sub3A_166, %add3A_167 : vector<256x8xf32>
    %slice3A_169 = vector.extract_strided_slice %dot_general3A_165 {offsets = [255, 0], sizes = [1, 8], strides = [1, 1]} : vector<256x8xf32> to vector<1x8xf32>
    %add3A_170 = arith.addf %add3A_162, %slice3A_169 : vector<1x8xf32>
    %slice3A_171 = vector.extract_strided_slice %transpose3A_53 {offsets = [3584, 0], sizes = [256, 8], strides = [1, 1]} : vector<4096x8xf32> to vector<256x8xf32>
    %dot_general3A_172 = arith.constant dense<0.000000e+00> : vector<256x8xf32>
    %dot_general3A_173 = tpu.matmul %convert_element_type3A_57, %slice3A_171, %dot_general3A_172 {dimension_numbers = #tpu.dot_dimension_numbers<[1], [0], [0], [1], [0, 0, 1, 1], [], []>, transpose_lhs_hint = false} : vector<256x256xf32>, vector<256x8xf32>, vector<256x8xf32> -> vector<256x8xf32>
    %sub3A_174 = arith.subf %dot_general3A_173, %slice3A_171 : vector<256x8xf32>
    %add3A_175 = vector.broadcast %add3A_170 : vector<1x8xf32> to vector<256x8xf32>
    %add3A_176 = arith.addf %sub3A_174, %add3A_175 : vector<256x8xf32>
    %slice3A_177 = vector.extract_strided_slice %dot_general3A_173 {offsets = [255, 0], sizes = [1, 8], strides = [1, 1]} : vector<256x8xf32> to vector<1x8xf32>
    %add3A_178 = arith.addf %add3A_170, %slice3A_177 : vector<1x8xf32>
    %slice3A_179 = vector.extract_strided_slice %transpose3A_53 {offsets = [3840, 0], sizes = [256, 8], strides = [1, 1]} : vector<4096x8xf32> to vector<256x8xf32>
    %dot_general3A_180 = arith.constant dense<0.000000e+00> : vector<256x8xf32>
    %dot_general3A_181 = tpu.matmul %convert_element_type3A_57, %slice3A_179, %dot_general3A_180 {dimension_numbers = #tpu.dot_dimension_numbers<[1], [0], [0], [1], [0, 0, 1, 1], [], []>, transpose_lhs_hint = false} : vector<256x256xf32>, vector<256x8xf32>, vector<256x8xf32> -> vector<256x8xf32>
    %sub3A_182 = arith.subf %dot_general3A_181, %slice3A_179 : vector<256x8xf32>
    %add3A_183 = vector.broadcast %add3A_178 : vector<1x8xf32> to vector<256x8xf32>
    %add3A_184 = arith.addf %sub3A_182, %add3A_183 : vector<256x8xf32>
    %concatenate3A_185 = tpu.concatenate %add3A_64, %add3A_72, %add3A_80, %add3A_88, %add3A_96, %add3A_104, %add3A_112, %add3A_120, %add3A_128, %add3A_136, %add3A_144, %add3A_152, %add3A_160, %add3A_168, %add3A_176, %add3A_184 in 0 : vector<256x8xf32>, vector<256x8xf32>, vector<256x8xf32>, vector<256x8xf32>, vector<256x8xf32>, vector<256x8xf32>, vector<256x8xf32>, vector<256x8xf32>, vector<256x8xf32>, vector<256x8xf32>, vector<256x8xf32>, vector<256x8xf32>, vector<256x8xf32>, vector<256x8xf32>, vector<256x8xf32>, vector<256x8xf32> -> vector<4096x8xf32>
    %add3A_186 = arith.constant 1.270000e+02 : f32
    %add3A_187 = vector.broadcast %add3A_186 : f32 to vector<8x1xf32>
    %add3A_188 = arith.addf %broadcast_in_dim3A_52, %add3A_187 : vector<8x1xf32>
    %div3A_189 = arith.constant 1.280000e+02 : f32
    %div3A_190 = vector.broadcast %div3A_189 : f32 to vector<8x1xf32>
    %div3A_191 = arith.divf %add3A_188, %div3A_190 : vector<8x1xf32>
    %floor3A = math.floor %div3A_191 : vector<8x1xf32>
    %mul3A_192 = arith.constant 1.280000e+02 : f32
    %mul3A_193 = vector.broadcast %mul3A_192 : f32 to vector<8x1xf32>
    %mul3A_194 = arith.mulf %floor3A, %mul3A_193 : vector<8x1xf32>
    %iota3A_195 = tpu.iota {dimensions = array<i32: 1>} : vector<8x8xi32>
    %iota3A_196 = tpu.iota {dimensions = array<i32: 0>} : vector<8x8xi32>
    %lt3A = arith.cmpi slt, %iota3A_195, %iota3A_196 : vector<8x8xi32>
    %convert_element_type3A_197 = arith.extui %lt3A : vector<8x8xi1> to vector<8x8xi32>
    %convert_element_type3A_198 = arith.sitofp %convert_element_type3A_197 : vector<8x8xi32> to vector<8x8xf32>
    %dot_general3A_199 = arith.constant dense<0.000000e+00> : vector<8x1xf32>
    %dot_general3A_200 = tpu.matmul %convert_element_type3A_198, %mul3A_194, %dot_general3A_199 {dimension_numbers = #tpu.dot_dimension_numbers<[1], [0], [0], [1], [0, 0, 1, 1], [], []>, transpose_lhs_hint = false} : vector<8x8xf32>, vector<8x1xf32>, vector<8x1xf32> -> vector<8x1xf32>
    %transpose3A_201 = tpu.transpose %dot_general3A_200, [1, 0] : vector<8x1xf32> -> vector<1x8xf32>
    %mul3A_202 = arith.mulf %concatenate3A_185, %transpose3A_53 : vector<4096x8xf32>
    %reduce_sum3A_203 = arith.constant dense<0.000000e+00> : vector<4096xf32>
    %reduce_sum3A_204 = vector.multi_reduction <add>, %mul3A_202, %reduce_sum3A_203 [1] : vector<4096x8xf32> to vector<4096xf32>
    %broadcast_in_dim3A_205 = vector.shape_cast %reduce_sum3A_204 : vector<4096xf32> to vector<4096x1xf32>
    %mul3A_206 = vector.broadcast %transpose3A_201 : vector<1x8xf32> to vector<4096x8xf32>
    %mul3A_207 = arith.mulf %transpose3A_53, %mul3A_206 : vector<4096x8xf32>
    %reduce_sum3A_208 = arith.constant dense<0.000000e+00> : vector<4096xf32>
    %reduce_sum3A_209 = vector.multi_reduction <add>, %mul3A_207, %reduce_sum3A_208 [1] : vector<4096x8xf32> to vector<4096xf32>
    %broadcast_in_dim3A_210 = vector.shape_cast %reduce_sum3A_209 : vector<4096xf32> to vector<4096x1xf32>
    %add3A_211 = arith.addf %broadcast_in_dim3A_210, %broadcast_in_dim3A_205 : vector<4096x1xf32>
    %convert_element_type3A_212 = arith.fptosi %add3A_211 : vector<4096x1xf32> to vector<4096x1xi32>
    %swap3A_213 = arith.constant 0 : index
    %swap3A_214 = arith.constant 0 : index
    %swap3A_215 = vector.load %arg6[%swap3A_213, %swap3A_214] : memref<4096x1xi32, #tpu.memory_space<vmem>>, vector<4096x1xi32>
    tpu.vector_store %arg6[%swap3A_213, %swap3A_214], %convert_element_type3A_212 {strides = array<i32>} : memref<4096x1xi32, #tpu.memory_space<vmem>>, vector<4096x1xi32>,
    %iota3A_216 = tpu.iota {dimensions = array<i32: 1>} : vector<8x128xi32>
    %convert_element_type3A_217 = arith.sitofp %iota3A_216 : vector<8x128xi32> to vector<8x128xf32>
    %iota3A_218 = tpu.iota {dimensions = array<i32: 0>} : vector<8x128xi32>
    %convert_element_type3A_219 = arith.sitofp %iota3A_218 : vector<8x128xi32> to vector<8x128xf32>
    %sub3A_220 = arith.subf %mul3A_194, %broadcast_in_dim3A_52 : vector<8x1xf32>
    %lt3A_221 = vector.broadcast %sub3A_220 : vector<8x1xf32> to vector<8x128xf32>
    %lt3A_222 = arith.cmpf olt, %convert_element_type3A_217, %lt3A_221 : vector<8x128xf32>
    %add3A_223 = arith.addf %dot_general3A_200, %broadcast_in_dim3A_52 : vector<8x1xf32>
    %add3A_224 = vector.broadcast %add3A_223 : vector<8x1xf32> to vector<8x128xf32>
    %add3A_225 = arith.addf %add3A_224, %convert_element_type3A_217 : vector<8x128xf32>
    %mul3A_226 = arith.constant 1.280000e+02 : f32
    %mul3A_227 = vector.broadcast %mul3A_226 : f32 to vector<8x128xf32>
    %mul3A_228 = arith.mulf %convert_element_type3A_219, %mul3A_227 : vector<8x128xf32>
    %add3A_229 = arith.constant 5.120000e+03 : f32
    %add3A_230 = vector.broadcast %add3A_229 : f32 to vector<8x128xf32>
    %add3A_231 = arith.addf %add3A_230, %mul3A_228 : vector<8x128xf32>
    %add3A_232 = arith.addf %add3A_231, %convert_element_type3A_217 : vector<8x128xf32>
    %select_n3A_233 = arith.select %lt3A_222, %add3A_225, %add3A_232 : vector<8x128xi1>, vector<8x128xf32>
    %convert_element_type3A_234 = arith.fptosi %select_n3A_233 : vector<8x128xf32> to vector<8x128xi32>
    %swap3A_235 = arith.constant 0 : index
    %swap3A_236 = arith.constant 0 : index
    %swap3A_237 = vector.load %arg7[%swap3A_235, %swap3A_236] : memref<8x128xi32, #tpu.memory_space<vmem>>, vector<8x128xi32>
    tpu.vector_store %arg7[%swap3A_235, %swap3A_236], %convert_element_type3A_234 {strides = array<i32>} : memref<8x128xi32, #tpu.memory_space<vmem>>, vector<8x128xi32>,
    %iota3A_238 = tpu.iota {dimensions = array<i32: 0>} : vector<40x8xi32>
    %mul3A_239 = arith.constant 128 : i32
    %mul3A_240 = vector.broadcast %mul3A_239 : i32 to vector<40x8xi32>
    %mul3A_241 = arith.muli %iota3A_238, %mul3A_240 : vector<40x8xi32>
    %convert_element_type3A_242 = arith.sitofp %mul3A_241 : vector<40x8xi32> to vector<40x8xf32>
    %ge3A = vector.broadcast %transpose3A_201 : vector<1x8xf32> to vector<40x8xf32>
    %ge3A_243 = arith.cmpf oge, %convert_element_type3A_242, %ge3A : vector<40x8xf32>
    %convert_element_type3A_244 = arith.extui %ge3A_243 : vector<40x8xi1> to vector<40x8xi32>
    %reduce_sum3A_245 = arith.constant dense<0> : vector<40xi32>
    %reduce_sum3A_246 = vector.multi_reduction <add>, %convert_element_type3A_244, %reduce_sum3A_245 [1] : vector<40x8xi32> to vector<40xi32>
    %broadcast_in_dim3A_247 = vector.shape_cast %reduce_sum3A_246 : vector<40xi32> to vector<40x1xi32>
    %sub3A_248 = arith.constant 1 : i32
    %sub3A_249 = vector.broadcast %sub3A_248 : i32 to vector<40x1xi32>
    %sub3A_250 = arith.subi %broadcast_in_dim3A_247, %sub3A_249 : vector<40x1xi32>
    %swap3A_251 = arith.constant 0 : index
    %swap3A_252 = arith.constant 0 : index
    %swap3A_253 = vector.load %arg8[%swap3A_251, %swap3A_252] : memref<40x1xi32, #tpu.memory_space<vmem>>, vector<40x1xi32>
    tpu.vector_store %arg8[%swap3A_251, %swap3A_252], %sub3A_250 {strides = array<i32>} : memref<40x1xi32, #tpu.memory_space<vmem>>, vector<40x1xi32>,
    %iota3A_254 = tpu.iota {dimensions = array<i32: 1>} : vector<1x2048xi32>
    %convert_element_type3A_255 = arith.sitofp %iota3A_254 : vector<1x2048xi32> to vector<1x2048xf32>
    %concatenate3A_256 = tpu.concatenate %convert_element_type3A_255, %convert_element_type3A_255 in 1 : vector<1x2048xf32>, vector<1x2048xf32> -> vector<1x4096xf32>
    %concatenate3A_257 = tpu.concatenate %div3A_30, %mul3A in 1 : vector<1x2048xf32>, vector<1x2048xf32> -> vector<1x4096xf32>
    %broadcast_in_dim3A_258 = arith.constant 0.000000e+00 : f32
    %broadcast_in_dim3A_259 = vector.broadcast %broadcast_in_dim3A_258 : f32 to vector<8x2048xf32>
    %slice3A_260 = vector.extract_strided_slice %convert_element_type3A_41 {offsets = [0, 0], sizes = [8, 2048], strides = [1, 1]} : vector<64x2048xf32> to vector<8x2048xf32>
    %slice3A_261 = vector.extract_strided_slice %convert_element_type3A_45 {offsets = [0, 0], sizes = [1, 2048], strides = [1, 1]} : vector<8x2048xf32> to vector<1x2048xf32>
    %mul3A_262 = vector.broadcast %slice3A_261 : vector<1x2048xf32> to vector<8x2048xf32>
    %mul3A_263 = arith.mulf %slice3A_260, %mul3A_262 : vector<8x2048xf32>
    %add3A_264 = arith.addf %broadcast_in_dim3A_259, %mul3A_263 : vector<8x2048xf32>
    %slice3A_265 = vector.extract_strided_slice %convert_element_type3A_41 {offsets = [8, 0], sizes = [8, 2048], strides = [1, 1]} : vector<64x2048xf32> to vector<8x2048xf32>
    %slice3A_266 = vector.extract_strided_slice %convert_element_type3A_45 {offsets = [1, 0], sizes = [1, 2048], strides = [1, 1]} : vector<8x2048xf32> to vector<1x2048xf32>
    %mul3A_267 = vector.broadcast %slice3A_266 : vector<1x2048xf32> to vector<8x2048xf32>
    %mul3A_268 = arith.mulf %slice3A_265, %mul3A_267 : vector<8x2048xf32>
    %add3A_269 = arith.addf %add3A_264, %mul3A_268 : vector<8x2048xf32>
    %slice3A_270 = vector.extract_strided_slice %convert_element_type3A_41 {offsets = [16, 0], sizes = [8, 2048], strides = [1, 1]} : vector<64x2048xf32> to vector<8x2048xf32>
    %slice3A_271 = vector.extract_strided_slice %convert_element_type3A_45 {offsets = [2, 0], sizes = [1, 2048], strides = [1, 1]} : vector<8x2048xf32> to vector<1x2048xf32>
    %mul3A_272 = vector.broadcast %slice3A_271 : vector<1x2048xf32> to vector<8x2048xf32>
    %mul3A_273 = arith.mulf %slice3A_270, %mul3A_272 : vector<8x2048xf32>
    %add3A_274 = arith.addf %add3A_269, %mul3A_273 : vector<8x2048xf32>
    %slice3A_275 = vector.extract_strided_slice %convert_element_type3A_41 {offsets = [24, 0], sizes = [8, 2048], strides = [1, 1]} : vector<64x2048xf32> to vector<8x2048xf32>
    %slice3A_276 = vector.extract_strided_slice %convert_element_type3A_45 {offsets = [3, 0], sizes = [1, 2048], strides = [1, 1]} : vector<8x2048xf32> to vector<1x2048xf32>
    %mul3A_277 = vector.broadcast %slice3A_276 : vector<1x2048xf32> to vector<8x2048xf32>
    %mul3A_278 = arith.mulf %slice3A_275, %mul3A_277 : vector<8x2048xf32>
    %add3A_279 = arith.addf %add3A_274, %mul3A_278 : vector<8x2048xf32>
    %slice3A_280 = vector.extract_strided_slice %convert_element_type3A_41 {offsets = [32, 0], sizes = [8, 2048], strides = [1, 1]} : vector<64x2048xf32> to vector<8x2048xf32>
    %slice3A_281 = vector.extract_strided_slice %convert_element_type3A_45 {offsets = [4, 0], sizes = [1, 2048], strides = [1, 1]} : vector<8x2048xf32> to vector<1x2048xf32>
    %mul3A_282 = vector.broadcast %slice3A_281 : vector<1x2048xf32> to vector<8x2048xf32>
    %mul3A_283 = arith.mulf %slice3A_280, %mul3A_282 : vector<8x2048xf32>
    %add3A_284 = arith.addf %add3A_279, %mul3A_283 : vector<8x2048xf32>
    %slice3A_285 = vector.extract_strided_slice %convert_element_type3A_41 {offsets = [40, 0], sizes = [8, 2048], strides = [1, 1]} : vector<64x2048xf32> to vector<8x2048xf32>
    %slice3A_286 = vector.extract_strided_slice %convert_element_type3A_45 {offsets = [5, 0], sizes = [1, 2048], strides = [1, 1]} : vector<8x2048xf32> to vector<1x2048xf32>
    %mul3A_287 = vector.broadcast %slice3A_286 : vector<1x2048xf32> to vector<8x2048xf32>
    %mul3A_288 = arith.mulf %slice3A_285, %mul3A_287 : vector<8x2048xf32>
    %add3A_289 = arith.addf %add3A_284, %mul3A_288 : vector<8x2048xf32>
    %slice3A_290 = vector.extract_strided_slice %convert_element_type3A_41 {offsets = [48, 0], sizes = [8, 2048], strides = [1, 1]} : vector<64x2048xf32> to vector<8x2048xf32>
    %slice3A_291 = vector.extract_strided_slice %convert_element_type3A_45 {offsets = [6, 0], sizes = [1, 2048], strides = [1, 1]} : vector<8x2048xf32> to vector<1x2048xf32>
    %mul3A_292 = vector.broadcast %slice3A_291 : vector<1x2048xf32> to vector<8x2048xf32>
    %mul3A_293 = arith.mulf %slice3A_290, %mul3A_292 : vector<8x2048xf32>
    %add3A_294 = arith.addf %add3A_289, %mul3A_293 : vector<8x2048xf32>
    %slice3A_295 = vector.extract_strided_slice %convert_element_type3A_41 {offsets = [56, 0], sizes = [8, 2048], strides = [1, 1]} : vector<64x2048xf32> to vector<8x2048xf32>
    %slice3A_296 = vector.extract_strided_slice %convert_element_type3A_45 {offsets = [7, 0], sizes = [1, 2048], strides = [1, 1]} : vector<8x2048xf32> to vector<1x2048xf32>
    %mul3A_297 = vector.broadcast %slice3A_296 : vector<1x2048xf32> to vector<8x2048xf32>
    %mul3A_298 = arith.mulf %slice3A_295, %mul3A_297 : vector<8x2048xf32>
    %add3A_299 = arith.addf %add3A_294, %mul3A_298 : vector<8x2048xf32>
    %broadcast_in_dim3A_300 = arith.constant 0.000000e+00 : f32
    %broadcast_in_dim3A_301 = vector.broadcast %broadcast_in_dim3A_300 : f32 to vector<8x2048xf32>
    %slice3A_302 = vector.extract_strided_slice %convert_element_type3A_41 {offsets = [0, 0], sizes = [8, 2048], strides = [1, 1]} : vector<64x2048xf32> to vector<8x2048xf32>
    %slice3A_303 = vector.extract_strided_slice %convert_element_type3A_49 {offsets = [0, 0], sizes = [1, 2048], strides = [1, 1]} : vector<8x2048xf32> to vector<1x2048xf32>
    %mul3A_304 = vector.broadcast %slice3A_303 : vector<1x2048xf32> to vector<8x2048xf32>
    %mul3A_305 = arith.mulf %slice3A_302, %mul3A_304 : vector<8x2048xf32>
    %add3A_306 = arith.addf %broadcast_in_dim3A_301, %mul3A_305 : vector<8x2048xf32>
    %slice3A_307 = vector.extract_strided_slice %convert_element_type3A_41 {offsets = [8, 0], sizes = [8, 2048], strides = [1, 1]} : vector<64x2048xf32> to vector<8x2048xf32>
    %slice3A_308 = vector.extract_strided_slice %convert_element_type3A_49 {offsets = [1, 0], sizes = [1, 2048], strides = [1, 1]} : vector<8x2048xf32> to vector<1x2048xf32>
    %mul3A_309 = vector.broadcast %slice3A_308 : vector<1x2048xf32> to vector<8x2048xf32>
    %mul3A_310 = arith.mulf %slice3A_307, %mul3A_309 : vector<8x2048xf32>
    %add3A_311 = arith.addf %add3A_306, %mul3A_310 : vector<8x2048xf32>
    %slice3A_312 = vector.extract_strided_slice %convert_element_type3A_41 {offsets = [16, 0], sizes = [8, 2048], strides = [1, 1]} : vector<64x2048xf32> to vector<8x2048xf32>
    %slice3A_313 = vector.extract_strided_slice %convert_element_type3A_49 {offsets = [2, 0], sizes = [1, 2048], strides = [1, 1]} : vector<8x2048xf32> to vector<1x2048xf32>
    %mul3A_314 = vector.broadcast %slice3A_313 : vector<1x2048xf32> to vector<8x2048xf32>
    %mul3A_315 = arith.mulf %slice3A_312, %mul3A_314 : vector<8x2048xf32>
    %add3A_316 = arith.addf %add3A_311, %mul3A_315 : vector<8x2048xf32>
    %slice3A_317 = vector.extract_strided_slice %convert_element_type3A_41 {offsets = [24, 0], sizes = [8, 2048], strides = [1, 1]} : vector<64x2048xf32> to vector<8x2048xf32>
    %slice3A_318 = vector.extract_strided_slice %convert_element_type3A_49 {offsets = [3, 0], sizes = [1, 2048], strides = [1, 1]} : vector<8x2048xf32> to vector<1x2048xf32>
    %mul3A_319 = vector.broadcast %slice3A_318 : vector<1x2048xf32> to vector<8x2048xf32>
    %mul3A_320 = arith.mulf %slice3A_317, %mul3A_319 : vector<8x2048xf32>
    %add3A_321 = arith.addf %add3A_316, %mul3A_320 : vector<8x2048xf32>
    %slice3A_322 = vector.extract_strided_slice %convert_element_type3A_41 {offsets = [32, 0], sizes = [8, 2048], strides = [1, 1]} : vector<64x2048xf32> to vector<8x2048xf32>
    %slice3A_323 = vector.extract_strided_slice %convert_element_type3A_49 {offsets = [4, 0], sizes = [1, 2048], strides = [1, 1]} : vector<8x2048xf32> to vector<1x2048xf32>
    %mul3A_324 = vector.broadcast %slice3A_323 : vector<1x2048xf32> to vector<8x2048xf32>
    %mul3A_325 = arith.mulf %slice3A_322, %mul3A_324 : vector<8x2048xf32>
    %add3A_326 = arith.addf %add3A_321, %mul3A_325 : vector<8x2048xf32>
    %slice3A_327 = vector.extract_strided_slice %convert_element_type3A_41 {offsets = [40, 0], sizes = [8, 2048], strides = [1, 1]} : vector<64x2048xf32> to vector<8x2048xf32>
    %slice3A_328 = vector.extract_strided_slice %convert_element_type3A_49 {offsets = [5, 0], sizes = [1, 2048], strides = [1, 1]} : vector<8x2048xf32> to vector<1x2048xf32>
    %mul3A_329 = vector.broadcast %slice3A_328 : vector<1x2048xf32> to vector<8x2048xf32>
    %mul3A_330 = arith.mulf %slice3A_327, %mul3A_329 : vector<8x2048xf32>
    %add3A_331 = arith.addf %add3A_326, %mul3A_330 : vector<8x2048xf32>
    %slice3A_332 = vector.extract_strided_slice %convert_element_type3A_41 {offsets = [48, 0], sizes = [8, 2048], strides = [1, 1]} : vector<64x2048xf32> to vector<8x2048xf32>
    %slice3A_333 = vector.extract_strided_slice %convert_element_type3A_49 {offsets = [6, 0], sizes = [1, 2048], strides = [1, 1]} : vector<8x2048xf32> to vector<1x2048xf32>
    %mul3A_334 = vector.broadcast %slice3A_333 : vector<1x2048xf32> to vector<8x2048xf32>
    %mul3A_335 = arith.mulf %slice3A_332, %mul3A_334 : vector<8x2048xf32>
    %add3A_336 = arith.addf %add3A_331, %mul3A_335 : vector<8x2048xf32>
    %slice3A_337 = vector.extract_strided_slice %convert_element_type3A_41 {offsets = [56, 0], sizes = [8, 2048], strides = [1, 1]} : vector<64x2048xf32> to vector<8x2048xf32>
    %slice3A_338 = vector.extract_strided_slice %convert_element_type3A_49 {offsets = [7, 0], sizes = [1, 2048], strides = [1, 1]} : vector<8x2048xf32> to vector<1x2048xf32>
    %mul3A_339 = vector.broadcast %slice3A_338 : vector<1x2048xf32> to vector<8x2048xf32>
    %mul3A_340 = arith.mulf %slice3A_337, %mul3A_339 : vector<8x2048xf32>
    %add3A_341 = arith.addf %add3A_336, %mul3A_340 : vector<8x2048xf32>
    %concatenate3A_342 = tpu.concatenate %add3A_299, %add3A_341 in 1 : vector<8x2048xf32>, vector<8x2048xf32> -> vector<8x4096xf32>
    %broadcast_in_dim3A_343 = arith.constant 0.000000e+00 : f32
    %broadcast_in_dim3A_344 = vector.broadcast %broadcast_in_dim3A_343 : f32 to vector<118x4096xf32>
    %concatenate3A_345 = tpu.concatenate %concatenate3A_256, %concatenate3A_257, %concatenate3A_342, %broadcast_in_dim3A_344 in 0 : vector<1x4096xf32>, vector<1x4096xf32>, vector<8x4096xf32>, vector<118x4096xf32> -> vector<128x4096xf32>
    %transpose3A_346 = tpu.transpose %concatenate3A_345, [1, 0] : vector<128x4096xf32> -> vector<4096x128xf32>
    %swap3A_347 = arith.constant 0 : index
    %swap3A_348 = arith.constant 0 : index
    %swap3A_349 = vector.load %arg5[%swap3A_347, %swap3A_348] : memref<4096x128xf32, #tpu.memory_space<vmem>>, vector<4096x128xf32>
    tpu.vector_store %arg5[%swap3A_347, %swap3A_348], %transpose3A_346 {strides = array<i32>} : memref<4096x128xf32, #tpu.memory_space<vmem>>, vector<4096x128xf32>,
    return
  }
  func.func @transform_0(%arg0: i32) -> (i32, i32) {
    %c0_i32 = arith.constant 0 : i32
    %c0_i32_0 = arith.constant 0 : i32
    %c0_i32_1 = arith.constant 0 : i32
    return %c0_i32, %c0_i32_0 : i32, i32
  }
  func.func @transform_1(%arg0: i32) -> (i32, i32) {
    %c0_i32 = arith.constant 0 : i32
    %c0_i32_0 = arith.constant 0 : i32
    %c0_i32_1 = arith.constant 0 : i32
    return %c0_i32, %c0_i32_0 : i32, i32
  }
  func.func @transform_2(%arg0: i32) -> (i32, i32, i32) {
    %c0_i32 = arith.constant 0 : i32
    %c0_i32_0 = arith.constant 0 : i32
    %c0_i32_1 = arith.constant 0 : i32
    %c0_i32_2 = arith.constant 0 : i32
    return %c0_i32, %c0_i32_0, %c0_i32_1 : i32, i32, i32
  }
  func.func @transform_3(%arg0: i32) -> (i32, i32) {
    %c0_i32 = arith.constant 0 : i32
    %c0_i32_0 = arith.constant 0 : i32
    %c0_i32_1 = arith.constant 0 : i32
    return %c0_i32, %c0_i32_0 : i32, i32
  }
  func.func @transform_4(%arg0: i32) -> (i32, i32) {
    %c0_i32 = arith.constant 0 : i32
    %c0_i32_0 = arith.constant 0 : i32
    %c0_i32_1 = arith.constant 0 : i32
    return %c0_i32, %c0_i32_0 : i32, i32
  }
  func.func @transform_5(%arg0: i32) -> (i32, i32) {
    %c0_i32 = arith.constant 0 : i32
    %c0_i32_0 = arith.constant 0 : i32
    %c0_i32_1 = arith.constant 0 : i32
    return %c0_i32, %c0_i32_0 : i32, i32
  }
  func.func @transform_6(%arg0: i32) -> (i32, i32) {
    %c0_i32 = arith.constant 0 : i32
    %c0_i32_0 = arith.constant 0 : i32
    %c0_i32_1 = arith.constant 0 : i32
    return %c0_i32, %c0_i32_0 : i32, i32
  }
  func.func @transform_7(%arg0: i32) -> (i32, i32) {
    %c0_i32 = arith.constant 0 : i32
    %c0_i32_0 = arith.constant 0 : i32
    %c0_i32_1 = arith.constant 0 : i32
    return %c0_i32, %c0_i32_0 : i32, i32
  }
}

module attributes {stable_mosaic.version = 14 : i64} {
  func.func @_ffn_body(%arg0: i32, %arg1: memref<40xi32, #tpu.memory_space<smem>>, %arg2: memref<128x768xf32, #tpu.memory_space<vmem>>, %arg3: memref<128x128xf32, #tpu.memory_space<vmem>>, %arg4: memref<1x768x768xf32, #tpu.memory_space<vmem>>, %arg5: memref<1x768x768xf32, #tpu.memory_space<vmem>>, %arg6: memref<1x768x768xf32, #tpu.memory_space<vmem>>, %arg7: memref<128x768xf32, #tpu.memory_space<vmem>>) attributes {dimension_semantics = [#tpu.dimension_semantics<arbitrary>], iteration_bounds = array<i64: 40>, scalar_prefetch = 1 : i64, scratch_operands = 0 : i64, tpu.core_type = #tpu.core_type<tc>, window_params = [{transform_indices = @transform_0, window_bounds = array<i64: 128, 768>}, {transform_indices = @transform_1, window_bounds = array<i64: 128, 128>}, {transform_indices = @transform_2, window_bounds = array<i64: 1, 768, 768>}, {transform_indices = @transform_3, window_bounds = array<i64: 1, 768, 768>}, {transform_indices = @transform_4, window_bounds = array<i64: 1, 768, 768>}, {transform_indices = @transform_5, window_bounds = array<i64: 128, 768>}]} {
    %get3A = arith.constant 0 : index
    %get3A_0 = arith.constant 0 : index
    %get3A_1 = vector.load %arg2[%get3A, %get3A_0] : memref<128x768xf32, #tpu.memory_space<vmem>>, vector<128x768xf32>
    %convert_element_type3A = arith.truncf %get3A_1 : vector<128x768xf32> to vector<128x768xbf16>
    %get3A_2 = arith.constant 0 : index
    %get3A_3 = arith.constant 0 : index
    %get3A_4 = arith.constant 0 : index
    %get3A_5 = vector.load %arg4[%get3A_2, %get3A_3, %get3A_4] : memref<1x768x768xf32, #tpu.memory_space<vmem>>, vector<1x768x768xf32>
    %get3A_6 = vector.shape_cast %get3A_5 : vector<1x768x768xf32> to vector<768x768xf32>
    %convert_element_type3A_7 = arith.truncf %get3A_6 : vector<768x768xf32> to vector<768x768xbf16>
    %get3A_8 = arith.constant 0 : index
    %get3A_9 = arith.constant 0 : index
    %get3A_10 = arith.constant 0 : index
    %get3A_11 = vector.load %arg5[%get3A_8, %get3A_9, %get3A_10] : memref<1x768x768xf32, #tpu.memory_space<vmem>>, vector<1x768x768xf32>
    %get3A_12 = vector.shape_cast %get3A_11 : vector<1x768x768xf32> to vector<768x768xf32>
    %convert_element_type3A_13 = arith.truncf %get3A_12 : vector<768x768xf32> to vector<768x768xbf16>
    %get3A_14 = arith.constant 0 : index
    %get3A_15 = arith.constant 0 : index
    %get3A_16 = arith.constant 0 : index
    %get3A_17 = vector.load %arg6[%get3A_14, %get3A_15, %get3A_16] : memref<1x768x768xf32, #tpu.memory_space<vmem>>, vector<1x768x768xf32>
    %get3A_18 = vector.shape_cast %get3A_17 : vector<1x768x768xf32> to vector<768x768xf32>
    %convert_element_type3A_19 = arith.truncf %get3A_18 : vector<768x768xf32> to vector<768x768xbf16>
    %get3A_20 = arith.constant 0 : index
    %get3A_21 = arith.constant 0 : index
    %get3A_22 = vector.load %arg3[%get3A_20, %get3A_21] : memref<128x128xf32, #tpu.memory_space<vmem>>, vector<128x128xf32>
    %slice3A = vector.extract_strided_slice %get3A_22 {offsets = [0, 1], sizes = [128, 1], strides = [1, 1]} : vector<128x128xf32> to vector<128x1xf32>
    %slice3A_23 = vector.extract_strided_slice %get3A_22 {offsets = [0, 2], sizes = [128, 8], strides = [1, 1]} : vector<128x128xf32> to vector<128x8xf32>
    %mul3A = vector.broadcast %slice3A : vector<128x1xf32> to vector<128x8xf32>
    %mul3A_24 = arith.mulf %slice3A_23, %mul3A : vector<128x8xf32>
    %iota3A = tpu.iota {dimensions = array<i32: 0>} : vector<8x768xi32>
    %iota3A_25 = tpu.iota {dimensions = array<i32: 1>} : vector<8x768xi32>
    %jit3A = arith.constant 96 : i32
    %div3A = vector.broadcast %jit3A : i32 to vector<8x768xi32>
    %div3A_26 = arith.divsi %iota3A_25, %div3A : vector<8x768xi32>
    %sign3A = arith.constant 0 : i32
    %sign3A_27 = vector.broadcast %sign3A : i32 to vector<8x768xi32>
    %sign3A_28 = arith.cmpi sgt, %iota3A_25, %sign3A_27 : vector<8x768xi32>
    %sign3A_29 = arith.extui %sign3A_28 : vector<8x768xi1> to vector<8x768xi32>
    %sign3A_30 = arith.constant 0 : i32
    %sign3A_31 = vector.broadcast %sign3A_30 : i32 to vector<8x768xi32>
    %sign3A_32 = arith.cmpi slt, %iota3A_25, %sign3A_31 : vector<8x768xi32>
    %sign3A_33 = arith.extui %sign3A_32 : vector<8x768xi1> to vector<8x768xi32>
    %sign3A_34 = arith.subi %sign3A_29, %sign3A_33 : vector<8x768xi32>
    %sign3A_35 = arith.constant 0 : i32
    %sign3A_36 = arith.cmpi sgt, %jit3A, %sign3A_35 : i32
    %sign3A_37 = arith.extui %sign3A_36 : i1 to i32
    %sign3A_38 = arith.constant 0 : i32
    %sign3A_39 = arith.cmpi slt, %jit3A, %sign3A_38 : i32
    %sign3A_40 = arith.extui %sign3A_39 : i1 to i32
    %sign3A_41 = arith.subi %sign3A_37, %sign3A_40 : i32
    %ne3A = vector.broadcast %sign3A_41 : i32 to vector<8x768xi32>
    %ne3A_42 = arith.cmpi ne, %sign3A_34, %ne3A : vector<8x768xi32>
    %rem3A = vector.broadcast %jit3A : i32 to vector<8x768xi32>
    %rem3A_43 = arith.remsi %iota3A_25, %rem3A : vector<8x768xi32>
    %ne3A_44 = arith.constant 0 : i32
    %ne3A_45 = vector.broadcast %ne3A_44 : i32 to vector<8x768xi32>
    %ne3A_46 = arith.cmpi ne, %rem3A_43, %ne3A_45 : vector<8x768xi32>
    %and3A = arith.andi %ne3A_42, %ne3A_46 : vector<8x768xi1>
    %sub3A = arith.constant 1 : i32
    %sub3A_47 = vector.broadcast %sub3A : i32 to vector<8x768xi32>
    %sub3A_48 = arith.subi %div3A_26, %sub3A_47 : vector<8x768xi32>
    %select_n3A = arith.select %and3A, %sub3A_48, %div3A_26 : vector<8x768xi1>, vector<8x768xi32>
    %eq3A = arith.cmpi eq, %select_n3A, %iota3A : vector<8x768xi32>
    %convert_element_type3A_49 = arith.extui %eq3A : vector<8x768xi1> to vector<8x768xi32>
    %convert_element_type3A_50 = arith.sitofp %convert_element_type3A_49 : vector<8x768xi32> to vector<8x768xf32>
    %dot_general3A = arith.constant dense<0.000000e+00> : vector<128x768xf32>
    %dot_general3A_51 = tpu.matmul %mul3A_24, %convert_element_type3A_50, %dot_general3A {dimension_numbers = #tpu.dot_dimension_numbers<[1], [0], [0], [1], [0, 0, 1, 1], [], []>, transpose_lhs_hint = false} : vector<128x8xf32>, vector<8x768xf32>, vector<128x768xf32> -> vector<128x768xf32>
    %dot_general3A_52 = arith.constant dense<0.000000e+00> : vector<128x768xf32>
    %dot_general3A_53 = tpu.matmul %convert_element_type3A, %convert_element_type3A_7, %dot_general3A_52 {dimension_numbers = #tpu.dot_dimension_numbers<[1], [1], [0], [0], [0, 0, 1, 0], [], []>, transpose_lhs_hint = false} : vector<128x768xbf16>, vector<768x768xbf16>, vector<128x768xf32> -> vector<128x768xf32>
    %dot_general3A_54 = arith.constant dense<0.000000e+00> : vector<128x768xf32>
    %dot_general3A_55 = tpu.matmul %convert_element_type3A, %convert_element_type3A_13, %dot_general3A_54 {dimension_numbers = #tpu.dot_dimension_numbers<[1], [1], [0], [0], [0, 0, 1, 0], [], []>, transpose_lhs_hint = false} : vector<128x768xbf16>, vector<768x768xbf16>, vector<128x768xf32> -> vector<128x768xf32>
    %mul3A_56 = arith.mulf %dot_general3A_53, %dot_general3A_51 : vector<128x768xf32>
    %max3A = arith.constant 0.000000e+00 : f32
    %max3A_57 = vector.broadcast %max3A : f32 to vector<128x768xf32>
    %max3A_58 = arith.maximumf %dot_general3A_55, %max3A_57 : vector<128x768xf32>
    %mul3A_59 = arith.mulf %mul3A_56, %max3A_58 : vector<128x768xf32>
    %convert_element_type3A_60 = arith.truncf %mul3A_59 : vector<128x768xf32> to vector<128x768xbf16>
    %dot_general3A_61 = arith.constant dense<0.000000e+00> : vector<128x768xf32>
    %dot_general3A_62 = tpu.matmul %convert_element_type3A_60, %convert_element_type3A_19, %dot_general3A_61 {dimension_numbers = #tpu.dot_dimension_numbers<[1], [1], [0], [0], [0, 0, 1, 0], [], []>, transpose_lhs_hint = false} : vector<128x768xbf16>, vector<768x768xbf16>, vector<128x768xf32> -> vector<128x768xf32>
    %swap3A = arith.constant 0 : index
    %swap3A_63 = arith.constant 0 : index
    %swap3A_64 = vector.load %arg7[%swap3A, %swap3A_63] : memref<128x768xf32, #tpu.memory_space<vmem>>, vector<128x768xf32>
    tpu.vector_store %arg7[%swap3A, %swap3A_63], %dot_general3A_62 {strides = array<i32>} : memref<128x768xf32, #tpu.memory_space<vmem>>, vector<128x768xf32>,
    return
  }
  func.func @transform_0(%arg0: i32, %arg1: memref<40xi32, #tpu.memory_space<smem>>) -> (i32, i32) {
    %c0_i32 = arith.constant 0 : i32
    %c0_i32_0 = arith.constant 0 : i32
    return %arg0, %c0_i32 : i32, i32
  }
  func.func @transform_1(%arg0: i32, %arg1: memref<40xi32, #tpu.memory_space<smem>>) -> (i32, i32) {
    %c0_i32 = arith.constant 0 : i32
    %c0_i32_0 = arith.constant 0 : i32
    return %arg0, %c0_i32 : i32, i32
  }
  func.func @transform_2(%arg0: i32, %arg1: memref<40xi32, #tpu.memory_space<smem>>) -> (i32, i32, i32) {
    %get3A = arith.index_cast %arg0 : i32 to index
    %get3A_0 = memref.load %arg1[%get3A] : memref<40xi32, #tpu.memory_space<smem>>
    %c0_i32 = arith.constant 0 : i32
    %c0_i32_1 = arith.constant 0 : i32
    %c0_i32_2 = arith.constant 0 : i32
    return %get3A_0, %c0_i32, %c0_i32_1 : i32, i32, i32
  }
  func.func @transform_3(%arg0: i32, %arg1: memref<40xi32, #tpu.memory_space<smem>>) -> (i32, i32, i32) {
    %get3A = arith.index_cast %arg0 : i32 to index
    %get3A_0 = memref.load %arg1[%get3A] : memref<40xi32, #tpu.memory_space<smem>>
    %c0_i32 = arith.constant 0 : i32
    %c0_i32_1 = arith.constant 0 : i32
    %c0_i32_2 = arith.constant 0 : i32
    return %get3A_0, %c0_i32, %c0_i32_1 : i32, i32, i32
  }
  func.func @transform_4(%arg0: i32, %arg1: memref<40xi32, #tpu.memory_space<smem>>) -> (i32, i32, i32) {
    %get3A = arith.index_cast %arg0 : i32 to index
    %get3A_0 = memref.load %arg1[%get3A] : memref<40xi32, #tpu.memory_space<smem>>
    %c0_i32 = arith.constant 0 : i32
    %c0_i32_1 = arith.constant 0 : i32
    %c0_i32_2 = arith.constant 0 : i32
    return %get3A_0, %c0_i32, %c0_i32_1 : i32, i32, i32
  }
  func.func @transform_5(%arg0: i32, %arg1: memref<40xi32, #tpu.memory_space<smem>>) -> (i32, i32) {
    %c0_i32 = arith.constant 0 : i32
    %c0_i32_0 = arith.constant 0 : i32
    return %arg0, %c0_i32 : i32, i32
  }
}

</mosaic_0001>

<sc_bundles>
// kernel: kernel.6.cloned.1.call-start
scs
__scs_entry_jumppad:
0x0: {  	(pc) =	sbr.rel $0x88, $3  }
0x1: {  	(tag) =	ssettag $0x0;
	lr =	simm.s32 $0x1  }
0x2: {  	[smem:$0x3F9A] =	sst lr;
	_ =	strace $0xD0000000  }
0x3: {  	_ = 	snop  }
0x4: {  	_ = 	snop  }
0x5: {  	_ = 	snop  }
0x6: {  	_ = 	snop  }
0x7: {  	_ = 	snop  }
__scs_overlays_trampoline_lowered:
0x8: {  	[smem:$0x3FA9] =	sst s0  }
0x9: {  	[smem:$0x3FAA] =	sst s1  }
0xa: {  	[smem:$0x3FAB] =	sst s2  }
0xb: {  	[smem:$0x3FAC] =	sst s3  }
0xc: {  	[smem:$0x3FAD] =	sst s4  }
0xd: {  	[smem:$0x3FAE] =	sst s5  }
0xe: {  	[smem:$0x3FAF] =	sst s6  }
0xf: {  	[smem:$0x3FB0] =	sst s7  }
0x10: {  	[smem:$0x3FB1] =	sst s8  }
0x11: {  	[smem:$0x3FB2] =	sst s9;
	s0 =	simm.s32 @!p0 $0x0  }
0x12: {  	s1 =	sld [smem:$0x3F98];
	s0 =	simm.s32 @p0 $0x1  }
0x13: {  	[smem:$0x3FB3] =	sst s0;
	s0 =	simm.s32 @!p1 $0x0  }
0x14: {  	s2 =	sld [smem:$0x3F97];
	s0 =	simm.s32 @p1 $0x1  }
0x15: {  	[smem:$0x3FB4] =	sst s0;
	s0 =	simm.s32 @!p2 $0x0  }
0x16: {  	s3 =	sld [smem:$0x3FDB];
	s0 =	simm.s32 @p2 $0x1  }
0x17: {  	s4 =	simm.s32 $0x1BF5;
	[smem:$0x3FB6] =	sst s0  }
0x18: {  	s0 =	sld [smem:$0x3F99];
	_ =	swait.ge [sflag:s4], $0x0  }
0x19: {  	s7 =	sld [smem:$0x3F9A]  }
0x1a: {  	s8 =	sadd.s32 $0xFFFFE003, lr  }
0x1b: {  	s9 =	sadd.s32 $0xFFFFFEF7, lr;
	s5 =	simm.s32 $0xFFFFFFFF;
	p2 =	slt.u32 s8, $0xFFFFF086  }
0x1c: {  	p1 =	slt.u32 s9, $0xF7A;
	s5 =	simm.s32 @!p2 $0x0  }
0x1d: {  	s5 =	simm.s32 @p1 $0x1;
	p0 =	seq.s32 s7, s2  }
0x1e: {  	s7 =	smul.u32 @!p0 $0xF7A, s2;
	p2 =	seq.s32 @!p0 s5, $0x0  }
0x1f: {  	s9 =	smul.u32 $0xF7A, s1;
	s8 =	simm.s32 @!p0 $0x1BF5;
	p2 =	por !p2, p0  }
0x20: {  	[sflag:s8] =	ssyncset.s32 @!p0 $0xFFFFF086;
	s6 =	sadd.s32 @!p0 s3, s7;
	s7 =	simm.s32 @!p0 $0x108  }
0x21: {  	s3 =	sadd.s32 s3, s9;
	s6 =	sadd.s32 @!p0 $0x88, s6;
	s7 =	simm.s32 @p2 $0x1082  }
0x22: {  	[simem:s7], [sflag:s8] =	dma.local @!p0 [hbm:s6], $0xF7A  }
0x23: {  	s9 =	sor.u32 $0xD0000000, s2;
	s6 =	simm.s32 $0x108;
	_ =	swait.ge @!p0 [sflag:s8], $0x0  }
0x24: {  	s3 =	sadd.s32 $0x88, s3;
	s6 =	simm.s32 @!p1 $0x1082;
	[sflag:s4] =	ssyncset.s32 $0xFFFFF086  }
0x25: {  	[simem:s6], [sflag:s4] =	dma.local [hbm:s3], $0xF7A  }
0x26: {  	[smem:$0x3F9A] =	sst s1;
	(tag) =	ssettag s2;
	_ =	strace s9  }
0x27: {  	s1 =	sld [smem:$0x3FAA]  }
0x28: {  	s2 =	sld [smem:$0x3FAB]  }
0x29: {  	s4 =	sld [smem:$0x3FAD]  }
0x2a: {  	p0 =	seq.s32 s5, $0x0;
	s5 =	sld [smem:$0x3FAE]  }
0x2b: {  	s6 =	sld [smem:$0x3FAF]  }
0x2c: {  	s7 =	sld [smem:$0x3FB0]  }
0x2d: {  	s3 =	simm.s32 $0x108;
	s8 =	sld [smem:$0x3FB1]  }
0x2e: {  	s3 =	simm.s32 @!p0 $0x1082;
	s9 =	sld [smem:$0x3FB2]  }
0x2f: {  	lr =	sadd.s32 s0, s3;
	s0 =	sld [smem:$0x3FA9]  }
0x30: {  	s3 =	sld [smem:$0x3FAC]  }
0x31: {  	[smem:$0x3FB5] =	sst s10  }
0x32: {  	s10 =	sld [smem:$0x3FB3];
	_ =	sdelay $0x3  }
0x33: {  	p0 =	seq.s32 s10, $0x1;
	s10 =	sld [smem:$0x3FB5];
	_ =	sdelay $0x3  }
0x34: {  	[smem:$0x3FB5] =	sst s10  }
0x35: {  	s10 =	sld [smem:$0x3FB4];
	_ =	sdelay $0x3  }
0x36: {  	p1 =	seq.s32 s10, $0x1;
	s10 =	sld [smem:$0x3FB5];
	_ =	sdelay $0x3  }
0x37: {  	[smem:$0x3FB5] =	sst s10  }
0x38: {  	s10 =	sld [smem:$0x3FB6]  }
0x39: {  	_ = 	snop;
	(pc) =	sbr.ind lr, $3  }
0x3a: {  	_ = 	snop  }
0x3b: {  	_ = 	snop  }
0x3c: {  	p2 =	seq.s32 s10, $0x1;
	s10 =	sld [smem:$0x3FB5]  }
0x3d: {  	_ =	shalt  }
0x3e: {  	_ =	shalt  }
0x3f: {  	_ =	shalt  }
0x40: {  	_ =	shalt  }
0x41: {  	_ =	shalt  }
0x42: {  	_ =	shalt  }
0x43: {  	_ =	shalt  }
0x44: {  	_ =	shalt  }
0x45: {  	_ =	shalt  }
0x46: {  	_ =	shalt  }
0x47: {  	_ =	shalt  }
0x48: {  	_ =	shalt  }
0x49: {  	_ =	shalt  }
0x4a: {  	_ =	shalt  }
0x4b: {  	_ =	shalt  }
0x4c: {  	_ =	shalt  }
0x4d: {  	_ =	shalt  }
0x4e: {  	_ =	shalt  }
0x4f: {  	_ =	shalt  }
0x50: {  	_ =	shalt  }
0x51: {  	_ =	shalt  }
0x52: {  	_ =	shalt  }
0x53: {  	_ =	shalt  }
0x54: {  	_ =	shalt  }
0x55: {  	_ =	shalt  }
0x56: {  	_ =	shalt  }
0x57: {  	_ =	shalt  }
0x58: {  	_ =	shalt  }
0x59: {  	_ =	shalt  }
0x5a: {  	_ =	shalt  }
0x5b: {  	_ =	shalt  }
0x5c: {  	_ =	shalt  }
0x5d: {  	_ =	shalt  }
0x5e: {  	_ =	shalt  }
0x5f: {  	_ =	shalt  }
0x60: {  	_ =	shalt  }
0x61: {  	_ =	shalt  }
0x62: {  	_ =	shalt  }
0x63: {  	_ =	shalt  }
0x64: {  	_ =	shalt  }
0x65: {  	_ =	shalt  }
0x66: {  	_ =	shalt  }
0x67: {  	_ =	shalt  }
0x68: {  	_ =	shalt  }
0x69: {  	_ =	shalt  }
0x6a: {  	_ =	shalt  }
0x6b: {  	_ =	shalt  }
0x6c: {  	_ =	shalt  }
0x6d: {  	_ =	shalt  }
0x6e: {  	_ =	shalt  }
0x6f: {  	_ =	shalt  }
0x70: {  	_ =	shalt  }
0x71: {  	_ =	shalt  }
0x72: {  	_ =	shalt  }
0x73: {  	_ =	shalt  }
0x74: {  	_ =	shalt  }
0x75: {  	_ =	shalt  }
0x76: {  	_ =	shalt  }
0x77: {  	_ =	shalt  }
0x78: {  	_ =	shalt  }
0x79: {  	_ =	shalt  }
0x7a: {  	_ =	shalt  }
0x7b: {  	_ =	shalt  }
0x7c: {  	_ =	shalt  }
0x7d: {  	_ =	shalt  }
0x7e: {  	_ =	shalt  }
0x7f: {  	_ =	shalt  }
0x80: {  	_ =	shalt  }
0x81: {  	_ =	shalt  }
0x82: {  	_ =	shalt  }
0x83: {  	_ =	shalt  }
0x84: {  	_ =	shalt  }
0x85: {  	_ =	shalt  }
0x86: {  	_ =	shalt  }
0x87: {  	_ =	shalt  }
.Lfunc_end0:
.L_simem_size_0:
called_computation_lowered:
.L_overlay_start_0:
0x88: {  	s2 =	sld [smem:$0x3FD9]  }
0x89: {  	s3 =	sld [smem:$0x3FFE];
	_ =	sdelay $0x1  }
0x8a: {  	s1 =	srdreg.scid  }
0x8b: {  	s0 =	sand.u32 $0x1, s1  }
0x8c: {  	s14 =	sshll.u32 s0, $0xA;
	s2 =	sadd.s32 s3, s2  }
0x8d: {  	s2 =	sadd.s32 s2, s14  }
0x8e: {  	[smem:$0x3FC1] =	sst s2  }
0x8f: {  	_ = 	snop  }
0x90: {  	s2 =	sld [smem:$0x3FD0];
	_ =	sdelay $0x2  }
0x91: {  	s4 =	simm.s32 $0xA;
	s5 =	simm.s32 $0x10;
	s15 =	sld [smem:$0x3FC8]  }
0x92: {  	[smem:s5], [sflag:s4] =	dma.local [hbm:s2], $0x1  }
0x93: {  	_ =	swait.eq [sflag:s4], $0x1  }
0x94: {  	[sflag:s4] =	ssyncset.done $0x0  }
0x95: {  	s16 =	sld [smem:$0x10];
	[sflag:s4] =	ssyncadd.s32 $0xFFFFFFFF  }
0x96: {  	s17 =	sld [smem:$0x11];
	(tm) =	ssettm $0x1  }
0x97: {  	s18 =	sld [smem:$0x3FFB];
	_ =	sdelay $0x3  }
0x98: {  	_ =	strace s18  }
0x99: {  	s5 =	sld [smem:$0x3FFC];
	_ =	sdelay $0x3  }
0x9a: {  	_ =	strace s5  }
0x9b: {  	s5 =	sld [smem:$0x3FFD];
	_ =	sdelay $0x3  }
0x9c: {  	_ =	strace s5  }
0x9d: {  	_ =	strace $0x8FFFFFFF  }
0x9e: {  	s19 =	sld [smem:$0x3FDB];
	_ =	sdelay $0x1  }
0x9f: {  	s6 =	simm.s32 $_scs_section_size  }
0xa0: {  	s7 =	simm.s32 $_size__tile_overlayer_lowered;
	s8 =	simm.s32 $_tile_overlayer_lowered  }
0xa1: {  	s22 =	simm.s32 $0x1BFF;
	s21 =	sshll.u32 s8, $0x1;
	s5 =	sadd.s32 s6, s19  }
0xa2: {  	s9 =	simm.s32 $0x0;
	s20 =	sshll.u32 s7, $0x1;
	s7 =	sadd.s32 s21, s5  }
0xa3: {  	[timem:s9], [sflag:s22] =	dma.local [hbm:s7], s20  }
0xa4: {  	_ =	swait.ge [sflag:s22], s20  }
0xa5: {  	s6 =	ssub.s32 $0x0, s20;
	[sflag:s22] =	ssyncset.done $0x0  }
0xa6: {  	[sflag:s22] =	ssyncadd.s32 s6;
	_ =	sdelay $0x1  }
0xa7: {  	s23 =	simm.s32 $0x1B8B  }
0xa8: {  	_ =	swait.ge [sflag:s23], $0x1  }
0xa9: {  	[sflag:s23] =	ssyncset.done $0x0  }
0xaa: {  	s25 =	simm.s32 $0x1B8E;
	s24 =	sld [smem:$0x3FFE];
	[sflag:s23] =	ssyncadd.s32 $0xFFFFFFFF  }
0xab: {  	s26 =	simm.s32 $execute0_lowered;
	[smem:$0x3FD2] =	sst s25  }
0xac: {  	s7 =	sshll.u32 s26, $0x1;
	_ =	strace $0x80000046;
	[dreg:$0x1] =	wrdreg $0xFFFFFFFF  }
0xad: {  	s28 =	simm.s32 $_size_execute0_lowered;
	s5 =	sadd.s32 s5, s7;
	[dreg:$0x0] =	wrdreg $0x0  }
0xae: {  	s7 =	sshll.u32 s28, $0x1;
	[dreg:$0x2] =	wrdreg s5  }
0xaf: {  	[dreg:$0x3] =	wrdreg s7  }
0xb0: {  	[dreg:$0x4] =	wrdreg $0xC0  }
0xb1: {  	_ =	task [dreg:s9], $0x5FFFF  }
0xb2: {  	[dreg:$0x1] =	wrdreg $0xFFFFFFFF  }
0xb3: {  	[dreg:$0x0] =	wrdreg $0x60  }
0xb4: {  	[dreg:$0x2] =	wrdreg s24  }
0xb5: {  	[dreg:$0x3] =	wrdreg s17  }
0xb6: {  	[dreg:$0x4] =	wrdreg s15  }
0xb7: {  	[dreg:$0x5] =	wrdreg s16  }
0xb8: {  	[dreg:$0x6] =	wrdreg $0x9  }
0xb9: {  	_ =	task.clear_ibuf [dreg:s9], $0x7FFFF;
	_ =	strace $0x90000046  }
0xba: {  	s29 =	simm.s32 $0x9;
	_ =	strace $0x80000048  }
0xbb: {  	_ =	swait.ge [sflag:s29], $0x1  }
0xbc: {  	[sflag:s29] =	ssyncadd.s32 $0xFFFFFFFF  }
0xbd: {  	_ =	strace $0x90000048  }
0xbe: {  	_ =	sfence  }
0xbf: {  	s30 =	sld [smem:$0x0];
	_ =	sdelay $0x2  }
0xc0: {  	s31 =	sshll.u32 s1, $0xD;
	s1 =	sshrl.u32 s1, $0x2  }
0xc1: {  	s3 =	sand.u32 $0x4000, s31;
	s1 =	sadd.s32 s1, s30  }
0xc2: {  	s0 =	sor.u32 s3, s0;
	s1 =	sshll.u32 s1, $0x11  }
0xc3: {  	s0 =	sor.u32 s1, s0  }
0xc4: {  	s0 =	sadd.s32 $0x8F2B, s0  }
0xc5: {  	[sflag:s0] =	ssyncadd.remote.s32 $0x1  }
0xc6: {  	_ =	sfence.sel $0xFFFF  }
0xc7: {  	[dreg:$0x0] =	wrdreg $0xFFFFFFFF;
	(pc) =	sbr.abs _section_cstart, $3  }
0xc8: {  	[dreg:$0x1] =	wrdreg $0xFFFFFFFF  }
0xc9: {  	_ =	task.clear_ibuf [dreg:s9], $0x2FFFF;
	_ =	strace $0x9FFFFFFF  }
0xca: {  	(tm) =	ssettm $0x7FFFFFFF  }
0xcb: {  	_ =	shalt  }
tec
execute0_lowered:
.L_overlay_start_1:
0x0: {  	(tag) =	ssettag $0x1  }
0x1: {  	s1 =	rddreg [dreg:$0x0]  }
0x2: {  	s4 =	rddreg [dreg:$0x1]  }
0x3: {  	s6 =	rddreg [dreg:$0x2];
	s3 =	srdreg.scid  }
0x4: {  	s2 =	rddreg [dreg:$0x3];
	s5 =	sand.u32 $0x1, s3;
	s3 =	simm.s32 $0x0  }
0x5: {  	s13 =	simm.s32 $0x5900;
	[smem:$0x7FF] =	sst s3  }
0x6: {  	s14 =	simm.s32 $0x6100;
	_ =	strace $0x80000047;
	[dreg:$0x9] =	wrdreg s13  }
0x7: {  	s15 =	simm.s32 $0x6900;
	[dreg:$0xa] =	wrdreg s14  }
0x8: {  	s16 =	simm.s32 $0x7100;
	[dreg:$0xb] =	wrdreg s15  }
0x9: {  	s17 =	simm.s32 $0x7900;
	[dreg:$0xc] =	wrdreg s16  }
0xa: {  	s18 =	simm.s32 $0x8100;
	[dreg:$0xd] =	wrdreg s17  }
0xb: {  	s19 =	simm.s32 $0x8900;
	[dreg:$0xe] =	wrdreg s18  }
0xc: {  	s20 =	simm.s32 $0x9100;
	[dreg:$0xf] =	wrdreg s19  }
0xd: {  	s21 =	simm.s32 $0x9900;
	[dreg:$0x10] =	wrdreg s20  }
0xe: {  	s22 =	simm.s32 $0xA100;
	[dreg:$0x11] =	wrdreg s21  }
0xf: {  	s0 =	stileid.u32;
	s23 =	simm.s32 $0xA900;
	[dreg:$0x12] =	wrdreg s22  }
0x10: {  	s24 =	simm.s32 $0xB100;
	s25 =	simm.s32 $0xB900;
	[dreg:$0x13] =	wrdreg s23  }
0x11: {  	s26 =	simm.s32 $0xC100;
	s28 =	simm.s32 $0x20;
	[dreg:$0x14] =	wrdreg s24  }
0x12: {  	s29 =	simm.s32 $0x4100;
	s30 =	simm.s32 $0x1;
	[dreg:$0x15] =	wrdreg s25  }
0x13: {  	s31 =	simm.s32 $0x3;
	[dreg:$0x16] =	wrdreg s26;
	s13 =	simm.s32 $0x10900  }
0x14: {  	s7 =	sshll.u32 s0, $0x1;
	s14 =	simm.s32 $0x11100;
	[dreg:$0x1f] =	wrdreg s13  }
0x15: {  	s7 =	sor.u32 s5, s7;
	s15 =	simm.s32 $0x11900;
	[smem:$0x7F2] =	sst s14  }
0x16: {  	s5 =	ssub.s32 $0x2, s5;
	s16 =	simm.s32 $0x12100;
	[smem:$0x7F3] =	sst s15  }
0x17: {  	s8 =	sshll.u32 s7, $0x4;
	s18 =	simm.s32 $0x12900;
	[smem:$0x7F4] =	sst s16  }
0x18: {  	s9 =	sshll.u32 s7, $0xB;
	s19 =	simm.s32 $0x13100;
	[smem:$0x7F5] =	sst s18  }
0x19: {  	s7 =	sshll.u32 s7, $0x2;
	s20 =	simm.s32 $0x13900;
	[smem:$0x7F6] =	sst s19  }
0x1a: {  	s17 =	sshrl.u32 s5, $0x1;
	s21 =	simm.s32 $0x14100;
	[smem:$0x7F7] =	sst s20  }
0x1b: {  	s22 =	simm.s32 $0x14900;
	s23 =	simm.s32 $0x15100;
	[smem:$0x7F8] =	sst s21  }
0x1c: {  	s24 =	simm.s32 $0x15900;
	s25 =	simm.s32 $0x16100;
	[smem:$0x7F9] =	sst s22  }
0x1d: {  	s26 =	simm.s32 $0x16900;
	s10 =	sand.u32 $0xF0, s8;
	[smem:$0x7FA] =	sst s23  }
0x1e: {  	s9 =	sadd.s32 s9, s1;
	s4 =	sadd.s32 s4, s8;
	[smem:$0x7FB] =	sst s24  }
0x1f: {  	s7 =	sadd.s32 s7, s1;
	s8 =	simm.s32 $0xE100;
	[smem:$0x7FC] =	sst s25  }
0x20: {  	[smem:$0x7FD] =	sst s26;
	s14 =	simm.s32 $0x17900;
	s15 =	simm.s32 $0x18100  }
0x21: {  	s16 =	simm.s32 $0x18900;
	s18 =	simm.s32 $0x19900;
	s19 =	simm.s32 $0x1A100  }
0x22: {  	s20 =	simm.s32 $0x1A900;
	s21 =	simm.s32 $0x1B100;
	s22 =	simm.s32 $0x1B900  }
0x23: {  	s23 =	simm.s32 $0x1C100;
	s24 =	simm.s32 $0x1C900;
	[dreg:$0x5] =	wrdreg s4  }
0x24: {  	s0 =	smul.u32 $0x300, s10;
	s10 =	sadd.s32 $0xE00, s9;
	[dreg:$0x1a] =	wrdreg s8  }
0x25: {  	s25 =	simm.s32 $0x4080;
	s12 =	sadd.s32 $0x10E00, s7;
	[dreg:$0x6] =	wrdreg s10  }
0x26: {  	s26 =	simm.s32 $0x7;
	s7 =	simm.s32 $0xD900;
	[dreg:$0x8] =	wrdreg s12  }
0x27: {  	s9 =	simm.s32 $0xE900;
	s4 =	sadd.s32 $0x11000, s1;
	[dreg:$0x19] =	wrdreg s7  }
0x28: {  	s8 =	simm.s32 $0x80;
	[dreg:$0x1b] =	wrdreg s9;
	s10 =	simm.s32 $0xF100  }
0x29: {  	s12 =	simm.s32 $0x10100;
	s7 =	ssub.s32 s5, s17;
	s5 =	sadd.s32 $0x11100, s1  }
0x2a: {  	s9 =	simm.s32 $0x5100;
	s17 =	simm.s32 $0x19100;
	[dreg:$0x1c] =	wrdreg s10  }
0x2b: {  	s11 =	sadd.s32 s6, s0;
	s0 =	simm.s32 $0xC900;
	[dreg:$0x1e] =	wrdreg s12  }
0x2c: {  	s6 =	simm.s32 $0xD100;
	s7 =	smax.u32 s7, $0x1;
	[dreg:$0x7] =	wrdreg s11  }
0x2d: {  	v3 =	vlaneseq.u32;
	s10 =	simm.s32 $0x4;
	s12 =	simm.s32 $0x6;
	[dreg:$0x17] =	wrdreg s0  }
0x2e: {  	v0 =	vimm.f32 $0.0e+00;
	vm0 =	vmmov $0xffff;
	v2 =	vshrl.u32 v3, $0x3;
	[dreg:$0x18] =	wrdreg s6;
	s11 =	simm.s32 $0xF900;
	s6 =	sadd.s32 $0x11200, s1  }
0x2f: {  	v1 =	vand.u32 $0x7, v3;
	v3 =	vor.u32 $0x8, v3;
	v2 =	vmul.u32 $0x8, v2;
	s1 =	simm.s32 $0x2;
	[dreg:$0x1d] =	wrdreg s11;
	s11 =	simm.s32 $0x5  }
.LBB2_1:
0x30: {  	s0 =	rddreg [dreg:$0x5]  }
0x31: {  	[tilespmem:s3], [sflag:$0x4] =	stream.linear.gather [hbm4b:s0+s3], $0x80, $0x38;
	[tilespmem:$0x1D100] =	vst v63  }
0x32: {  	s13 =	rddreg [dreg:$0x6]  }
0x33: {  	[tilespmem:s8], [sflag:$0x5] =	stream.linear.gather [hbm4b:s13+s3], $0x4000, $0x38;
	[tilespmem:$0x1D100] =	vst v63  }
0x34: {  	s0 =	rddreg [dreg:$0x7]  }
0x35: {  	[tilespmem:s9], [sflag:$0x6] =	stream.linear.gather [hbm4b:s0+s3], $0x18000, $0x38;
	[tilespmem:$0x1D100] =	vst v63  }
0x36: {  	[tilespmem:$0x4100] =	vst v0  }
0x37: {  	[tilespmem:$0x4110] =	vst v0  }
0x38: {  	[tilespmem:$0x4120] =	vst v0  }
0x39: {  	[tilespmem:$0x4130] =	vst v0  }
0x3a: {  	[tilespmem:$0x4140] =	vst v0  }
0x3b: {  	[tilespmem:$0x4150] =	vst v0  }
0x3c: {  	[tilespmem:$0x4160] =	vst v0  }
0x3d: {  	[tilespmem:$0x4170] =	vst v0  }
0x3e: {  	[tilespmem:$0x4180] =	vst v0  }
0x3f: {  	[tilespmem:$0x4190] =	vst v0  }
0x40: {  	[tilespmem:$0x41A0] =	vst v0  }
0x41: {  	[tilespmem:$0x41B0] =	vst v0  }
0x42: {  	[tilespmem:$0x41C0] =	vst v0  }
0x43: {  	[tilespmem:$0x41D0] =	vst v0  }
0x44: {  	[tilespmem:$0x41E0] =	vst v0  }
0x45: {  	[tilespmem:$0x41F0] =	vst v0  }
0x46: {  	[tilespmem:$0x4200] =	vst v0  }
0x47: {  	[tilespmem:$0x4210] =	vst v0  }
0x48: {  	[tilespmem:$0x4220] =	vst v0  }
0x49: {  	[tilespmem:$0x4230] =	vst v0  }
0x4a: {  	[tilespmem:$0x4240] =	vst v0  }
0x4b: {  	[tilespmem:$0x4250] =	vst v0  }
0x4c: {  	[tilespmem:$0x4260] =	vst v0  }
0x4d: {  	[tilespmem:$0x4270] =	vst v0  }
0x4e: {  	[tilespmem:$0x4280] =	vst v0  }
0x4f: {  	[tilespmem:$0x4290] =	vst v0  }
0x50: {  	[tilespmem:$0x42A0] =	vst v0  }
0x51: {  	[tilespmem:$0x42B0] =	vst v0  }
0x52: {  	[tilespmem:$0x42C0] =	vst v0  }
0x53: {  	[tilespmem:$0x42D0] =	vst v0  }
0x54: {  	[tilespmem:$0x42E0] =	vst v0  }
0x55: {  	[tilespmem:$0x42F0] =	vst v0  }
0x56: {  	[tilespmem:$0x4300] =	vst v0  }
0x57: {  	[tilespmem:$0x4310] =	vst v0  }
0x58: {  	[tilespmem:$0x4320] =	vst v0  }
0x59: {  	[tilespmem:$0x4330] =	vst v0  }
0x5a: {  	[tilespmem:$0x4340] =	vst v0  }
0x5b: {  	[tilespmem:$0x4350] =	vst v0  }
0x5c: {  	[tilespmem:$0x4360] =	vst v0  }
0x5d: {  	[tilespmem:$0x4370] =	vst v0  }
0x5e: {  	[tilespmem:$0x4380] =	vst v0  }
0x5f: {  	[tilespmem:$0x4390] =	vst v0  }
0x60: {  	[tilespmem:$0x43A0] =	vst v0  }
0x61: {  	[tilespmem:$0x43B0] =	vst v0  }
0x62: {  	[tilespmem:$0x43C0] =	vst v0  }
0x63: {  	[tilespmem:$0x43D0] =	vst v0  }
0x64: {  	[tilespmem:$0x43E0] =	vst v0  }
0x65: {  	[tilespmem:$0x43F0] =	vst v0  }
0x66: {  	[tilespmem:$0x4400] =	vst v0  }
0x67: {  	[tilespmem:$0x4410] =	vst v0  }
0x68: {  	[tilespmem:$0x4420] =	vst v0  }
0x69: {  	[tilespmem:$0x4430] =	vst v0  }
0x6a: {  	[tilespmem:$0x4440] =	vst v0  }
0x6b: {  	[tilespmem:$0x4450] =	vst v0  }
0x6c: {  	[tilespmem:$0x4460] =	vst v0  }
0x6d: {  	[tilespmem:$0x4470] =	vst v0  }
0x6e: {  	[tilespmem:$0x4480] =	vst v0  }
0x6f: {  	[tilespmem:$0x4490] =	vst v0  }
0x70: {  	[tilespmem:$0x44A0] =	vst v0  }
0x71: {  	[tilespmem:$0x44B0] =	vst v0  }
0x72: {  	[tilespmem:$0x44C0] =	vst v0  }
0x73: {  	[tilespmem:$0x44D0] =	vst v0  }
0x74: {  	[tilespmem:$0x44E0] =	vst v0  }
0x75: {  	[tilespmem:$0x44F0] =	vst v0  }
0x76: {  	[tilespmem:$0x4500] =	vst v0  }
0x77: {  	[tilespmem:$0x4510] =	vst v0  }
0x78: {  	[tilespmem:$0x4520] =	vst v0  }
0x79: {  	[tilespmem:$0x4530] =	vst v0  }
0x7a: {  	[tilespmem:$0x4540] =	vst v0  }
0x7b: {  	[tilespmem:$0x4550] =	vst v0  }
0x7c: {  	[tilespmem:$0x4560] =	vst v0  }
0x7d: {  	[tilespmem:$0x4570] =	vst v0  }
0x7e: {  	[tilespmem:$0x4580] =	vst v0  }
0x7f: {  	[tilespmem:$0x4590] =	vst v0  }
0x80: {  	[tilespmem:$0x45A0] =	vst v0  }
0x81: {  	[tilespmem:$0x45B0] =	vst v0  }
0x82: {  	[tilespmem:$0x45C0] =	vst v0  }
0x83: {  	[tilespmem:$0x45D0] =	vst v0  }
0x84: {  	[tilespmem:$0x45E0] =	vst v0  }
0x85: {  	[tilespmem:$0x45F0] =	vst v0  }
0x86: {  	[tilespmem:$0x4600] =	vst v0  }
0x87: {  	[tilespmem:$0x4610] =	vst v0  }
0x88: {  	[tilespmem:$0x4620] =	vst v0  }
0x89: {  	[tilespmem:$0x4630] =	vst v0  }
0x8a: {  	[tilespmem:$0x4640] =	vst v0  }
0x8b: {  	[tilespmem:$0x4650] =	vst v0  }
0x8c: {  	[tilespmem:$0x4660] =	vst v0  }
0x8d: {  	[tilespmem:$0x4670] =	vst v0  }
0x8e: {  	[tilespmem:$0x4680] =	vst v0  }
0x8f: {  	[tilespmem:$0x4690] =	vst v0  }
0x90: {  	[tilespmem:$0x46A0] =	vst v0  }
0x91: {  	[tilespmem:$0x46B0] =	vst v0  }
0x92: {  	[tilespmem:$0x46C0] =	vst v0  }
0x93: {  	[tilespmem:$0x46D0] =	vst v0  }
0x94: {  	[tilespmem:$0x46E0] =	vst v0  }
0x95: {  	[tilespmem:$0x46F0] =	vst v0  }
0x96: {  	[tilespmem:$0x4700] =	vst v0  }
0x97: {  	[tilespmem:$0x4710] =	vst v0  }
0x98: {  	[tilespmem:$0x4720] =	vst v0  }
0x99: {  	[tilespmem:$0x4730] =	vst v0  }
0x9a: {  	[tilespmem:$0x4740] =	vst v0  }
0x9b: {  	[tilespmem:$0x4750] =	vst v0  }
0x9c: {  	[tilespmem:$0x4760] =	vst v0  }
0x9d: {  	[tilespmem:$0x4770] =	vst v0  }
0x9e: {  	[tilespmem:$0x4780] =	vst v0  }
0x9f: {  	[tilespmem:$0x4790] =	vst v0  }
0xa0: {  	[tilespmem:$0x47A0] =	vst v0  }
0xa1: {  	[tilespmem:$0x47B0] =	vst v0  }
0xa2: {  	[tilespmem:$0x47C0] =	vst v0  }
0xa3: {  	[tilespmem:$0x47D0] =	vst v0  }
0xa4: {  	[tilespmem:$0x47E0] =	vst v0  }
0xa5: {  	[tilespmem:$0x47F0] =	vst v0  }
0xa6: {  	[tilespmem:$0x4800] =	vst v0  }
0xa7: {  	[tilespmem:$0x4810] =	vst v0  }
0xa8: {  	[tilespmem:$0x4820] =	vst v0  }
0xa9: {  	[tilespmem:$0x4830] =	vst v0  }
0xaa: {  	[tilespmem:$0x4840] =	vst v0  }
0xab: {  	[tilespmem:$0x4850] =	vst v0  }
0xac: {  	[tilespmem:$0x4860] =	vst v0  }
0xad: {  	[tilespmem:$0x4870] =	vst v0  }
0xae: {  	[tilespmem:$0x4880] =	vst v0  }
0xaf: {  	[tilespmem:$0x4890] =	vst v0  }
0xb0: {  	[tilespmem:$0x48A0] =	vst v0  }
0xb1: {  	[tilespmem:$0x48B0] =	vst v0  }
0xb2: {  	[tilespmem:$0x48C0] =	vst v0  }
0xb3: {  	[tilespmem:$0x48D0] =	vst v0  }
0xb4: {  	[tilespmem:$0x48E0] =	vst v0  }
0xb5: {  	[tilespmem:$0x48F0] =	vst v0  }
0xb6: {  	[tilespmem:$0x4900] =	vst v0  }
0xb7: {  	[tilespmem:$0x4910] =	vst v0  }
0xb8: {  	[tilespmem:$0x4920] =	vst v0  }
0xb9: {  	[tilespmem:$0x4930] =	vst v0  }
0xba: {  	[tilespmem:$0x4940] =	vst v0  }
0xbb: {  	[tilespmem:$0x4950] =	vst v0  }
0xbc: {  	[tilespmem:$0x4960] =	vst v0  }
0xbd: {  	[tilespmem:$0x4970] =	vst v0  }
0xbe: {  	[tilespmem:$0x4980] =	vst v0  }
0xbf: {  	[tilespmem:$0x4990] =	vst v0  }
0xc0: {  	[tilespmem:$0x49A0] =	vst v0  }
0xc1: {  	[tilespmem:$0x49B0] =	vst v0  }
0xc2: {  	[tilespmem:$0x49C0] =	vst v0  }
0xc3: {  	[tilespmem:$0x49D0] =	vst v0  }
0xc4: {  	[tilespmem:$0x49E0] =	vst v0  }
0xc5: {  	[tilespmem:$0x49F0] =	vst v0  }
0xc6: {  	[tilespmem:$0x4A00] =	vst v0  }
0xc7: {  	[tilespmem:$0x4A10] =	vst v0  }
0xc8: {  	[tilespmem:$0x4A20] =	vst v0  }
0xc9: {  	[tilespmem:$0x4A30] =	vst v0  }
0xca: {  	[tilespmem:$0x4A40] =	vst v0  }
0xcb: {  	[tilespmem:$0x4A50] =	vst v0  }
0xcc: {  	[tilespmem:$0x4A60] =	vst v0  }
0xcd: {  	[tilespmem:$0x4A70] =	vst v0  }
0xce: {  	[tilespmem:$0x4A80] =	vst v0  }
0xcf: {  	[tilespmem:$0x4A90] =	vst v0  }
0xd0: {  	[tilespmem:$0x4AA0] =	vst v0  }
0xd1: {  	[tilespmem:$0x4AB0] =	vst v0  }
0xd2: {  	[tilespmem:$0x4AC0] =	vst v0  }
0xd3: {  	[tilespmem:$0x4AD0] =	vst v0  }
0xd4: {  	[tilespmem:$0x4AE0] =	vst v0  }
0xd5: {  	[tilespmem:$0x4AF0] =	vst v0  }
0xd6: {  	[tilespmem:$0x4B00] =	vst v0  }
0xd7: {  	[tilespmem:$0x4B10] =	vst v0  }
0xd8: {  	[tilespmem:$0x4B20] =	vst v0  }
0xd9: {  	[tilespmem:$0x4B30] =	vst v0  }
0xda: {  	[tilespmem:$0x4B40] =	vst v0  }
0xdb: {  	[tilespmem:$0x4B50] =	vst v0  }
0xdc: {  	[tilespmem:$0x4B60] =	vst v0  }
0xdd: {  	[tilespmem:$0x4B70] =	vst v0  }
0xde: {  	[tilespmem:$0x4B80] =	vst v0  }
0xdf: {  	[tilespmem:$0x4B90] =	vst v0  }
0xe0: {  	[tilespmem:$0x4BA0] =	vst v0  }
0xe1: {  	[tilespmem:$0x4BB0] =	vst v0  }
0xe2: {  	[tilespmem:$0x4BC0] =	vst v0  }
0xe3: {  	[tilespmem:$0x4BD0] =	vst v0  }
0xe4: {  	[tilespmem:$0x4BE0] =	vst v0  }
0xe5: {  	[tilespmem:$0x4BF0] =	vst v0  }
0xe6: {  	[tilespmem:$0x4C00] =	vst v0  }
0xe7: {  	[tilespmem:$0x4C10] =	vst v0  }
0xe8: {  	[tilespmem:$0x4C20] =	vst v0  }
0xe9: {  	[tilespmem:$0x4C30] =	vst v0  }
0xea: {  	[tilespmem:$0x4C40] =	vst v0  }
0xeb: {  	[tilespmem:$0x4C50] =	vst v0  }
0xec: {  	[tilespmem:$0x4C60] =	vst v0  }
0xed: {  	[tilespmem:$0x4C70] =	vst v0  }
0xee: {  	[tilespmem:$0x4C80] =	vst v0  }
0xef: {  	[tilespmem:$0x4C90] =	vst v0  }
0xf0: {  	[tilespmem:$0x4CA0] =	vst v0  }
0xf1: {  	[tilespmem:$0x4CB0] =	vst v0  }
0xf2: {  	[tilespmem:$0x4CC0] =	vst v0  }
0xf3: {  	[tilespmem:$0x4CD0] =	vst v0  }
0xf4: {  	[tilespmem:$0x4CE0] =	vst v0  }
0xf5: {  	[tilespmem:$0x4CF0] =	vst v0  }
0xf6: {  	[tilespmem:$0x4D00] =	vst v0  }
0xf7: {  	[tilespmem:$0x4D10] =	vst v0  }
0xf8: {  	[tilespmem:$0x4D20] =	vst v0  }
0xf9: {  	[tilespmem:$0x4D30] =	vst v0  }
0xfa: {  	[tilespmem:$0x4D40] =	vst v0  }
0xfb: {  	[tilespmem:$0x4D50] =	vst v0  }
0xfc: {  	[tilespmem:$0x4D60] =	vst v0  }
0xfd: {  	[tilespmem:$0x4D70] =	vst v0  }
0xfe: {  	[tilespmem:$0x4D80] =	vst v0  }
0xff: {  	[tilespmem:$0x4D90] =	vst v0  }
0x100: {  	[tilespmem:$0x4DA0] =	vst v0  }
0x101: {  	[tilespmem:$0x4DB0] =	vst v0  }
0x102: {  	[tilespmem:$0x4DC0] =	vst v0  }
0x103: {  	[tilespmem:$0x4DD0] =	vst v0  }
0x104: {  	[tilespmem:$0x4DE0] =	vst v0  }
0x105: {  	[tilespmem:$0x4DF0] =	vst v0  }
0x106: {  	[tilespmem:$0x4E00] =	vst v0  }
0x107: {  	[tilespmem:$0x4E10] =	vst v0  }
0x108: {  	[tilespmem:$0x4E20] =	vst v0  }
0x109: {  	[tilespmem:$0x4E30] =	vst v0  }
0x10a: {  	[tilespmem:$0x4E40] =	vst v0  }
0x10b: {  	[tilespmem:$0x4E50] =	vst v0  }
0x10c: {  	[tilespmem:$0x4E60] =	vst v0  }
0x10d: {  	[tilespmem:$0x4E70] =	vst v0  }
0x10e: {  	[tilespmem:$0x4E80] =	vst v0  }
0x10f: {  	[tilespmem:$0x4E90] =	vst v0  }
0x110: {  	[tilespmem:$0x4EA0] =	vst v0  }
0x111: {  	[tilespmem:$0x4EB0] =	vst v0  }
0x112: {  	[tilespmem:$0x4EC0] =	vst v0  }
0x113: {  	[tilespmem:$0x4ED0] =	vst v0  }
0x114: {  	[tilespmem:$0x4EE0] =	vst v0  }
0x115: {  	[tilespmem:$0x4EF0] =	vst v0  }
0x116: {  	[tilespmem:$0x4F00] =	vst v0  }
0x117: {  	[tilespmem:$0x4F10] =	vst v0  }
0x118: {  	[tilespmem:$0x4F20] =	vst v0  }
0x119: {  	[tilespmem:$0x4F30] =	vst v0  }
0x11a: {  	[tilespmem:$0x4F40] =	vst v0  }
0x11b: {  	[tilespmem:$0x4F50] =	vst v0  }
0x11c: {  	[tilespmem:$0x4F60] =	vst v0  }
0x11d: {  	[tilespmem:$0x4F70] =	vst v0  }
0x11e: {  	[tilespmem:$0x4F80] =	vst v0  }
0x11f: {  	[tilespmem:$0x4F90] =	vst v0  }
0x120: {  	[tilespmem:$0x4FA0] =	vst v0  }
0x121: {  	[tilespmem:$0x4FB0] =	vst v0  }
0x122: {  	[tilespmem:$0x4FC0] =	vst v0  }
0x123: {  	[tilespmem:$0x4FD0] =	vst v0  }
0x124: {  	[tilespmem:$0x4FE0] =	vst v0  }
0x125: {  	[tilespmem:$0x4FF0] =	vst v0  }
0x126: {  	[tilespmem:$0x5000] =	vst v0  }
0x127: {  	[tilespmem:$0x5010] =	vst v0  }
0x128: {  	[tilespmem:$0x5020] =	vst v0  }
0x129: {  	[tilespmem:$0x5030] =	vst v0  }
0x12a: {  	[tilespmem:$0x5040] =	vst v0  }
0x12b: {  	[tilespmem:$0x5050] =	vst v0  }
0x12c: {  	[tilespmem:$0x5060] =	vst v0  }
0x12d: {  	[tilespmem:$0x5070] =	vst v0  }
0x12e: {  	[tilespmem:$0x5080] =	vst v0  }
0x12f: {  	[tilespmem:$0x5090] =	vst v0  }
0x130: {  	[tilespmem:$0x50A0] =	vst v0  }
0x131: {  	[tilespmem:$0x50B0] =	vst v0  }
0x132: {  	[tilespmem:$0x50C0] =	vst v0  }
0x133: {  	[tilespmem:$0x50D0] =	vst v0  }
0x134: {  	[tilespmem:$0x50E0] =	vst v0  }
0x135: {  	[tilespmem:$0x50F0] =	vst v0  }
0x136: {  	_ =	swait.ge [sflag:s10], $0x80  }
0x137: {  	[sflag:s10] =	ssyncset.done $0x0  }
0x138: {  	[sflag:s10] =	ssyncadd.s32 $0xFFFFFF80  }
0x139: {  	_ =	swait.ge [sflag:s11], $0x4000  }
0x13a: {  	[sflag:s11] =	ssyncset.done $0x0  }
0x13b: {  	[sflag:s11] =	ssyncadd.s32 $0xFFFFC000  }
0x13c: {  	_ =	swait.ge [sflag:s12], $0x18000  }
0x13d: {  	[sflag:s12] =	ssyncset.done $0x0  }
0x13e: {  	[sflag:s12] =	ssyncadd.s32 $0xFFFE8000  }
0x13f: {  	[hbm4b:s2+s8] =	stream.indirect.scatter [tilespmem:s8], [sflag:$0x1], $0x80, s3, s8, $0xb8;
	[tilespmem:$0x1D100] =	vst v63  }
0x140: {  	v4 =	vld [tilespmem:$0x0];
	_ =	sdelay $0x4  }
0x141: {  	v5 =	vshrl.u32 v4, $0x3  }
0x142: {  	v5 =	vmul.u32 $0x30, v5  }
0x143: {  	v4 =	vand.u32 $0x7, v4  }
0x144: {  	v4 =	vor.u32 v4, v5  }
0x145: {  	v5 =	vperm.xlane v4, v1;
	_ =	sdelay $0x1  }
0x146: {  	v5 =	vadd.s32 v2, v5;
	_ =	sdelay $0x3  }
0x147: {  	v4 =	vperm.xlane v4, v3  }
0x148: {  	[hbm4b:s4+s3] =	stream.indirect_vreg.scatter [tilespmem:s9], [sflag:$0x3], $0x80, v5, vm0, $0xb8;
	[tilespmem:$0x1D100] =	vst v63  }
0x149: {  	s0 =	rddreg [dreg:$0x9];
	v4 =	vadd.s32 v2, v4  }
0x14a: {  	[hbm4b:s5+s3] =	stream.indirect_vreg.scatter [tilespmem:s0], [sflag:$0x3], $0x80, v5, vm0, $0xb8;
	[tilespmem:$0x1D100] =	vst v63  }
0x14b: {  	s13 =	rddreg [dreg:$0xa]  }
0x14c: {  	[hbm4b:s6+s3] =	stream.indirect_vreg.scatter [tilespmem:s13], [sflag:$0x3], $0x80, v5, vm0, $0xb8;
	[tilespmem:$0x1D100] =	vst v63  }
0x14d: {  	s0 =	rddreg [dreg:$0xb]  }
0x14e: {  	[hbm4b:s4+s3] =	stream.indirect_vreg.scatter [tilespmem:s0], [sflag:$0x3], $0x80, v4, vm0, $0xb8;
	[tilespmem:$0x1D100] =	vst v63  }
0x14f: {  	s13 =	rddreg [dreg:$0xc]  }
0x150: {  	[hbm4b:s5+s3] =	stream.indirect_vreg.scatter [tilespmem:s13], [sflag:$0x3], $0x80, v4, vm0, $0xb8;
	[tilespmem:$0x1D100] =	vst v63  }
0x151: {  	s0 =	rddreg [dreg:$0xd]  }
0x152: {  	[hbm4b:s6+s3] =	stream.indirect_vreg.scatter [tilespmem:s0], [sflag:$0x3], $0x80, v4, vm0, $0xb8;
	[tilespmem:$0x1D100] =	vst v63  }
0x153: {  	v4 =	vld [tilespmem:$0x10];
	_ =	sdelay $0x4  }
0x154: {  	v5 =	vshrl.u32 v4, $0x3  }
0x155: {  	v5 =	vmul.u32 $0x30, v5  }
0x156: {  	v4 =	vand.u32 $0x7, v4  }
0x157: {  	v4 =	vor.u32 v4, v5  }
0x158: {  	v5 =	vperm.xlane v4, v1;
	_ =	sdelay $0x1  }
0x159: {  	v5 =	vadd.s32 v2, v5;
	_ =	sdelay $0x3  }
0x15a: {  	s0 =	rddreg [dreg:$0xe];
	v4 =	vperm.xlane v4, v3  }
0x15b: {  	[hbm4b:s4+s3] =	stream.indirect_vreg.scatter [tilespmem:s0], [sflag:$0x3], $0x80, v5, vm0, $0xb8;
	[tilespmem:$0x1D100] =	vst v63  }
0x15c: {  	s13 =	rddreg [dreg:$0xf];
	v4 =	vadd.s32 v2, v4  }
0x15d: {  	[hbm4b:s5+s3] =	stream.indirect_vreg.scatter [tilespmem:s13], [sflag:$0x3], $0x80, v5, vm0, $0xb8;
	[tilespmem:$0x1D100] =	vst v63  }
0x15e: {  	s0 =	rddreg [dreg:$0x10]  }
0x15f: {  	[hbm4b:s6+s3] =	stream.indirect_vreg.scatter [tilespmem:s0], [sflag:$0x3], $0x80, v5, vm0, $0xb8;
	[tilespmem:$0x1D100] =	vst v63  }
0x160: {  	s13 =	rddreg [dreg:$0x11]  }
0x161: {  	[hbm4b:s4+s3] =	stream.indirect_vreg.scatter [tilespmem:s13], [sflag:$0x3], $0x80, v4, vm0, $0xb8;
	[tilespmem:$0x1D100] =	vst v63  }
0x162: {  	s0 =	rddreg [dreg:$0x12]  }
0x163: {  	[hbm4b:s5+s3] =	stream.indirect_vreg.scatter [tilespmem:s0], [sflag:$0x3], $0x80, v4, vm0, $0xb8;
	[tilespmem:$0x1D100] =	vst v63  }
0x164: {  	s13 =	rddreg [dreg:$0x13]  }
0x165: {  	[hbm4b:s6+s3] =	stream.indirect_vreg.scatter [tilespmem:s13], [sflag:$0x3], $0x80, v4, vm0, $0xb8;
	[tilespmem:$0x1D100] =	vst v63  }
0x166: {  	v4 =	vld [tilespmem:$0x20];
	_ =	sdelay $0x4  }
0x167: {  	v5 =	vshrl.u32 v4, $0x3  }
0x168: {  	v5 =	vmul.u32 $0x30, v5  }
0x169: {  	v4 =	vand.u32 $0x7, v4  }
0x16a: {  	v4 =	vor.u32 v4, v5  }
0x16b: {  	v5 =	vperm.xlane v4, v1;
	_ =	sdelay $0x1  }
0x16c: {  	v5 =	vadd.s32 v2, v5;
	_ =	sdelay $0x3  }
0x16d: {  	s0 =	rddreg [dreg:$0x14];
	v4 =	vperm.xlane v4, v3  }
0x16e: {  	[hbm4b:s4+s3] =	stream.indirect_vreg.scatter [tilespmem:s0], [sflag:$0x3], $0x80, v5, vm0, $0xb8;
	[tilespmem:$0x1D100] =	vst v63  }
0x16f: {  	s13 =	rddreg [dreg:$0x15];
	v4 =	vadd.s32 v2, v4  }
0x170: {  	[hbm4b:s5+s3] =	stream.indirect_vreg.scatter [tilespmem:s13], [sflag:$0x3], $0x80, v5, vm0, $0xb8;
	[tilespmem:$0x1D100] =	vst v63  }
0x171: {  	s0 =	rddreg [dreg:$0x16]  }
0x172: {  	[hbm4b:s6+s3] =	stream.indirect_vreg.scatter [tilespmem:s0], [sflag:$0x3], $0x80, v5, vm0, $0xb8;
	[tilespmem:$0x1D100] =	vst v63  }
0x173: {  	s13 =	rddreg [dreg:$0x17]  }
0x174: {  	[hbm4b:s4+s3] =	stream.indirect_vreg.scatter [tilespmem:s13], [sflag:$0x3], $0x80, v4, vm0, $0xb8;
	[tilespmem:$0x1D100] =	vst v63  }
0x175: {  	s0 =	rddreg [dreg:$0x18]  }
0x176: {  	[hbm4b:s5+s3] =	stream.indirect_vreg.scatter [tilespmem:s0], [sflag:$0x3], $0x80, v4, vm0, $0xb8;
	[tilespmem:$0x1D100] =	vst v63  }
0x177: {  	s13 =	rddreg [dreg:$0x19]  }
0x178: {  	[hbm4b:s6+s3] =	stream.indirect_vreg.scatter [tilespmem:s13], [sflag:$0x3], $0x80, v4, vm0, $0xb8;
	[tilespmem:$0x1D100] =	vst v63  }
0x179: {  	v4 =	vld [tilespmem:$0x30];
	_ =	sdelay $0x4  }
0x17a: {  	v5 =	vshrl.u32 v4, $0x3  }
0x17b: {  	v5 =	vmul.u32 $0x30, v5  }
0x17c: {  	v4 =	vand.u32 $0x7, v4  }
0x17d: {  	v4 =	vor.u32 v4, v5  }
0x17e: {  	v5 =	vperm.xlane v4, v1;
	_ =	sdelay $0x1  }
0x17f: {  	v5 =	vadd.s32 v2, v5;
	_ =	sdelay $0x3  }
0x180: {  	s0 =	rddreg [dreg:$0x1a];
	v4 =	vperm.xlane v4, v3  }
0x181: {  	[hbm4b:s4+s3] =	stream.indirect_vreg.scatter [tilespmem:s0], [sflag:$0x3], $0x80, v5, vm0, $0xb8;
	[tilespmem:$0x1D100] =	vst v63  }
0x182: {  	s13 =	rddreg [dreg:$0x1b];
	v4 =	vadd.s32 v2, v4  }
0x183: {  	[hbm4b:s5+s3] =	stream.indirect_vreg.scatter [tilespmem:s13], [sflag:$0x3], $0x80, v5, vm0, $0xb8;
	[tilespmem:$0x1D100] =	vst v63  }
0x184: {  	s0 =	rddreg [dreg:$0x1c]  }
0x185: {  	[hbm4b:s6+s3] =	stream.indirect_vreg.scatter [tilespmem:s0], [sflag:$0x3], $0x80, v5, vm0, $0xb8;
	[tilespmem:$0x1D100] =	vst v63  }
0x186: {  	s13 =	rddreg [dreg:$0x1d]  }
0x187: {  	[hbm4b:s4+s3] =	stream.indirect_vreg.scatter [tilespmem:s13], [sflag:$0x3], $0x80, v4, vm0, $0xb8;
	[tilespmem:$0x1D100] =	vst v63  }
0x188: {  	s0 =	rddreg [dreg:$0x1e]  }
0x189: {  	[hbm4b:s5+s3] =	stream.indirect_vreg.scatter [tilespmem:s0], [sflag:$0x3], $0x80, v4, vm0, $0xb8;
	[tilespmem:$0x1D100] =	vst v63  }
0x18a: {  	s13 =	rddreg [dreg:$0x1f]  }
0x18b: {  	[hbm4b:s6+s3] =	stream.indirect_vreg.scatter [tilespmem:s13], [sflag:$0x3], $0x80, v4, vm0, $0xb8;
	[tilespmem:$0x1D100] =	vst v63  }
0x18c: {  	v4 =	vld [tilespmem:$0x40];
	_ =	sdelay $0x4  }
0x18d: {  	v5 =	vshrl.u32 v4, $0x3  }
0x18e: {  	v5 =	vmul.u32 $0x30, v5  }
0x18f: {  	v4 =	vand.u32 $0x7, v4  }
0x190: {  	v4 =	vor.u32 v4, v5  }
0x191: {  	v5 =	vperm.xlane v4, v1;
	_ =	sdelay $0x1  }
0x192: {  	v5 =	vadd.s32 v2, v5;
	_ =	sdelay $0x1  }
0x193: {  	s0 =	sld [smem:$0x7F2];
	_ =	sdelay $0x1  }
0x194: {  	s13 =	sld [smem:$0x7F3];
	v4 =	vperm.xlane v4, v3  }
0x195: {  	[hbm4b:s4+s3] =	stream.indirect_vreg.scatter [tilespmem:s0], [sflag:$0x3], $0x80, v5, vm0, $0xb8;
	[tilespmem:$0x1D100] =	vst v63  }
0x196: {  	v4 =	vadd.s32 v2, v4;
	s0 =	sld [smem:$0x7F4]  }
0x197: {  	[hbm4b:s5+s3] =	stream.indirect_vreg.scatter [tilespmem:s13], [sflag:$0x3], $0x80, v5, vm0, $0xb8;
	[tilespmem:$0x1D100] =	vst v63  }
0x198: {  	s13 =	sld [smem:$0x7F5]  }
0x199: {  	[hbm4b:s6+s3] =	stream.indirect_vreg.scatter [tilespmem:s0], [sflag:$0x3], $0x80, v5, vm0, $0xb8;
	[tilespmem:$0x1D100] =	vst v63  }
0x19a: {  	s0 =	sld [smem:$0x7F6]  }
0x19b: {  	[hbm4b:s4+s3] =	stream.indirect_vreg.scatter [tilespmem:s13], [sflag:$0x3], $0x80, v4, vm0, $0xb8;
	[tilespmem:$0x1D100] =	vst v63  }
0x19c: {  	s13 =	sld [smem:$0x7F7]  }
0x19d: {  	[hbm4b:s5+s3] =	stream.indirect_vreg.scatter [tilespmem:s0], [sflag:$0x3], $0x80, v4, vm0, $0xb8;
	[tilespmem:$0x1D100] =	vst v63  }
0x19e: {  	_ = 	snop  }
0x19f: {  	[hbm4b:s6+s3] =	stream.indirect_vreg.scatter [tilespmem:s13], [sflag:$0x3], $0x80, v4, vm0, $0xb8;
	[tilespmem:$0x1D100] =	vst v63  }
0x1a0: {  	v4 =	vld [tilespmem:$0x50];
	_ =	sdelay $0x4  }
0x1a1: {  	v5 =	vshrl.u32 v4, $0x3  }
0x1a2: {  	v5 =	vmul.u32 $0x30, v5  }
0x1a3: {  	v4 =	vand.u32 $0x7, v4  }
0x1a4: {  	v4 =	vor.u32 v4, v5  }
0x1a5: {  	v5 =	vperm.xlane v4, v1;
	_ =	sdelay $0x1  }
0x1a6: {  	v5 =	vadd.s32 v2, v5;
	_ =	sdelay $0x1  }
0x1a7: {  	s0 =	sld [smem:$0x7F8];
	_ =	sdelay $0x1  }
0x1a8: {  	s13 =	sld [smem:$0x7F9];
	v4 =	vperm.xlane v4, v3  }
0x1a9: {  	[hbm4b:s4+s3] =	stream.indirect_vreg.scatter [tilespmem:s0], [sflag:$0x3], $0x80, v5, vm0, $0xb8;
	[tilespmem:$0x1D100] =	vst v63  }
0x1aa: {  	v4 =	vadd.s32 v2, v4;
	s0 =	sld [smem:$0x7FA]  }
0x1ab: {  	[hbm4b:s5+s3] =	stream.indirect_vreg.scatter [tilespmem:s13], [sflag:$0x3], $0x80, v5, vm0, $0xb8;
	[tilespmem:$0x1D100] =	vst v63  }
0x1ac: {  	s13 =	sld [smem:$0x7FB]  }
0x1ad: {  	[hbm4b:s6+s3] =	stream.indirect_vreg.scatter [tilespmem:s0], [sflag:$0x3], $0x80, v5, vm0, $0xb8;
	[tilespmem:$0x1D100] =	vst v63  }
0x1ae: {  	s0 =	sld [smem:$0x7FC]  }
0x1af: {  	[hbm4b:s4+s3] =	stream.indirect_vreg.scatter [tilespmem:s13], [sflag:$0x3], $0x80, v4, vm0, $0xb8;
	[tilespmem:$0x1D100] =	vst v63  }
0x1b0: {  	s13 =	sld [smem:$0x7FD]  }
0x1b1: {  	[hbm4b:s5+s3] =	stream.indirect_vreg.scatter [tilespmem:s0], [sflag:$0x3], $0x80, v4, vm0, $0xb8;
	[tilespmem:$0x1D100] =	vst v63  }
0x1b2: {  	_ = 	snop  }
0x1b3: {  	[hbm4b:s6+s3] =	stream.indirect_vreg.scatter [tilespmem:s13], [sflag:$0x3], $0x80, v4, vm0, $0xb8;
	[tilespmem:$0x1D100] =	vst v63  }
0x1b4: {  	v4 =	vld [tilespmem:$0x60];
	_ =	sdelay $0x4  }
0x1b5: {  	v5 =	vshrl.u32 v4, $0x3  }
0x1b6: {  	v5 =	vmul.u32 $0x30, v5  }
0x1b7: {  	v4 =	vand.u32 $0x7, v4  }
0x1b8: {  	v4 =	vor.u32 v4, v5  }
0x1b9: {  	v5 =	vperm.xlane v4, v1;
	_ =	sdelay $0x1  }
0x1ba: {  	v5 =	vadd.s32 v2, v5;
	_ =	sdelay $0x3  }
0x1bb: {  	s13 =	simm.s32 $0x17100;
	v4 =	vperm.xlane v4, v3  }
0x1bc: {  	[hbm4b:s4+s3] =	stream.indirect_vreg.scatter [tilespmem:s13], [sflag:$0x3], $0x80, v5, vm0, $0xb8;
	[tilespmem:$0x1D100] =	vst v63  }
0x1bd: {  	v4 =	vadd.s32 v2, v4  }
0x1be: {  	[hbm4b:s5+s3] =	stream.indirect_vreg.scatter [tilespmem:s14], [sflag:$0x3], $0x80, v5, vm0, $0xb8;
	[tilespmem:$0x1D100] =	vst v63  }
0x1bf: {  	_ = 	snop  }
0x1c0: {  	[hbm4b:s6+s3] =	stream.indirect_vreg.scatter [tilespmem:s15], [sflag:$0x3], $0x80, v5, vm0, $0xb8;
	[tilespmem:$0x1D100] =	vst v63  }
0x1c1: {  	_ = 	snop  }
0x1c2: {  	[hbm4b:s4+s3] =	stream.indirect_vreg.scatter [tilespmem:s16], [sflag:$0x3], $0x80, v4, vm0, $0xb8;
	[tilespmem:$0x1D100] =	vst v63  }
0x1c3: {  	_ = 	snop  }
0x1c4: {  	[hbm4b:s5+s3] =	stream.indirect_vreg.scatter [tilespmem:s17], [sflag:$0x3], $0x80, v4, vm0, $0xb8;
	[tilespmem:$0x1D100] =	vst v63  }
0x1c5: {  	_ = 	snop  }
0x1c6: {  	[hbm4b:s6+s3] =	stream.indirect_vreg.scatter [tilespmem:s18], [sflag:$0x3], $0x80, v4, vm0, $0xb8;
	[tilespmem:$0x1D100] =	vst v63  }
0x1c7: {  	v4 =	vld [tilespmem:$0x70];
	_ =	sdelay $0x4  }
0x1c8: {  	v5 =	vshrl.u32 v4, $0x3  }
0x1c9: {  	v5 =	vmul.u32 $0x30, v5  }
0x1ca: {  	v4 =	vand.u32 $0x7, v4  }
0x1cb: {  	v4 =	vor.u32 v4, v5  }
0x1cc: {  	v5 =	vperm.xlane v4, v1;
	_ =	sdelay $0x1  }
0x1cd: {  	v5 =	vadd.s32 v2, v5;
	_ =	sdelay $0x3  }
0x1ce: {  	v4 =	vperm.xlane v4, v3  }
0x1cf: {  	[hbm4b:s4+s3] =	stream.indirect_vreg.scatter [tilespmem:s19], [sflag:$0x3], $0x80, v5, vm0, $0xb8;
	[tilespmem:$0x1D100] =	vst v63  }
0x1d0: {  	v4 =	vadd.s32 v2, v4  }
0x1d1: {  	[hbm4b:s5+s3] =	stream.indirect_vreg.scatter [tilespmem:s20], [sflag:$0x3], $0x80, v5, vm0, $0xb8;
	[tilespmem:$0x1D100] =	vst v63  }
0x1d2: {  	_ = 	snop  }
0x1d3: {  	[hbm4b:s6+s3] =	stream.indirect_vreg.scatter [tilespmem:s21], [sflag:$0x3], $0x80, v5, vm0, $0xb8;
	[tilespmem:$0x1D100] =	vst v63  }
0x1d4: {  	_ = 	snop  }
0x1d5: {  	[hbm4b:s4+s3] =	stream.indirect_vreg.scatter [tilespmem:s22], [sflag:$0x3], $0x80, v4, vm0, $0xb8;
	[tilespmem:$0x1D100] =	vst v63  }
0x1d6: {  	_ = 	snop  }
0x1d7: {  	[hbm4b:s5+s3] =	stream.indirect_vreg.scatter [tilespmem:s23], [sflag:$0x3], $0x80, v4, vm0, $0xb8;
	[tilespmem:$0x1D100] =	vst v63  }
0x1d8: {  	_ = 	snop  }
0x1d9: {  	[hbm4b:s6+s3] =	stream.indirect_vreg.scatter [tilespmem:s24], [sflag:$0x3], $0x80, v4, vm0, $0xb8;
	[tilespmem:$0x1D100] =	vst v63  }
0x1da: {  	s13 =	rddreg [dreg:$0x8]  }
0x1db: {  	[tilespmem:s25], [sflag:$0x7] =	stream.linear.gather [hbm4b:s13+s3], $0x20, $0x38;
	[tilespmem:$0x1D100] =	vst v63  }
0x1dc: {  	_ =	swait.ge [sflag:s26], $0x20  }
0x1dd: {  	[sflag:s26] =	ssyncset.done $0x0  }
0x1de: {  	[sflag:s26] =	ssyncadd.s32 $0xFFFFFFE0  }
0x1df: {  	[hbm4b:s2+s28] =	stream.indirect.scatter [tilespmem:s29], [sflag:$0x2], $0x80, s25, s28, $0xb8;
	[tilespmem:$0x1D100] =	vst v63  }
0x1e0: {  	_ =	swait.ge [sflag:s30], $0x4000  }
0x1e1: {  	[sflag:s30] =	ssyncset.done $0x0  }
0x1e2: {  	[sflag:s30] =	ssyncadd.s32 $0xFFFFC000  }
0x1e3: {  	p0 =	sne.s32 s7, $0x1;
	_ =	swait.ge [sflag:s31], $0x18000  }
.Ltmp0:
0x1e4: {  	[sflag:s31] =	ssyncset.done $0x0;
	(pc) =	sbr.rel @p0 .LBB2_1-.Ltmp0, $4  }
0x1e5: {  	[sflag:s31] =	ssyncadd.s32 $0xFFFE8000  }
0x1e6: {  	_ =	swait.ge [sflag:s1], $0x1000  }
0x1e7: {  	[sflag:s1] =	ssyncset.done $0x0  }
0x1e8: {  	s7 =	sadd.s32 $0xFFFFFFFF, s7;
	[sflag:s1] =	ssyncadd.s32 $0xFFFFF000  }
0x1e9: {  	_ =	sfence.sel $0x180000  }
0x1ea: {  	[bflag:$0x0] =	sbarrier.arrive $0xFFFF  }
0x1eb: {  	_ =	strace $0x90000047  }
0x1ec: {  	s0 =	stileid.u32;
	[bflag:$0x2] =	sbarrier.arrive $0xFFFF  }
0x1ed: {  	p0 =	sne.s32 s0, $0x0;
	s0 =	rddreg [dreg:$0x4]  }
0x1ee: {  	s0 =	sadd.s32 @!p0 $0x100000, s0  }
0x1ef: {  	[sflag:s0] =	ssyncadd.tile.s32 @!p0 $0x1;
	_ =	shalt  }
.Lfunc_end2:
_tile_overlayer_lowered:
.L_overlay_start_2:
0x1f0: {  	(tag) =	ssettag $0x2  }
0x1f1: {  	s0 =	rddreg [dreg:$0x0];
	s2 =	stileid.u32  }
0x1f2: {  	s1 =	rddreg [dreg:$0x1];
	p0 =	sne.s32 s2, $0x0  }
0x1f3: {  	s3 =	rddreg [dreg:$0x2];
	[bflag:$0x3] =	sbarrier.arrive $0xFFFF;
	s2 =	simm.s32 @!p0 $0x1C07  }
0x1f4: {  	[timem:s3], [sflag:s2] =	dma.local @!p0 [hbm:s0], s1  }
0x1f5: {  	s0 =	simm.s32 @!p0 $0x7  }
0x1f6: {  	_ =	swait.ge @!p0 [sflag:s0], s1  }
0x1f7: {  	s1 =	ssub.s32 @!p0 $0x0, s1;
	[sflag:s0] =	ssyncset.done @!p0 $0x0  }
0x1f8: {  	[sflag:s0] =	ssyncadd.s32 @!p0 s1  }
0x1f9: {  	[bflag:$0x3] =	sbarrier.arrive $0xFFFF  }
0x1fa: {  	_ =	shalt  }

// kernel: kernel.9.cloned.1.call-start
scs
__scs_entry_jumppad:
0x0: {  	(pc) =	sbr.rel $0x88, $3  }
0x1: {  	(tag) =	ssettag $0x0;
	lr =	simm.s32 $0x1  }
0x2: {  	[smem:$0x3F9A] =	sst lr;
	_ =	strace $0xD0000000  }
0x3: {  	_ = 	snop  }
0x4: {  	_ = 	snop  }
0x5: {  	_ = 	snop  }
0x6: {  	_ = 	snop  }
0x7: {  	_ = 	snop  }
__scs_overlays_trampoline_lowered:
0x8: {  	[smem:$0x3FA9] =	sst s0  }
0x9: {  	[smem:$0x3FAA] =	sst s1  }
0xa: {  	[smem:$0x3FAB] =	sst s2  }
0xb: {  	[smem:$0x3FAC] =	sst s3  }
0xc: {  	[smem:$0x3FAD] =	sst s4  }
0xd: {  	[smem:$0x3FAE] =	sst s5  }
0xe: {  	[smem:$0x3FAF] =	sst s6  }
0xf: {  	[smem:$0x3FB0] =	sst s7  }
0x10: {  	[smem:$0x3FB1] =	sst s8  }
0x11: {  	[smem:$0x3FB2] =	sst s9;
	s0 =	simm.s32 @!p0 $0x0  }
0x12: {  	s1 =	sld [smem:$0x3F98];
	s0 =	simm.s32 @p0 $0x1  }
0x13: {  	[smem:$0x3FB3] =	sst s0;
	s0 =	simm.s32 @!p1 $0x0  }
0x14: {  	s2 =	sld [smem:$0x3F97];
	s0 =	simm.s32 @p1 $0x1  }
0x15: {  	[smem:$0x3FB4] =	sst s0;
	s0 =	simm.s32 @!p2 $0x0  }
0x16: {  	s3 =	sld [smem:$0x3FDB];
	s0 =	simm.s32 @p2 $0x1  }
0x17: {  	s4 =	simm.s32 $0x1BF5;
	[smem:$0x3FB6] =	sst s0  }
0x18: {  	s0 =	sld [smem:$0x3F99];
	_ =	swait.ge [sflag:s4], $0x0  }
0x19: {  	s7 =	sld [smem:$0x3F9A]  }
0x1a: {  	s8 =	sadd.s32 $0xFFFFE003, lr  }
0x1b: {  	s9 =	sadd.s32 $0xFFFFFEF7, lr;
	s5 =	simm.s32 $0xFFFFFFFF;
	p2 =	slt.u32 s8, $0xFFFFF086  }
0x1c: {  	p1 =	slt.u32 s9, $0xF7A;
	s5 =	simm.s32 @!p2 $0x0  }
0x1d: {  	s5 =	simm.s32 @p1 $0x1;
	p0 =	seq.s32 s7, s2  }
0x1e: {  	s7 =	smul.u32 @!p0 $0xF7A, s2;
	p2 =	seq.s32 @!p0 s5, $0x0  }
0x1f: {  	s9 =	smul.u32 $0xF7A, s1;
	s8 =	simm.s32 @!p0 $0x1BF5;
	p2 =	por !p2, p0  }
0x20: {  	[sflag:s8] =	ssyncset.s32 @!p0 $0xFFFFF086;
	s6 =	sadd.s32 @!p0 s3, s7;
	s7 =	simm.s32 @!p0 $0x108  }
0x21: {  	s3 =	sadd.s32 s3, s9;
	s6 =	sadd.s32 @!p0 $0x88, s6;
	s7 =	simm.s32 @p2 $0x1082  }
0x22: {  	[simem:s7], [sflag:s8] =	dma.local @!p0 [hbm:s6], $0xF7A  }
0x23: {  	s9 =	sor.u32 $0xD0000000, s2;
	s6 =	simm.s32 $0x108;
	_ =	swait.ge @!p0 [sflag:s8], $0x0  }
0x24: {  	s3 =	sadd.s32 $0x88, s3;
	s6 =	simm.s32 @!p1 $0x1082;
	[sflag:s4] =	ssyncset.s32 $0xFFFFF086  }
0x25: {  	[simem:s6], [sflag:s4] =	dma.local [hbm:s3], $0xF7A  }
0x26: {  	[smem:$0x3F9A] =	sst s1;
	(tag) =	ssettag s2;
	_ =	strace s9  }
0x27: {  	s1 =	sld [smem:$0x3FAA]  }
0x28: {  	s2 =	sld [smem:$0x3FAB]  }
0x29: {  	s4 =	sld [smem:$0x3FAD]  }
0x2a: {  	p0 =	seq.s32 s5, $0x0;
	s5 =	sld [smem:$0x3FAE]  }
0x2b: {  	s6 =	sld [smem:$0x3FAF]  }
0x2c: {  	s7 =	sld [smem:$0x3FB0]  }
0x2d: {  	s3 =	simm.s32 $0x108;
	s8 =	sld [smem:$0x3FB1]  }
0x2e: {  	s3 =	simm.s32 @!p0 $0x1082;
	s9 =	sld [smem:$0x3FB2]  }
0x2f: {  	lr =	sadd.s32 s0, s3;
	s0 =	sld [smem:$0x3FA9]  }
0x30: {  	s3 =	sld [smem:$0x3FAC]  }
0x31: {  	[smem:$0x3FB5] =	sst s10  }
0x32: {  	s10 =	sld [smem:$0x3FB3];
	_ =	sdelay $0x3  }
0x33: {  	p0 =	seq.s32 s10, $0x1;
	s10 =	sld [smem:$0x3FB5];
	_ =	sdelay $0x3  }
0x34: {  	[smem:$0x3FB5] =	sst s10  }
0x35: {  	s10 =	sld [smem:$0x3FB4];
	_ =	sdelay $0x3  }
0x36: {  	p1 =	seq.s32 s10, $0x1;
	s10 =	sld [smem:$0x3FB5];
	_ =	sdelay $0x3  }
0x37: {  	[smem:$0x3FB5] =	sst s10  }
0x38: {  	s10 =	sld [smem:$0x3FB6]  }
0x39: {  	_ = 	snop;
	(pc) =	sbr.ind lr, $3  }
0x3a: {  	_ = 	snop  }
0x3b: {  	_ = 	snop  }
0x3c: {  	p2 =	seq.s32 s10, $0x1;
	s10 =	sld [smem:$0x3FB5]  }
0x3d: {  	_ =	shalt  }
0x3e: {  	_ =	shalt  }
0x3f: {  	_ =	shalt  }
0x40: {  	_ =	shalt  }
0x41: {  	_ =	shalt  }
0x42: {  	_ =	shalt  }
0x43: {  	_ =	shalt  }
0x44: {  	_ =	shalt  }
0x45: {  	_ =	shalt  }
0x46: {  	_ =	shalt  }
0x47: {  	_ =	shalt  }
0x48: {  	_ =	shalt  }
0x49: {  	_ =	shalt  }
0x4a: {  	_ =	shalt  }
0x4b: {  	_ =	shalt  }
0x4c: {  	_ =	shalt  }
0x4d: {  	_ =	shalt  }
0x4e: {  	_ =	shalt  }
0x4f: {  	_ =	shalt  }
0x50: {  	_ =	shalt  }
0x51: {  	_ =	shalt  }
0x52: {  	_ =	shalt  }
0x53: {  	_ =	shalt  }
0x54: {  	_ =	shalt  }
0x55: {  	_ =	shalt  }
0x56: {  	_ =	shalt  }
0x57: {  	_ =	shalt  }
0x58: {  	_ =	shalt  }
0x59: {  	_ =	shalt  }
0x5a: {  	_ =	shalt  }
0x5b: {  	_ =	shalt  }
0x5c: {  	_ =	shalt  }
0x5d: {  	_ =	shalt  }
0x5e: {  	_ =	shalt  }
0x5f: {  	_ =	shalt  }
0x60: {  	_ =	shalt  }
0x61: {  	_ =	shalt  }
0x62: {  	_ =	shalt  }
0x63: {  	_ =	shalt  }
0x64: {  	_ =	shalt  }
0x65: {  	_ =	shalt  }
0x66: {  	_ =	shalt  }
0x67: {  	_ =	shalt  }
0x68: {  	_ =	shalt  }
0x69: {  	_ =	shalt  }
0x6a: {  	_ =	shalt  }
0x6b: {  	_ =	shalt  }
0x6c: {  	_ =	shalt  }
0x6d: {  	_ =	shalt  }
0x6e: {  	_ =	shalt  }
0x6f: {  	_ =	shalt  }
0x70: {  	_ =	shalt  }
0x71: {  	_ =	shalt  }
0x72: {  	_ =	shalt  }
0x73: {  	_ =	shalt  }
0x74: {  	_ =	shalt  }
0x75: {  	_ =	shalt  }
0x76: {  	_ =	shalt  }
0x77: {  	_ =	shalt  }
0x78: {  	_ =	shalt  }
0x79: {  	_ =	shalt  }
0x7a: {  	_ =	shalt  }
0x7b: {  	_ =	shalt  }
0x7c: {  	_ =	shalt  }
0x7d: {  	_ =	shalt  }
0x7e: {  	_ =	shalt  }
0x7f: {  	_ =	shalt  }
0x80: {  	_ =	shalt  }
0x81: {  	_ =	shalt  }
0x82: {  	_ =	shalt  }
0x83: {  	_ =	shalt  }
0x84: {  	_ =	shalt  }
0x85: {  	_ =	shalt  }
0x86: {  	_ =	shalt  }
0x87: {  	_ =	shalt  }
.Lfunc_end0:
.L_simem_size_0:
called_computation.1_lowered:
.L_overlay_start_0:
0x88: {  	s2 =	sld [smem:$0x3FD9]  }
0x89: {  	s3 =	sld [smem:$0x3FFE];
	_ =	sdelay $0x1  }
0x8a: {  	s1 =	srdreg.scid  }
0x8b: {  	s0 =	sand.u32 $0x1, s1  }
0x8c: {  	s14 =	sshll.u32 s0, $0xA;
	s2 =	sadd.s32 s3, s2  }
0x8d: {  	s2 =	sadd.s32 s2, s14  }
0x8e: {  	[smem:$0x3FC1] =	sst s2  }
0x8f: {  	_ = 	snop  }
0x90: {  	s2 =	sld [smem:$0x3FD0];
	_ =	sdelay $0x2  }
0x91: {  	s15 =	simm.s32 $0xA;
	s4 =	simm.s32 $0x10  }
0x92: {  	[smem:s4], [sflag:s15] =	dma.local [hbm:s2], $0x1  }
0x93: {  	_ =	swait.eq [sflag:s15], $0x1  }
0x94: {  	[sflag:s15] =	ssyncset.done $0x0  }
0x95: {  	[sflag:s15] =	ssyncadd.s32 $0xFFFFFFFF  }
0x96: {  	s16 =	sld [smem:$0x10];
	(tm) =	ssettm $0x1  }
0x97: {  	s17 =	sld [smem:$0x3FFB];
	_ =	sdelay $0x3  }
0x98: {  	_ =	strace s17  }
0x99: {  	s3 =	sld [smem:$0x3FFC];
	_ =	sdelay $0x3  }
0x9a: {  	_ =	strace s3  }
0x9b: {  	s3 =	sld [smem:$0x3FFD];
	_ =	sdelay $0x3  }
0x9c: {  	_ =	strace s3  }
0x9d: {  	_ =	strace $0x8FFFFFFF  }
0x9e: {  	s18 =	sld [smem:$0x3FDB];
	_ =	sdelay $0x1  }
0x9f: {  	s19 =	simm.s32 $_scs_section_size  }
0xa0: {  	s5 =	simm.s32 $_size__tile_overlayer_lowered;
	s6 =	simm.s32 $_tile_overlayer_lowered  }
0xa1: {  	s22 =	simm.s32 $0x1BFF;
	s21 =	sshll.u32 s6, $0x1;
	s3 =	sadd.s32 s19, s18  }
0xa2: {  	s7 =	simm.s32 $0x0;
	s20 =	sshll.u32 s5, $0x1;
	s5 =	sadd.s32 s21, s3  }
0xa3: {  	[timem:s7], [sflag:s22] =	dma.local [hbm:s5], s20  }
0xa4: {  	_ =	swait.ge [sflag:s22], s20  }
0xa5: {  	s4 =	ssub.s32 $0x0, s20;
	[sflag:s22] =	ssyncset.done $0x0  }
0xa6: {  	[sflag:s22] =	ssyncadd.s32 s4;
	_ =	sdelay $0x1  }
0xa7: {  	s23 =	simm.s32 $0x1B8B  }
0xa8: {  	_ =	swait.ge [sflag:s23], $0x1  }
0xa9: {  	[sflag:s23] =	ssyncset.done $0x0  }
0xaa: {  	s25 =	simm.s32 $0x1B8E;
	s24 =	sld [smem:$0x3FFE];
	[sflag:s23] =	ssyncadd.s32 $0xFFFFFFFF  }
0xab: {  	s26 =	simm.s32 $execute0_lowered;
	[smem:$0x3FD2] =	sst s25  }
0xac: {  	s5 =	sshll.u32 s26, $0x1;
	_ =	strace $0x80000049;
	[dreg:$0x1] =	wrdreg $0xFFFFFFFF  }
0xad: {  	s28 =	simm.s32 $_size_execute0_lowered;
	s3 =	sadd.s32 s3, s5;
	[dreg:$0x0] =	wrdreg $0x0  }
0xae: {  	s5 =	sshll.u32 s28, $0x1;
	[dreg:$0x2] =	wrdreg s3  }
0xaf: {  	[dreg:$0x3] =	wrdreg s5  }
0xb0: {  	[dreg:$0x4] =	wrdreg $0xC0  }
0xb1: {  	_ =	task [dreg:s7], $0x5FFFF  }
0xb2: {  	[dreg:$0x1] =	wrdreg $0xFFFFFFFF  }
0xb3: {  	[dreg:$0x0] =	wrdreg $0x60  }
0xb4: {  	[dreg:$0x2] =	wrdreg s24  }
0xb5: {  	[dreg:$0x3] =	wrdreg s16  }
0xb6: {  	[dreg:$0x4] =	wrdreg $0x9  }
0xb7: {  	_ =	task.clear_ibuf [dreg:s7], $0x5FFFF;
	_ =	strace $0x90000049  }
0xb8: {  	s29 =	simm.s32 $0x9;
	_ =	strace $0x8000004B  }
0xb9: {  	_ =	swait.ge [sflag:s29], $0x1  }
0xba: {  	[sflag:s29] =	ssyncadd.s32 $0xFFFFFFFF  }
0xbb: {  	_ =	strace $0x9000004B  }
0xbc: {  	_ =	sfence  }
0xbd: {  	s30 =	sld [smem:$0x0];
	_ =	sdelay $0x2  }
0xbe: {  	s31 =	sshll.u32 s1, $0xD;
	s1 =	sshrl.u32 s1, $0x2  }
0xbf: {  	s3 =	sand.u32 $0x4000, s31;
	s1 =	sadd.s32 s1, s30  }
0xc0: {  	s0 =	sor.u32 s3, s0;
	s1 =	sshll.u32 s1, $0x11  }
0xc1: {  	s0 =	sor.u32 s1, s0  }
0xc2: {  	s0 =	sadd.s32 $0x8F2B, s0  }
0xc3: {  	[sflag:s0] =	ssyncadd.remote.s32 $0x1  }
0xc4: {  	_ =	sfence.sel $0xFFFF  }
0xc5: {  	[dreg:$0x0] =	wrdreg $0xFFFFFFFF;
	(pc) =	sbr.abs _section_cstart, $3  }
0xc6: {  	[dreg:$0x1] =	wrdreg $0xFFFFFFFF  }
0xc7: {  	_ =	task.clear_ibuf [dreg:s7], $0x2FFFF;
	_ =	strace $0x9FFFFFFF  }
0xc8: {  	(tm) =	ssettm $0x7FFFFFFF  }
0xc9: {  	_ =	shalt  }
tec
execute0_lowered:
.L_overlay_start_1:
0x0: {  	(tag) =	ssettag $0x1  }
0x1: {  	s0 =	rddreg [dreg:$0x0]  }
0x2: {  	s1 =	rddreg [dreg:$0x1]  }
0x3: {  	s2 =	simm.s32 $0x0;
	s3 =	srdreg.scid;
	s5 =	stileid.u32  }
0x4: {  	s10 =	simm.s32 $0x3;
	s12 =	simm.s32 $0x100;
	s26 =	simm.s32 $0x11900  }
0x5: {  	s28 =	simm.s32 $0x12100;
	s29 =	simm.s32 $0x12900;
	s30 =	simm.s32 $0x13100  }
0x6: {  	s31 =	simm.s32 $0x13900;
	s11 =	simm.s32 $0x15100;
	s13 =	simm.s32 $0x15900  }
0x7: {  	s14 =	simm.s32 $0x16100;
	s15 =	simm.s32 $0x16900;
	s16 =	simm.s32 $0x17100  }
0x8: {  	s17 =	simm.s32 $0x17900;
	s18 =	simm.s32 $0x1;
	s19 =	simm.s32 $0x2  }
0x9: {  	s20 =	simm.s32 $0x0;
	[smem:$0x7FF] =	sst s2;
	s4 =	sand.u32 $0x1, s3  }
0xa: {  	s5 =	sshll.u32 s5, $0x4;
	s3 =	sadd.s32 $0xE00, s0;
	s6 =	sshll.u32 s4, $0x3  }
0xb: {  	_ =	strace $0x8000004A;
	s4 =	ssub.s32 $0x2, s4;
	s5 =	sor.u32 s6, s5  }
0xc: {  	s7 =	sshrl.u32 s4, $0x1;
	s6 =	sadd.s32 s5, s0;
	s8 =	smul.u32 $0x300, s5  }
0xd: {  	v2 =	vlaneseq.u32;
	s9 =	ssub.s32 s4, s7;
	s7 =	sadd.s32 $0x1000, s0;
	s4 =	sadd.s32 $0xA1200, s6  }
0xe: {  	vm0 =	vmmov $0xffff;
	v1 =	vshrl.u32 v2, $0x3;
	s5 =	sadd.s32 $0xA1000, s6;
	s6 =	sadd.s32 $0xF00, s0;
	s9 =	smax.u32 s9, $0x1  }
0xf: {  	v0 =	vand.u32 $0x7, v2;
	v2 =	vor.u32 $0x8, v2;
	v1 =	vmul.u32 $0x8, v1;
	s0 =	simm.s32 $0x14100;
	s8 =	sadd.s32 s1, s8;
	s1 =	simm.s32 $0x14900  }
.LBB2_1:
0x10: {  	[tilespmem:s2], [sflag:$0x3] =	stream.linear.gather [hbm4b:s4+s2], $0x40, $0x38;
	[tilespmem:$0x18100] =	vst v63  }
0x11: {  	_ =	swait.ge [sflag:s10], $0x40  }
0x12: {  	[sflag:s10] =	ssyncset.done $0x0  }
0x13: {  	s21 =	simm.s32 $0x80;
	[sflag:s10] =	ssyncadd.s32 $0xFFFFFFC0  }
0x14: {  	[tilespmem:s21], [sflag:$0x3] =	stream.linear.gather [hbm4b:s5+s2], $0x40, $0x38;
	[tilespmem:$0x18100] =	vst v63  }
0x15: {  	_ =	swait.ge [sflag:s10], $0x40  }
0x16: {  	[sflag:s10] =	ssyncset.done $0x0  }
0x17: {  	[sflag:s10] =	ssyncadd.s32 $0xFFFFFFC0  }
0x18: {  	v3 =	vld [tilespmem:$0x0];
	_ =	sdelay $0x4  }
0x19: {  	v4 =	vshrl.u32 v3, $0x3  }
0x1a: {  	v4 =	vmul.u32 $0x30, v4  }
0x1b: {  	v3 =	vand.u32 $0x7, v3  }
0x1c: {  	v3 =	vor.u32 v3, v4  }
0x1d: {  	v4 =	vperm.xlane v3, v0;
	_ =	sdelay $0x1  }
0x1e: {  	v4 =	vadd.s32 v1, v4;
	_ =	sdelay $0x3  }
0x1f: {  	v3 =	vperm.xlane v3, v2  }
0x20: {  	[tilespmem:s12], [sflag:$0x1] =	stream.indirect_vreg.gather [hbm4b:s3+s2], $0x80, v4, vm0, $0xb8;
	[tilespmem:$0x18100] =	vst v63  }
0x21: {  	s23 =	simm.s32 $0x900;
	v3 =	vadd.s32 v1, v3  }
0x22: {  	[tilespmem:s23], [sflag:$0x1] =	stream.indirect_vreg.gather [hbm4b:s6+s2], $0x80, v4, vm0, $0xb8;
	[tilespmem:$0x18100] =	vst v63  }
0x23: {  	s24 =	simm.s32 $0x1100  }
0x24: {  	[tilespmem:s24], [sflag:$0x1] =	stream.indirect_vreg.gather [hbm4b:s7+s2], $0x80, v4, vm0, $0xb8;
	[tilespmem:$0x18100] =	vst v63  }
0x25: {  	s25 =	simm.s32 $0x1900  }
0x26: {  	[tilespmem:s25], [sflag:$0x1] =	stream.indirect_vreg.gather [hbm4b:s3+s2], $0x80, v3, vm0, $0xb8;
	[tilespmem:$0x18100] =	vst v63  }
0x27: {  	s22 =	simm.s32 $0x2100  }
0x28: {  	[tilespmem:s22], [sflag:$0x1] =	stream.indirect_vreg.gather [hbm4b:s6+s2], $0x80, v3, vm0, $0xb8;
	[tilespmem:$0x18100] =	vst v63  }
0x29: {  	s23 =	simm.s32 $0x2900  }
0x2a: {  	[tilespmem:s23], [sflag:$0x1] =	stream.indirect_vreg.gather [hbm4b:s7+s2], $0x80, v3, vm0, $0xb8;
	[tilespmem:$0x18100] =	vst v63  }
0x2b: {  	v3 =	vld [tilespmem:$0x10];
	_ =	sdelay $0x4  }
0x2c: {  	v4 =	vshrl.u32 v3, $0x3  }
0x2d: {  	v4 =	vmul.u32 $0x30, v4  }
0x2e: {  	v3 =	vand.u32 $0x7, v3  }
0x2f: {  	v3 =	vor.u32 v3, v4  }
0x30: {  	v4 =	vperm.xlane v3, v0;
	_ =	sdelay $0x1  }
0x31: {  	v4 =	vadd.s32 v1, v4;
	_ =	sdelay $0x3  }
0x32: {  	s24 =	simm.s32 $0x3100;
	v3 =	vperm.xlane v3, v2  }
0x33: {  	[tilespmem:s24], [sflag:$0x1] =	stream.indirect_vreg.gather [hbm4b:s3+s2], $0x80, v4, vm0, $0xb8;
	[tilespmem:$0x18100] =	vst v63  }
0x34: {  	s25 =	simm.s32 $0x3900;
	v3 =	vadd.s32 v1, v3  }
0x35: {  	[tilespmem:s25], [sflag:$0x1] =	stream.indirect_vreg.gather [hbm4b:s6+s2], $0x80, v4, vm0, $0xb8;
	[tilespmem:$0x18100] =	vst v63  }
0x36: {  	s22 =	simm.s32 $0x4100  }
0x37: {  	[tilespmem:s22], [sflag:$0x1] =	stream.indirect_vreg.gather [hbm4b:s7+s2], $0x80, v4, vm0, $0xb8;
	[tilespmem:$0x18100] =	vst v63  }
0x38: {  	s23 =	simm.s32 $0x4900  }
0x39: {  	[tilespmem:s23], [sflag:$0x1] =	stream.indirect_vreg.gather [hbm4b:s3+s2], $0x80, v3, vm0, $0xb8;
	[tilespmem:$0x18100] =	vst v63  }
0x3a: {  	s24 =	simm.s32 $0x5100  }
0x3b: {  	[tilespmem:s24], [sflag:$0x1] =	stream.indirect_vreg.gather [hbm4b:s6+s2], $0x80, v3, vm0, $0xb8;
	[tilespmem:$0x18100] =	vst v63  }
0x3c: {  	s25 =	simm.s32 $0x5900  }
0x3d: {  	[tilespmem:s25], [sflag:$0x1] =	stream.indirect_vreg.gather [hbm4b:s7+s2], $0x80, v3, vm0, $0xb8;
	[tilespmem:$0x18100] =	vst v63  }
0x3e: {  	v3 =	vld [tilespmem:$0x20];
	_ =	sdelay $0x4  }
0x3f: {  	v4 =	vshrl.u32 v3, $0x3  }
0x40: {  	v4 =	vmul.u32 $0x30, v4  }
0x41: {  	v3 =	vand.u32 $0x7, v3  }
0x42: {  	v3 =	vor.u32 v3, v4  }
0x43: {  	v4 =	vperm.xlane v3, v0;
	_ =	sdelay $0x1  }
0x44: {  	v4 =	vadd.s32 v1, v4;
	_ =	sdelay $0x3  }
0x45: {  	s22 =	simm.s32 $0x6100;
	v3 =	vperm.xlane v3, v2  }
0x46: {  	[tilespmem:s22], [sflag:$0x1] =	stream.indirect_vreg.gather [hbm4b:s3+s2], $0x80, v4, vm0, $0xb8;
	[tilespmem:$0x18100] =	vst v63  }
0x47: {  	s23 =	simm.s32 $0x6900;
	v3 =	vadd.s32 v1, v3  }
0x48: {  	[tilespmem:s23], [sflag:$0x1] =	stream.indirect_vreg.gather [hbm4b:s6+s2], $0x80, v4, vm0, $0xb8;
	[tilespmem:$0x18100] =	vst v63  }
0x49: {  	s24 =	simm.s32 $0x7100  }
0x4a: {  	[tilespmem:s24], [sflag:$0x1] =	stream.indirect_vreg.gather [hbm4b:s7+s2], $0x80, v4, vm0, $0xb8;
	[tilespmem:$0x18100] =	vst v63  }
0x4b: {  	s25 =	simm.s32 $0x7900  }
0x4c: {  	[tilespmem:s25], [sflag:$0x1] =	stream.indirect_vreg.gather [hbm4b:s3+s2], $0x80, v3, vm0, $0xb8;
	[tilespmem:$0x18100] =	vst v63  }
0x4d: {  	s22 =	simm.s32 $0x8100  }
0x4e: {  	[tilespmem:s22], [sflag:$0x1] =	stream.indirect_vreg.gather [hbm4b:s6+s2], $0x80, v3, vm0, $0xb8;
	[tilespmem:$0x18100] =	vst v63  }
0x4f: {  	s23 =	simm.s32 $0x8900  }
0x50: {  	[tilespmem:s23], [sflag:$0x1] =	stream.indirect_vreg.gather [hbm4b:s7+s2], $0x80, v3, vm0, $0xb8;
	[tilespmem:$0x18100] =	vst v63  }
0x51: {  	v3 =	vld [tilespmem:$0x30];
	_ =	sdelay $0x4  }
0x52: {  	v4 =	vshrl.u32 v3, $0x3  }
0x53: {  	v4 =	vmul.u32 $0x30, v4  }
0x54: {  	v3 =	vand.u32 $0x7, v3  }
0x55: {  	v3 =	vor.u32 v3, v4  }
0x56: {  	v4 =	vperm.xlane v3, v0;
	_ =	sdelay $0x1  }
0x57: {  	v4 =	vadd.s32 v1, v4;
	_ =	sdelay $0x3  }
0x58: {  	s24 =	simm.s32 $0x9100;
	v3 =	vperm.xlane v3, v2  }
0x59: {  	[tilespmem:s24], [sflag:$0x1] =	stream.indirect_vreg.gather [hbm4b:s3+s2], $0x80, v4, vm0, $0xb8;
	[tilespmem:$0x18100] =	vst v63  }
0x5a: {  	s25 =	simm.s32 $0x9900;
	v3 =	vadd.s32 v1, v3  }
0x5b: {  	[tilespmem:s25], [sflag:$0x1] =	stream.indirect_vreg.gather [hbm4b:s6+s2], $0x80, v4, vm0, $0xb8;
	[tilespmem:$0x18100] =	vst v63  }
0x5c: {  	s22 =	simm.s32 $0xA100  }
0x5d: {  	[tilespmem:s22], [sflag:$0x1] =	stream.indirect_vreg.gather [hbm4b:s7+s2], $0x80, v4, vm0, $0xb8;
	[tilespmem:$0x18100] =	vst v63  }
0x5e: {  	s23 =	simm.s32 $0xA900  }
0x5f: {  	[tilespmem:s23], [sflag:$0x1] =	stream.indirect_vreg.gather [hbm4b:s3+s2], $0x80, v3, vm0, $0xb8;
	[tilespmem:$0x18100] =	vst v63  }
0x60: {  	s24 =	simm.s32 $0xB100  }
0x61: {  	[tilespmem:s24], [sflag:$0x1] =	stream.indirect_vreg.gather [hbm4b:s6+s2], $0x80, v3, vm0, $0xb8;
	[tilespmem:$0x18100] =	vst v63  }
0x62: {  	s25 =	simm.s32 $0xB900  }
0x63: {  	[tilespmem:s25], [sflag:$0x1] =	stream.indirect_vreg.gather [hbm4b:s7+s2], $0x80, v3, vm0, $0xb8;
	[tilespmem:$0x18100] =	vst v63  }
0x64: {  	v3 =	vld [tilespmem:$0x80];
	_ =	sdelay $0x4  }
0x65: {  	v4 =	vshrl.u32 v3, $0x3  }
0x66: {  	v4 =	vmul.u32 $0x30, v4  }
0x67: {  	v3 =	vand.u32 $0x7, v3  }
0x68: {  	v3 =	vor.u32 v3, v4  }
0x69: {  	v4 =	vperm.xlane v3, v0;
	_ =	sdelay $0x1  }
0x6a: {  	v4 =	vadd.s32 v1, v4;
	_ =	sdelay $0x3  }
0x6b: {  	s22 =	simm.s32 $0xC100;
	v3 =	vperm.xlane v3, v2  }
0x6c: {  	[tilespmem:s22], [sflag:$0x2] =	stream.indirect_vreg.gather [hbm4b:s3+s2], $0x80, v4, vm0, $0xb8;
	[tilespmem:$0x18100] =	vst v63  }
0x6d: {  	s23 =	simm.s32 $0xC900;
	v3 =	vadd.s32 v1, v3  }
0x6e: {  	[tilespmem:s23], [sflag:$0x2] =	stream.indirect_vreg.gather [hbm4b:s6+s2], $0x80, v4, vm0, $0xb8;
	[tilespmem:$0x18100] =	vst v63  }
0x6f: {  	s24 =	simm.s32 $0xD100  }
0x70: {  	[tilespmem:s24], [sflag:$0x2] =	stream.indirect_vreg.gather [hbm4b:s7+s2], $0x80, v4, vm0, $0xb8;
	[tilespmem:$0x18100] =	vst v63  }
0x71: {  	s25 =	simm.s32 $0xD900  }
0x72: {  	[tilespmem:s25], [sflag:$0x2] =	stream.indirect_vreg.gather [hbm4b:s3+s2], $0x80, v3, vm0, $0xb8;
	[tilespmem:$0x18100] =	vst v63  }
0x73: {  	s22 =	simm.s32 $0xE100  }
0x74: {  	[tilespmem:s22], [sflag:$0x2] =	stream.indirect_vreg.gather [hbm4b:s6+s2], $0x80, v3, vm0, $0xb8;
	[tilespmem:$0x18100] =	vst v63  }
0x75: {  	s23 =	simm.s32 $0xE900  }
0x76: {  	[tilespmem:s23], [sflag:$0x2] =	stream.indirect_vreg.gather [hbm4b:s7+s2], $0x80, v3, vm0, $0xb8;
	[tilespmem:$0x18100] =	vst v63  }
0x77: {  	v3 =	vld [tilespmem:$0x90];
	_ =	sdelay $0x4  }
0x78: {  	v4 =	vshrl.u32 v3, $0x3  }
0x79: {  	v4 =	vmul.u32 $0x30, v4  }
0x7a: {  	v3 =	vand.u32 $0x7, v3  }
0x7b: {  	v3 =	vor.u32 v3, v4  }
0x7c: {  	v4 =	vperm.xlane v3, v0;
	_ =	sdelay $0x1  }
0x7d: {  	v4 =	vadd.s32 v1, v4;
	_ =	sdelay $0x3  }
0x7e: {  	s24 =	simm.s32 $0xF100;
	v3 =	vperm.xlane v3, v2  }
0x7f: {  	[tilespmem:s24], [sflag:$0x2] =	stream.indirect_vreg.gather [hbm4b:s3+s2], $0x80, v4, vm0, $0xb8;
	[tilespmem:$0x18100] =	vst v63  }
0x80: {  	s25 =	simm.s32 $0xF900;
	v3 =	vadd.s32 v1, v3  }
0x81: {  	[tilespmem:s25], [sflag:$0x2] =	stream.indirect_vreg.gather [hbm4b:s6+s2], $0x80, v4, vm0, $0xb8;
	[tilespmem:$0x18100] =	vst v63  }
0x82: {  	s22 =	simm.s32 $0x10100  }
0x83: {  	[tilespmem:s22], [sflag:$0x2] =	stream.indirect_vreg.gather [hbm4b:s7+s2], $0x80, v4, vm0, $0xb8;
	[tilespmem:$0x18100] =	vst v63  }
0x84: {  	s23 =	simm.s32 $0x10900  }
0x85: {  	[tilespmem:s23], [sflag:$0x2] =	stream.indirect_vreg.gather [hbm4b:s3+s2], $0x80, v3, vm0, $0xb8;
	[tilespmem:$0x18100] =	vst v63  }
0x86: {  	s24 =	simm.s32 $0x11100  }
0x87: {  	[tilespmem:s24], [sflag:$0x2] =	stream.indirect_vreg.gather [hbm4b:s6+s2], $0x80, v3, vm0, $0xb8;
	[tilespmem:$0x18100] =	vst v63  }
0x88: {  	_ = 	snop  }
0x89: {  	[tilespmem:s26], [sflag:$0x2] =	stream.indirect_vreg.gather [hbm4b:s7+s2], $0x80, v3, vm0, $0xb8;
	[tilespmem:$0x18100] =	vst v63  }
0x8a: {  	v3 =	vld [tilespmem:$0xA0];
	_ =	sdelay $0x4  }
0x8b: {  	v4 =	vshrl.u32 v3, $0x3  }
0x8c: {  	v4 =	vmul.u32 $0x30, v4  }
0x8d: {  	v3 =	vand.u32 $0x7, v3  }
0x8e: {  	v3 =	vor.u32 v3, v4  }
0x8f: {  	v4 =	vperm.xlane v3, v0;
	_ =	sdelay $0x1  }
0x90: {  	v4 =	vadd.s32 v1, v4;
	_ =	sdelay $0x3  }
0x91: {  	v3 =	vperm.xlane v3, v2  }
0x92: {  	[tilespmem:s28], [sflag:$0x2] =	stream.indirect_vreg.gather [hbm4b:s3+s2], $0x80, v4, vm0, $0xb8;
	[tilespmem:$0x18100] =	vst v63  }
0x93: {  	v3 =	vadd.s32 v1, v3  }
0x94: {  	[tilespmem:s29], [sflag:$0x2] =	stream.indirect_vreg.gather [hbm4b:s6+s2], $0x80, v4, vm0, $0xb8;
	[tilespmem:$0x18100] =	vst v63  }
0x95: {  	_ = 	snop  }
0x96: {  	[tilespmem:s30], [sflag:$0x2] =	stream.indirect_vreg.gather [hbm4b:s7+s2], $0x80, v4, vm0, $0xb8;
	[tilespmem:$0x18100] =	vst v63  }
0x97: {  	_ = 	snop  }
0x98: {  	[tilespmem:s31], [sflag:$0x2] =	stream.indirect_vreg.gather [hbm4b:s3+s2], $0x80, v3, vm0, $0xb8;
	[tilespmem:$0x18100] =	vst v63  }
0x99: {  	_ = 	snop  }
0x9a: {  	[tilespmem:s0], [sflag:$0x2] =	stream.indirect_vreg.gather [hbm4b:s6+s2], $0x80, v3, vm0, $0xb8;
	[tilespmem:$0x18100] =	vst v63  }
0x9b: {  	_ = 	snop  }
0x9c: {  	[tilespmem:s1], [sflag:$0x2] =	stream.indirect_vreg.gather [hbm4b:s7+s2], $0x80, v3, vm0, $0xb8;
	[tilespmem:$0x18100] =	vst v63  }
0x9d: {  	v3 =	vld [tilespmem:$0xB0];
	_ =	sdelay $0x4  }
0x9e: {  	v4 =	vshrl.u32 v3, $0x3  }
0x9f: {  	v4 =	vmul.u32 $0x30, v4  }
0xa0: {  	v3 =	vand.u32 $0x7, v3  }
0xa1: {  	v3 =	vor.u32 v3, v4  }
0xa2: {  	v4 =	vperm.xlane v3, v0;
	_ =	sdelay $0x1  }
0xa3: {  	v4 =	vadd.s32 v1, v4;
	_ =	sdelay $0x3  }
0xa4: {  	v3 =	vperm.xlane v3, v2  }
0xa5: {  	[tilespmem:s11], [sflag:$0x2] =	stream.indirect_vreg.gather [hbm4b:s3+s2], $0x80, v4, vm0, $0xb8;
	[tilespmem:$0x18100] =	vst v63  }
0xa6: {  	v3 =	vadd.s32 v1, v3  }
0xa7: {  	[tilespmem:s13], [sflag:$0x2] =	stream.indirect_vreg.gather [hbm4b:s6+s2], $0x80, v4, vm0, $0xb8;
	[tilespmem:$0x18100] =	vst v63  }
0xa8: {  	_ = 	snop  }
0xa9: {  	[tilespmem:s14], [sflag:$0x2] =	stream.indirect_vreg.gather [hbm4b:s7+s2], $0x80, v4, vm0, $0xb8;
	[tilespmem:$0x18100] =	vst v63  }
0xaa: {  	_ = 	snop  }
0xab: {  	[tilespmem:s15], [sflag:$0x2] =	stream.indirect_vreg.gather [hbm4b:s3+s2], $0x80, v3, vm0, $0xb8;
	[tilespmem:$0x18100] =	vst v63  }
0xac: {  	_ = 	snop  }
0xad: {  	[tilespmem:s16], [sflag:$0x2] =	stream.indirect_vreg.gather [hbm4b:s6+s2], $0x80, v3, vm0, $0xb8;
	[tilespmem:$0x18100] =	vst v63  }
0xae: {  	_ = 	snop  }
0xaf: {  	[tilespmem:s17], [sflag:$0x2] =	stream.indirect_vreg.gather [hbm4b:s7+s2], $0x80, v3, vm0, $0xb8;
	[tilespmem:$0x18100] =	vst v63  }
0xb0: {  	_ =	swait.ge [sflag:s18], $0xC000  }
0xb1: {  	[sflag:s18] =	ssyncset.done $0x0  }
0xb2: {  	s25 =	simm.s32 $0x0;
	[sflag:s18] =	ssyncadd.s32 $0xFFFF4000  }
0xb3: {  	s21 =	smul.u32 $0x1800, s25;
	_ =	swait.ge [sflag:s19], $0xC000  }
0xb4: {  	s22 =	sand.u32 $0x380, s2;
	[sflag:s19] =	ssyncset.done $0x0  }
0xb5: {  	s21 =	sor.u32 s22, s21;
	[sflag:s19] =	ssyncadd.s32 $0xFFFF4000  }
0xb6: {  	v12 =	vld [tilespmem:s21+$0xC100]  }
0xb7: {  	v13 =	vld [tilespmem:s21+$0xC110]  }
0xb8: {  	v14 =	vld [tilespmem:s21+$0xC120]  }
0xb9: {  	v15 =	vld [tilespmem:s21+$0xC130]  }
0xba: {  	v16 =	vld [tilespmem:s21+$0xC140]  }
0xbb: {  	v17 =	vld [tilespmem:s21+$0xC150]  }
0xbc: {  	v18 =	vld [tilespmem:s21+$0xC160]  }
0xbd: {  	v19 =	vld [tilespmem:s21+$0xC170]  }
0xbe: {  	v20 =	vld [tilespmem:s21+$0xC500]  }
0xbf: {  	v21 =	vld [tilespmem:s21+$0xC510]  }
0xc0: {  	v22 =	vld [tilespmem:s21+$0xC520]  }
0xc1: {  	v23 =	vld [tilespmem:s21+$0xC530]  }
0xc2: {  	v24 =	vld [tilespmem:s21+$0xC540]  }
0xc3: {  	v25 =	vld [tilespmem:s21+$0xC550]  }
0xc4: {  	v26 =	vld [tilespmem:s21+$0xC560]  }
0xc5: {  	v27 =	vld [tilespmem:s21+$0xC570]  }
0xc6: {  	v28 =	vld [tilespmem:s21+$0xC900]  }
0xc7: {  	v29 =	vld [tilespmem:s21+$0xC910]  }
0xc8: {  	v30 =	vld [tilespmem:s21+$0xC920]  }
0xc9: {  	v31 =	vld [tilespmem:s21+$0xC930]  }
0xca: {  	v32 =	vld [tilespmem:s21+$0xC940]  }
0xcb: {  	v33 =	vld [tilespmem:s21+$0xC950]  }
0xcc: {  	v34 =	vld [tilespmem:s21+$0xC960]  }
0xcd: {  	v35 =	vld [tilespmem:s21+$0xC970]  }
0xce: {  	v36 =	vld [tilespmem:s21+$0xCD00]  }
0xcf: {  	v37 =	vld [tilespmem:s21+$0xCD10]  }
0xd0: {  	v38 =	vld [tilespmem:s21+$0xCD20]  }
0xd1: {  	v39 =	vld [tilespmem:s21+$0xCD30]  }
0xd2: {  	v40 =	vld [tilespmem:s21+$0xCD40]  }
0xd3: {  	v41 =	vld [tilespmem:s21+$0xCD50]  }
0xd4: {  	v42 =	vld [tilespmem:s21+$0xCD60]  }
0xd5: {  	v43 =	vld [tilespmem:s21+$0xCD70]  }
0xd6: {  	v44 =	vld [tilespmem:s21+$0xD100]  }
0xd7: {  	v45 =	vld [tilespmem:s21+$0xD110]  }
0xd8: {  	v46 =	vld [tilespmem:s21+$0xD120]  }
0xd9: {  	v47 =	vld [tilespmem:s21+$0xD130]  }
0xda: {  	v48 =	vld [tilespmem:s21+$0xD140]  }
0xdb: {  	v49 =	vld [tilespmem:s21+$0xD150]  }
0xdc: {  	v50 =	vld [tilespmem:s21+$0xD160]  }
0xdd: {  	v11 =	vld [tilespmem:s21+$0xD170]  }
0xde: {  	v10 =	vld [tilespmem:s21+$0xD500]  }
0xdf: {  	v9 =	vld [tilespmem:s21+$0xD510]  }
0xe0: {  	v8 =	vld [tilespmem:s21+$0xD520]  }
0xe1: {  	v7 =	vld [tilespmem:s21+$0xD530]  }
0xe2: {  	v6 =	vld [tilespmem:s21+$0xD540]  }
0xe3: {  	v51 =	vld [tilespmem:s21+$0x100]  }
0xe4: {  	v52 =	vld [tilespmem:s21+$0x110]  }
0xe5: {  	v53 =	vld [tilespmem:s21+$0x120]  }
0xe6: {  	v54 =	vld [tilespmem:s21+$0x130]  }
0xe7: {  	v55 =	vld [tilespmem:s21+$0x140]  }
0xe8: {  	v62 =	vld [tilespmem:s21+$0x150];
	v12 =	vadd.f32 v12, v51  }
0xe9: {  	v63 =	vld [tilespmem:s21+$0x160];
	v13 =	vadd.f32 v13, v52  }
0xea: {  	[tilespmem:s21+$0x100] =	vst v12;
	v12 =	vadd.f32 v14, v53;
	v14 =	vld [tilespmem:s21+$0x170]  }
0xeb: {  	[tilespmem:s21+$0x110] =	vst v13;
	v13 =	vadd.f32 v15, v54;
	v15 =	vld [tilespmem:s21+$0x500]  }
0xec: {  	[tilespmem:s21+$0x120] =	vst v12;
	v12 =	vadd.f32 v16, v55;
	v16 =	vld [tilespmem:s21+$0x510]  }
0xed: {  	[tilespmem:s21+$0x130] =	vst v13;
	v13 =	vadd.f32 v17, v62;
	v17 =	vld [tilespmem:s21+$0x520]  }
0xee: {  	v5 =	vld [tilespmem:s21+$0xD550]  }
0xef: {  	[tilespmem:s21+$0x140] =	vst v12;
	v12 =	vadd.f32 v18, v63;
	v18 =	vld [tilespmem:s21+$0x570]  }
0xf0: {  	[tilespmem:s21+$0x150] =	vst v13;
	v13 =	vadd.f32 v19, v14;
	v14 =	vld [tilespmem:s21+$0x530]  }
0xf1: {  	[tilespmem:s21+$0x160] =	vst v12;
	v12 =	vadd.f32 v20, v15;
	v15 =	vld [tilespmem:s21+$0x540]  }
0xf2: {  	[tilespmem:s21+$0x170] =	vst v13;
	v13 =	vadd.f32 v21, v16;
	v16 =	vadd.f32 v22, v17;
	v17 =	vld [tilespmem:s21+$0x560]  }
0xf3: {  	[tilespmem:s21+$0x500] =	vst v12;
	v12 =	vld [tilespmem:s21+$0x550]  }
0xf4: {  	[tilespmem:s21+$0x510] =	vst v13;
	v13 =	vld [tilespmem:s21+$0x900];
	v18 =	vadd.f32 v27, v18  }
0xf5: {  	[tilespmem:s21+$0x520] =	vst v16;
	v16 =	vld [tilespmem:s21+$0x910];
	v14 =	vadd.f32 v23, v14  }
0xf6: {  	v4 =	vld [tilespmem:s21+$0xD560];
	v15 =	vadd.f32 v24, v15;
	[tilespmem:s21+$0x570] =	vst v18  }
0xf7: {  	[tilespmem:s21+$0x530] =	vst v14;
	v14 =	vld [tilespmem:s21+$0x920];
	v17 =	vadd.f32 v26, v17  }
0xf8: {  	v12 =	vadd.f32 v25, v12;
	[tilespmem:s21+$0x540] =	vst v15;
	v15 =	vld [tilespmem:s21+$0x930]  }
0xf9: {  	v18 =	vld [tilespmem:s21+$0x970];
	[tilespmem:s21+$0x560] =	vst v17;
	v13 =	vadd.f32 v28, v13  }
0xfa: {  	v16 =	vadd.f32 v29, v16;
	[tilespmem:s21+$0x550] =	vst v12;
	v12 =	vld [tilespmem:s21+$0x940]  }
0xfb: {  	v17 =	vld [tilespmem:s21+$0x950];
	[tilespmem:s21+$0x900] =	vst v13  }
0xfc: {  	[tilespmem:s21+$0x910] =	vst v16;
	v16 =	vld [tilespmem:s21+$0x960];
	v13 =	vadd.f32 v30, v14  }
0xfd: {  	v14 =	vld [tilespmem:s21+$0xD00];
	v15 =	vadd.f32 v31, v15  }
0xfe: {  	[tilespmem:s21+$0x920] =	vst v13;
	v13 =	vld [tilespmem:s21+$0xD10]  }
0xff: {  	v12 =	vadd.f32 v32, v12;
	[tilespmem:s21+$0x930] =	vst v15;
	v15 =	vld [tilespmem:s21+$0xD20]  }
0x100: {  	v3 =	vld [tilespmem:s21+$0xD570];
	v17 =	vadd.f32 v33, v17  }
0x101: {  	v16 =	vadd.f32 v34, v16;
	[tilespmem:s21+$0x940] =	vst v12;
	v12 =	vld [tilespmem:s21+$0xD30]  }
0x102: {  	[tilespmem:s21+$0x950] =	vst v17;
	v17 =	vld [tilespmem:s21+$0xD40];
	v14 =	vadd.f32 v36, v14  }
0x103: {  	v18 =	vadd.f32 v35, v18;
	[tilespmem:s21+$0x960] =	vst v16;
	v16 =	vld [tilespmem:s21+$0xD50]  }
0x104: {  	v13 =	vadd.f32 v37, v13;
	[tilespmem:s21+$0xD00] =	vst v14;
	v14 =	vadd.f32 v38, v15;
	v15 =	vld [tilespmem:s21+$0xD60]  }
0x105: {  	[tilespmem:s21+$0x970] =	vst v18;
	v18 =	vld [tilespmem:s21+$0xD70]  }
0x106: {  	[tilespmem:s21+$0xD10] =	vst v13;
	v13 =	vld [tilespmem:s21+$0x1100];
	v12 =	vadd.f32 v39, v12  }
0x107: {  	v17 =	vadd.f32 v40, v17;
	[tilespmem:s21+$0xD20] =	vst v14;
	v14 =	vld [tilespmem:s21+$0x1110]  }
0x108: {  	v16 =	vadd.f32 v41, v16;
	[tilespmem:s21+$0xD30] =	vst v12;
	v12 =	vld [tilespmem:s21+$0x1120]  }
0x109: {  	[tilespmem:s21+$0xD40] =	vst v17;
	v17 =	vld [tilespmem:s21+$0x1130];
	v15 =	vadd.f32 v42, v15  }
0x10a: {  	v19 =	vld [tilespmem:s21+$0x1140];
	[tilespmem:s21+$0xD50] =	vst v16;
	v16 =	vadd.f32 v43, v18  }
0x10b: {  	v18 =	vld [tilespmem:s21+$0x1150];
	v13 =	vadd.f32 v44, v13;
	[tilespmem:s21+$0xD60] =	vst v15  }
0x10c: {  	v20 =	vld [tilespmem:s21+$0x1160];
	[tilespmem:s21+$0xD70] =	vst v16;
	v14 =	vadd.f32 v45, v14  }
0x10d: {  	v16 =	vld [tilespmem:s21+$0x1170];
	[tilespmem:s21+$0x1100] =	vst v13;
	v12 =	vadd.f32 v46, v12  }
0x10e: {  	v15 =	vld [tilespmem:s21+$0x1500];
	v13 =	vadd.f32 v47, v17;
	[tilespmem:s21+$0x1110] =	vst v14  }
0x10f: {  	v14 =	vld [tilespmem:s21+$0x1510];
	[tilespmem:s21+$0x1120] =	vst v12;
	v12 =	vadd.f32 v48, v19  }
0x110: {  	[tilespmem:s21+$0x1130] =	vst v13;
	v13 =	vld [tilespmem:s21+$0x1520];
	v18 =	vadd.f32 v49, v18  }
0x111: {  	s22 =	simm.s32 $0x1;
	s23 =	simm.s32 $0x0;
	v17 =	vadd.f32 v50, v20;
	[tilespmem:s21+$0x1140] =	vst v12;
	v12 =	vld [tilespmem:s21+$0x1530]  }
.LBB2_2:
0x112: {  	s24 =	sshrl.u32 s22, $0x3;
	p0 =	sne.s32 s22, $0x3F;
	[tilespmem:s21+$0x1150] =	vst v18;
	v11 =	vadd.f32 v11, v16;
	v16 =	vld [tilespmem:s21+$0x1540]  }
0x113: {  	s23 =	sadd.s32 $0x80, s23;
	s24 =	smul.u32 $0x1800, s24;
	[tilespmem:s21+$0x1160] =	vst v17;
	v10 =	vadd.f32 v10, v15;
	v15 =	vld [tilespmem:s21+$0x1550]  }
0x114: {  	s25 =	sand.u32 $0x380, s23;
	[tilespmem:s21+$0x1170] =	vst v11;
	v9 =	vadd.f32 v9, v14;
	v11 =	vld [tilespmem:s21+$0x1560]  }
0x115: {  	s24 =	sor.u32 s25, s24;
	[tilespmem:s21+$0x1500] =	vst v10;
	v8 =	vadd.f32 v8, v13;
	v10 =	vld [tilespmem:s21+$0x1570]  }
0x116: {  	v39 =	vld [tilespmem:s24+$0xC100];
	[tilespmem:s21+$0x1510] =	vst v9;
	v7 =	vadd.f32 v7, v12  }
0x117: {  	v40 =	vld [tilespmem:s24+$0xC110];
	[tilespmem:s21+$0x1520] =	vst v8;
	v6 =	vadd.f32 v6, v16  }
0x118: {  	v41 =	vld [tilespmem:s24+$0xC120];
	[tilespmem:s21+$0x1530] =	vst v7;
	v5 =	vadd.f32 v5, v15  }
0x119: {  	v42 =	vld [tilespmem:s24+$0xC130];
	[tilespmem:s21+$0x1540] =	vst v6;
	v4 =	vadd.f32 v4, v11  }
0x11a: {  	v43 =	vld [tilespmem:s24+$0xC140];
	[tilespmem:s21+$0x1550] =	vst v5;
	v3 =	vadd.f32 v3, v10  }
0x11b: {  	v44 =	vld [tilespmem:s24+$0xC150];
	[tilespmem:s21+$0x1560] =	vst v4  }
0x11c: {  	v45 =	vld [tilespmem:s24+$0xC160];
	[tilespmem:s21+$0x1570] =	vst v3;
	s21 =	smov.u32 s24  }
0x11d: {  	v46 =	vld [tilespmem:s21+$0xC170]  }
0x11e: {  	v47 =	vld [tilespmem:s21+$0xC500]  }
0x11f: {  	v48 =	vld [tilespmem:s21+$0xC510]  }
0x120: {  	v49 =	vld [tilespmem:s21+$0xC520]  }
0x121: {  	v50 =	vld [tilespmem:s21+$0xC530]  }
0x122: {  	v38 =	vld [tilespmem:s21+$0xC540]  }
0x123: {  	v37 =	vld [tilespmem:s21+$0xC550]  }
0x124: {  	v36 =	vld [tilespmem:s21+$0xC560]  }
0x125: {  	v35 =	vld [tilespmem:s21+$0xC570]  }
0x126: {  	v34 =	vld [tilespmem:s21+$0xC900]  }
0x127: {  	v33 =	vld [tilespmem:s21+$0xC910]  }
0x128: {  	v32 =	vld [tilespmem:s21+$0xC920]  }
0x129: {  	v31 =	vld [tilespmem:s21+$0xC930]  }
0x12a: {  	v30 =	vld [tilespmem:s21+$0xC940]  }
0x12b: {  	v29 =	vld [tilespmem:s21+$0xC950]  }
0x12c: {  	v28 =	vld [tilespmem:s21+$0xC960]  }
0x12d: {  	v27 =	vld [tilespmem:s21+$0xC970]  }
0x12e: {  	v26 =	vld [tilespmem:s21+$0xCD00]  }
0x12f: {  	v25 =	vld [tilespmem:s21+$0xCD10]  }
0x130: {  	v24 =	vld [tilespmem:s21+$0xCD20]  }
0x131: {  	v23 =	vld [tilespmem:s21+$0xCD30]  }
0x132: {  	v22 =	vld [tilespmem:s21+$0xCD40]  }
0x133: {  	v21 =	vld [tilespmem:s21+$0xCD50]  }
0x134: {  	v20 =	vld [tilespmem:s21+$0xCD60]  }
0x135: {  	v19 =	vld [tilespmem:s21+$0xCD70]  }
0x136: {  	v18 =	vld [tilespmem:s21+$0xD100]  }
0x137: {  	v17 =	vld [tilespmem:s21+$0xD110]  }
0x138: {  	v16 =	vld [tilespmem:s21+$0xD120]  }
0x139: {  	v15 =	vld [tilespmem:s21+$0xD130]  }
0x13a: {  	v14 =	vld [tilespmem:s21+$0xD140]  }
0x13b: {  	v13 =	vld [tilespmem:s21+$0xD150]  }
0x13c: {  	v12 =	vld [tilespmem:s21+$0xD160]  }
0x13d: {  	v11 =	vld [tilespmem:s21+$0xD170]  }
0x13e: {  	v10 =	vld [tilespmem:s21+$0xD500]  }
0x13f: {  	v9 =	vld [tilespmem:s21+$0xD510]  }
0x140: {  	v8 =	vld [tilespmem:s21+$0xD520]  }
0x141: {  	v7 =	vld [tilespmem:s21+$0xD530]  }
0x142: {  	v6 =	vld [tilespmem:s21+$0xD540]  }
0x143: {  	v5 =	vld [tilespmem:s21+$0xD550]  }
0x144: {  	v4 =	vld [tilespmem:s21+$0xD560]  }
0x145: {  	v3 =	vld [tilespmem:s21+$0xD570]  }
0x146: {  	v51 =	vld [tilespmem:s21+$0x100]  }
0x147: {  	v52 =	vld [tilespmem:s21+$0x110]  }
0x148: {  	v53 =	vld [tilespmem:s21+$0x120]  }
0x149: {  	v54 =	vld [tilespmem:s21+$0x130]  }
0x14a: {  	v55 =	vld [tilespmem:s21+$0x140]  }
0x14b: {  	v39 =	vadd.f32 v39, v51;
	v51 =	vld [tilespmem:s21+$0x150]  }
0x14c: {  	v40 =	vadd.f32 v40, v52;
	v52 =	vld [tilespmem:s21+$0x160]  }
0x14d: {  	[tilespmem:s21+$0x100] =	vst v39;
	v39 =	vadd.f32 v41, v53;
	v41 =	vld [tilespmem:s21+$0x170]  }
0x14e: {  	[tilespmem:s21+$0x110] =	vst v40;
	v40 =	vadd.f32 v42, v54;
	v42 =	vld [tilespmem:s21+$0x500]  }
0x14f: {  	[tilespmem:s21+$0x120] =	vst v39;
	v39 =	vadd.f32 v43, v55;
	v43 =	vld [tilespmem:s21+$0x510]  }
0x150: {  	[tilespmem:s21+$0x130] =	vst v40;
	v40 =	vadd.f32 v44, v51;
	v44 =	vld [tilespmem:s21+$0x520]  }
0x151: {  	[tilespmem:s21+$0x140] =	vst v39;
	v39 =	vadd.f32 v45, v52;
	v45 =	vld [tilespmem:s21+$0x530]  }
0x152: {  	[tilespmem:s21+$0x150] =	vst v40;
	v40 =	vadd.f32 v46, v41;
	v41 =	vld [tilespmem:s21+$0x540]  }
0x153: {  	[tilespmem:s21+$0x160] =	vst v39;
	v39 =	vadd.f32 v47, v42;
	v42 =	vld [tilespmem:s21+$0x550]  }
0x154: {  	[tilespmem:s21+$0x170] =	vst v40;
	v40 =	vadd.f32 v48, v43;
	v43 =	vld [tilespmem:s21+$0x560]  }
0x155: {  	[tilespmem:s21+$0x500] =	vst v39;
	v39 =	vadd.f32 v49, v44;
	v44 =	vld [tilespmem:s21+$0x570]  }
0x156: {  	[tilespmem:s21+$0x510] =	vst v40;
	v40 =	vadd.f32 v50, v45;
	v45 =	vld [tilespmem:s21+$0x900]  }
0x157: {  	[tilespmem:s21+$0x520] =	vst v39;
	v38 =	vadd.f32 v38, v41;
	v39 =	vld [tilespmem:s21+$0x910]  }
0x158: {  	[tilespmem:s21+$0x530] =	vst v40;
	v37 =	vadd.f32 v37, v42;
	v40 =	vld [tilespmem:s21+$0x920]  }
0x159: {  	[tilespmem:s21+$0x540] =	vst v38;
	v36 =	vadd.f32 v36, v43;
	v38 =	vld [tilespmem:s21+$0x930]  }
0x15a: {  	[tilespmem:s21+$0x550] =	vst v37;
	v35 =	vadd.f32 v35, v44;
	v37 =	vld [tilespmem:s21+$0x940]  }
0x15b: {  	[tilespmem:s21+$0x560] =	vst v36;
	v34 =	vadd.f32 v34, v45;
	v36 =	vld [tilespmem:s21+$0x950]  }
0x15c: {  	[tilespmem:s21+$0x570] =	vst v35;
	v33 =	vadd.f32 v33, v39;
	v35 =	vld [tilespmem:s21+$0x960]  }
0x15d: {  	[tilespmem:s21+$0x900] =	vst v34;
	v32 =	vadd.f32 v32, v40;
	v34 =	vld [tilespmem:s21+$0x970]  }
0x15e: {  	[tilespmem:s21+$0x910] =	vst v33;
	v31 =	vadd.f32 v31, v38;
	v33 =	vld [tilespmem:s21+$0xD00]  }
0x15f: {  	[tilespmem:s21+$0x920] =	vst v32;
	v30 =	vadd.f32 v30, v37;
	v32 =	vld [tilespmem:s21+$0xD10]  }
0x160: {  	[tilespmem:s21+$0x930] =	vst v31;
	v29 =	vadd.f32 v29, v36;
	v31 =	vld [tilespmem:s21+$0xD20]  }
0x161: {  	[tilespmem:s21+$0x940] =	vst v30;
	v28 =	vadd.f32 v28, v35;
	v30 =	vld [tilespmem:s21+$0xD30]  }
0x162: {  	[tilespmem:s21+$0x950] =	vst v29;
	v27 =	vadd.f32 v27, v34;
	v29 =	vld [tilespmem:s21+$0xD40]  }
0x163: {  	[tilespmem:s21+$0x960] =	vst v28;
	v26 =	vadd.f32 v26, v33;
	v28 =	vld [tilespmem:s21+$0xD50]  }
0x164: {  	[tilespmem:s21+$0x970] =	vst v27;
	v25 =	vadd.f32 v25, v32;
	v27 =	vld [tilespmem:s21+$0xD60]  }
0x165: {  	[tilespmem:s21+$0xD00] =	vst v26;
	v24 =	vadd.f32 v24, v31;
	v26 =	vld [tilespmem:s21+$0xD70]  }
0x166: {  	[tilespmem:s21+$0xD10] =	vst v25;
	v23 =	vadd.f32 v23, v30;
	v25 =	vld [tilespmem:s21+$0x1100]  }
0x167: {  	[tilespmem:s21+$0xD20] =	vst v24;
	v22 =	vadd.f32 v22, v29;
	v24 =	vld [tilespmem:s21+$0x1110]  }
0x168: {  	[tilespmem:s21+$0xD30] =	vst v23;
	v21 =	vadd.f32 v21, v28;
	v23 =	vld [tilespmem:s21+$0x1120]  }
0x169: {  	[tilespmem:s21+$0xD40] =	vst v22;
	v20 =	vadd.f32 v20, v27;
	v22 =	vld [tilespmem:s21+$0x1130]  }
0x16a: {  	[tilespmem:s21+$0xD50] =	vst v21;
	v19 =	vadd.f32 v19, v26;
	v21 =	vld [tilespmem:s21+$0x1140]  }
0x16b: {  	[tilespmem:s21+$0xD60] =	vst v20;
	v18 =	vadd.f32 v18, v25;
	v20 =	vld [tilespmem:s21+$0x1150]  }
0x16c: {  	[tilespmem:s21+$0xD70] =	vst v19;
	v17 =	vadd.f32 v17, v24;
	v19 =	vld [tilespmem:s21+$0x1160]  }
.Ltmp0:
0x16d: {  	[tilespmem:s21+$0x1100] =	vst v18;
	v18 =	vadd.f32 v16, v23;
	v16 =	vld [tilespmem:s21+$0x1170];
	(pc) =	sbr.rel @p0 .LBB2_2-.Ltmp0, $4  }
0x16e: {  	[tilespmem:s21+$0x1110] =	vst v17;
	v17 =	vadd.f32 v15, v22;
	v15 =	vld [tilespmem:s21+$0x1500]  }
0x16f: {  	[tilespmem:s21+$0x1120] =	vst v18;
	v21 =	vadd.f32 v14, v21;
	v14 =	vld [tilespmem:s21+$0x1510]  }
0x170: {  	[tilespmem:s21+$0x1130] =	vst v17;
	v18 =	vadd.f32 v13, v20;
	v13 =	vld [tilespmem:s21+$0x1520]  }
0x171: {  	s22 =	sadd.s32 $0x1, s22;
	[tilespmem:s21+$0x1140] =	vst v21;
	v17 =	vadd.f32 v12, v19;
	v12 =	vld [tilespmem:s21+$0x1530]  }
0x172: {  	[tilespmem:s21+$0x1150] =	vst v18;
	v60 =	vld [tilespmem:s21+$0x1540];
	v11 =	vadd.f32 v11, v16  }
0x173: {  	v61 =	vld [tilespmem:s21+$0x1550];
	[tilespmem:s21+$0x1160] =	vst v17;
	v10 =	vadd.f32 v10, v15  }
0x174: {  	v62 =	vld [tilespmem:s21+$0x1560];
	[tilespmem:s21+$0x1170] =	vst v11;
	v9 =	vadd.f32 v9, v14  }
0x175: {  	v63 =	vld [tilespmem:s21+$0x1570];
	[tilespmem:s21+$0x1500] =	vst v10;
	v8 =	vadd.f32 v8, v13  }
0x176: {  	[tilespmem:s21+$0x1510] =	vst v9;
	v7 =	vadd.f32 v7, v12  }
0x177: {  	[tilespmem:s21+$0x1520] =	vst v8;
	v6 =	vadd.f32 v6, v60  }
0x178: {  	v5 =	vadd.f32 v5, v61;
	[tilespmem:s21+$0x1530] =	vst v7  }
0x179: {  	v4 =	vadd.f32 v4, v62;
	[tilespmem:s21+$0x1540] =	vst v6  }
0x17a: {  	s20 =	sadd.s32 $0x1, s20;
	v3 =	vadd.f32 v3, v63;
	[tilespmem:s21+$0x1550] =	vst v5  }
0x17b: {  	p0 =	sne.s32 s20, s9;
	[tilespmem:s21+$0x1560] =	vst v4  }
.Ltmp1:
0x17c: {  	[tilespmem:s21+$0x1570] =	vst v3;
	(pc) =	sbr.rel @p0 .LBB2_1-.Ltmp1, $4  }
0x17d: {  	[hbm4b:s8+s2] =	stream.linear.scatter [tilespmem:s12], [sflag:$0x3], $0xC000, $0x38;
	[tilespmem:$0x18100] =	vst v63  }
0x17e: {  	_ =	swait.ge [sflag:s10], $0xC000  }
0x17f: {  	[sflag:s10] =	ssyncset.done $0x0  }
0x180: {  	[sflag:s10] =	ssyncadd.s32 $0xFFFF4000  }
0x181: {  	_ =	sfence.sel $0x180000  }
0x182: {  	[bflag:$0x0] =	sbarrier.arrive $0xFFFF  }
0x183: {  	_ =	strace $0x9000004A  }
0x184: {  	s0 =	stileid.u32;
	[bflag:$0x2] =	sbarrier.arrive $0xFFFF  }
0x185: {  	p0 =	sne.s32 s0, $0x0;
	s0 =	rddreg [dreg:$0x2]  }
0x186: {  	s0 =	sadd.s32 @!p0 $0x100000, s0  }
0x187: {  	[sflag:s0] =	ssyncadd.tile.s32 @!p0 $0x1;
	_ =	shalt  }
.Lfunc_end2:
_tile_overlayer_lowered:
.L_overlay_start_2:
0x188: {  	(tag) =	ssettag $0x2  }
0x189: {  	s0 =	rddreg [dreg:$0x0];
	s2 =	stileid.u32  }
0x18a: {  	s1 =	rddreg [dreg:$0x1];
	p0 =	sne.s32 s2, $0x0  }
0x18b: {  	s3 =	rddreg [dreg:$0x2];
	[bflag:$0x3] =	sbarrier.arrive $0xFFFF;
	s2 =	simm.s32 @!p0 $0x1C03  }
0x18c: {  	[timem:s3], [sflag:s2] =	dma.local @!p0 [hbm:s0], s1  }
0x18d: {  	s0 =	simm.s32 @!p0 $0x3  }
0x18e: {  	_ =	swait.ge @!p0 [sflag:s0], s1  }
0x18f: {  	s1 =	ssub.s32 @!p0 $0x0, s1;
	[sflag:s0] =	ssyncset.done @!p0 $0x0  }
0x190: {  	[sflag:s0] =	ssyncadd.s32 @!p0 s1  }
0x191: {  	[bflag:$0x3] =	sbarrier.arrive $0xFFFF  }
0x192: {  	_ =	shalt  }

</sc_bundles>
